<compile_context>
chip_gen: v7x
topology: tpu7x:2x2x1
jax: 0.10.2.dev20260603
libtpu: 0.0.44.dev20260713+nightly
codegen_flags: <defaults>
</compile_context>

<pallas_src>
import functools

import jax
import jax.numpy as jnp
from jax import lax
from jax.experimental import pallas as pl
from jax.experimental.pallas import tpu as pltpu
from jax.experimental.pallas import tpu_sc as plsc

_N = 10000
_E = 320000
_NP = 10240
_NC = 2
_NS = 16
_CHUNK = 128
_K = 80
_EP = _NC * _NS * _K * _CHUNK
_RPT = _NP // _NS
_ZR = 64
_BS = 2


def _make_segsum(D, dtype, k0, k1):
    assert (k0 + k1) * _NS * _CHUNK == _EP
    assert k0 % (2 * _BS) == 0 and k1 % (2 * _BS) == 0
    mesh = plsc.VectorSubcoreMesh(core_axis_name="c", subcore_axis_name="s")
    lanes = 32 if dtype == jnp.bfloat16 else 16
    zsteps = _ZR * (D // lanes)

    def body(z_hbm, srcg, dstg, out_hbm, src_v, dst_v, gbuf, zbuf, acc,
             gsa, gsb, ssa, ssb):
        c = lax.axis_index("c")
        s = lax.axis_index("s")

        def zb(i, carry):
            r = i // (D // lanes)
            col = (i % (D // lanes)) * lanes
            zbuf[r, pl.ds(col, lanes)] = jnp.zeros((lanes,), dtype)
            return carry

        lax.fori_loop(0, zsteps, zb, 0)

        def zacc(i, carry):
            pltpu.sync_copy(zbuf, acc.at[pl.ds(s * _RPT + i * _ZR, _ZR)])
            return carry

        lax.fori_loop(0, _RPT // _ZR, zacc, 0)

        def run_pipeline(kc, row0):
            pltpu.sync_copy(srcg.at[pl.ds(row0, kc)], src_v.at[pl.ds(0, kc)])
            pltpu.sync_copy(dstg.at[pl.ds(row0, kc)], dst_v.at[pl.ds(0, kc)])
            half = kc // (2 * _BS)

            def fire_gather(step, base, sem):
                for b in range(_BS):
                    pltpu.async_copy(
                        z_hbm.at[src_v.at[step * _BS + b]], gbuf.at[base + b],
                        sem)

            def wait_gather(step, base, sem):
                for b in range(_BS):
                    pltpu.make_async_copy(
                        z_hbm.at[src_v.at[step * _BS + b]], gbuf.at[base + b],
                        sem).wait()

            def fire_scatter(step, base, sem):
                for b in range(_BS):
                    pltpu.async_copy(
                        gbuf.at[base + b], acc.at[dst_v.at[step * _BS + b]],
                        sem, add=True)

            def wait_scatter(step, base, sem):
                for b in range(_BS):
                    pltpu.make_async_copy(
                        gbuf.at[base + b], acc.at[dst_v.at[step * _BS + b]],
                        sem).wait()

            fire_gather(0, 0, gsa)
            fire_gather(1, _BS, gsb)

            def step_fn(it, carry):
                s0 = 2 * it
                s1 = s0 + 1
                wait_gather(s0, 0, gsa)
                fire_scatter(s0, 0, ssa)
                wait_scatter(s0, 0, ssa)

                @pl.when(it + 1 < half)
                def _():
                    fire_gather(s0 + 2, 0, gsa)

                wait_gather(s1, _BS, gsb)
                fire_scatter(s1, _BS, ssb)
                wait_scatter(s1, _BS, ssb)

                @pl.when(it + 1 < half)
                def _():
                    fire_gather(s1 + 2, _BS, gsb)

                return carry

            lax.fori_loop(0, half, step_fn, 0)

        plsc.subcore_barrier()

        @pl.when(c == 0)
        def _():
            run_pipeline(k0, s * k0)

        @pl.when(c == 1)
        def _():
            run_pipeline(k1, _NS * k0 + s * k1)

        plsc.subcore_barrier()
        pltpu.sync_copy(acc.at[pl.ds(s * _RPT, _RPT)],
                        out_hbm.at[c, pl.ds(s * _RPT, _RPT)])

    return pl.kernel(
        body,
        out_type=jax.ShapeDtypeStruct((_NC, _NP, D), dtype),
        mesh=mesh,
        scratch_types=[
            pltpu.VMEM((max(k0, k1), _CHUNK), jnp.int32),
            pltpu.VMEM((max(k0, k1), _CHUNK), jnp.int32),
            pltpu.VMEM((2 * _BS, _CHUNK, D), dtype),
            pltpu.VMEM((_ZR, D), dtype),
            pltpu.VMEM_SHARED((_NP, D), dtype),
            pltpu.SemaphoreType.DMA,
            pltpu.SemaphoreType.DMA,
            pltpu.SemaphoreType.DMA,
            pltpu.SemaphoreType.DMA,
        ],
        compiler_params=pltpu.CompilerParams(use_tc_tiling_on_sc=False),
    )


_segsum16 = _make_segsum(16, jnp.float32, 96, 64)
_segsum128 = _make_segsum(128, jnp.bfloat16, 128, 32)



def _enc_body(x_ref, w_ref, b_ref, o_ref):
    o_ref[...] = (
        jnp.dot(x_ref[...], w_ref[...], preferred_element_type=jnp.float32)
        + b_ref[...]
    )


_enc = pl.pallas_call(
    _enc_body, out_shape=jax.ShapeDtypeStruct((_N, 16), jnp.float32))


def _bn_relu(y, g, b):
    mu = jnp.mean(y, axis=0, keepdims=True)
    var = jnp.mean((y - mu) ** 2, axis=0, keepdims=True)
    y = (y - mu) / jnp.sqrt(var + 1e-5) * g + b
    return jnp.maximum(y, 0.0)


def _layer0_body(part, z0, wl, bl, wr, g, b, zo, zbo, dego):
    agg = part[0, : _N] + part[1, : _N]
    deg = jnp.maximum(agg[:, 8:9], 1.0)
    mean = agg[:, 0:8] / deg
    z = z0[...][:, 0:8]
    y = (
        jnp.dot(mean, wl[...], preferred_element_type=jnp.float32)
        + bl[...]
        + jnp.dot(z, wr[...], preferred_element_type=jnp.float32)
    )
    y = _bn_relu(y, g[...], b[...])
    zo[...] = y
    zbo[...] = y.astype(jnp.bfloat16)
    dego[...] = deg


_layer0 = pl.pallas_call(
    _layer0_body,
    out_shape=(
        jax.ShapeDtypeStruct((_N, 128), jnp.float32),
        jax.ShapeDtypeStruct((_N, 128), jnp.bfloat16),
        jax.ShapeDtypeStruct((_N, 1), jnp.float32),
    ),
)


def _mid_body(part, z, deg, wl, bl, wr, g, b, zo, zbo):
    agg = (part[0, : _N].astype(jnp.float32)
           + part[1, : _N].astype(jnp.float32))
    mean = agg / deg[...]
    y = (
        jnp.dot(mean, wl[...], preferred_element_type=jnp.float32)
        + bl[...]
        + jnp.dot(z[...], wr[...], preferred_element_type=jnp.float32)
    )
    y = _bn_relu(y, g[...], b[...])
    zo[...] = y
    zbo[...] = y.astype(jnp.bfloat16)


_mid = pl.pallas_call(
    _mid_body,
    out_shape=(
        jax.ShapeDtypeStruct((_N, 128), jnp.float32),
        jax.ShapeDtypeStruct((_N, 128), jnp.bfloat16),
    ),
)


def _mid2_body(part, z, deg, wl, bl, wr, g, b, wl3p, zo, uo):
    agg = (part[0, : _N].astype(jnp.float32)
           + part[1, : _N].astype(jnp.float32))
    mean = agg / deg[...]
    y = (
        jnp.dot(mean, wl[...], preferred_element_type=jnp.float32)
        + bl[...]
        + jnp.dot(z[...], wr[...], preferred_element_type=jnp.float32)
    )
    z3 = _bn_relu(y, g[...], b[...])
    zo[...] = z3
    uo[...] = jnp.dot(z3, wl3p[...], preferred_element_type=jnp.float32)


_mid2 = pl.pallas_call(
    _mid2_body,
    out_shape=(
        jax.ShapeDtypeStruct((_N, 128), jnp.float32),
        jax.ShapeDtypeStruct((_N, 16), jnp.float32),
    ),
)


def _fin_body(part, z3, deg, bl3, wr3, dw, db, ho):
    aggt = part[0, : _N, 0:8] + part[1, : _N, 0:8]
    meant = aggt / deg[...]
    z4 = (
        meant
        + bl3[...]
        + jnp.dot(z3[...], wr3[...], preferred_element_type=jnp.float32)
    )
    ho[...] = jnp.dot(z4, dw[...], preferred_element_type=jnp.float32) + db[...]


_fin = pl.pallas_call(
    _fin_body, out_shape=jax.ShapeDtypeStruct((_N, 4), jnp.float32))


def kernel(x, edge_index, params):
    p = params
    wencp = jnp.pad(p["enc_W"], ((0, 0), (0, 8)))
    bencp = jnp.pad(p["enc_b"], (0, 8)).at[8].set(1.0).reshape(1, 16)
    wl3p = jnp.pad(p["Wl"][3], ((0, 0), (0, 8)))
    bl = [b.reshape(1, -1) for b in p["bl"]]
    g = [v.reshape(1, -1) for v in p["bn_g"]]
    bb = [v.reshape(1, -1) for v in p["bn_b"]]
    db = p["dec_b"].reshape(1, 4)

    pad = _EP - _E
    srcg = jnp.concatenate(
        [edge_index[0], jnp.zeros((pad,), jnp.int32)]).reshape(-1, _CHUNK)
    dstg = jnp.concatenate(
        [edge_index[1], jnp.full((pad,), _N, jnp.int32)]).reshape(-1, _CHUNK)

    z0aug = _enc(x, wencp, bencp)
    part0 = _segsum16(z0aug, srcg, dstg)
    z1, z1b, deg = _layer0(part0, z0aug, p["Wl"][0], bl[0], p["Wr"][0],
                           g[0], bb[0])
    part1 = _segsum128(z1b, srcg, dstg)
    z2, z2b = _mid(part1, z1, deg, p["Wl"][1], bl[1], p["Wr"][1], g[1], bb[1])
    part2 = _segsum128(z2b, srcg, dstg)
    z3, u3p = _mid2(part2, z2, deg, p["Wl"][2], bl[2], p["Wr"][2], g[2], bb[2],
                    wl3p)
    part3 = _segsum16(u3p, srcg, dstg)
    h = _fin(part3, z3, deg, bl[3], p["Wr"][3], p["dec_W"], db)
    return h

# --- scband reference (transcript-rebuilt; emitter-appended) ---
"""Pipeline reference for scband-graph-sage-19207093748190 (READ-ONLY COPY).

The authoritative reference and input builder live on the scoring server;
editing this copy changes nothing except your own understanding.
"""

import jax, jax.numpy as jnp
import numpy as np

N = 10000
E = 320000
D_IN = 128
H = 128
D_LAT = 8
D_OUT = 4
NB_HIDDEN = 3


def _glorot(key, fan_in, fan_out):
    s = jnp.sqrt(2.0 / (fan_in + fan_out)).astype(jnp.float32)
    return jax.random.normal(key, (fan_in, fan_out), jnp.float32) * s


def setup_inputs(seed: int = 0):
    key = jax.random.key(seed)
    ks = jax.random.split(key, 32)
    x = jax.random.normal(ks[0], (N, D_IN), jnp.float32)
    edge_index = jax.random.randint(ks[1], (2, E), 0, N, jnp.int32)
    dims = [(D_LAT, H), (H, H), (H, H), (H, D_LAT)]
    params = {
        "enc_W": _glorot(ks[2], D_IN, D_LAT),
        "enc_b": jnp.zeros((D_LAT,), jnp.float32),
        "Wl": [_glorot(ks[3 + i], din, dout) for i, (din, dout) in enumerate(dims)],
        "bl": [jnp.zeros((dout,), jnp.float32) for (din, dout) in dims],
        "Wr": [_glorot(ks[8 + i], din, dout) for i, (din, dout) in enumerate(dims)],
        "bn_g": [jnp.ones((H,), jnp.float32) for _ in range(NB_HIDDEN)],
        "bn_b": [jnp.zeros((H,), jnp.float32) for _ in range(NB_HIDDEN)],
        "dec_W": _glorot(ks[20], D_LAT, D_OUT),
        "dec_b": jnp.zeros((D_OUT,), jnp.float32),
    }
    return {"x": x, "edge_index": edge_index, "params": params}


def _sage_conv(x, src, dst, Wl, bl, Wr):
    # PyG SAGEConv (mean aggregation): lin_l(mean_{j in N(i)} x_j) + lin_r(x_i)
    msg = x[src]
    agg = jax.ops.segment_sum(msg, dst, num_segments=N)
    deg = jax.ops.segment_sum(jnp.ones((msg.shape[0], 1), jnp.float32), dst, num_segments=N)
    mean = agg / jnp.maximum(deg, 1.0)
    return mean @ Wl + bl + x @ Wr


def _bn(z, g, b):
    # BatchNorm1d with track_running_stats=False: always uses batch statistics
    mu = jnp.mean(z, axis=0)
    var = jnp.var(z, axis=0)
    return (z - mu) / jnp.sqrt(var + 1e-5) * g + b


def reference(x, edge_index, params):
    src = edge_index[0]
    dst = edge_index[1]
    z = x @ params["enc_W"] + params["enc_b"]
    for i in range(4):
        z = _sage_conv(z, src, dst, params["Wl"][i], params["bl"][i], params["Wr"][i])
        if i < NB_HIDDEN:
            z = _bn(z, params["bn_g"][i], params["bn_b"][i])
            z = jax.nn.relu(z)
    h = z @ params["dec_W"] + params["dec_b"]
    return h

if __name__ == "__main__":
    import jax
    _d = setup_inputs()
    print(jax.jit(kernel)(*tuple(_d.values())))

</pallas_src>

<mosaic_0001>
#map = affine_map<(d0, d1) -> (0, 0)>
#map1 = affine_map<(d0, d1) -> (0, 0, 0)>
module attributes {stable_mosaic.version = 14 : i64} {
  func.func @body(%arg0: i32, %arg1: i32, %arg2: memref<10000x128xbf16, #tpu.memory_space<hbm>>, %arg3: memref<2560x128xi32, #tpu.memory_space<hbm>>, %arg4: memref<2560x128xi32, #tpu.memory_space<hbm>>, %arg5: memref<2x10240x128xbf16, #tpu.memory_space<hbm>>, %arg6: memref<128x128xi32, #tpu.memory_space<vmem>>, %arg7: memref<128x128xi32, #tpu.memory_space<vmem>>, %arg8: memref<4x128x128xbf16, #tpu.memory_space<vmem>>, %arg9: memref<64x128xbf16, #tpu.memory_space<vmem>>, %arg10: memref<10240x128xbf16, #tpu.memory_space<vmem_shared>>, %arg11: memref<!tpu.dma_semaphore, #tpu.memory_space<semaphore_mem>>, %arg12: memref<!tpu.dma_semaphore, #tpu.memory_space<semaphore_mem>>, %arg13: memref<!tpu.dma_semaphore, #tpu.memory_space<semaphore_mem>>, %arg14: memref<!tpu.dma_semaphore, #tpu.memory_space<semaphore_mem>>) attributes {dimension_semantics = [#tpu.dimension_semantics<core_parallel>, #tpu.dimension_semantics<subcore_parallel>], iteration_bounds = array<i64: 2, 16>, scalar_prefetch = 0 : i64, scratch_operands = 9 : i64, tpu.core_type = #tpu.core_type<sc_vector_subcore>, window_params = [{transform_indices = #map}, {transform_indices = #map}, {transform_indices = #map}, {transform_indices = #map1}]} {
    %scan3A = arith.constant 0 : i32
    %scan3A_0 = arith.constant 0 : i32
    %scan3A_1 = arith.constant 256 : i32
    %scan3A_2 = arith.addi %scan3A_0, %scan3A_1 : i32
    %scan3A_3 = arith.constant 1 : i32
    scf.for %scan3A_22 = %scan3A_0 to %scan3A_2 step %scan3A_3  : i32 {
      %jit3A = arith.constant 4 : i32
      %div3A = arith.divsi %scan3A_22, %jit3A : i32
      %sign3A = arith.constant 0 : i32
      %sign3A_23 = arith.cmpi sgt, %scan3A_22, %sign3A : i32
      %sign3A_24 = arith.extui %sign3A_23 : i1 to i32
      %sign3A_25 = arith.constant 0 : i32
      %sign3A_26 = arith.cmpi slt, %scan3A_22, %sign3A_25 : i32
      %sign3A_27 = arith.extui %sign3A_26 : i1 to i32
      %sign3A_28 = arith.subi %sign3A_24, %sign3A_27 : i32
      %sign3A_29 = arith.constant 0 : i32
      %sign3A_30 = arith.cmpi sgt, %jit3A, %sign3A_29 : i32
      %sign3A_31 = arith.extui %sign3A_30 : i1 to i32
      %sign3A_32 = arith.constant 0 : i32
      %sign3A_33 = arith.cmpi slt, %jit3A, %sign3A_32 : i32
      %sign3A_34 = arith.extui %sign3A_33 : i1 to i32
      %sign3A_35 = arith.subi %sign3A_31, %sign3A_34 : i32
      %ne3A = arith.cmpi ne, %sign3A_28, %sign3A_35 : i32
      %rem3A = arith.remsi %scan3A_22, %jit3A : i32
      %ne3A_36 = arith.constant 0 : i32
      %ne3A_37 = arith.cmpi ne, %rem3A, %ne3A_36 : i32
      %and3A = arith.andi %ne3A, %ne3A_37 : i1
      %sub3A = arith.constant 1 : i32
      %sub3A_38 = arith.subi %div3A, %sub3A : i32
      %select_n3A = arith.select %and3A, %sub3A_38, %div3A : i32
      %jit3A_39 = arith.constant 4 : i32
      %eq3A_40 = arith.constant 0 : i32
      %eq3A_41 = arith.cmpi eq, %jit3A_39, %eq3A_40 : i32
      %jit3A_42 = arith.constant 1 : i32
      %select_n3A_43 = arith.select %eq3A_41, %jit3A_42, %jit3A_39 : i32
      %rem3A_44 = arith.remsi %scan3A_22, %select_n3A_43 : i32
      %ne3A_45 = arith.constant 0 : i32
      %ne3A_46 = arith.cmpi ne, %rem3A_44, %ne3A_45 : i32
      %lt3A = arith.constant 0 : i32
      %lt3A_47 = arith.cmpi slt, %rem3A_44, %lt3A : i32
      %lt3A_48 = arith.constant 0 : i32
      %lt3A_49 = arith.cmpi slt, %select_n3A_43, %lt3A_48 : i32
      %ne3A_50 = arith.xori %lt3A_47, %lt3A_49 : i1
      %and3A_51 = arith.andi %ne3A_50, %ne3A_46 : i1
      %add3A = arith.addi %rem3A_44, %select_n3A_43 : i32
      %select_n3A_52 = arith.select %and3A_51, %add3A, %rem3A_44 : i32
      %mul3A_53 = arith.constant 32 : i32
      %mul3A_54 = arith.muli %select_n3A_52, %mul3A_53 : i32
      %broadcast_in_dim3A = arith.constant 0.000000e+00 : bf16
      %broadcast_in_dim3A_55 = vector.broadcast %broadcast_in_dim3A : bf16 to vector<32xbf16>
      %swap3A = arith.index_cast %select_n3A : i32 to index
      %swap3A_56 = arith.index_cast %mul3A_54 : i32 to index
      %swap3A_57 = tpu.vector_load %arg9[%swap3A, %swap3A_56] {strides = array<i32>} : memref<64x128xbf16, #tpu.memory_space<vmem>>, vector<1x32xbf16>,
      %swap3A_58 = vector.shape_cast %swap3A_57 : vector<1x32xbf16> to vector<32xbf16>
      %swap3A_59 = vector.shape_cast %broadcast_in_dim3A_55 : vector<32xbf16> to vector<1x32xbf16>
      tpu.vector_store %arg9[%swap3A, %swap3A_56], %swap3A_59 {strides = array<i32>} : memref<64x128xbf16, #tpu.memory_space<vmem>>, vector<1x32xbf16>,
    }
    %scan3A_4 = arith.constant 256 : i32
    %scan3A_5 = arith.constant 0 : i32
    %scan3A_6 = arith.constant 0 : i32
    %scan3A_7 = arith.constant 10 : i32
    %scan3A_8 = arith.addi %scan3A_6, %scan3A_7 : i32
    %scan3A_9 = arith.constant 1 : i32
    scf.for %scan3A_22 = %scan3A_6 to %scan3A_8 step %scan3A_9  : i32 {
      %mul3A_23 = arith.constant 640 : i32
      %mul3A_24 = arith.muli %arg1, %mul3A_23 : i32
      %mul3A_25 = arith.constant 64 : i32
      %mul3A_26 = arith.muli %scan3A_22, %mul3A_25 : i32
      %add3A = arith.addi %mul3A_24, %mul3A_26 : i32
      "tpu.region"() ({
        %run_scoped3A = tpu.sem_alloc : memref<!tpu.dma_semaphore, #tpu.memory_space<semaphore_mem>>
        %dma_start3A = arith.constant 0 : i32
        %dma_start3A_27 = tpu.memref_slice %arg10[%add3A, %dma_start3A] : memref<10240x128xbf16, #tpu.memory_space<vmem_shared>> -> memref<64x128xbf16, #tpu.memory_space<vmem_shared>>
        %dma_start3A_28 = arith.constant 0 : i32
        %dma_start3A_29 = tpu.memref_slice %arg10[%add3A, %dma_start3A_28] : memref<10240x128xbf16, #tpu.memory_space<vmem_shared>> -> memref<64x128xbf16, #tpu.memory_space<vmem_shared>>
        tpu.enqueue_dma source(%arg9 : memref<64x128xbf16, #tpu.memory_space<vmem>>) target(%dma_start3A_29 : memref<64x128xbf16, #tpu.memory_space<vmem_shared>>) target_semaphore(%run_scoped3A : memref<!tpu.dma_semaphore, #tpu.memory_space<semaphore_mem>>)
        %dma_wait3A = arith.constant 0 : i32
        %dma_wait3A_30 = tpu.memref_slice %arg10[%add3A, %dma_wait3A] : memref<10240x128xbf16, #tpu.memory_space<vmem_shared>> -> memref<64x128xbf16, #tpu.memory_space<vmem_shared>>
        %dma_wait3A_31 = arith.constant 0 : i32
        %dma_wait3A_32 = tpu.memref_slice %arg10[%add3A, %dma_wait3A_31] : memref<10240x128xbf16, #tpu.memory_space<vmem_shared>> -> memref<64x128xbf16, #tpu.memory_space<vmem_shared>>
        tpu.wait_dma2 semaphore(%run_scoped3A : memref<!tpu.dma_semaphore, #tpu.memory_space<semaphore_mem>>) src(%arg9 : memref<64x128xbf16, #tpu.memory_space<vmem>>) dst(%dma_wait3A_32 : memref<64x128xbf16, #tpu.memory_space<vmem_shared>>)
        tpu.yield
      }) : () -> ()
    }
    %scan3A_10 = arith.constant 10 : i32
    %barrier3A = arith.constant 0 : index
    tpu.barrier barrier_id(%barrier3A)
    %eq3A = arith.constant 0 : i32
    %eq3A_11 = arith.cmpi eq, %arg0, %eq3A : i32
    %convert_element_type3A = arith.extui %eq3A_11 : i1 to i32
    %cond3A = arith.constant 0 : i32
    %cond3A_12 = arith.cmpi ne, %convert_element_type3A, %cond3A : i32
    scf.if %cond3A_12 {
      %mul3A_22 = arith.constant 128 : i32
      %mul3A_23 = arith.muli %arg1, %mul3A_22 : i32
      "tpu.region"() ({
        %run_scoped3A = tpu.sem_alloc : memref<!tpu.dma_semaphore, #tpu.memory_space<semaphore_mem>>
        %dma_start3A_77 = arith.constant 0 : i32
        %dma_start3A_78 = arith.constant 0 : i32
        %dma_start3A_79 = tpu.memref_slice %arg6[%dma_start3A_77, %dma_start3A_78] : memref<128x128xi32, #tpu.memory_space<vmem>> -> memref<128x128xi32, #tpu.memory_space<vmem>>
        %dma_start3A_80 = arith.constant 0 : i32
        %dma_start3A_81 = tpu.memref_slice %arg3[%mul3A_23, %dma_start3A_80] : memref<2560x128xi32, #tpu.memory_space<hbm>> -> memref<128x128xi32, #tpu.memory_space<hbm>>
        %dma_start3A_82 = arith.constant 0 : i32
        %dma_start3A_83 = arith.constant 0 : i32
        %dma_start3A_84 = tpu.memref_slice %arg6[%dma_start3A_82, %dma_start3A_83] : memref<128x128xi32, #tpu.memory_space<vmem>> -> memref<128x128xi32, #tpu.memory_space<vmem>>
        %dma_start3A_85 = arith.constant 0 : i32
        %dma_start3A_86 = tpu.memref_slice %arg3[%mul3A_23, %dma_start3A_85] : memref<2560x128xi32, #tpu.memory_space<hbm>> -> memref<128x128xi32, #tpu.memory_space<hbm>>
        tpu.enqueue_dma source(%dma_start3A_86 : memref<128x128xi32, #tpu.memory_space<hbm>>) target(%dma_start3A_84 : memref<128x128xi32, #tpu.memory_space<vmem>>) target_semaphore(%run_scoped3A : memref<!tpu.dma_semaphore, #tpu.memory_space<semaphore_mem>>)
        %dma_wait3A = arith.constant 0 : i32
        %dma_wait3A_87 = arith.constant 0 : i32
        %dma_wait3A_88 = tpu.memref_slice %arg6[%dma_wait3A, %dma_wait3A_87] : memref<128x128xi32, #tpu.memory_space<vmem>> -> memref<128x128xi32, #tpu.memory_space<vmem>>
        %dma_wait3A_89 = arith.constant 0 : i32
        %dma_wait3A_90 = tpu.memref_slice %arg3[%mul3A_23, %dma_wait3A_89] : memref<2560x128xi32, #tpu.memory_space<hbm>> -> memref<128x128xi32, #tpu.memory_space<hbm>>
        %dma_wait3A_91 = arith.constant 0 : i32
        %dma_wait3A_92 = arith.constant 0 : i32
        %dma_wait3A_93 = tpu.memref_slice %arg6[%dma_wait3A_91, %dma_wait3A_92] : memref<128x128xi32, #tpu.memory_space<vmem>> -> memref<128x128xi32, #tpu.memory_space<vmem>>
        %dma_wait3A_94 = arith.constant 0 : i32
        %dma_wait3A_95 = tpu.memref_slice %arg3[%mul3A_23, %dma_wait3A_94] : memref<2560x128xi32, #tpu.memory_space<hbm>> -> memref<128x128xi32, #tpu.memory_space<hbm>>
        tpu.wait_dma2 semaphore(%run_scoped3A : memref<!tpu.dma_semaphore, #tpu.memory_space<semaphore_mem>>) src(%dma_wait3A_95 : memref<128x128xi32, #tpu.memory_space<hbm>>) dst(%dma_wait3A_93 : memref<128x128xi32, #tpu.memory_space<vmem>>)
        tpu.yield
      }) : () -> ()
      "tpu.region"() ({
        %run_scoped3A = tpu.sem_alloc : memref<!tpu.dma_semaphore, #tpu.memory_space<semaphore_mem>>
        %dma_start3A_77 = arith.constant 0 : i32
        %dma_start3A_78 = arith.constant 0 : i32
        %dma_start3A_79 = tpu.memref_slice %arg7[%dma_start3A_77, %dma_start3A_78] : memref<128x128xi32, #tpu.memory_space<vmem>> -> memref<128x128xi32, #tpu.memory_space<vmem>>
        %dma_start3A_80 = arith.constant 0 : i32
        %dma_start3A_81 = tpu.memref_slice %arg4[%mul3A_23, %dma_start3A_80] : memref<2560x128xi32, #tpu.memory_space<hbm>> -> memref<128x128xi32, #tpu.memory_space<hbm>>
        %dma_start3A_82 = arith.constant 0 : i32
        %dma_start3A_83 = arith.constant 0 : i32
        %dma_start3A_84 = tpu.memref_slice %arg7[%dma_start3A_82, %dma_start3A_83] : memref<128x128xi32, #tpu.memory_space<vmem>> -> memref<128x128xi32, #tpu.memory_space<vmem>>
        %dma_start3A_85 = arith.constant 0 : i32
        %dma_start3A_86 = tpu.memref_slice %arg4[%mul3A_23, %dma_start3A_85] : memref<2560x128xi32, #tpu.memory_space<hbm>> -> memref<128x128xi32, #tpu.memory_space<hbm>>
        tpu.enqueue_dma source(%dma_start3A_86 : memref<128x128xi32, #tpu.memory_space<hbm>>) target(%dma_start3A_84 : memref<128x128xi32, #tpu.memory_space<vmem>>) target_semaphore(%run_scoped3A : memref<!tpu.dma_semaphore, #tpu.memory_space<semaphore_mem>>)
        %dma_wait3A = arith.constant 0 : i32
        %dma_wait3A_87 = arith.constant 0 : i32
        %dma_wait3A_88 = tpu.memref_slice %arg7[%dma_wait3A, %dma_wait3A_87] : memref<128x128xi32, #tpu.memory_space<vmem>> -> memref<128x128xi32, #tpu.memory_space<vmem>>
        %dma_wait3A_89 = arith.constant 0 : i32
        %dma_wait3A_90 = tpu.memref_slice %arg4[%mul3A_23, %dma_wait3A_89] : memref<2560x128xi32, #tpu.memory_space<hbm>> -> memref<128x128xi32, #tpu.memory_space<hbm>>
        %dma_wait3A_91 = arith.constant 0 : i32
        %dma_wait3A_92 = arith.constant 0 : i32
        %dma_wait3A_93 = tpu.memref_slice %arg7[%dma_wait3A_91, %dma_wait3A_92] : memref<128x128xi32, #tpu.memory_space<vmem>> -> memref<128x128xi32, #tpu.memory_space<vmem>>
        %dma_wait3A_94 = arith.constant 0 : i32
        %dma_wait3A_95 = tpu.memref_slice %arg4[%mul3A_23, %dma_wait3A_94] : memref<2560x128xi32, #tpu.memory_space<hbm>> -> memref<128x128xi32, #tpu.memory_space<hbm>>
        tpu.wait_dma2 semaphore(%run_scoped3A : memref<!tpu.dma_semaphore, #tpu.memory_space<semaphore_mem>>) src(%dma_wait3A_95 : memref<128x128xi32, #tpu.memory_space<hbm>>) dst(%dma_wait3A_93 : memref<128x128xi32, #tpu.memory_space<vmem>>)
        tpu.yield
      }) : () -> ()
      %dma_start3A = arith.constant 0 : i32
      %dma_start3A_24 = arith.constant 0 : i32
      %dma_start3A_25 = arith.constant 0 : i32
      %dma_start3A_26 = arith.constant 0 : i32
      %dma_start3A_27 = tpu.memref_slice %arg8[%dma_start3A_24, %dma_start3A_25, %dma_start3A_26] : memref<4x128x128xbf16, #tpu.memory_space<vmem>> -> memref<1x128x128xbf16, #tpu.memory_space<vmem>>
      %dma_start3A_28 = tpu.memref_squeeze %dma_start3A_27 : memref<1x128x128xbf16, #tpu.memory_space<vmem>> -> memref<128x128xbf16, #tpu.memory_space<vmem>>
      %dma_start3A_29 = arith.constant 0 : i32
      %dma_start3A_30 = tpu.memref_slice %arg6[%dma_start3A, %dma_start3A_29] : memref<128x128xi32, #tpu.memory_space<vmem>> -> memref<1x128xi32, #tpu.memory_space<vmem>>
      %dma_start3A_31 = tpu.memref_squeeze %dma_start3A_30 : memref<1x128xi32, #tpu.memory_space<vmem>> -> memref<128xi32, #tpu.memory_space<vmem>>
      %dma_start3A_32 = arith.constant 0 : i32
      %dma_start3A_33 = arith.constant 0 : i32
      %dma_start3A_34 = tpu.memref_slice %arg2[%dma_start3A_32, %dma_start3A_33] : memref<10000x128xbf16, #tpu.memory_space<hbm>> -> memref<10000x128xbf16, #tpu.memory_space<hbm>>
      tpu.enqueue_indirect_dma source(%dma_start3A_34 : memref<10000x128xbf16, #tpu.memory_space<hbm>>) target(%dma_start3A_28 : memref<128x128xbf16, #tpu.memory_space<vmem>>) offsets(%dma_start3A_31 : memref<128xi32, #tpu.memory_space<vmem>>) semaphore(%arg11 : memref<!tpu.dma_semaphore, #tpu.memory_space<semaphore_mem>>)
      %dma_start3A_35 = arith.constant 1 : i32
      %dma_start3A_36 = arith.constant 1 : i32
      %dma_start3A_37 = arith.constant 0 : i32
      %dma_start3A_38 = arith.constant 0 : i32
      %dma_start3A_39 = tpu.memref_slice %arg8[%dma_start3A_36, %dma_start3A_37, %dma_start3A_38] : memref<4x128x128xbf16, #tpu.memory_space<vmem>> -> memref<1x128x128xbf16, #tpu.memory_space<vmem>>
      %dma_start3A_40 = tpu.memref_squeeze %dma_start3A_39 : memref<1x128x128xbf16, #tpu.memory_space<vmem>> -> memref<128x128xbf16, #tpu.memory_space<vmem>>
      %dma_start3A_41 = arith.constant 0 : i32
      %dma_start3A_42 = tpu.memref_slice %arg6[%dma_start3A_35, %dma_start3A_41] : memref<128x128xi32, #tpu.memory_space<vmem>> -> memref<1x128xi32, #tpu.memory_space<vmem>>
      %dma_start3A_43 = tpu.memref_squeeze %dma_start3A_42 : memref<1x128xi32, #tpu.memory_space<vmem>> -> memref<128xi32, #tpu.memory_space<vmem>>
      %dma_start3A_44 = arith.constant 0 : i32
      %dma_start3A_45 = arith.constant 0 : i32
      %dma_start3A_46 = tpu.memref_slice %arg2[%dma_start3A_44, %dma_start3A_45] : memref<10000x128xbf16, #tpu.memory_space<hbm>> -> memref<10000x128xbf16, #tpu.memory_space<hbm>>
      tpu.enqueue_indirect_dma source(%dma_start3A_46 : memref<10000x128xbf16, #tpu.memory_space<hbm>>) target(%dma_start3A_40 : memref<128x128xbf16, #tpu.memory_space<vmem>>) offsets(%dma_start3A_43 : memref<128xi32, #tpu.memory_space<vmem>>) semaphore(%arg11 : memref<!tpu.dma_semaphore, #tpu.memory_space<semaphore_mem>>)
      %dma_start3A_47 = arith.constant 2 : i32
      %dma_start3A_48 = arith.constant 2 : i32
      %dma_start3A_49 = arith.constant 0 : i32
      %dma_start3A_50 = arith.constant 0 : i32
      %dma_start3A_51 = tpu.memref_slice %arg8[%dma_start3A_48, %dma_start3A_49, %dma_start3A_50] : memref<4x128x128xbf16, #tpu.memory_space<vmem>> -> memref<1x128x128xbf16, #tpu.memory_space<vmem>>
      %dma_start3A_52 = tpu.memref_squeeze %dma_start3A_51 : memref<1x128x128xbf16, #tpu.memory_space<vmem>> -> memref<128x128xbf16, #tpu.memory_space<vmem>>
      %dma_start3A_53 = arith.constant 0 : i32
      %dma_start3A_54 = tpu.memref_slice %arg6[%dma_start3A_47, %dma_start3A_53] : memref<128x128xi32, #tpu.memory_space<vmem>> -> memref<1x128xi32, #tpu.memory_space<vmem>>
      %dma_start3A_55 = tpu.memref_squeeze %dma_start3A_54 : memref<1x128xi32, #tpu.memory_space<vmem>> -> memref<128xi32, #tpu.memory_space<vmem>>
      %dma_start3A_56 = arith.constant 0 : i32
      %dma_start3A_57 = arith.constant 0 : i32
      %dma_start3A_58 = tpu.memref_slice %arg2[%dma_start3A_56, %dma_start3A_57] : memref<10000x128xbf16, #tpu.memory_space<hbm>> -> memref<10000x128xbf16, #tpu.memory_space<hbm>>
      tpu.enqueue_indirect_dma source(%dma_start3A_58 : memref<10000x128xbf16, #tpu.memory_space<hbm>>) target(%dma_start3A_52 : memref<128x128xbf16, #tpu.memory_space<vmem>>) offsets(%dma_start3A_55 : memref<128xi32, #tpu.memory_space<vmem>>) semaphore(%arg12 : memref<!tpu.dma_semaphore, #tpu.memory_space<semaphore_mem>>)
      %dma_start3A_59 = arith.constant 3 : i32
      %dma_start3A_60 = arith.constant 3 : i32
      %dma_start3A_61 = arith.constant 0 : i32
      %dma_start3A_62 = arith.constant 0 : i32
      %dma_start3A_63 = tpu.memref_slice %arg8[%dma_start3A_60, %dma_start3A_61, %dma_start3A_62] : memref<4x128x128xbf16, #tpu.memory_space<vmem>> -> memref<1x128x128xbf16, #tpu.memory_space<vmem>>
      %dma_start3A_64 = tpu.memref_squeeze %dma_start3A_63 : memref<1x128x128xbf16, #tpu.memory_space<vmem>> -> memref<128x128xbf16, #tpu.memory_space<vmem>>
      %dma_start3A_65 = arith.constant 0 : i32
      %dma_start3A_66 = tpu.memref_slice %arg6[%dma_start3A_59, %dma_start3A_65] : memref<128x128xi32, #tpu.memory_space<vmem>> -> memref<1x128xi32, #tpu.memory_space<vmem>>
      %dma_start3A_67 = tpu.memref_squeeze %dma_start3A_66 : memref<1x128xi32, #tpu.memory_space<vmem>> -> memref<128xi32, #tpu.memory_space<vmem>>
      %dma_start3A_68 = arith.constant 0 : i32
      %dma_start3A_69 = arith.constant 0 : i32
      %dma_start3A_70 = tpu.memref_slice %arg2[%dma_start3A_68, %dma_start3A_69] : memref<10000x128xbf16, #tpu.memory_space<hbm>> -> memref<10000x128xbf16, #tpu.memory_space<hbm>>
      tpu.enqueue_indirect_dma source(%dma_start3A_70 : memref<10000x128xbf16, #tpu.memory_space<hbm>>) target(%dma_start3A_64 : memref<128x128xbf16, #tpu.memory_space<vmem>>) offsets(%dma_start3A_67 : memref<128xi32, #tpu.memory_space<vmem>>) semaphore(%arg12 : memref<!tpu.dma_semaphore, #tpu.memory_space<semaphore_mem>>)
      %scan3A_71 = arith.constant 0 : i32
      %scan3A_72 = arith.constant 0 : i32
      %scan3A_73 = arith.constant 32 : i32
      %scan3A_74 = arith.addi %scan3A_72, %scan3A_73 : i32
      %scan3A_75 = arith.constant 1 : i32
      scf.for %scan3A_77 = %scan3A_72 to %scan3A_74 step %scan3A_75  : i32 {
        %mul3A_78 = arith.constant 2 : i32
        %mul3A_79 = arith.muli %mul3A_78, %scan3A_77 : i32
        %add3A = arith.constant 1 : i32
        %add3A_80 = arith.addi %mul3A_79, %add3A : i32
        %mul3A_81 = arith.constant 2 : i32
        %mul3A_82 = arith.muli %mul3A_79, %mul3A_81 : i32
        %add3A_83 = arith.constant 0 : i32
        %add3A_84 = arith.addi %mul3A_82, %add3A_83 : i32
        %dma_wait3A = arith.constant 0 : i32
        %dma_wait3A_85 = arith.constant 0 : i32
        %dma_wait3A_86 = arith.constant 0 : i32
        %dma_wait3A_87 = tpu.memref_slice %arg8[%dma_wait3A, %dma_wait3A_85, %dma_wait3A_86] : memref<4x128x128xbf16, #tpu.memory_space<vmem>> -> memref<1x128x128xbf16, #tpu.memory_space<vmem>>
        %dma_wait3A_88 = tpu.memref_squeeze %dma_wait3A_87 : memref<1x128x128xbf16, #tpu.memory_space<vmem>> -> memref<128x128xbf16, #tpu.memory_space<vmem>>
        %dma_wait3A_89 = arith.constant 0 : i32
        %dma_wait3A_90 = tpu.memref_slice %arg6[%add3A_84, %dma_wait3A_89] : memref<128x128xi32, #tpu.memory_space<vmem>> -> memref<1x128xi32, #tpu.memory_space<vmem>>
        %dma_wait3A_91 = tpu.memref_squeeze %dma_wait3A_90 : memref<1x128xi32, #tpu.memory_space<vmem>> -> memref<128xi32, #tpu.memory_space<vmem>>
        %dma_wait3A_92 = arith.constant 0 : i32
        %dma_wait3A_93 = arith.constant 0 : i32
        %dma_wait3A_94 = tpu.memref_slice %arg2[%dma_wait3A_92, %dma_wait3A_93] : memref<10000x128xbf16, #tpu.memory_space<hbm>> -> memref<10000x128xbf16, #tpu.memory_space<hbm>>
        tpu.wait_indirect_dma semaphore(%arg11 : memref<!tpu.dma_semaphore, #tpu.memory_space<semaphore_mem>>) src(%dma_wait3A_94 : memref<10000x128xbf16, #tpu.memory_space<hbm>>) dst(%dma_wait3A_88 : memref<128x128xbf16, #tpu.memory_space<vmem>>)
        %mul3A_95 = arith.constant 2 : i32
        %mul3A_96 = arith.muli %mul3A_79, %mul3A_95 : i32
        %add3A_97 = arith.constant 1 : i32
        %add3A_98 = arith.addi %mul3A_96, %add3A_97 : i32
        %dma_wait3A_99 = arith.constant 1 : i32
        %dma_wait3A_100 = arith.constant 0 : i32
        %dma_wait3A_101 = arith.constant 0 : i32
        %dma_wait3A_102 = tpu.memref_slice %arg8[%dma_wait3A_99, %dma_wait3A_100, %dma_wait3A_101] : memref<4x128x128xbf16, #tpu.memory_space<vmem>> -> memref<1x128x128xbf16, #tpu.memory_space<vmem>>
        %dma_wait3A_103 = tpu.memref_squeeze %dma_wait3A_102 : memref<1x128x128xbf16, #tpu.memory_space<vmem>> -> memref<128x128xbf16, #tpu.memory_space<vmem>>
        %dma_wait3A_104 = arith.constant 0 : i32
        %dma_wait3A_105 = tpu.memref_slice %arg6[%add3A_98, %dma_wait3A_104] : memref<128x128xi32, #tpu.memory_space<vmem>> -> memref<1x128xi32, #tpu.memory_space<vmem>>
        %dma_wait3A_106 = tpu.memref_squeeze %dma_wait3A_105 : memref<1x128xi32, #tpu.memory_space<vmem>> -> memref<128xi32, #tpu.memory_space<vmem>>
        %dma_wait3A_107 = arith.constant 0 : i32
        %dma_wait3A_108 = arith.constant 0 : i32
        %dma_wait3A_109 = tpu.memref_slice %arg2[%dma_wait3A_107, %dma_wait3A_108] : memref<10000x128xbf16, #tpu.memory_space<hbm>> -> memref<10000x128xbf16, #tpu.memory_space<hbm>>
        tpu.wait_indirect_dma semaphore(%arg11 : memref<!tpu.dma_semaphore, #tpu.memory_space<semaphore_mem>>) src(%dma_wait3A_109 : memref<10000x128xbf16, #tpu.memory_space<hbm>>) dst(%dma_wait3A_103 : memref<128x128xbf16, #tpu.memory_space<vmem>>)
        %mul3A_110 = arith.constant 2 : i32
        %mul3A_111 = arith.muli %mul3A_79, %mul3A_110 : i32
        %add3A_112 = arith.constant 0 : i32
        %add3A_113 = arith.addi %mul3A_111, %add3A_112 : i32
        %dma_start3A_114 = arith.constant 0 : i32
        %dma_start3A_115 = arith.constant 0 : i32
        %dma_start3A_116 = arith.constant 0 : i32
        %dma_start3A_117 = tpu.memref_slice %arg8[%dma_start3A_114, %dma_start3A_115, %dma_start3A_116] : memref<4x128x128xbf16, #tpu.memory_space<vmem>> -> memref<1x128x128xbf16, #tpu.memory_space<vmem>>
        %dma_start3A_118 = tpu.memref_squeeze %dma_start3A_117 : memref<1x128x128xbf16, #tpu.memory_space<vmem>> -> memref<128x128xbf16, #tpu.memory_space<vmem>>
        %dma_start3A_119 = arith.constant 0 : i32
        %dma_start3A_120 = tpu.memref_slice %arg7[%add3A_113, %dma_start3A_119] : memref<128x128xi32, #tpu.memory_space<vmem>> -> memref<1x128xi32, #tpu.memory_space<vmem>>
        %dma_start3A_121 = tpu.memref_squeeze %dma_start3A_120 : memref<1x128xi32, #tpu.memory_space<vmem>> -> memref<128xi32, #tpu.memory_space<vmem>>
        %dma_start3A_122 = arith.constant 0 : i32
        %dma_start3A_123 = arith.constant 0 : i32
        %dma_start3A_124 = tpu.memref_slice %arg10[%dma_start3A_122, %dma_start3A_123] : memref<10240x128xbf16, #tpu.memory_space<vmem_shared>> -> memref<10240x128xbf16, #tpu.memory_space<vmem_shared>>
        tpu.enqueue_indirect_dma source(%dma_start3A_118 : memref<128x128xbf16, #tpu.memory_space<vmem>>) target(%dma_start3A_124 : memref<10240x128xbf16, #tpu.memory_space<vmem_shared>>) offsets(%dma_start3A_121 : memref<128xi32, #tpu.memory_space<vmem>>) semaphore(%arg13 : memref<!tpu.dma_semaphore, #tpu.memory_space<semaphore_mem>>) {add = true}
        %mul3A_125 = arith.constant 2 : i32
        %mul3A_126 = arith.muli %mul3A_79, %mul3A_125 : i32
        %add3A_127 = arith.constant 1 : i32
        %add3A_128 = arith.addi %mul3A_126, %add3A_127 : i32
        %dma_start3A_129 = arith.constant 1 : i32
        %dma_start3A_130 = arith.constant 0 : i32
        %dma_start3A_131 = arith.constant 0 : i32
        %dma_start3A_132 = tpu.memref_slice %arg8[%dma_start3A_129, %dma_start3A_130, %dma_start3A_131] : memref<4x128x128xbf16, #tpu.memory_space<vmem>> -> memref<1x128x128xbf16, #tpu.memory_space<vmem>>
        %dma_start3A_133 = tpu.memref_squeeze %dma_start3A_132 : memref<1x128x128xbf16, #tpu.memory_space<vmem>> -> memref<128x128xbf16, #tpu.memory_space<vmem>>
        %dma_start3A_134 = arith.constant 0 : i32
        %dma_start3A_135 = tpu.memref_slice %arg7[%add3A_128, %dma_start3A_134] : memref<128x128xi32, #tpu.memory_space<vmem>> -> memref<1x128xi32, #tpu.memory_space<vmem>>
        %dma_start3A_136 = tpu.memref_squeeze %dma_start3A_135 : memref<1x128xi32, #tpu.memory_space<vmem>> -> memref<128xi32, #tpu.memory_space<vmem>>
        %dma_start3A_137 = arith.constant 0 : i32
        %dma_start3A_138 = arith.constant 0 : i32
        %dma_start3A_139 = tpu.memref_slice %arg10[%dma_start3A_137, %dma_start3A_138] : memref<10240x128xbf16, #tpu.memory_space<vmem_shared>> -> memref<10240x128xbf16, #tpu.memory_space<vmem_shared>>
        tpu.enqueue_indirect_dma source(%dma_start3A_133 : memref<128x128xbf16, #tpu.memory_space<vmem>>) target(%dma_start3A_139 : memref<10240x128xbf16, #tpu.memory_space<vmem_shared>>) offsets(%dma_start3A_136 : memref<128xi32, #tpu.memory_space<vmem>>) semaphore(%arg13 : memref<!tpu.dma_semaphore, #tpu.memory_space<semaphore_mem>>) {add = true}
        %mul3A_140 = arith.constant 2 : i32
        %mul3A_141 = arith.muli %mul3A_79, %mul3A_140 : i32
        %add3A_142 = arith.constant 0 : i32
        %add3A_143 = arith.addi %mul3A_141, %add3A_142 : i32
        %dma_wait3A_144 = arith.constant 0 : i32
        %dma_wait3A_145 = arith.constant 0 : i32
        %dma_wait3A_146 = arith.constant 0 : i32
        %dma_wait3A_147 = tpu.memref_slice %arg8[%dma_wait3A_144, %dma_wait3A_145, %dma_wait3A_146] : memref<4x128x128xbf16, #tpu.memory_space<vmem>> -> memref<1x128x128xbf16, #tpu.memory_space<vmem>>
        %dma_wait3A_148 = tpu.memref_squeeze %dma_wait3A_147 : memref<1x128x128xbf16, #tpu.memory_space<vmem>> -> memref<128x128xbf16, #tpu.memory_space<vmem>>
        %dma_wait3A_149 = arith.constant 0 : i32
        %dma_wait3A_150 = tpu.memref_slice %arg7[%add3A_143, %dma_wait3A_149] : memref<128x128xi32, #tpu.memory_space<vmem>> -> memref<1x128xi32, #tpu.memory_space<vmem>>
        %dma_wait3A_151 = tpu.memref_squeeze %dma_wait3A_150 : memref<1x128xi32, #tpu.memory_space<vmem>> -> memref<128xi32, #tpu.memory_space<vmem>>
        %dma_wait3A_152 = arith.constant 0 : i32
        %dma_wait3A_153 = arith.constant 0 : i32
        %dma_wait3A_154 = tpu.memref_slice %arg10[%dma_wait3A_152, %dma_wait3A_153] : memref<10240x128xbf16, #tpu.memory_space<vmem_shared>> -> memref<10240x128xbf16, #tpu.memory_space<vmem_shared>>
        tpu.wait_indirect_dma semaphore(%arg13 : memref<!tpu.dma_semaphore, #tpu.memory_space<semaphore_mem>>) src(%dma_wait3A_148 : memref<128x128xbf16, #tpu.memory_space<vmem>>) dst(%dma_wait3A_154 : memref<10240x128xbf16, #tpu.memory_space<vmem_shared>>)
        %mul3A_155 = arith.constant 2 : i32
        %mul3A_156 = arith.muli %mul3A_79, %mul3A_155 : i32
        %add3A_157 = arith.constant 1 : i32
        %add3A_158 = arith.addi %mul3A_156, %add3A_157 : i32
        %dma_wait3A_159 = arith.constant 1 : i32
        %dma_wait3A_160 = arith.constant 0 : i32
        %dma_wait3A_161 = arith.constant 0 : i32
        %dma_wait3A_162 = tpu.memref_slice %arg8[%dma_wait3A_159, %dma_wait3A_160, %dma_wait3A_161] : memref<4x128x128xbf16, #tpu.memory_space<vmem>> -> memref<1x128x128xbf16, #tpu.memory_space<vmem>>
        %dma_wait3A_163 = tpu.memref_squeeze %dma_wait3A_162 : memref<1x128x128xbf16, #tpu.memory_space<vmem>> -> memref<128x128xbf16, #tpu.memory_space<vmem>>
        %dma_wait3A_164 = arith.constant 0 : i32
        %dma_wait3A_165 = tpu.memref_slice %arg7[%add3A_158, %dma_wait3A_164] : memref<128x128xi32, #tpu.memory_space<vmem>> -> memref<1x128xi32, #tpu.memory_space<vmem>>
        %dma_wait3A_166 = tpu.memref_squeeze %dma_wait3A_165 : memref<1x128xi32, #tpu.memory_space<vmem>> -> memref<128xi32, #tpu.memory_space<vmem>>
        %dma_wait3A_167 = arith.constant 0 : i32
        %dma_wait3A_168 = arith.constant 0 : i32
        %dma_wait3A_169 = tpu.memref_slice %arg10[%dma_wait3A_167, %dma_wait3A_168] : memref<10240x128xbf16, #tpu.memory_space<vmem_shared>> -> memref<10240x128xbf16, #tpu.memory_space<vmem_shared>>
        tpu.wait_indirect_dma semaphore(%arg13 : memref<!tpu.dma_semaphore, #tpu.memory_space<semaphore_mem>>) src(%dma_wait3A_163 : memref<128x128xbf16, #tpu.memory_space<vmem>>) dst(%dma_wait3A_169 : memref<10240x128xbf16, #tpu.memory_space<vmem_shared>>)
        %add3A_170 = arith.constant 1 : i32
        %add3A_171 = arith.addi %scan3A_77, %add3A_170 : i32
        %lt3A = arith.constant 32 : i32
        %lt3A_172 = arith.cmpi slt, %add3A_171, %lt3A : i32
        %convert_element_type3A_173 = arith.extui %lt3A_172 : i1 to i32
        %cond3A_174 = arith.constant 0 : i32
        %cond3A_175 = arith.cmpi ne, %convert_element_type3A_173, %cond3A_174 : i32
        scf.if %cond3A_175 {
          %add3A_273 = arith.constant 2 : i32
          %add3A_274 = arith.addi %mul3A_79, %add3A_273 : i32
          %mul3A_275 = arith.constant 2 : i32
          %mul3A_276 = arith.muli %add3A_274, %mul3A_275 : i32
          %add3A_277 = arith.constant 0 : i32
          %add3A_278 = arith.addi %mul3A_276, %add3A_277 : i32
          %dma_start3A_279 = arith.constant 0 : i32
          %dma_start3A_280 = arith.constant 0 : i32
          %dma_start3A_281 = arith.constant 0 : i32
          %dma_start3A_282 = tpu.memref_slice %arg8[%dma_start3A_279, %dma_start3A_280, %dma_start3A_281] : memref<4x128x128xbf16, #tpu.memory_space<vmem>> -> memref<1x128x128xbf16, #tpu.memory_space<vmem>>
          %dma_start3A_283 = tpu.memref_squeeze %dma_start3A_282 : memref<1x128x128xbf16, #tpu.memory_space<vmem>> -> memref<128x128xbf16, #tpu.memory_space<vmem>>
          %dma_start3A_284 = arith.constant 0 : i32
          %dma_start3A_285 = tpu.memref_slice %arg6[%add3A_278, %dma_start3A_284] : memref<128x128xi32, #tpu.memory_space<vmem>> -> memref<1x128xi32, #tpu.memory_space<vmem>>
          %dma_start3A_286 = tpu.memref_squeeze %dma_start3A_285 : memref<1x128xi32, #tpu.memory_space<vmem>> -> memref<128xi32, #tpu.memory_space<vmem>>
          %dma_start3A_287 = arith.constant 0 : i32
          %dma_start3A_288 = arith.constant 0 : i32
          %dma_start3A_289 = tpu.memref_slice %arg2[%dma_start3A_287, %dma_start3A_288] : memref<10000x128xbf16, #tpu.memory_space<hbm>> -> memref<10000x128xbf16, #tpu.memory_space<hbm>>
          tpu.enqueue_indirect_dma source(%dma_start3A_289 : memref<10000x128xbf16, #tpu.memory_space<hbm>>) target(%dma_start3A_283 : memref<128x128xbf16, #tpu.memory_space<vmem>>) offsets(%dma_start3A_286 : memref<128xi32, #tpu.memory_space<vmem>>) semaphore(%arg11 : memref<!tpu.dma_semaphore, #tpu.memory_space<semaphore_mem>>)
          %mul3A_290 = arith.constant 2 : i32
          %mul3A_291 = arith.muli %add3A_274, %mul3A_290 : i32
          %add3A_292 = arith.constant 1 : i32
          %add3A_293 = arith.addi %mul3A_291, %add3A_292 : i32
          %dma_start3A_294 = arith.constant 1 : i32
          %dma_start3A_295 = arith.constant 0 : i32
          %dma_start3A_296 = arith.constant 0 : i32
          %dma_start3A_297 = tpu.memref_slice %arg8[%dma_start3A_294, %dma_start3A_295, %dma_start3A_296] : memref<4x128x128xbf16, #tpu.memory_space<vmem>> -> memref<1x128x128xbf16, #tpu.memory_space<vmem>>
          %dma_start3A_298 = tpu.memref_squeeze %dma_start3A_297 : memref<1x128x128xbf16, #tpu.memory_space<vmem>> -> memref<128x128xbf16, #tpu.memory_space<vmem>>
          %dma_start3A_299 = arith.constant 0 : i32
          %dma_start3A_300 = tpu.memref_slice %arg6[%add3A_293, %dma_start3A_299] : memref<128x128xi32, #tpu.memory_space<vmem>> -> memref<1x128xi32, #tpu.memory_space<vmem>>
          %dma_start3A_301 = tpu.memref_squeeze %dma_start3A_300 : memref<1x128xi32, #tpu.memory_space<vmem>> -> memref<128xi32, #tpu.memory_space<vmem>>
          %dma_start3A_302 = arith.constant 0 : i32
          %dma_start3A_303 = arith.constant 0 : i32
          %dma_start3A_304 = tpu.memref_slice %arg2[%dma_start3A_302, %dma_start3A_303] : memref<10000x128xbf16, #tpu.memory_space<hbm>> -> memref<10000x128xbf16, #tpu.memory_space<hbm>>
          tpu.enqueue_indirect_dma source(%dma_start3A_304 : memref<10000x128xbf16, #tpu.memory_space<hbm>>) target(%dma_start3A_298 : memref<128x128xbf16, #tpu.memory_space<vmem>>) offsets(%dma_start3A_301 : memref<128xi32, #tpu.memory_space<vmem>>) semaphore(%arg11 : memref<!tpu.dma_semaphore, #tpu.memory_space<semaphore_mem>>)
        } else {
        }
        %mul3A_176 = arith.constant 2 : i32
        %mul3A_177 = arith.muli %add3A_80, %mul3A_176 : i32
        %add3A_178 = arith.constant 0 : i32
        %add3A_179 = arith.addi %mul3A_177, %add3A_178 : i32
        %dma_wait3A_180 = arith.constant 2 : i32
        %dma_wait3A_181 = arith.constant 0 : i32
        %dma_wait3A_182 = arith.constant 0 : i32
        %dma_wait3A_183 = tpu.memref_slice %arg8[%dma_wait3A_180, %dma_wait3A_181, %dma_wait3A_182] : memref<4x128x128xbf16, #tpu.memory_space<vmem>> -> memref<1x128x128xbf16, #tpu.memory_space<vmem>>
        %dma_wait3A_184 = tpu.memref_squeeze %dma_wait3A_183 : memref<1x128x128xbf16, #tpu.memory_space<vmem>> -> memref<128x128xbf16, #tpu.memory_space<vmem>>
        %dma_wait3A_185 = arith.constant 0 : i32
        %dma_wait3A_186 = tpu.memref_slice %arg6[%add3A_179, %dma_wait3A_185] : memref<128x128xi32, #tpu.memory_space<vmem>> -> memref<1x128xi32, #tpu.memory_space<vmem>>
        %dma_wait3A_187 = tpu.memref_squeeze %dma_wait3A_186 : memref<1x128xi32, #tpu.memory_space<vmem>> -> memref<128xi32, #tpu.memory_space<vmem>>
        %dma_wait3A_188 = arith.constant 0 : i32
        %dma_wait3A_189 = arith.constant 0 : i32
        %dma_wait3A_190 = tpu.memref_slice %arg2[%dma_wait3A_188, %dma_wait3A_189] : memref<10000x128xbf16, #tpu.memory_space<hbm>> -> memref<10000x128xbf16, #tpu.memory_space<hbm>>
        tpu.wait_indirect_dma semaphore(%arg12 : memref<!tpu.dma_semaphore, #tpu.memory_space<semaphore_mem>>) src(%dma_wait3A_190 : memref<10000x128xbf16, #tpu.memory_space<hbm>>) dst(%dma_wait3A_184 : memref<128x128xbf16, #tpu.memory_space<vmem>>)
        %mul3A_191 = arith.constant 2 : i32
        %mul3A_192 = arith.muli %add3A_80, %mul3A_191 : i32
        %add3A_193 = arith.constant 1 : i32
        %add3A_194 = arith.addi %mul3A_192, %add3A_193 : i32
        %dma_wait3A_195 = arith.constant 3 : i32
        %dma_wait3A_196 = arith.constant 0 : i32
        %dma_wait3A_197 = arith.constant 0 : i32
        %dma_wait3A_198 = tpu.memref_slice %arg8[%dma_wait3A_195, %dma_wait3A_196, %dma_wait3A_197] : memref<4x128x128xbf16, #tpu.memory_space<vmem>> -> memref<1x128x128xbf16, #tpu.memory_space<vmem>>
        %dma_wait3A_199 = tpu.memref_squeeze %dma_wait3A_198 : memref<1x128x128xbf16, #tpu.memory_space<vmem>> -> memref<128x128xbf16, #tpu.memory_space<vmem>>
        %dma_wait3A_200 = arith.constant 0 : i32
        %dma_wait3A_201 = tpu.memref_slice %arg6[%add3A_194, %dma_wait3A_200] : memref<128x128xi32, #tpu.memory_space<vmem>> -> memref<1x128xi32, #tpu.memory_space<vmem>>
        %dma_wait3A_202 = tpu.memref_squeeze %dma_wait3A_201 : memref<1x128xi32, #tpu.memory_space<vmem>> -> memref<128xi32, #tpu.memory_space<vmem>>
        %dma_wait3A_203 = arith.constant 0 : i32
        %dma_wait3A_204 = arith.constant 0 : i32
        %dma_wait3A_205 = tpu.memref_slice %arg2[%dma_wait3A_203, %dma_wait3A_204] : memref<10000x128xbf16, #tpu.memory_space<hbm>> -> memref<10000x128xbf16, #tpu.memory_space<hbm>>
        tpu.wait_indirect_dma semaphore(%arg12 : memref<!tpu.dma_semaphore, #tpu.memory_space<semaphore_mem>>) src(%dma_wait3A_205 : memref<10000x128xbf16, #tpu.memory_space<hbm>>) dst(%dma_wait3A_199 : memref<128x128xbf16, #tpu.memory_space<vmem>>)
        %mul3A_206 = arith.constant 2 : i32
        %mul3A_207 = arith.muli %add3A_80, %mul3A_206 : i32
        %add3A_208 = arith.constant 0 : i32
        %add3A_209 = arith.addi %mul3A_207, %add3A_208 : i32
        %dma_start3A_210 = arith.constant 2 : i32
        %dma_start3A_211 = arith.constant 0 : i32
        %dma_start3A_212 = arith.constant 0 : i32
        %dma_start3A_213 = tpu.memref_slice %arg8[%dma_start3A_210, %dma_start3A_211, %dma_start3A_212] : memref<4x128x128xbf16, #tpu.memory_space<vmem>> -> memref<1x128x128xbf16, #tpu.memory_space<vmem>>
        %dma_start3A_214 = tpu.memref_squeeze %dma_start3A_213 : memref<1x128x128xbf16, #tpu.memory_space<vmem>> -> memref<128x128xbf16, #tpu.memory_space<vmem>>
        %dma_start3A_215 = arith.constant 0 : i32
        %dma_start3A_216 = tpu.memref_slice %arg7[%add3A_209, %dma_start3A_215] : memref<128x128xi32, #tpu.memory_space<vmem>> -> memref<1x128xi32, #tpu.memory_space<vmem>>
        %dma_start3A_217 = tpu.memref_squeeze %dma_start3A_216 : memref<1x128xi32, #tpu.memory_space<vmem>> -> memref<128xi32, #tpu.memory_space<vmem>>
        %dma_start3A_218 = arith.constant 0 : i32
        %dma_start3A_219 = arith.constant 0 : i32
        %dma_start3A_220 = tpu.memref_slice %arg10[%dma_start3A_218, %dma_start3A_219] : memref<10240x128xbf16, #tpu.memory_space<vmem_shared>> -> memref<10240x128xbf16, #tpu.memory_space<vmem_shared>>
        tpu.enqueue_indirect_dma source(%dma_start3A_214 : memref<128x128xbf16, #tpu.memory_space<vmem>>) target(%dma_start3A_220 : memref<10240x128xbf16, #tpu.memory_space<vmem_shared>>) offsets(%dma_start3A_217 : memref<128xi32, #tpu.memory_space<vmem>>) semaphore(%arg14 : memref<!tpu.dma_semaphore, #tpu.memory_space<semaphore_mem>>) {add = true}
        %mul3A_221 = arith.constant 2 : i32
        %mul3A_222 = arith.muli %add3A_80, %mul3A_221 : i32
        %add3A_223 = arith.constant 1 : i32
        %add3A_224 = arith.addi %mul3A_222, %add3A_223 : i32
        %dma_start3A_225 = arith.constant 3 : i32
        %dma_start3A_226 = arith.constant 0 : i32
        %dma_start3A_227 = arith.constant 0 : i32
        %dma_start3A_228 = tpu.memref_slice %arg8[%dma_start3A_225, %dma_start3A_226, %dma_start3A_227] : memref<4x128x128xbf16, #tpu.memory_space<vmem>> -> memref<1x128x128xbf16, #tpu.memory_space<vmem>>
        %dma_start3A_229 = tpu.memref_squeeze %dma_start3A_228 : memref<1x128x128xbf16, #tpu.memory_space<vmem>> -> memref<128x128xbf16, #tpu.memory_space<vmem>>
        %dma_start3A_230 = arith.constant 0 : i32
        %dma_start3A_231 = tpu.memref_slice %arg7[%add3A_224, %dma_start3A_230] : memref<128x128xi32, #tpu.memory_space<vmem>> -> memref<1x128xi32, #tpu.memory_space<vmem>>
        %dma_start3A_232 = tpu.memref_squeeze %dma_start3A_231 : memref<1x128xi32, #tpu.memory_space<vmem>> -> memref<128xi32, #tpu.memory_space<vmem>>
        %dma_start3A_233 = arith.constant 0 : i32
        %dma_start3A_234 = arith.constant 0 : i32
        %dma_start3A_235 = tpu.memref_slice %arg10[%dma_start3A_233, %dma_start3A_234] : memref<10240x128xbf16, #tpu.memory_space<vmem_shared>> -> memref<10240x128xbf16, #tpu.memory_space<vmem_shared>>
        tpu.enqueue_indirect_dma source(%dma_start3A_229 : memref<128x128xbf16, #tpu.memory_space<vmem>>) target(%dma_start3A_235 : memref<10240x128xbf16, #tpu.memory_space<vmem_shared>>) offsets(%dma_start3A_232 : memref<128xi32, #tpu.memory_space<vmem>>) semaphore(%arg14 : memref<!tpu.dma_semaphore, #tpu.memory_space<semaphore_mem>>) {add = true}
        %mul3A_236 = arith.constant 2 : i32
        %mul3A_237 = arith.muli %add3A_80, %mul3A_236 : i32
        %add3A_238 = arith.constant 0 : i32
        %add3A_239 = arith.addi %mul3A_237, %add3A_238 : i32
        %dma_wait3A_240 = arith.constant 2 : i32
        %dma_wait3A_241 = arith.constant 0 : i32
        %dma_wait3A_242 = arith.constant 0 : i32
        %dma_wait3A_243 = tpu.memref_slice %arg8[%dma_wait3A_240, %dma_wait3A_241, %dma_wait3A_242] : memref<4x128x128xbf16, #tpu.memory_space<vmem>> -> memref<1x128x128xbf16, #tpu.memory_space<vmem>>
        %dma_wait3A_244 = tpu.memref_squeeze %dma_wait3A_243 : memref<1x128x128xbf16, #tpu.memory_space<vmem>> -> memref<128x128xbf16, #tpu.memory_space<vmem>>
        %dma_wait3A_245 = arith.constant 0 : i32
        %dma_wait3A_246 = tpu.memref_slice %arg7[%add3A_239, %dma_wait3A_245] : memref<128x128xi32, #tpu.memory_space<vmem>> -> memref<1x128xi32, #tpu.memory_space<vmem>>
        %dma_wait3A_247 = tpu.memref_squeeze %dma_wait3A_246 : memref<1x128xi32, #tpu.memory_space<vmem>> -> memref<128xi32, #tpu.memory_space<vmem>>
        %dma_wait3A_248 = arith.constant 0 : i32
        %dma_wait3A_249 = arith.constant 0 : i32
        %dma_wait3A_250 = tpu.memref_slice %arg10[%dma_wait3A_248, %dma_wait3A_249] : memref<10240x128xbf16, #tpu.memory_space<vmem_shared>> -> memref<10240x128xbf16, #tpu.memory_space<vmem_shared>>
        tpu.wait_indirect_dma semaphore(%arg14 : memref<!tpu.dma_semaphore, #tpu.memory_space<semaphore_mem>>) src(%dma_wait3A_244 : memref<128x128xbf16, #tpu.memory_space<vmem>>) dst(%dma_wait3A_250 : memref<10240x128xbf16, #tpu.memory_space<vmem_shared>>)
        %mul3A_251 = arith.constant 2 : i32
        %mul3A_252 = arith.muli %add3A_80, %mul3A_251 : i32
        %add3A_253 = arith.constant 1 : i32
        %add3A_254 = arith.addi %mul3A_252, %add3A_253 : i32
        %dma_wait3A_255 = arith.constant 3 : i32
        %dma_wait3A_256 = arith.constant 0 : i32
        %dma_wait3A_257 = arith.constant 0 : i32
        %dma_wait3A_258 = tpu.memref_slice %arg8[%dma_wait3A_255, %dma_wait3A_256, %dma_wait3A_257] : memref<4x128x128xbf16, #tpu.memory_space<vmem>> -> memref<1x128x128xbf16, #tpu.memory_space<vmem>>
        %dma_wait3A_259 = tpu.memref_squeeze %dma_wait3A_258 : memref<1x128x128xbf16, #tpu.memory_space<vmem>> -> memref<128x128xbf16, #tpu.memory_space<vmem>>
        %dma_wait3A_260 = arith.constant 0 : i32
        %dma_wait3A_261 = tpu.memref_slice %arg7[%add3A_254, %dma_wait3A_260] : memref<128x128xi32, #tpu.memory_space<vmem>> -> memref<1x128xi32, #tpu.memory_space<vmem>>
        %dma_wait3A_262 = tpu.memref_squeeze %dma_wait3A_261 : memref<1x128xi32, #tpu.memory_space<vmem>> -> memref<128xi32, #tpu.memory_space<vmem>>
        %dma_wait3A_263 = arith.constant 0 : i32
        %dma_wait3A_264 = arith.constant 0 : i32
        %dma_wait3A_265 = tpu.memref_slice %arg10[%dma_wait3A_263, %dma_wait3A_264] : memref<10240x128xbf16, #tpu.memory_space<vmem_shared>> -> memref<10240x128xbf16, #tpu.memory_space<vmem_shared>>
        tpu.wait_indirect_dma semaphore(%arg14 : memref<!tpu.dma_semaphore, #tpu.memory_space<semaphore_mem>>) src(%dma_wait3A_259 : memref<128x128xbf16, #tpu.memory_space<vmem>>) dst(%dma_wait3A_265 : memref<10240x128xbf16, #tpu.memory_space<vmem_shared>>)
        %add3A_266 = arith.constant 1 : i32
        %add3A_267 = arith.addi %scan3A_77, %add3A_266 : i32
        %lt3A_268 = arith.constant 32 : i32
        %lt3A_269 = arith.cmpi slt, %add3A_267, %lt3A_268 : i32
        %convert_element_type3A_270 = arith.extui %lt3A_269 : i1 to i32
        %cond3A_271 = arith.constant 0 : i32
        %cond3A_272 = arith.cmpi ne, %convert_element_type3A_270, %cond3A_271 : i32
        scf.if %cond3A_272 {
          %add3A_273 = arith.constant 2 : i32
          %add3A_274 = arith.addi %add3A_80, %add3A_273 : i32
          %mul3A_275 = arith.constant 2 : i32
          %mul3A_276 = arith.muli %add3A_274, %mul3A_275 : i32
          %add3A_277 = arith.constant 0 : i32
          %add3A_278 = arith.addi %mul3A_276, %add3A_277 : i32
          %dma_start3A_279 = arith.constant 2 : i32
          %dma_start3A_280 = arith.constant 0 : i32
          %dma_start3A_281 = arith.constant 0 : i32
          %dma_start3A_282 = tpu.memref_slice %arg8[%dma_start3A_279, %dma_start3A_280, %dma_start3A_281] : memref<4x128x128xbf16, #tpu.memory_space<vmem>> -> memref<1x128x128xbf16, #tpu.memory_space<vmem>>
          %dma_start3A_283 = tpu.memref_squeeze %dma_start3A_282 : memref<1x128x128xbf16, #tpu.memory_space<vmem>> -> memref<128x128xbf16, #tpu.memory_space<vmem>>
          %dma_start3A_284 = arith.constant 0 : i32
          %dma_start3A_285 = tpu.memref_slice %arg6[%add3A_278, %dma_start3A_284] : memref<128x128xi32, #tpu.memory_space<vmem>> -> memref<1x128xi32, #tpu.memory_space<vmem>>
          %dma_start3A_286 = tpu.memref_squeeze %dma_start3A_285 : memref<1x128xi32, #tpu.memory_space<vmem>> -> memref<128xi32, #tpu.memory_space<vmem>>
          %dma_start3A_287 = arith.constant 0 : i32
          %dma_start3A_288 = arith.constant 0 : i32
          %dma_start3A_289 = tpu.memref_slice %arg2[%dma_start3A_287, %dma_start3A_288] : memref<10000x128xbf16, #tpu.memory_space<hbm>> -> memref<10000x128xbf16, #tpu.memory_space<hbm>>
          tpu.enqueue_indirect_dma source(%dma_start3A_289 : memref<10000x128xbf16, #tpu.memory_space<hbm>>) target(%dma_start3A_283 : memref<128x128xbf16, #tpu.memory_space<vmem>>) offsets(%dma_start3A_286 : memref<128xi32, #tpu.memory_space<vmem>>) semaphore(%arg12 : memref<!tpu.dma_semaphore, #tpu.memory_space<semaphore_mem>>)
          %mul3A_290 = arith.constant 2 : i32
          %mul3A_291 = arith.muli %add3A_274, %mul3A_290 : i32
          %add3A_292 = arith.constant 1 : i32
          %add3A_293 = arith.addi %mul3A_291, %add3A_292 : i32
          %dma_start3A_294 = arith.constant 3 : i32
          %dma_start3A_295 = arith.constant 0 : i32
          %dma_start3A_296 = arith.constant 0 : i32
          %dma_start3A_297 = tpu.memref_slice %arg8[%dma_start3A_294, %dma_start3A_295, %dma_start3A_296] : memref<4x128x128xbf16, #tpu.memory_space<vmem>> -> memref<1x128x128xbf16, #tpu.memory_space<vmem>>
          %dma_start3A_298 = tpu.memref_squeeze %dma_start3A_297 : memref<1x128x128xbf16, #tpu.memory_space<vmem>> -> memref<128x128xbf16, #tpu.memory_space<vmem>>
          %dma_start3A_299 = arith.constant 0 : i32
          %dma_start3A_300 = tpu.memref_slice %arg6[%add3A_293, %dma_start3A_299] : memref<128x128xi32, #tpu.memory_space<vmem>> -> memref<1x128xi32, #tpu.memory_space<vmem>>
          %dma_start3A_301 = tpu.memref_squeeze %dma_start3A_300 : memref<1x128xi32, #tpu.memory_space<vmem>> -> memref<128xi32, #tpu.memory_space<vmem>>
          %dma_start3A_302 = arith.constant 0 : i32
          %dma_start3A_303 = arith.constant 0 : i32
          %dma_start3A_304 = tpu.memref_slice %arg2[%dma_start3A_302, %dma_start3A_303] : memref<10000x128xbf16, #tpu.memory_space<hbm>> -> memref<10000x128xbf16, #tpu.memory_space<hbm>>
          tpu.enqueue_indirect_dma source(%dma_start3A_304 : memref<10000x128xbf16, #tpu.memory_space<hbm>>) target(%dma_start3A_298 : memref<128x128xbf16, #tpu.memory_space<vmem>>) offsets(%dma_start3A_301 : memref<128xi32, #tpu.memory_space<vmem>>) semaphore(%arg12 : memref<!tpu.dma_semaphore, #tpu.memory_space<semaphore_mem>>)
        } else {
        }
      }
      %scan3A_76 = arith.constant 32 : i32
    } else {
    }
    %eq3A_13 = arith.constant 1 : i32
    %eq3A_14 = arith.cmpi eq, %arg0, %eq3A_13 : i32
    %convert_element_type3A_15 = arith.extui %eq3A_14 : i1 to i32
    %cond3A_16 = arith.constant 0 : i32
    %cond3A_17 = arith.cmpi ne, %convert_element_type3A_15, %cond3A_16 : i32
    scf.if %cond3A_17 {
      %mul3A_22 = arith.constant 32 : i32
      %mul3A_23 = arith.muli %arg1, %mul3A_22 : i32
      %add3A = arith.constant 2048 : i32
      %add3A_24 = arith.addi %add3A, %mul3A_23 : i32
      "tpu.region"() ({
        %run_scoped3A = tpu.sem_alloc : memref<!tpu.dma_semaphore, #tpu.memory_space<semaphore_mem>>
        %dma_start3A_78 = arith.constant 0 : i32
        %dma_start3A_79 = arith.constant 0 : i32
        %dma_start3A_80 = tpu.memref_slice %arg6[%dma_start3A_78, %dma_start3A_79] : memref<128x128xi32, #tpu.memory_space<vmem>> -> memref<32x128xi32, #tpu.memory_space<vmem>>
        %dma_start3A_81 = arith.constant 0 : i32
        %dma_start3A_82 = tpu.memref_slice %arg3[%add3A_24, %dma_start3A_81] : memref<2560x128xi32, #tpu.memory_space<hbm>> -> memref<32x128xi32, #tpu.memory_space<hbm>>
        %dma_start3A_83 = arith.constant 0 : i32
        %dma_start3A_84 = arith.constant 0 : i32
        %dma_start3A_85 = tpu.memref_slice %arg6[%dma_start3A_83, %dma_start3A_84] : memref<128x128xi32, #tpu.memory_space<vmem>> -> memref<32x128xi32, #tpu.memory_space<vmem>>
        %dma_start3A_86 = arith.constant 0 : i32
        %dma_start3A_87 = tpu.memref_slice %arg3[%add3A_24, %dma_start3A_86] : memref<2560x128xi32, #tpu.memory_space<hbm>> -> memref<32x128xi32, #tpu.memory_space<hbm>>
        tpu.enqueue_dma source(%dma_start3A_87 : memref<32x128xi32, #tpu.memory_space<hbm>>) target(%dma_start3A_85 : memref<32x128xi32, #tpu.memory_space<vmem>>) target_semaphore(%run_scoped3A : memref<!tpu.dma_semaphore, #tpu.memory_space<semaphore_mem>>)
        %dma_wait3A = arith.constant 0 : i32
        %dma_wait3A_88 = arith.constant 0 : i32
        %dma_wait3A_89 = tpu.memref_slice %arg6[%dma_wait3A, %dma_wait3A_88] : memref<128x128xi32, #tpu.memory_space<vmem>> -> memref<32x128xi32, #tpu.memory_space<vmem>>
        %dma_wait3A_90 = arith.constant 0 : i32
        %dma_wait3A_91 = tpu.memref_slice %arg3[%add3A_24, %dma_wait3A_90] : memref<2560x128xi32, #tpu.memory_space<hbm>> -> memref<32x128xi32, #tpu.memory_space<hbm>>
        %dma_wait3A_92 = arith.constant 0 : i32
        %dma_wait3A_93 = arith.constant 0 : i32
        %dma_wait3A_94 = tpu.memref_slice %arg6[%dma_wait3A_92, %dma_wait3A_93] : memref<128x128xi32, #tpu.memory_space<vmem>> -> memref<32x128xi32, #tpu.memory_space<vmem>>
        %dma_wait3A_95 = arith.constant 0 : i32
        %dma_wait3A_96 = tpu.memref_slice %arg3[%add3A_24, %dma_wait3A_95] : memref<2560x128xi32, #tpu.memory_space<hbm>> -> memref<32x128xi32, #tpu.memory_space<hbm>>
        tpu.wait_dma2 semaphore(%run_scoped3A : memref<!tpu.dma_semaphore, #tpu.memory_space<semaphore_mem>>) src(%dma_wait3A_96 : memref<32x128xi32, #tpu.memory_space<hbm>>) dst(%dma_wait3A_94 : memref<32x128xi32, #tpu.memory_space<vmem>>)
        tpu.yield
      }) : () -> ()
      "tpu.region"() ({
        %run_scoped3A = tpu.sem_alloc : memref<!tpu.dma_semaphore, #tpu.memory_space<semaphore_mem>>
        %dma_start3A_78 = arith.constant 0 : i32
        %dma_start3A_79 = arith.constant 0 : i32
        %dma_start3A_80 = tpu.memref_slice %arg7[%dma_start3A_78, %dma_start3A_79] : memref<128x128xi32, #tpu.memory_space<vmem>> -> memref<32x128xi32, #tpu.memory_space<vmem>>
        %dma_start3A_81 = arith.constant 0 : i32
        %dma_start3A_82 = tpu.memref_slice %arg4[%add3A_24, %dma_start3A_81] : memref<2560x128xi32, #tpu.memory_space<hbm>> -> memref<32x128xi32, #tpu.memory_space<hbm>>
        %dma_start3A_83 = arith.constant 0 : i32
        %dma_start3A_84 = arith.constant 0 : i32
        %dma_start3A_85 = tpu.memref_slice %arg7[%dma_start3A_83, %dma_start3A_84] : memref<128x128xi32, #tpu.memory_space<vmem>> -> memref<32x128xi32, #tpu.memory_space<vmem>>
        %dma_start3A_86 = arith.constant 0 : i32
        %dma_start3A_87 = tpu.memref_slice %arg4[%add3A_24, %dma_start3A_86] : memref<2560x128xi32, #tpu.memory_space<hbm>> -> memref<32x128xi32, #tpu.memory_space<hbm>>
        tpu.enqueue_dma source(%dma_start3A_87 : memref<32x128xi32, #tpu.memory_space<hbm>>) target(%dma_start3A_85 : memref<32x128xi32, #tpu.memory_space<vmem>>) target_semaphore(%run_scoped3A : memref<!tpu.dma_semaphore, #tpu.memory_space<semaphore_mem>>)
        %dma_wait3A = arith.constant 0 : i32
        %dma_wait3A_88 = arith.constant 0 : i32
        %dma_wait3A_89 = tpu.memref_slice %arg7[%dma_wait3A, %dma_wait3A_88] : memref<128x128xi32, #tpu.memory_space<vmem>> -> memref<32x128xi32, #tpu.memory_space<vmem>>
        %dma_wait3A_90 = arith.constant 0 : i32
        %dma_wait3A_91 = tpu.memref_slice %arg4[%add3A_24, %dma_wait3A_90] : memref<2560x128xi32, #tpu.memory_space<hbm>> -> memref<32x128xi32, #tpu.memory_space<hbm>>
        %dma_wait3A_92 = arith.constant 0 : i32
        %dma_wait3A_93 = arith.constant 0 : i32
        %dma_wait3A_94 = tpu.memref_slice %arg7[%dma_wait3A_92, %dma_wait3A_93] : memref<128x128xi32, #tpu.memory_space<vmem>> -> memref<32x128xi32, #tpu.memory_space<vmem>>
        %dma_wait3A_95 = arith.constant 0 : i32
        %dma_wait3A_96 = tpu.memref_slice %arg4[%add3A_24, %dma_wait3A_95] : memref<2560x128xi32, #tpu.memory_space<hbm>> -> memref<32x128xi32, #tpu.memory_space<hbm>>
        tpu.wait_dma2 semaphore(%run_scoped3A : memref<!tpu.dma_semaphore, #tpu.memory_space<semaphore_mem>>) src(%dma_wait3A_96 : memref<32x128xi32, #tpu.memory_space<hbm>>) dst(%dma_wait3A_94 : memref<32x128xi32, #tpu.memory_space<vmem>>)
        tpu.yield
      }) : () -> ()
      %dma_start3A = arith.constant 0 : i32
      %dma_start3A_25 = arith.constant 0 : i32
      %dma_start3A_26 = arith.constant 0 : i32
      %dma_start3A_27 = arith.constant 0 : i32
      %dma_start3A_28 = tpu.memref_slice %arg8[%dma_start3A_25, %dma_start3A_26, %dma_start3A_27] : memref<4x128x128xbf16, #tpu.memory_space<vmem>> -> memref<1x128x128xbf16, #tpu.memory_space<vmem>>
      %dma_start3A_29 = tpu.memref_squeeze %dma_start3A_28 : memref<1x128x128xbf16, #tpu.memory_space<vmem>> -> memref<128x128xbf16, #tpu.memory_space<vmem>>
      %dma_start3A_30 = arith.constant 0 : i32
      %dma_start3A_31 = tpu.memref_slice %arg6[%dma_start3A, %dma_start3A_30] : memref<128x128xi32, #tpu.memory_space<vmem>> -> memref<1x128xi32, #tpu.memory_space<vmem>>
      %dma_start3A_32 = tpu.memref_squeeze %dma_start3A_31 : memref<1x128xi32, #tpu.memory_space<vmem>> -> memref<128xi32, #tpu.memory_space<vmem>>
      %dma_start3A_33 = arith.constant 0 : i32
      %dma_start3A_34 = arith.constant 0 : i32
      %dma_start3A_35 = tpu.memref_slice %arg2[%dma_start3A_33, %dma_start3A_34] : memref<10000x128xbf16, #tpu.memory_space<hbm>> -> memref<10000x128xbf16, #tpu.memory_space<hbm>>
      tpu.enqueue_indirect_dma source(%dma_start3A_35 : memref<10000x128xbf16, #tpu.memory_space<hbm>>) target(%dma_start3A_29 : memref<128x128xbf16, #tpu.memory_space<vmem>>) offsets(%dma_start3A_32 : memref<128xi32, #tpu.memory_space<vmem>>) semaphore(%arg11 : memref<!tpu.dma_semaphore, #tpu.memory_space<semaphore_mem>>)
      %dma_start3A_36 = arith.constant 1 : i32
      %dma_start3A_37 = arith.constant 1 : i32
      %dma_start3A_38 = arith.constant 0 : i32
      %dma_start3A_39 = arith.constant 0 : i32
      %dma_start3A_40 = tpu.memref_slice %arg8[%dma_start3A_37, %dma_start3A_38, %dma_start3A_39] : memref<4x128x128xbf16, #tpu.memory_space<vmem>> -> memref<1x128x128xbf16, #tpu.memory_space<vmem>>
      %dma_start3A_41 = tpu.memref_squeeze %dma_start3A_40 : memref<1x128x128xbf16, #tpu.memory_space<vmem>> -> memref<128x128xbf16, #tpu.memory_space<vmem>>
      %dma_start3A_42 = arith.constant 0 : i32
      %dma_start3A_43 = tpu.memref_slice %arg6[%dma_start3A_36, %dma_start3A_42] : memref<128x128xi32, #tpu.memory_space<vmem>> -> memref<1x128xi32, #tpu.memory_space<vmem>>
      %dma_start3A_44 = tpu.memref_squeeze %dma_start3A_43 : memref<1x128xi32, #tpu.memory_space<vmem>> -> memref<128xi32, #tpu.memory_space<vmem>>
      %dma_start3A_45 = arith.constant 0 : i32
      %dma_start3A_46 = arith.constant 0 : i32
      %dma_start3A_47 = tpu.memref_slice %arg2[%dma_start3A_45, %dma_start3A_46] : memref<10000x128xbf16, #tpu.memory_space<hbm>> -> memref<10000x128xbf16, #tpu.memory_space<hbm>>
      tpu.enqueue_indirect_dma source(%dma_start3A_47 : memref<10000x128xbf16, #tpu.memory_space<hbm>>) target(%dma_start3A_41 : memref<128x128xbf16, #tpu.memory_space<vmem>>) offsets(%dma_start3A_44 : memref<128xi32, #tpu.memory_space<vmem>>) semaphore(%arg11 : memref<!tpu.dma_semaphore, #tpu.memory_space<semaphore_mem>>)
      %dma_start3A_48 = arith.constant 2 : i32
      %dma_start3A_49 = arith.constant 2 : i32
      %dma_start3A_50 = arith.constant 0 : i32
      %dma_start3A_51 = arith.constant 0 : i32
      %dma_start3A_52 = tpu.memref_slice %arg8[%dma_start3A_49, %dma_start3A_50, %dma_start3A_51] : memref<4x128x128xbf16, #tpu.memory_space<vmem>> -> memref<1x128x128xbf16, #tpu.memory_space<vmem>>
      %dma_start3A_53 = tpu.memref_squeeze %dma_start3A_52 : memref<1x128x128xbf16, #tpu.memory_space<vmem>> -> memref<128x128xbf16, #tpu.memory_space<vmem>>
      %dma_start3A_54 = arith.constant 0 : i32
      %dma_start3A_55 = tpu.memref_slice %arg6[%dma_start3A_48, %dma_start3A_54] : memref<128x128xi32, #tpu.memory_space<vmem>> -> memref<1x128xi32, #tpu.memory_space<vmem>>
      %dma_start3A_56 = tpu.memref_squeeze %dma_start3A_55 : memref<1x128xi32, #tpu.memory_space<vmem>> -> memref<128xi32, #tpu.memory_space<vmem>>
      %dma_start3A_57 = arith.constant 0 : i32
      %dma_start3A_58 = arith.constant 0 : i32
      %dma_start3A_59 = tpu.memref_slice %arg2[%dma_start3A_57, %dma_start3A_58] : memref<10000x128xbf16, #tpu.memory_space<hbm>> -> memref<10000x128xbf16, #tpu.memory_space<hbm>>
      tpu.enqueue_indirect_dma source(%dma_start3A_59 : memref<10000x128xbf16, #tpu.memory_space<hbm>>) target(%dma_start3A_53 : memref<128x128xbf16, #tpu.memory_space<vmem>>) offsets(%dma_start3A_56 : memref<128xi32, #tpu.memory_space<vmem>>) semaphore(%arg12 : memref<!tpu.dma_semaphore, #tpu.memory_space<semaphore_mem>>)
      %dma_start3A_60 = arith.constant 3 : i32
      %dma_start3A_61 = arith.constant 3 : i32
      %dma_start3A_62 = arith.constant 0 : i32
      %dma_start3A_63 = arith.constant 0 : i32
      %dma_start3A_64 = tpu.memref_slice %arg8[%dma_start3A_61, %dma_start3A_62, %dma_start3A_63] : memref<4x128x128xbf16, #tpu.memory_space<vmem>> -> memref<1x128x128xbf16, #tpu.memory_space<vmem>>
      %dma_start3A_65 = tpu.memref_squeeze %dma_start3A_64 : memref<1x128x128xbf16, #tpu.memory_space<vmem>> -> memref<128x128xbf16, #tpu.memory_space<vmem>>
      %dma_start3A_66 = arith.constant 0 : i32
      %dma_start3A_67 = tpu.memref_slice %arg6[%dma_start3A_60, %dma_start3A_66] : memref<128x128xi32, #tpu.memory_space<vmem>> -> memref<1x128xi32, #tpu.memory_space<vmem>>
      %dma_start3A_68 = tpu.memref_squeeze %dma_start3A_67 : memref<1x128xi32, #tpu.memory_space<vmem>> -> memref<128xi32, #tpu.memory_space<vmem>>
      %dma_start3A_69 = arith.constant 0 : i32
      %dma_start3A_70 = arith.constant 0 : i32
      %dma_start3A_71 = tpu.memref_slice %arg2[%dma_start3A_69, %dma_start3A_70] : memref<10000x128xbf16, #tpu.memory_space<hbm>> -> memref<10000x128xbf16, #tpu.memory_space<hbm>>
      tpu.enqueue_indirect_dma source(%dma_start3A_71 : memref<10000x128xbf16, #tpu.memory_space<hbm>>) target(%dma_start3A_65 : memref<128x128xbf16, #tpu.memory_space<vmem>>) offsets(%dma_start3A_68 : memref<128xi32, #tpu.memory_space<vmem>>) semaphore(%arg12 : memref<!tpu.dma_semaphore, #tpu.memory_space<semaphore_mem>>)
      %scan3A_72 = arith.constant 0 : i32
      %scan3A_73 = arith.constant 0 : i32
      %scan3A_74 = arith.constant 8 : i32
      %scan3A_75 = arith.addi %scan3A_73, %scan3A_74 : i32
      %scan3A_76 = arith.constant 1 : i32
      scf.for %scan3A_78 = %scan3A_73 to %scan3A_75 step %scan3A_76  : i32 {
        %mul3A_79 = arith.constant 2 : i32
        %mul3A_80 = arith.muli %mul3A_79, %scan3A_78 : i32
        %add3A_81 = arith.constant 1 : i32
        %add3A_82 = arith.addi %mul3A_80, %add3A_81 : i32
        %mul3A_83 = arith.constant 2 : i32
        %mul3A_84 = arith.muli %mul3A_80, %mul3A_83 : i32
        %add3A_85 = arith.constant 0 : i32
        %add3A_86 = arith.addi %mul3A_84, %add3A_85 : i32
        %dma_wait3A = arith.constant 0 : i32
        %dma_wait3A_87 = arith.constant 0 : i32
        %dma_wait3A_88 = arith.constant 0 : i32
        %dma_wait3A_89 = tpu.memref_slice %arg8[%dma_wait3A, %dma_wait3A_87, %dma_wait3A_88] : memref<4x128x128xbf16, #tpu.memory_space<vmem>> -> memref<1x128x128xbf16, #tpu.memory_space<vmem>>
        %dma_wait3A_90 = tpu.memref_squeeze %dma_wait3A_89 : memref<1x128x128xbf16, #tpu.memory_space<vmem>> -> memref<128x128xbf16, #tpu.memory_space<vmem>>
        %dma_wait3A_91 = arith.constant 0 : i32
        %dma_wait3A_92 = tpu.memref_slice %arg6[%add3A_86, %dma_wait3A_91] : memref<128x128xi32, #tpu.memory_space<vmem>> -> memref<1x128xi32, #tpu.memory_space<vmem>>
        %dma_wait3A_93 = tpu.memref_squeeze %dma_wait3A_92 : memref<1x128xi32, #tpu.memory_space<vmem>> -> memref<128xi32, #tpu.memory_space<vmem>>
        %dma_wait3A_94 = arith.constant 0 : i32
        %dma_wait3A_95 = arith.constant 0 : i32
        %dma_wait3A_96 = tpu.memref_slice %arg2[%dma_wait3A_94, %dma_wait3A_95] : memref<10000x128xbf16, #tpu.memory_space<hbm>> -> memref<10000x128xbf16, #tpu.memory_space<hbm>>
        tpu.wait_indirect_dma semaphore(%arg11 : memref<!tpu.dma_semaphore, #tpu.memory_space<semaphore_mem>>) src(%dma_wait3A_96 : memref<10000x128xbf16, #tpu.memory_space<hbm>>) dst(%dma_wait3A_90 : memref<128x128xbf16, #tpu.memory_space<vmem>>)
        %mul3A_97 = arith.constant 2 : i32
        %mul3A_98 = arith.muli %mul3A_80, %mul3A_97 : i32
        %add3A_99 = arith.constant 1 : i32
        %add3A_100 = arith.addi %mul3A_98, %add3A_99 : i32
        %dma_wait3A_101 = arith.constant 1 : i32
        %dma_wait3A_102 = arith.constant 0 : i32
        %dma_wait3A_103 = arith.constant 0 : i32
        %dma_wait3A_104 = tpu.memref_slice %arg8[%dma_wait3A_101, %dma_wait3A_102, %dma_wait3A_103] : memref<4x128x128xbf16, #tpu.memory_space<vmem>> -> memref<1x128x128xbf16, #tpu.memory_space<vmem>>
        %dma_wait3A_105 = tpu.memref_squeeze %dma_wait3A_104 : memref<1x128x128xbf16, #tpu.memory_space<vmem>> -> memref<128x128xbf16, #tpu.memory_space<vmem>>
        %dma_wait3A_106 = arith.constant 0 : i32
        %dma_wait3A_107 = tpu.memref_slice %arg6[%add3A_100, %dma_wait3A_106] : memref<128x128xi32, #tpu.memory_space<vmem>> -> memref<1x128xi32, #tpu.memory_space<vmem>>
        %dma_wait3A_108 = tpu.memref_squeeze %dma_wait3A_107 : memref<1x128xi32, #tpu.memory_space<vmem>> -> memref<128xi32, #tpu.memory_space<vmem>>
        %dma_wait3A_109 = arith.constant 0 : i32
        %dma_wait3A_110 = arith.constant 0 : i32
        %dma_wait3A_111 = tpu.memref_slice %arg2[%dma_wait3A_109, %dma_wait3A_110] : memref<10000x128xbf16, #tpu.memory_space<hbm>> -> memref<10000x128xbf16, #tpu.memory_space<hbm>>
        tpu.wait_indirect_dma semaphore(%arg11 : memref<!tpu.dma_semaphore, #tpu.memory_space<semaphore_mem>>) src(%dma_wait3A_111 : memref<10000x128xbf16, #tpu.memory_space<hbm>>) dst(%dma_wait3A_105 : memref<128x128xbf16, #tpu.memory_space<vmem>>)
        %mul3A_112 = arith.constant 2 : i32
        %mul3A_113 = arith.muli %mul3A_80, %mul3A_112 : i32
        %add3A_114 = arith.constant 0 : i32
        %add3A_115 = arith.addi %mul3A_113, %add3A_114 : i32
        %dma_start3A_116 = arith.constant 0 : i32
        %dma_start3A_117 = arith.constant 0 : i32
        %dma_start3A_118 = arith.constant 0 : i32
        %dma_start3A_119 = tpu.memref_slice %arg8[%dma_start3A_116, %dma_start3A_117, %dma_start3A_118] : memref<4x128x128xbf16, #tpu.memory_space<vmem>> -> memref<1x128x128xbf16, #tpu.memory_space<vmem>>
        %dma_start3A_120 = tpu.memref_squeeze %dma_start3A_119 : memref<1x128x128xbf16, #tpu.memory_space<vmem>> -> memref<128x128xbf16, #tpu.memory_space<vmem>>
        %dma_start3A_121 = arith.constant 0 : i32
        %dma_start3A_122 = tpu.memref_slice %arg7[%add3A_115, %dma_start3A_121] : memref<128x128xi32, #tpu.memory_space<vmem>> -> memref<1x128xi32, #tpu.memory_space<vmem>>
        %dma_start3A_123 = tpu.memref_squeeze %dma_start3A_122 : memref<1x128xi32, #tpu.memory_space<vmem>> -> memref<128xi32, #tpu.memory_space<vmem>>
        %dma_start3A_124 = arith.constant 0 : i32
        %dma_start3A_125 = arith.constant 0 : i32
        %dma_start3A_126 = tpu.memref_slice %arg10[%dma_start3A_124, %dma_start3A_125] : memref<10240x128xbf16, #tpu.memory_space<vmem_shared>> -> memref<10240x128xbf16, #tpu.memory_space<vmem_shared>>
        tpu.enqueue_indirect_dma source(%dma_start3A_120 : memref<128x128xbf16, #tpu.memory_space<vmem>>) target(%dma_start3A_126 : memref<10240x128xbf16, #tpu.memory_space<vmem_shared>>) offsets(%dma_start3A_123 : memref<128xi32, #tpu.memory_space<vmem>>) semaphore(%arg13 : memref<!tpu.dma_semaphore, #tpu.memory_space<semaphore_mem>>) {add = true}
        %mul3A_127 = arith.constant 2 : i32
        %mul3A_128 = arith.muli %mul3A_80, %mul3A_127 : i32
        %add3A_129 = arith.constant 1 : i32
        %add3A_130 = arith.addi %mul3A_128, %add3A_129 : i32
        %dma_start3A_131 = arith.constant 1 : i32
        %dma_start3A_132 = arith.constant 0 : i32
        %dma_start3A_133 = arith.constant 0 : i32
        %dma_start3A_134 = tpu.memref_slice %arg8[%dma_start3A_131, %dma_start3A_132, %dma_start3A_133] : memref<4x128x128xbf16, #tpu.memory_space<vmem>> -> memref<1x128x128xbf16, #tpu.memory_space<vmem>>
        %dma_start3A_135 = tpu.memref_squeeze %dma_start3A_134 : memref<1x128x128xbf16, #tpu.memory_space<vmem>> -> memref<128x128xbf16, #tpu.memory_space<vmem>>
        %dma_start3A_136 = arith.constant 0 : i32
        %dma_start3A_137 = tpu.memref_slice %arg7[%add3A_130, %dma_start3A_136] : memref<128x128xi32, #tpu.memory_space<vmem>> -> memref<1x128xi32, #tpu.memory_space<vmem>>
        %dma_start3A_138 = tpu.memref_squeeze %dma_start3A_137 : memref<1x128xi32, #tpu.memory_space<vmem>> -> memref<128xi32, #tpu.memory_space<vmem>>
        %dma_start3A_139 = arith.constant 0 : i32
        %dma_start3A_140 = arith.constant 0 : i32
        %dma_start3A_141 = tpu.memref_slice %arg10[%dma_start3A_139, %dma_start3A_140] : memref<10240x128xbf16, #tpu.memory_space<vmem_shared>> -> memref<10240x128xbf16, #tpu.memory_space<vmem_shared>>
        tpu.enqueue_indirect_dma source(%dma_start3A_135 : memref<128x128xbf16, #tpu.memory_space<vmem>>) target(%dma_start3A_141 : memref<10240x128xbf16, #tpu.memory_space<vmem_shared>>) offsets(%dma_start3A_138 : memref<128xi32, #tpu.memory_space<vmem>>) semaphore(%arg13 : memref<!tpu.dma_semaphore, #tpu.memory_space<semaphore_mem>>) {add = true}
        %mul3A_142 = arith.constant 2 : i32
        %mul3A_143 = arith.muli %mul3A_80, %mul3A_142 : i32
        %add3A_144 = arith.constant 0 : i32
        %add3A_145 = arith.addi %mul3A_143, %add3A_144 : i32
        %dma_wait3A_146 = arith.constant 0 : i32
        %dma_wait3A_147 = arith.constant 0 : i32
        %dma_wait3A_148 = arith.constant 0 : i32
        %dma_wait3A_149 = tpu.memref_slice %arg8[%dma_wait3A_146, %dma_wait3A_147, %dma_wait3A_148] : memref<4x128x128xbf16, #tpu.memory_space<vmem>> -> memref<1x128x128xbf16, #tpu.memory_space<vmem>>
        %dma_wait3A_150 = tpu.memref_squeeze %dma_wait3A_149 : memref<1x128x128xbf16, #tpu.memory_space<vmem>> -> memref<128x128xbf16, #tpu.memory_space<vmem>>
        %dma_wait3A_151 = arith.constant 0 : i32
        %dma_wait3A_152 = tpu.memref_slice %arg7[%add3A_145, %dma_wait3A_151] : memref<128x128xi32, #tpu.memory_space<vmem>> -> memref<1x128xi32, #tpu.memory_space<vmem>>
        %dma_wait3A_153 = tpu.memref_squeeze %dma_wait3A_152 : memref<1x128xi32, #tpu.memory_space<vmem>> -> memref<128xi32, #tpu.memory_space<vmem>>
        %dma_wait3A_154 = arith.constant 0 : i32
        %dma_wait3A_155 = arith.constant 0 : i32
        %dma_wait3A_156 = tpu.memref_slice %arg10[%dma_wait3A_154, %dma_wait3A_155] : memref<10240x128xbf16, #tpu.memory_space<vmem_shared>> -> memref<10240x128xbf16, #tpu.memory_space<vmem_shared>>
        tpu.wait_indirect_dma semaphore(%arg13 : memref<!tpu.dma_semaphore, #tpu.memory_space<semaphore_mem>>) src(%dma_wait3A_150 : memref<128x128xbf16, #tpu.memory_space<vmem>>) dst(%dma_wait3A_156 : memref<10240x128xbf16, #tpu.memory_space<vmem_shared>>)
        %mul3A_157 = arith.constant 2 : i32
        %mul3A_158 = arith.muli %mul3A_80, %mul3A_157 : i32
        %add3A_159 = arith.constant 1 : i32
        %add3A_160 = arith.addi %mul3A_158, %add3A_159 : i32
        %dma_wait3A_161 = arith.constant 1 : i32
        %dma_wait3A_162 = arith.constant 0 : i32
        %dma_wait3A_163 = arith.constant 0 : i32
        %dma_wait3A_164 = tpu.memref_slice %arg8[%dma_wait3A_161, %dma_wait3A_162, %dma_wait3A_163] : memref<4x128x128xbf16, #tpu.memory_space<vmem>> -> memref<1x128x128xbf16, #tpu.memory_space<vmem>>
        %dma_wait3A_165 = tpu.memref_squeeze %dma_wait3A_164 : memref<1x128x128xbf16, #tpu.memory_space<vmem>> -> memref<128x128xbf16, #tpu.memory_space<vmem>>
        %dma_wait3A_166 = arith.constant 0 : i32
        %dma_wait3A_167 = tpu.memref_slice %arg7[%add3A_160, %dma_wait3A_166] : memref<128x128xi32, #tpu.memory_space<vmem>> -> memref<1x128xi32, #tpu.memory_space<vmem>>
        %dma_wait3A_168 = tpu.memref_squeeze %dma_wait3A_167 : memref<1x128xi32, #tpu.memory_space<vmem>> -> memref<128xi32, #tpu.memory_space<vmem>>
        %dma_wait3A_169 = arith.constant 0 : i32
        %dma_wait3A_170 = arith.constant 0 : i32
        %dma_wait3A_171 = tpu.memref_slice %arg10[%dma_wait3A_169, %dma_wait3A_170] : memref<10240x128xbf16, #tpu.memory_space<vmem_shared>> -> memref<10240x128xbf16, #tpu.memory_space<vmem_shared>>
        tpu.wait_indirect_dma semaphore(%arg13 : memref<!tpu.dma_semaphore, #tpu.memory_space<semaphore_mem>>) src(%dma_wait3A_165 : memref<128x128xbf16, #tpu.memory_space<vmem>>) dst(%dma_wait3A_171 : memref<10240x128xbf16, #tpu.memory_space<vmem_shared>>)
        %add3A_172 = arith.constant 1 : i32
        %add3A_173 = arith.addi %scan3A_78, %add3A_172 : i32
        %lt3A = arith.constant 8 : i32
        %lt3A_174 = arith.cmpi slt, %add3A_173, %lt3A : i32
        %convert_element_type3A_175 = arith.extui %lt3A_174 : i1 to i32
        %cond3A_176 = arith.constant 0 : i32
        %cond3A_177 = arith.cmpi ne, %convert_element_type3A_175, %cond3A_176 : i32
        scf.if %cond3A_177 {
          %add3A_275 = arith.constant 2 : i32
          %add3A_276 = arith.addi %mul3A_80, %add3A_275 : i32
          %mul3A_277 = arith.constant 2 : i32
          %mul3A_278 = arith.muli %add3A_276, %mul3A_277 : i32
          %add3A_279 = arith.constant 0 : i32
          %add3A_280 = arith.addi %mul3A_278, %add3A_279 : i32
          %dma_start3A_281 = arith.constant 0 : i32
          %dma_start3A_282 = arith.constant 0 : i32
          %dma_start3A_283 = arith.constant 0 : i32
          %dma_start3A_284 = tpu.memref_slice %arg8[%dma_start3A_281, %dma_start3A_282, %dma_start3A_283] : memref<4x128x128xbf16, #tpu.memory_space<vmem>> -> memref<1x128x128xbf16, #tpu.memory_space<vmem>>
          %dma_start3A_285 = tpu.memref_squeeze %dma_start3A_284 : memref<1x128x128xbf16, #tpu.memory_space<vmem>> -> memref<128x128xbf16, #tpu.memory_space<vmem>>
          %dma_start3A_286 = arith.constant 0 : i32
          %dma_start3A_287 = tpu.memref_slice %arg6[%add3A_280, %dma_start3A_286] : memref<128x128xi32, #tpu.memory_space<vmem>> -> memref<1x128xi32, #tpu.memory_space<vmem>>
          %dma_start3A_288 = tpu.memref_squeeze %dma_start3A_287 : memref<1x128xi32, #tpu.memory_space<vmem>> -> memref<128xi32, #tpu.memory_space<vmem>>
          %dma_start3A_289 = arith.constant 0 : i32
          %dma_start3A_290 = arith.constant 0 : i32
          %dma_start3A_291 = tpu.memref_slice %arg2[%dma_start3A_289, %dma_start3A_290] : memref<10000x128xbf16, #tpu.memory_space<hbm>> -> memref<10000x128xbf16, #tpu.memory_space<hbm>>
          tpu.enqueue_indirect_dma source(%dma_start3A_291 : memref<10000x128xbf16, #tpu.memory_space<hbm>>) target(%dma_start3A_285 : memref<128x128xbf16, #tpu.memory_space<vmem>>) offsets(%dma_start3A_288 : memref<128xi32, #tpu.memory_space<vmem>>) semaphore(%arg11 : memref<!tpu.dma_semaphore, #tpu.memory_space<semaphore_mem>>)
          %mul3A_292 = arith.constant 2 : i32
          %mul3A_293 = arith.muli %add3A_276, %mul3A_292 : i32
          %add3A_294 = arith.constant 1 : i32
          %add3A_295 = arith.addi %mul3A_293, %add3A_294 : i32
          %dma_start3A_296 = arith.constant 1 : i32
          %dma_start3A_297 = arith.constant 0 : i32
          %dma_start3A_298 = arith.constant 0 : i32
          %dma_start3A_299 = tpu.memref_slice %arg8[%dma_start3A_296, %dma_start3A_297, %dma_start3A_298] : memref<4x128x128xbf16, #tpu.memory_space<vmem>> -> memref<1x128x128xbf16, #tpu.memory_space<vmem>>
          %dma_start3A_300 = tpu.memref_squeeze %dma_start3A_299 : memref<1x128x128xbf16, #tpu.memory_space<vmem>> -> memref<128x128xbf16, #tpu.memory_space<vmem>>
          %dma_start3A_301 = arith.constant 0 : i32
          %dma_start3A_302 = tpu.memref_slice %arg6[%add3A_295, %dma_start3A_301] : memref<128x128xi32, #tpu.memory_space<vmem>> -> memref<1x128xi32, #tpu.memory_space<vmem>>
          %dma_start3A_303 = tpu.memref_squeeze %dma_start3A_302 : memref<1x128xi32, #tpu.memory_space<vmem>> -> memref<128xi32, #tpu.memory_space<vmem>>
          %dma_start3A_304 = arith.constant 0 : i32
          %dma_start3A_305 = arith.constant 0 : i32
          %dma_start3A_306 = tpu.memref_slice %arg2[%dma_start3A_304, %dma_start3A_305] : memref<10000x128xbf16, #tpu.memory_space<hbm>> -> memref<10000x128xbf16, #tpu.memory_space<hbm>>
          tpu.enqueue_indirect_dma source(%dma_start3A_306 : memref<10000x128xbf16, #tpu.memory_space<hbm>>) target(%dma_start3A_300 : memref<128x128xbf16, #tpu.memory_space<vmem>>) offsets(%dma_start3A_303 : memref<128xi32, #tpu.memory_space<vmem>>) semaphore(%arg11 : memref<!tpu.dma_semaphore, #tpu.memory_space<semaphore_mem>>)
        } else {
        }
        %mul3A_178 = arith.constant 2 : i32
        %mul3A_179 = arith.muli %add3A_82, %mul3A_178 : i32
        %add3A_180 = arith.constant 0 : i32
        %add3A_181 = arith.addi %mul3A_179, %add3A_180 : i32
        %dma_wait3A_182 = arith.constant 2 : i32
        %dma_wait3A_183 = arith.constant 0 : i32
        %dma_wait3A_184 = arith.constant 0 : i32
        %dma_wait3A_185 = tpu.memref_slice %arg8[%dma_wait3A_182, %dma_wait3A_183, %dma_wait3A_184] : memref<4x128x128xbf16, #tpu.memory_space<vmem>> -> memref<1x128x128xbf16, #tpu.memory_space<vmem>>
        %dma_wait3A_186 = tpu.memref_squeeze %dma_wait3A_185 : memref<1x128x128xbf16, #tpu.memory_space<vmem>> -> memref<128x128xbf16, #tpu.memory_space<vmem>>
        %dma_wait3A_187 = arith.constant 0 : i32
        %dma_wait3A_188 = tpu.memref_slice %arg6[%add3A_181, %dma_wait3A_187] : memref<128x128xi32, #tpu.memory_space<vmem>> -> memref<1x128xi32, #tpu.memory_space<vmem>>
        %dma_wait3A_189 = tpu.memref_squeeze %dma_wait3A_188 : memref<1x128xi32, #tpu.memory_space<vmem>> -> memref<128xi32, #tpu.memory_space<vmem>>
        %dma_wait3A_190 = arith.constant 0 : i32
        %dma_wait3A_191 = arith.constant 0 : i32
        %dma_wait3A_192 = tpu.memref_slice %arg2[%dma_wait3A_190, %dma_wait3A_191] : memref<10000x128xbf16, #tpu.memory_space<hbm>> -> memref<10000x128xbf16, #tpu.memory_space<hbm>>
        tpu.wait_indirect_dma semaphore(%arg12 : memref<!tpu.dma_semaphore, #tpu.memory_space<semaphore_mem>>) src(%dma_wait3A_192 : memref<10000x128xbf16, #tpu.memory_space<hbm>>) dst(%dma_wait3A_186 : memref<128x128xbf16, #tpu.memory_space<vmem>>)
        %mul3A_193 = arith.constant 2 : i32
        %mul3A_194 = arith.muli %add3A_82, %mul3A_193 : i32
        %add3A_195 = arith.constant 1 : i32
        %add3A_196 = arith.addi %mul3A_194, %add3A_195 : i32
        %dma_wait3A_197 = arith.constant 3 : i32
        %dma_wait3A_198 = arith.constant 0 : i32
        %dma_wait3A_199 = arith.constant 0 : i32
        %dma_wait3A_200 = tpu.memref_slice %arg8[%dma_wait3A_197, %dma_wait3A_198, %dma_wait3A_199] : memref<4x128x128xbf16, #tpu.memory_space<vmem>> -> memref<1x128x128xbf16, #tpu.memory_space<vmem>>
        %dma_wait3A_201 = tpu.memref_squeeze %dma_wait3A_200 : memref<1x128x128xbf16, #tpu.memory_space<vmem>> -> memref<128x128xbf16, #tpu.memory_space<vmem>>
        %dma_wait3A_202 = arith.constant 0 : i32
        %dma_wait3A_203 = tpu.memref_slice %arg6[%add3A_196, %dma_wait3A_202] : memref<128x128xi32, #tpu.memory_space<vmem>> -> memref<1x128xi32, #tpu.memory_space<vmem>>
        %dma_wait3A_204 = tpu.memref_squeeze %dma_wait3A_203 : memref<1x128xi32, #tpu.memory_space<vmem>> -> memref<128xi32, #tpu.memory_space<vmem>>
        %dma_wait3A_205 = arith.constant 0 : i32
        %dma_wait3A_206 = arith.constant 0 : i32
        %dma_wait3A_207 = tpu.memref_slice %arg2[%dma_wait3A_205, %dma_wait3A_206] : memref<10000x128xbf16, #tpu.memory_space<hbm>> -> memref<10000x128xbf16, #tpu.memory_space<hbm>>
        tpu.wait_indirect_dma semaphore(%arg12 : memref<!tpu.dma_semaphore, #tpu.memory_space<semaphore_mem>>) src(%dma_wait3A_207 : memref<10000x128xbf16, #tpu.memory_space<hbm>>) dst(%dma_wait3A_201 : memref<128x128xbf16, #tpu.memory_space<vmem>>)
        %mul3A_208 = arith.constant 2 : i32
        %mul3A_209 = arith.muli %add3A_82, %mul3A_208 : i32
        %add3A_210 = arith.constant 0 : i32
        %add3A_211 = arith.addi %mul3A_209, %add3A_210 : i32
        %dma_start3A_212 = arith.constant 2 : i32
        %dma_start3A_213 = arith.constant 0 : i32
        %dma_start3A_214 = arith.constant 0 : i32
        %dma_start3A_215 = tpu.memref_slice %arg8[%dma_start3A_212, %dma_start3A_213, %dma_start3A_214] : memref<4x128x128xbf16, #tpu.memory_space<vmem>> -> memref<1x128x128xbf16, #tpu.memory_space<vmem>>
        %dma_start3A_216 = tpu.memref_squeeze %dma_start3A_215 : memref<1x128x128xbf16, #tpu.memory_space<vmem>> -> memref<128x128xbf16, #tpu.memory_space<vmem>>
        %dma_start3A_217 = arith.constant 0 : i32
        %dma_start3A_218 = tpu.memref_slice %arg7[%add3A_211, %dma_start3A_217] : memref<128x128xi32, #tpu.memory_space<vmem>> -> memref<1x128xi32, #tpu.memory_space<vmem>>
        %dma_start3A_219 = tpu.memref_squeeze %dma_start3A_218 : memref<1x128xi32, #tpu.memory_space<vmem>> -> memref<128xi32, #tpu.memory_space<vmem>>
        %dma_start3A_220 = arith.constant 0 : i32
        %dma_start3A_221 = arith.constant 0 : i32
        %dma_start3A_222 = tpu.memref_slice %arg10[%dma_start3A_220, %dma_start3A_221] : memref<10240x128xbf16, #tpu.memory_space<vmem_shared>> -> memref<10240x128xbf16, #tpu.memory_space<vmem_shared>>
        tpu.enqueue_indirect_dma source(%dma_start3A_216 : memref<128x128xbf16, #tpu.memory_space<vmem>>) target(%dma_start3A_222 : memref<10240x128xbf16, #tpu.memory_space<vmem_shared>>) offsets(%dma_start3A_219 : memref<128xi32, #tpu.memory_space<vmem>>) semaphore(%arg14 : memref<!tpu.dma_semaphore, #tpu.memory_space<semaphore_mem>>) {add = true}
        %mul3A_223 = arith.constant 2 : i32
        %mul3A_224 = arith.muli %add3A_82, %mul3A_223 : i32
        %add3A_225 = arith.constant 1 : i32
        %add3A_226 = arith.addi %mul3A_224, %add3A_225 : i32
        %dma_start3A_227 = arith.constant 3 : i32
        %dma_start3A_228 = arith.constant 0 : i32
        %dma_start3A_229 = arith.constant 0 : i32
        %dma_start3A_230 = tpu.memref_slice %arg8[%dma_start3A_227, %dma_start3A_228, %dma_start3A_229] : memref<4x128x128xbf16, #tpu.memory_space<vmem>> -> memref<1x128x128xbf16, #tpu.memory_space<vmem>>
        %dma_start3A_231 = tpu.memref_squeeze %dma_start3A_230 : memref<1x128x128xbf16, #tpu.memory_space<vmem>> -> memref<128x128xbf16, #tpu.memory_space<vmem>>
        %dma_start3A_232 = arith.constant 0 : i32
        %dma_start3A_233 = tpu.memref_slice %arg7[%add3A_226, %dma_start3A_232] : memref<128x128xi32, #tpu.memory_space<vmem>> -> memref<1x128xi32, #tpu.memory_space<vmem>>
        %dma_start3A_234 = tpu.memref_squeeze %dma_start3A_233 : memref<1x128xi32, #tpu.memory_space<vmem>> -> memref<128xi32, #tpu.memory_space<vmem>>
        %dma_start3A_235 = arith.constant 0 : i32
        %dma_start3A_236 = arith.constant 0 : i32
        %dma_start3A_237 = tpu.memref_slice %arg10[%dma_start3A_235, %dma_start3A_236] : memref<10240x128xbf16, #tpu.memory_space<vmem_shared>> -> memref<10240x128xbf16, #tpu.memory_space<vmem_shared>>
        tpu.enqueue_indirect_dma source(%dma_start3A_231 : memref<128x128xbf16, #tpu.memory_space<vmem>>) target(%dma_start3A_237 : memref<10240x128xbf16, #tpu.memory_space<vmem_shared>>) offsets(%dma_start3A_234 : memref<128xi32, #tpu.memory_space<vmem>>) semaphore(%arg14 : memref<!tpu.dma_semaphore, #tpu.memory_space<semaphore_mem>>) {add = true}
        %mul3A_238 = arith.constant 2 : i32
        %mul3A_239 = arith.muli %add3A_82, %mul3A_238 : i32
        %add3A_240 = arith.constant 0 : i32
        %add3A_241 = arith.addi %mul3A_239, %add3A_240 : i32
        %dma_wait3A_242 = arith.constant 2 : i32
        %dma_wait3A_243 = arith.constant 0 : i32
        %dma_wait3A_244 = arith.constant 0 : i32
        %dma_wait3A_245 = tpu.memref_slice %arg8[%dma_wait3A_242, %dma_wait3A_243, %dma_wait3A_244] : memref<4x128x128xbf16, #tpu.memory_space<vmem>> -> memref<1x128x128xbf16, #tpu.memory_space<vmem>>
        %dma_wait3A_246 = tpu.memref_squeeze %dma_wait3A_245 : memref<1x128x128xbf16, #tpu.memory_space<vmem>> -> memref<128x128xbf16, #tpu.memory_space<vmem>>
        %dma_wait3A_247 = arith.constant 0 : i32
        %dma_wait3A_248 = tpu.memref_slice %arg7[%add3A_241, %dma_wait3A_247] : memref<128x128xi32, #tpu.memory_space<vmem>> -> memref<1x128xi32, #tpu.memory_space<vmem>>
        %dma_wait3A_249 = tpu.memref_squeeze %dma_wait3A_248 : memref<1x128xi32, #tpu.memory_space<vmem>> -> memref<128xi32, #tpu.memory_space<vmem>>
        %dma_wait3A_250 = arith.constant 0 : i32
        %dma_wait3A_251 = arith.constant 0 : i32
        %dma_wait3A_252 = tpu.memref_slice %arg10[%dma_wait3A_250, %dma_wait3A_251] : memref<10240x128xbf16, #tpu.memory_space<vmem_shared>> -> memref<10240x128xbf16, #tpu.memory_space<vmem_shared>>
        tpu.wait_indirect_dma semaphore(%arg14 : memref<!tpu.dma_semaphore, #tpu.memory_space<semaphore_mem>>) src(%dma_wait3A_246 : memref<128x128xbf16, #tpu.memory_space<vmem>>) dst(%dma_wait3A_252 : memref<10240x128xbf16, #tpu.memory_space<vmem_shared>>)
        %mul3A_253 = arith.constant 2 : i32
        %mul3A_254 = arith.muli %add3A_82, %mul3A_253 : i32
        %add3A_255 = arith.constant 1 : i32
        %add3A_256 = arith.addi %mul3A_254, %add3A_255 : i32
        %dma_wait3A_257 = arith.constant 3 : i32
        %dma_wait3A_258 = arith.constant 0 : i32
        %dma_wait3A_259 = arith.constant 0 : i32
        %dma_wait3A_260 = tpu.memref_slice %arg8[%dma_wait3A_257, %dma_wait3A_258, %dma_wait3A_259] : memref<4x128x128xbf16, #tpu.memory_space<vmem>> -> memref<1x128x128xbf16, #tpu.memory_space<vmem>>
        %dma_wait3A_261 = tpu.memref_squeeze %dma_wait3A_260 : memref<1x128x128xbf16, #tpu.memory_space<vmem>> -> memref<128x128xbf16, #tpu.memory_space<vmem>>
        %dma_wait3A_262 = arith.constant 0 : i32
        %dma_wait3A_263 = tpu.memref_slice %arg7[%add3A_256, %dma_wait3A_262] : memref<128x128xi32, #tpu.memory_space<vmem>> -> memref<1x128xi32, #tpu.memory_space<vmem>>
        %dma_wait3A_264 = tpu.memref_squeeze %dma_wait3A_263 : memref<1x128xi32, #tpu.memory_space<vmem>> -> memref<128xi32, #tpu.memory_space<vmem>>
        %dma_wait3A_265 = arith.constant 0 : i32
        %dma_wait3A_266 = arith.constant 0 : i32
        %dma_wait3A_267 = tpu.memref_slice %arg10[%dma_wait3A_265, %dma_wait3A_266] : memref<10240x128xbf16, #tpu.memory_space<vmem_shared>> -> memref<10240x128xbf16, #tpu.memory_space<vmem_shared>>
        tpu.wait_indirect_dma semaphore(%arg14 : memref<!tpu.dma_semaphore, #tpu.memory_space<semaphore_mem>>) src(%dma_wait3A_261 : memref<128x128xbf16, #tpu.memory_space<vmem>>) dst(%dma_wait3A_267 : memref<10240x128xbf16, #tpu.memory_space<vmem_shared>>)
        %add3A_268 = arith.constant 1 : i32
        %add3A_269 = arith.addi %scan3A_78, %add3A_268 : i32
        %lt3A_270 = arith.constant 8 : i32
        %lt3A_271 = arith.cmpi slt, %add3A_269, %lt3A_270 : i32
        %convert_element_type3A_272 = arith.extui %lt3A_271 : i1 to i32
        %cond3A_273 = arith.constant 0 : i32
        %cond3A_274 = arith.cmpi ne, %convert_element_type3A_272, %cond3A_273 : i32
        scf.if %cond3A_274 {
          %add3A_275 = arith.constant 2 : i32
          %add3A_276 = arith.addi %add3A_82, %add3A_275 : i32
          %mul3A_277 = arith.constant 2 : i32
          %mul3A_278 = arith.muli %add3A_276, %mul3A_277 : i32
          %add3A_279 = arith.constant 0 : i32
          %add3A_280 = arith.addi %mul3A_278, %add3A_279 : i32
          %dma_start3A_281 = arith.constant 2 : i32
          %dma_start3A_282 = arith.constant 0 : i32
          %dma_start3A_283 = arith.constant 0 : i32
          %dma_start3A_284 = tpu.memref_slice %arg8[%dma_start3A_281, %dma_start3A_282, %dma_start3A_283] : memref<4x128x128xbf16, #tpu.memory_space<vmem>> -> memref<1x128x128xbf16, #tpu.memory_space<vmem>>
          %dma_start3A_285 = tpu.memref_squeeze %dma_start3A_284 : memref<1x128x128xbf16, #tpu.memory_space<vmem>> -> memref<128x128xbf16, #tpu.memory_space<vmem>>
          %dma_start3A_286 = arith.constant 0 : i32
          %dma_start3A_287 = tpu.memref_slice %arg6[%add3A_280, %dma_start3A_286] : memref<128x128xi32, #tpu.memory_space<vmem>> -> memref<1x128xi32, #tpu.memory_space<vmem>>
          %dma_start3A_288 = tpu.memref_squeeze %dma_start3A_287 : memref<1x128xi32, #tpu.memory_space<vmem>> -> memref<128xi32, #tpu.memory_space<vmem>>
          %dma_start3A_289 = arith.constant 0 : i32
          %dma_start3A_290 = arith.constant 0 : i32
          %dma_start3A_291 = tpu.memref_slice %arg2[%dma_start3A_289, %dma_start3A_290] : memref<10000x128xbf16, #tpu.memory_space<hbm>> -> memref<10000x128xbf16, #tpu.memory_space<hbm>>
          tpu.enqueue_indirect_dma source(%dma_start3A_291 : memref<10000x128xbf16, #tpu.memory_space<hbm>>) target(%dma_start3A_285 : memref<128x128xbf16, #tpu.memory_space<vmem>>) offsets(%dma_start3A_288 : memref<128xi32, #tpu.memory_space<vmem>>) semaphore(%arg12 : memref<!tpu.dma_semaphore, #tpu.memory_space<semaphore_mem>>)
          %mul3A_292 = arith.constant 2 : i32
          %mul3A_293 = arith.muli %add3A_276, %mul3A_292 : i32
          %add3A_294 = arith.constant 1 : i32
          %add3A_295 = arith.addi %mul3A_293, %add3A_294 : i32
          %dma_start3A_296 = arith.constant 3 : i32
          %dma_start3A_297 = arith.constant 0 : i32
          %dma_start3A_298 = arith.constant 0 : i32
          %dma_start3A_299 = tpu.memref_slice %arg8[%dma_start3A_296, %dma_start3A_297, %dma_start3A_298] : memref<4x128x128xbf16, #tpu.memory_space<vmem>> -> memref<1x128x128xbf16, #tpu.memory_space<vmem>>
          %dma_start3A_300 = tpu.memref_squeeze %dma_start3A_299 : memref<1x128x128xbf16, #tpu.memory_space<vmem>> -> memref<128x128xbf16, #tpu.memory_space<vmem>>
          %dma_start3A_301 = arith.constant 0 : i32
          %dma_start3A_302 = tpu.memref_slice %arg6[%add3A_295, %dma_start3A_301] : memref<128x128xi32, #tpu.memory_space<vmem>> -> memref<1x128xi32, #tpu.memory_space<vmem>>
          %dma_start3A_303 = tpu.memref_squeeze %dma_start3A_302 : memref<1x128xi32, #tpu.memory_space<vmem>> -> memref<128xi32, #tpu.memory_space<vmem>>
          %dma_start3A_304 = arith.constant 0 : i32
          %dma_start3A_305 = arith.constant 0 : i32
          %dma_start3A_306 = tpu.memref_slice %arg2[%dma_start3A_304, %dma_start3A_305] : memref<10000x128xbf16, #tpu.memory_space<hbm>> -> memref<10000x128xbf16, #tpu.memory_space<hbm>>
          tpu.enqueue_indirect_dma source(%dma_start3A_306 : memref<10000x128xbf16, #tpu.memory_space<hbm>>) target(%dma_start3A_300 : memref<128x128xbf16, #tpu.memory_space<vmem>>) offsets(%dma_start3A_303 : memref<128xi32, #tpu.memory_space<vmem>>) semaphore(%arg12 : memref<!tpu.dma_semaphore, #tpu.memory_space<semaphore_mem>>)
        } else {
        }
      }
      %scan3A_77 = arith.constant 8 : i32
    } else {
    }
    %barrier3A_18 = arith.constant 0 : index
    tpu.barrier barrier_id(%barrier3A_18)
    %mul3A = arith.constant 640 : i32
    %mul3A_19 = arith.muli %arg1, %mul3A : i32
    %mul3A_20 = arith.constant 640 : i32
    %mul3A_21 = arith.muli %arg1, %mul3A_20 : i32
    "tpu.region"() ({
      %run_scoped3A = tpu.sem_alloc : memref<!tpu.dma_semaphore, #tpu.memory_space<semaphore_mem>>
      %dma_start3A = arith.constant 0 : i32
      %dma_start3A_22 = tpu.memref_slice %arg5[%arg0, %mul3A_21, %dma_start3A] : memref<2x10240x128xbf16, #tpu.memory_space<hbm>> -> memref<1x640x128xbf16, #tpu.memory_space<hbm>>
      %dma_start3A_23 = tpu.memref_squeeze %dma_start3A_22 : memref<1x640x128xbf16, #tpu.memory_space<hbm>> -> memref<640x128xbf16, #tpu.memory_space<hbm>>
      %dma_start3A_24 = arith.constant 0 : i32
      %dma_start3A_25 = tpu.memref_slice %arg10[%mul3A_19, %dma_start3A_24] : memref<10240x128xbf16, #tpu.memory_space<vmem_shared>> -> memref<640x128xbf16, #tpu.memory_space<vmem_shared>>
      tpu.enqueue_dma source(%dma_start3A_25 : memref<640x128xbf16, #tpu.memory_space<vmem_shared>>) target(%dma_start3A_23 : memref<640x128xbf16, #tpu.memory_space<hbm>>) target_semaphore(%run_scoped3A : memref<!tpu.dma_semaphore, #tpu.memory_space<semaphore_mem>>)
      %dma_wait3A = arith.constant 0 : i32
      %dma_wait3A_26 = tpu.memref_slice %arg5[%arg0, %mul3A_21, %dma_wait3A] : memref<2x10240x128xbf16, #tpu.memory_space<hbm>> -> memref<1x640x128xbf16, #tpu.memory_space<hbm>>
      %dma_wait3A_27 = tpu.memref_squeeze %dma_wait3A_26 : memref<1x640x128xbf16, #tpu.memory_space<hbm>> -> memref<640x128xbf16, #tpu.memory_space<hbm>>
      %dma_wait3A_28 = arith.constant 0 : i32
      %dma_wait3A_29 = tpu.memref_slice %arg10[%mul3A_19, %dma_wait3A_28] : memref<10240x128xbf16, #tpu.memory_space<vmem_shared>> -> memref<640x128xbf16, #tpu.memory_space<vmem_shared>>
      tpu.wait_dma2 semaphore(%run_scoped3A : memref<!tpu.dma_semaphore, #tpu.memory_space<semaphore_mem>>) src(%dma_wait3A_29 : memref<640x128xbf16, #tpu.memory_space<vmem_shared>>) dst(%dma_wait3A_27 : memref<640x128xbf16, #tpu.memory_space<hbm>>)
      tpu.yield
    }) : () -> ()
    return
  }
}

#map = affine_map<(d0, d1) -> (0, 0)>
#map1 = affine_map<(d0, d1) -> (0, 0, 0)>
module attributes {stable_mosaic.version = 14 : i64} {
  func.func @body(%arg0: i32, %arg1: i32, %arg2: memref<10000x128xbf16, #tpu.memory_space<hbm>>, %arg3: memref<2560x128xi32, #tpu.memory_space<hbm>>, %arg4: memref<2560x128xi32, #tpu.memory_space<hbm>>, %arg5: memref<2x10240x128xbf16, #tpu.memory_space<hbm>>, %arg6: memref<128x128xi32, #tpu.memory_space<vmem>>, %arg7: memref<128x128xi32, #tpu.memory_space<vmem>>, %arg8: memref<4x128x128xbf16, #tpu.memory_space<vmem>>, %arg9: memref<64x128xbf16, #tpu.memory_space<vmem>>, %arg10: memref<10240x128xbf16, #tpu.memory_space<vmem_shared>>, %arg11: memref<!tpu.dma_semaphore, #tpu.memory_space<semaphore_mem>>, %arg12: memref<!tpu.dma_semaphore, #tpu.memory_space<semaphore_mem>>, %arg13: memref<!tpu.dma_semaphore, #tpu.memory_space<semaphore_mem>>, %arg14: memref<!tpu.dma_semaphore, #tpu.memory_space<semaphore_mem>>) attributes {dimension_semantics = [#tpu.dimension_semantics<core_parallel>, #tpu.dimension_semantics<subcore_parallel>], iteration_bounds = array<i64: 2, 16>, scalar_prefetch = 0 : i64, scratch_operands = 9 : i64, tpu.core_type = #tpu.core_type<sc_vector_subcore>, window_params = [{transform_indices = #map}, {transform_indices = #map}, {transform_indices = #map}, {transform_indices = #map1}]} {
    %scan3A = arith.constant 0 : i32
    %scan3A_0 = arith.constant 0 : i32
    %scan3A_1 = arith.constant 256 : i32
    %scan3A_2 = arith.addi %scan3A_0, %scan3A_1 : i32
    %scan3A_3 = arith.constant 1 : i32
    scf.for %scan3A_22 = %scan3A_0 to %scan3A_2 step %scan3A_3  : i32 {
      %jit3A = arith.constant 4 : i32
      %div3A = arith.divsi %scan3A_22, %jit3A : i32
      %sign3A = arith.constant 0 : i32
      %sign3A_23 = arith.cmpi sgt, %scan3A_22, %sign3A : i32
      %sign3A_24 = arith.extui %sign3A_23 : i1 to i32
      %sign3A_25 = arith.constant 0 : i32
      %sign3A_26 = arith.cmpi slt, %scan3A_22, %sign3A_25 : i32
      %sign3A_27 = arith.extui %sign3A_26 : i1 to i32
      %sign3A_28 = arith.subi %sign3A_24, %sign3A_27 : i32
      %sign3A_29 = arith.constant 0 : i32
      %sign3A_30 = arith.cmpi sgt, %jit3A, %sign3A_29 : i32
      %sign3A_31 = arith.extui %sign3A_30 : i1 to i32
      %sign3A_32 = arith.constant 0 : i32
      %sign3A_33 = arith.cmpi slt, %jit3A, %sign3A_32 : i32
      %sign3A_34 = arith.extui %sign3A_33 : i1 to i32
      %sign3A_35 = arith.subi %sign3A_31, %sign3A_34 : i32
      %ne3A = arith.cmpi ne, %sign3A_28, %sign3A_35 : i32
      %rem3A = arith.remsi %scan3A_22, %jit3A : i32
      %ne3A_36 = arith.constant 0 : i32
      %ne3A_37 = arith.cmpi ne, %rem3A, %ne3A_36 : i32
      %and3A = arith.andi %ne3A, %ne3A_37 : i1
      %sub3A = arith.constant 1 : i32
      %sub3A_38 = arith.subi %div3A, %sub3A : i32
      %select_n3A = arith.select %and3A, %sub3A_38, %div3A : i32
      %jit3A_39 = arith.constant 4 : i32
      %eq3A_40 = arith.constant 0 : i32
      %eq3A_41 = arith.cmpi eq, %jit3A_39, %eq3A_40 : i32
      %jit3A_42 = arith.constant 1 : i32
      %select_n3A_43 = arith.select %eq3A_41, %jit3A_42, %jit3A_39 : i32
      %rem3A_44 = arith.remsi %scan3A_22, %select_n3A_43 : i32
      %ne3A_45 = arith.constant 0 : i32
      %ne3A_46 = arith.cmpi ne, %rem3A_44, %ne3A_45 : i32
      %lt3A = arith.constant 0 : i32
      %lt3A_47 = arith.cmpi slt, %rem3A_44, %lt3A : i32
      %lt3A_48 = arith.constant 0 : i32
      %lt3A_49 = arith.cmpi slt, %select_n3A_43, %lt3A_48 : i32
      %ne3A_50 = arith.xori %lt3A_47, %lt3A_49 : i1
      %and3A_51 = arith.andi %ne3A_50, %ne3A_46 : i1
      %add3A = arith.addi %rem3A_44, %select_n3A_43 : i32
      %select_n3A_52 = arith.select %and3A_51, %add3A, %rem3A_44 : i32
      %mul3A_53 = arith.constant 32 : i32
      %mul3A_54 = arith.muli %select_n3A_52, %mul3A_53 : i32
      %broadcast_in_dim3A = arith.constant 0.000000e+00 : bf16
      %broadcast_in_dim3A_55 = vector.broadcast %broadcast_in_dim3A : bf16 to vector<32xbf16>
      %swap3A = arith.index_cast %select_n3A : i32 to index
      %swap3A_56 = arith.index_cast %mul3A_54 : i32 to index
      %swap3A_57 = tpu.vector_load %arg9[%swap3A, %swap3A_56] {strides = array<i32>} : memref<64x128xbf16, #tpu.memory_space<vmem>>, vector<1x32xbf16>,
      %swap3A_58 = vector.shape_cast %swap3A_57 : vector<1x32xbf16> to vector<32xbf16>
      %swap3A_59 = vector.shape_cast %broadcast_in_dim3A_55 : vector<32xbf16> to vector<1x32xbf16>
      tpu.vector_store %arg9[%swap3A, %swap3A_56], %swap3A_59 {strides = array<i32>} : memref<64x128xbf16, #tpu.memory_space<vmem>>, vector<1x32xbf16>,
    }
    %scan3A_4 = arith.constant 256 : i32
    %scan3A_5 = arith.constant 0 : i32
    %scan3A_6 = arith.constant 0 : i32
    %scan3A_7 = arith.constant 10 : i32
    %scan3A_8 = arith.addi %scan3A_6, %scan3A_7 : i32
    %scan3A_9 = arith.constant 1 : i32
    scf.for %scan3A_22 = %scan3A_6 to %scan3A_8 step %scan3A_9  : i32 {
      %mul3A_23 = arith.constant 640 : i32
      %mul3A_24 = arith.muli %arg1, %mul3A_23 : i32
      %mul3A_25 = arith.constant 64 : i32
      %mul3A_26 = arith.muli %scan3A_22, %mul3A_25 : i32
      %add3A = arith.addi %mul3A_24, %mul3A_26 : i32
      "tpu.region"() ({
        %run_scoped3A = tpu.sem_alloc : memref<!tpu.dma_semaphore, #tpu.memory_space<semaphore_mem>>
        %dma_start3A = arith.constant 0 : i32
        %dma_start3A_27 = tpu.memref_slice %arg10[%add3A, %dma_start3A] : memref<10240x128xbf16, #tpu.memory_space<vmem_shared>> -> memref<64x128xbf16, #tpu.memory_space<vmem_shared>>
        %dma_start3A_28 = arith.constant 0 : i32
        %dma_start3A_29 = tpu.memref_slice %arg10[%add3A, %dma_start3A_28] : memref<10240x128xbf16, #tpu.memory_space<vmem_shared>> -> memref<64x128xbf16, #tpu.memory_space<vmem_shared>>
        tpu.enqueue_dma source(%arg9 : memref<64x128xbf16, #tpu.memory_space<vmem>>) target(%dma_start3A_29 : memref<64x128xbf16, #tpu.memory_space<vmem_shared>>) target_semaphore(%run_scoped3A : memref<!tpu.dma_semaphore, #tpu.memory_space<semaphore_mem>>)
        %dma_wait3A = arith.constant 0 : i32
        %dma_wait3A_30 = tpu.memref_slice %arg10[%add3A, %dma_wait3A] : memref<10240x128xbf16, #tpu.memory_space<vmem_shared>> -> memref<64x128xbf16, #tpu.memory_space<vmem_shared>>
        %dma_wait3A_31 = arith.constant 0 : i32
        %dma_wait3A_32 = tpu.memref_slice %arg10[%add3A, %dma_wait3A_31] : memref<10240x128xbf16, #tpu.memory_space<vmem_shared>> -> memref<64x128xbf16, #tpu.memory_space<vmem_shared>>
        tpu.wait_dma2 semaphore(%run_scoped3A : memref<!tpu.dma_semaphore, #tpu.memory_space<semaphore_mem>>) src(%arg9 : memref<64x128xbf16, #tpu.memory_space<vmem>>) dst(%dma_wait3A_32 : memref<64x128xbf16, #tpu.memory_space<vmem_shared>>)
        tpu.yield
      }) : () -> ()
    }
    %scan3A_10 = arith.constant 10 : i32
    %barrier3A = arith.constant 0 : index
    tpu.barrier barrier_id(%barrier3A)
    %eq3A = arith.constant 0 : i32
    %eq3A_11 = arith.cmpi eq, %arg0, %eq3A : i32
    %convert_element_type3A = arith.extui %eq3A_11 : i1 to i32
    %cond3A = arith.constant 0 : i32
    %cond3A_12 = arith.cmpi ne, %convert_element_type3A, %cond3A : i32
    scf.if %cond3A_12 {
      %mul3A_22 = arith.constant 128 : i32
      %mul3A_23 = arith.muli %arg1, %mul3A_22 : i32
      "tpu.region"() ({
        %run_scoped3A = tpu.sem_alloc : memref<!tpu.dma_semaphore, #tpu.memory_space<semaphore_mem>>
        %dma_start3A_77 = arith.constant 0 : i32
        %dma_start3A_78 = arith.constant 0 : i32
        %dma_start3A_79 = tpu.memref_slice %arg6[%dma_start3A_77, %dma_start3A_78] : memref<128x128xi32, #tpu.memory_space<vmem>> -> memref<128x128xi32, #tpu.memory_space<vmem>>
        %dma_start3A_80 = arith.constant 0 : i32
        %dma_start3A_81 = tpu.memref_slice %arg3[%mul3A_23, %dma_start3A_80] : memref<2560x128xi32, #tpu.memory_space<hbm>> -> memref<128x128xi32, #tpu.memory_space<hbm>>
        %dma_start3A_82 = arith.constant 0 : i32
        %dma_start3A_83 = arith.constant 0 : i32
        %dma_start3A_84 = tpu.memref_slice %arg6[%dma_start3A_82, %dma_start3A_83] : memref<128x128xi32, #tpu.memory_space<vmem>> -> memref<128x128xi32, #tpu.memory_space<vmem>>
        %dma_start3A_85 = arith.constant 0 : i32
        %dma_start3A_86 = tpu.memref_slice %arg3[%mul3A_23, %dma_start3A_85] : memref<2560x128xi32, #tpu.memory_space<hbm>> -> memref<128x128xi32, #tpu.memory_space<hbm>>
        tpu.enqueue_dma source(%dma_start3A_86 : memref<128x128xi32, #tpu.memory_space<hbm>>) target(%dma_start3A_84 : memref<128x128xi32, #tpu.memory_space<vmem>>) target_semaphore(%run_scoped3A : memref<!tpu.dma_semaphore, #tpu.memory_space<semaphore_mem>>)
        %dma_wait3A = arith.constant 0 : i32
        %dma_wait3A_87 = arith.constant 0 : i32
        %dma_wait3A_88 = tpu.memref_slice %arg6[%dma_wait3A, %dma_wait3A_87] : memref<128x128xi32, #tpu.memory_space<vmem>> -> memref<128x128xi32, #tpu.memory_space<vmem>>
        %dma_wait3A_89 = arith.constant 0 : i32
        %dma_wait3A_90 = tpu.memref_slice %arg3[%mul3A_23, %dma_wait3A_89] : memref<2560x128xi32, #tpu.memory_space<hbm>> -> memref<128x128xi32, #tpu.memory_space<hbm>>
        %dma_wait3A_91 = arith.constant 0 : i32
        %dma_wait3A_92 = arith.constant 0 : i32
        %dma_wait3A_93 = tpu.memref_slice %arg6[%dma_wait3A_91, %dma_wait3A_92] : memref<128x128xi32, #tpu.memory_space<vmem>> -> memref<128x128xi32, #tpu.memory_space<vmem>>
        %dma_wait3A_94 = arith.constant 0 : i32
        %dma_wait3A_95 = tpu.memref_slice %arg3[%mul3A_23, %dma_wait3A_94] : memref<2560x128xi32, #tpu.memory_space<hbm>> -> memref<128x128xi32, #tpu.memory_space<hbm>>
        tpu.wait_dma2 semaphore(%run_scoped3A : memref<!tpu.dma_semaphore, #tpu.memory_space<semaphore_mem>>) src(%dma_wait3A_95 : memref<128x128xi32, #tpu.memory_space<hbm>>) dst(%dma_wait3A_93 : memref<128x128xi32, #tpu.memory_space<vmem>>)
        tpu.yield
      }) : () -> ()
      "tpu.region"() ({
        %run_scoped3A = tpu.sem_alloc : memref<!tpu.dma_semaphore, #tpu.memory_space<semaphore_mem>>
        %dma_start3A_77 = arith.constant 0 : i32
        %dma_start3A_78 = arith.constant 0 : i32
        %dma_start3A_79 = tpu.memref_slice %arg7[%dma_start3A_77, %dma_start3A_78] : memref<128x128xi32, #tpu.memory_space<vmem>> -> memref<128x128xi32, #tpu.memory_space<vmem>>
        %dma_start3A_80 = arith.constant 0 : i32
        %dma_start3A_81 = tpu.memref_slice %arg4[%mul3A_23, %dma_start3A_80] : memref<2560x128xi32, #tpu.memory_space<hbm>> -> memref<128x128xi32, #tpu.memory_space<hbm>>
        %dma_start3A_82 = arith.constant 0 : i32
        %dma_start3A_83 = arith.constant 0 : i32
        %dma_start3A_84 = tpu.memref_slice %arg7[%dma_start3A_82, %dma_start3A_83] : memref<128x128xi32, #tpu.memory_space<vmem>> -> memref<128x128xi32, #tpu.memory_space<vmem>>
        %dma_start3A_85 = arith.constant 0 : i32
        %dma_start3A_86 = tpu.memref_slice %arg4[%mul3A_23, %dma_start3A_85] : memref<2560x128xi32, #tpu.memory_space<hbm>> -> memref<128x128xi32, #tpu.memory_space<hbm>>
        tpu.enqueue_dma source(%dma_start3A_86 : memref<128x128xi32, #tpu.memory_space<hbm>>) target(%dma_start3A_84 : memref<128x128xi32, #tpu.memory_space<vmem>>) target_semaphore(%run_scoped3A : memref<!tpu.dma_semaphore, #tpu.memory_space<semaphore_mem>>)
        %dma_wait3A = arith.constant 0 : i32
        %dma_wait3A_87 = arith.constant 0 : i32
        %dma_wait3A_88 = tpu.memref_slice %arg7[%dma_wait3A, %dma_wait3A_87] : memref<128x128xi32, #tpu.memory_space<vmem>> -> memref<128x128xi32, #tpu.memory_space<vmem>>
        %dma_wait3A_89 = arith.constant 0 : i32
        %dma_wait3A_90 = tpu.memref_slice %arg4[%mul3A_23, %dma_wait3A_89] : memref<2560x128xi32, #tpu.memory_space<hbm>> -> memref<128x128xi32, #tpu.memory_space<hbm>>
        %dma_wait3A_91 = arith.constant 0 : i32
        %dma_wait3A_92 = arith.constant 0 : i32
        %dma_wait3A_93 = tpu.memref_slice %arg7[%dma_wait3A_91, %dma_wait3A_92] : memref<128x128xi32, #tpu.memory_space<vmem>> -> memref<128x128xi32, #tpu.memory_space<vmem>>
        %dma_wait3A_94 = arith.constant 0 : i32
        %dma_wait3A_95 = tpu.memref_slice %arg4[%mul3A_23, %dma_wait3A_94] : memref<2560x128xi32, #tpu.memory_space<hbm>> -> memref<128x128xi32, #tpu.memory_space<hbm>>
        tpu.wait_dma2 semaphore(%run_scoped3A : memref<!tpu.dma_semaphore, #tpu.memory_space<semaphore_mem>>) src(%dma_wait3A_95 : memref<128x128xi32, #tpu.memory_space<hbm>>) dst(%dma_wait3A_93 : memref<128x128xi32, #tpu.memory_space<vmem>>)
        tpu.yield
      }) : () -> ()
      %dma_start3A = arith.constant 0 : i32
      %dma_start3A_24 = arith.constant 0 : i32
      %dma_start3A_25 = arith.constant 0 : i32
      %dma_start3A_26 = arith.constant 0 : i32
      %dma_start3A_27 = tpu.memref_slice %arg8[%dma_start3A_24, %dma_start3A_25, %dma_start3A_26] : memref<4x128x128xbf16, #tpu.memory_space<vmem>> -> memref<1x128x128xbf16, #tpu.memory_space<vmem>>
      %dma_start3A_28 = tpu.memref_squeeze %dma_start3A_27 : memref<1x128x128xbf16, #tpu.memory_space<vmem>> -> memref<128x128xbf16, #tpu.memory_space<vmem>>
      %dma_start3A_29 = arith.constant 0 : i32
      %dma_start3A_30 = tpu.memref_slice %arg6[%dma_start3A, %dma_start3A_29] : memref<128x128xi32, #tpu.memory_space<vmem>> -> memref<1x128xi32, #tpu.memory_space<vmem>>
      %dma_start3A_31 = tpu.memref_squeeze %dma_start3A_30 : memref<1x128xi32, #tpu.memory_space<vmem>> -> memref<128xi32, #tpu.memory_space<vmem>>
      %dma_start3A_32 = arith.constant 0 : i32
      %dma_start3A_33 = arith.constant 0 : i32
      %dma_start3A_34 = tpu.memref_slice %arg2[%dma_start3A_32, %dma_start3A_33] : memref<10000x128xbf16, #tpu.memory_space<hbm>> -> memref<10000x128xbf16, #tpu.memory_space<hbm>>
      tpu.enqueue_indirect_dma source(%dma_start3A_34 : memref<10000x128xbf16, #tpu.memory_space<hbm>>) target(%dma_start3A_28 : memref<128x128xbf16, #tpu.memory_space<vmem>>) offsets(%dma_start3A_31 : memref<128xi32, #tpu.memory_space<vmem>>) semaphore(%arg11 : memref<!tpu.dma_semaphore, #tpu.memory_space<semaphore_mem>>)
      %dma_start3A_35 = arith.constant 1 : i32
      %dma_start3A_36 = arith.constant 1 : i32
      %dma_start3A_37 = arith.constant 0 : i32
      %dma_start3A_38 = arith.constant 0 : i32
      %dma_start3A_39 = tpu.memref_slice %arg8[%dma_start3A_36, %dma_start3A_37, %dma_start3A_38] : memref<4x128x128xbf16, #tpu.memory_space<vmem>> -> memref<1x128x128xbf16, #tpu.memory_space<vmem>>
      %dma_start3A_40 = tpu.memref_squeeze %dma_start3A_39 : memref<1x128x128xbf16, #tpu.memory_space<vmem>> -> memref<128x128xbf16, #tpu.memory_space<vmem>>
      %dma_start3A_41 = arith.constant 0 : i32
      %dma_start3A_42 = tpu.memref_slice %arg6[%dma_start3A_35, %dma_start3A_41] : memref<128x128xi32, #tpu.memory_space<vmem>> -> memref<1x128xi32, #tpu.memory_space<vmem>>
      %dma_start3A_43 = tpu.memref_squeeze %dma_start3A_42 : memref<1x128xi32, #tpu.memory_space<vmem>> -> memref<128xi32, #tpu.memory_space<vmem>>
      %dma_start3A_44 = arith.constant 0 : i32
      %dma_start3A_45 = arith.constant 0 : i32
      %dma_start3A_46 = tpu.memref_slice %arg2[%dma_start3A_44, %dma_start3A_45] : memref<10000x128xbf16, #tpu.memory_space<hbm>> -> memref<10000x128xbf16, #tpu.memory_space<hbm>>
      tpu.enqueue_indirect_dma source(%dma_start3A_46 : memref<10000x128xbf16, #tpu.memory_space<hbm>>) target(%dma_start3A_40 : memref<128x128xbf16, #tpu.memory_space<vmem>>) offsets(%dma_start3A_43 : memref<128xi32, #tpu.memory_space<vmem>>) semaphore(%arg11 : memref<!tpu.dma_semaphore, #tpu.memory_space<semaphore_mem>>)
      %dma_start3A_47 = arith.constant 2 : i32
      %dma_start3A_48 = arith.constant 2 : i32
      %dma_start3A_49 = arith.constant 0 : i32
      %dma_start3A_50 = arith.constant 0 : i32
      %dma_start3A_51 = tpu.memref_slice %arg8[%dma_start3A_48, %dma_start3A_49, %dma_start3A_50] : memref<4x128x128xbf16, #tpu.memory_space<vmem>> -> memref<1x128x128xbf16, #tpu.memory_space<vmem>>
      %dma_start3A_52 = tpu.memref_squeeze %dma_start3A_51 : memref<1x128x128xbf16, #tpu.memory_space<vmem>> -> memref<128x128xbf16, #tpu.memory_space<vmem>>
      %dma_start3A_53 = arith.constant 0 : i32
      %dma_start3A_54 = tpu.memref_slice %arg6[%dma_start3A_47, %dma_start3A_53] : memref<128x128xi32, #tpu.memory_space<vmem>> -> memref<1x128xi32, #tpu.memory_space<vmem>>
      %dma_start3A_55 = tpu.memref_squeeze %dma_start3A_54 : memref<1x128xi32, #tpu.memory_space<vmem>> -> memref<128xi32, #tpu.memory_space<vmem>>
      %dma_start3A_56 = arith.constant 0 : i32
      %dma_start3A_57 = arith.constant 0 : i32
      %dma_start3A_58 = tpu.memref_slice %arg2[%dma_start3A_56, %dma_start3A_57] : memref<10000x128xbf16, #tpu.memory_space<hbm>> -> memref<10000x128xbf16, #tpu.memory_space<hbm>>
      tpu.enqueue_indirect_dma source(%dma_start3A_58 : memref<10000x128xbf16, #tpu.memory_space<hbm>>) target(%dma_start3A_52 : memref<128x128xbf16, #tpu.memory_space<vmem>>) offsets(%dma_start3A_55 : memref<128xi32, #tpu.memory_space<vmem>>) semaphore(%arg12 : memref<!tpu.dma_semaphore, #tpu.memory_space<semaphore_mem>>)
      %dma_start3A_59 = arith.constant 3 : i32
      %dma_start3A_60 = arith.constant 3 : i32
      %dma_start3A_61 = arith.constant 0 : i32
      %dma_start3A_62 = arith.constant 0 : i32
      %dma_start3A_63 = tpu.memref_slice %arg8[%dma_start3A_60, %dma_start3A_61, %dma_start3A_62] : memref<4x128x128xbf16, #tpu.memory_space<vmem>> -> memref<1x128x128xbf16, #tpu.memory_space<vmem>>
      %dma_start3A_64 = tpu.memref_squeeze %dma_start3A_63 : memref<1x128x128xbf16, #tpu.memory_space<vmem>> -> memref<128x128xbf16, #tpu.memory_space<vmem>>
      %dma_start3A_65 = arith.constant 0 : i32
      %dma_start3A_66 = tpu.memref_slice %arg6[%dma_start3A_59, %dma_start3A_65] : memref<128x128xi32, #tpu.memory_space<vmem>> -> memref<1x128xi32, #tpu.memory_space<vmem>>
      %dma_start3A_67 = tpu.memref_squeeze %dma_start3A_66 : memref<1x128xi32, #tpu.memory_space<vmem>> -> memref<128xi32, #tpu.memory_space<vmem>>
      %dma_start3A_68 = arith.constant 0 : i32
      %dma_start3A_69 = arith.constant 0 : i32
      %dma_start3A_70 = tpu.memref_slice %arg2[%dma_start3A_68, %dma_start3A_69] : memref<10000x128xbf16, #tpu.memory_space<hbm>> -> memref<10000x128xbf16, #tpu.memory_space<hbm>>
      tpu.enqueue_indirect_dma source(%dma_start3A_70 : memref<10000x128xbf16, #tpu.memory_space<hbm>>) target(%dma_start3A_64 : memref<128x128xbf16, #tpu.memory_space<vmem>>) offsets(%dma_start3A_67 : memref<128xi32, #tpu.memory_space<vmem>>) semaphore(%arg12 : memref<!tpu.dma_semaphore, #tpu.memory_space<semaphore_mem>>)
      %scan3A_71 = arith.constant 0 : i32
      %scan3A_72 = arith.constant 0 : i32
      %scan3A_73 = arith.constant 32 : i32
      %scan3A_74 = arith.addi %scan3A_72, %scan3A_73 : i32
      %scan3A_75 = arith.constant 1 : i32
      scf.for %scan3A_77 = %scan3A_72 to %scan3A_74 step %scan3A_75  : i32 {
        %mul3A_78 = arith.constant 2 : i32
        %mul3A_79 = arith.muli %mul3A_78, %scan3A_77 : i32
        %add3A = arith.constant 1 : i32
        %add3A_80 = arith.addi %mul3A_79, %add3A : i32
        %mul3A_81 = arith.constant 2 : i32
        %mul3A_82 = arith.muli %mul3A_79, %mul3A_81 : i32
        %add3A_83 = arith.constant 0 : i32
        %add3A_84 = arith.addi %mul3A_82, %add3A_83 : i32
        %dma_wait3A = arith.constant 0 : i32
        %dma_wait3A_85 = arith.constant 0 : i32
        %dma_wait3A_86 = arith.constant 0 : i32
        %dma_wait3A_87 = tpu.memref_slice %arg8[%dma_wait3A, %dma_wait3A_85, %dma_wait3A_86] : memref<4x128x128xbf16, #tpu.memory_space<vmem>> -> memref<1x128x128xbf16, #tpu.memory_space<vmem>>
        %dma_wait3A_88 = tpu.memref_squeeze %dma_wait3A_87 : memref<1x128x128xbf16, #tpu.memory_space<vmem>> -> memref<128x128xbf16, #tpu.memory_space<vmem>>
        %dma_wait3A_89 = arith.constant 0 : i32
        %dma_wait3A_90 = tpu.memref_slice %arg6[%add3A_84, %dma_wait3A_89] : memref<128x128xi32, #tpu.memory_space<vmem>> -> memref<1x128xi32, #tpu.memory_space<vmem>>
        %dma_wait3A_91 = tpu.memref_squeeze %dma_wait3A_90 : memref<1x128xi32, #tpu.memory_space<vmem>> -> memref<128xi32, #tpu.memory_space<vmem>>
        %dma_wait3A_92 = arith.constant 0 : i32
        %dma_wait3A_93 = arith.constant 0 : i32
        %dma_wait3A_94 = tpu.memref_slice %arg2[%dma_wait3A_92, %dma_wait3A_93] : memref<10000x128xbf16, #tpu.memory_space<hbm>> -> memref<10000x128xbf16, #tpu.memory_space<hbm>>
        tpu.wait_indirect_dma semaphore(%arg11 : memref<!tpu.dma_semaphore, #tpu.memory_space<semaphore_mem>>) src(%dma_wait3A_94 : memref<10000x128xbf16, #tpu.memory_space<hbm>>) dst(%dma_wait3A_88 : memref<128x128xbf16, #tpu.memory_space<vmem>>)
        %mul3A_95 = arith.constant 2 : i32
        %mul3A_96 = arith.muli %mul3A_79, %mul3A_95 : i32
        %add3A_97 = arith.constant 1 : i32
        %add3A_98 = arith.addi %mul3A_96, %add3A_97 : i32
        %dma_wait3A_99 = arith.constant 1 : i32
        %dma_wait3A_100 = arith.constant 0 : i32
        %dma_wait3A_101 = arith.constant 0 : i32
        %dma_wait3A_102 = tpu.memref_slice %arg8[%dma_wait3A_99, %dma_wait3A_100, %dma_wait3A_101] : memref<4x128x128xbf16, #tpu.memory_space<vmem>> -> memref<1x128x128xbf16, #tpu.memory_space<vmem>>
        %dma_wait3A_103 = tpu.memref_squeeze %dma_wait3A_102 : memref<1x128x128xbf16, #tpu.memory_space<vmem>> -> memref<128x128xbf16, #tpu.memory_space<vmem>>
        %dma_wait3A_104 = arith.constant 0 : i32
        %dma_wait3A_105 = tpu.memref_slice %arg6[%add3A_98, %dma_wait3A_104] : memref<128x128xi32, #tpu.memory_space<vmem>> -> memref<1x128xi32, #tpu.memory_space<vmem>>
        %dma_wait3A_106 = tpu.memref_squeeze %dma_wait3A_105 : memref<1x128xi32, #tpu.memory_space<vmem>> -> memref<128xi32, #tpu.memory_space<vmem>>
        %dma_wait3A_107 = arith.constant 0 : i32
        %dma_wait3A_108 = arith.constant 0 : i32
        %dma_wait3A_109 = tpu.memref_slice %arg2[%dma_wait3A_107, %dma_wait3A_108] : memref<10000x128xbf16, #tpu.memory_space<hbm>> -> memref<10000x128xbf16, #tpu.memory_space<hbm>>
        tpu.wait_indirect_dma semaphore(%arg11 : memref<!tpu.dma_semaphore, #tpu.memory_space<semaphore_mem>>) src(%dma_wait3A_109 : memref<10000x128xbf16, #tpu.memory_space<hbm>>) dst(%dma_wait3A_103 : memref<128x128xbf16, #tpu.memory_space<vmem>>)
        %mul3A_110 = arith.constant 2 : i32
        %mul3A_111 = arith.muli %mul3A_79, %mul3A_110 : i32
        %add3A_112 = arith.constant 0 : i32
        %add3A_113 = arith.addi %mul3A_111, %add3A_112 : i32
        %dma_start3A_114 = arith.constant 0 : i32
        %dma_start3A_115 = arith.constant 0 : i32
        %dma_start3A_116 = arith.constant 0 : i32
        %dma_start3A_117 = tpu.memref_slice %arg8[%dma_start3A_114, %dma_start3A_115, %dma_start3A_116] : memref<4x128x128xbf16, #tpu.memory_space<vmem>> -> memref<1x128x128xbf16, #tpu.memory_space<vmem>>
        %dma_start3A_118 = tpu.memref_squeeze %dma_start3A_117 : memref<1x128x128xbf16, #tpu.memory_space<vmem>> -> memref<128x128xbf16, #tpu.memory_space<vmem>>
        %dma_start3A_119 = arith.constant 0 : i32
        %dma_start3A_120 = tpu.memref_slice %arg7[%add3A_113, %dma_start3A_119] : memref<128x128xi32, #tpu.memory_space<vmem>> -> memref<1x128xi32, #tpu.memory_space<vmem>>
        %dma_start3A_121 = tpu.memref_squeeze %dma_start3A_120 : memref<1x128xi32, #tpu.memory_space<vmem>> -> memref<128xi32, #tpu.memory_space<vmem>>
        %dma_start3A_122 = arith.constant 0 : i32
        %dma_start3A_123 = arith.constant 0 : i32
        %dma_start3A_124 = tpu.memref_slice %arg10[%dma_start3A_122, %dma_start3A_123] : memref<10240x128xbf16, #tpu.memory_space<vmem_shared>> -> memref<10240x128xbf16, #tpu.memory_space<vmem_shared>>
        tpu.enqueue_indirect_dma source(%dma_start3A_118 : memref<128x128xbf16, #tpu.memory_space<vmem>>) target(%dma_start3A_124 : memref<10240x128xbf16, #tpu.memory_space<vmem_shared>>) offsets(%dma_start3A_121 : memref<128xi32, #tpu.memory_space<vmem>>) semaphore(%arg13 : memref<!tpu.dma_semaphore, #tpu.memory_space<semaphore_mem>>) {add = true}
        %mul3A_125 = arith.constant 2 : i32
        %mul3A_126 = arith.muli %mul3A_79, %mul3A_125 : i32
        %add3A_127 = arith.constant 1 : i32
        %add3A_128 = arith.addi %mul3A_126, %add3A_127 : i32
        %dma_start3A_129 = arith.constant 1 : i32
        %dma_start3A_130 = arith.constant 0 : i32
        %dma_start3A_131 = arith.constant 0 : i32
        %dma_start3A_132 = tpu.memref_slice %arg8[%dma_start3A_129, %dma_start3A_130, %dma_start3A_131] : memref<4x128x128xbf16, #tpu.memory_space<vmem>> -> memref<1x128x128xbf16, #tpu.memory_space<vmem>>
        %dma_start3A_133 = tpu.memref_squeeze %dma_start3A_132 : memref<1x128x128xbf16, #tpu.memory_space<vmem>> -> memref<128x128xbf16, #tpu.memory_space<vmem>>
        %dma_start3A_134 = arith.constant 0 : i32
        %dma_start3A_135 = tpu.memref_slice %arg7[%add3A_128, %dma_start3A_134] : memref<128x128xi32, #tpu.memory_space<vmem>> -> memref<1x128xi32, #tpu.memory_space<vmem>>
        %dma_start3A_136 = tpu.memref_squeeze %dma_start3A_135 : memref<1x128xi32, #tpu.memory_space<vmem>> -> memref<128xi32, #tpu.memory_space<vmem>>
        %dma_start3A_137 = arith.constant 0 : i32
        %dma_start3A_138 = arith.constant 0 : i32
        %dma_start3A_139 = tpu.memref_slice %arg10[%dma_start3A_137, %dma_start3A_138] : memref<10240x128xbf16, #tpu.memory_space<vmem_shared>> -> memref<10240x128xbf16, #tpu.memory_space<vmem_shared>>
        tpu.enqueue_indirect_dma source(%dma_start3A_133 : memref<128x128xbf16, #tpu.memory_space<vmem>>) target(%dma_start3A_139 : memref<10240x128xbf16, #tpu.memory_space<vmem_shared>>) offsets(%dma_start3A_136 : memref<128xi32, #tpu.memory_space<vmem>>) semaphore(%arg13 : memref<!tpu.dma_semaphore, #tpu.memory_space<semaphore_mem>>) {add = true}
        %mul3A_140 = arith.constant 2 : i32
        %mul3A_141 = arith.muli %mul3A_79, %mul3A_140 : i32
        %add3A_142 = arith.constant 0 : i32
        %add3A_143 = arith.addi %mul3A_141, %add3A_142 : i32
        %dma_wait3A_144 = arith.constant 0 : i32
        %dma_wait3A_145 = arith.constant 0 : i32
        %dma_wait3A_146 = arith.constant 0 : i32
        %dma_wait3A_147 = tpu.memref_slice %arg8[%dma_wait3A_144, %dma_wait3A_145, %dma_wait3A_146] : memref<4x128x128xbf16, #tpu.memory_space<vmem>> -> memref<1x128x128xbf16, #tpu.memory_space<vmem>>
        %dma_wait3A_148 = tpu.memref_squeeze %dma_wait3A_147 : memref<1x128x128xbf16, #tpu.memory_space<vmem>> -> memref<128x128xbf16, #tpu.memory_space<vmem>>
        %dma_wait3A_149 = arith.constant 0 : i32
        %dma_wait3A_150 = tpu.memref_slice %arg7[%add3A_143, %dma_wait3A_149] : memref<128x128xi32, #tpu.memory_space<vmem>> -> memref<1x128xi32, #tpu.memory_space<vmem>>
        %dma_wait3A_151 = tpu.memref_squeeze %dma_wait3A_150 : memref<1x128xi32, #tpu.memory_space<vmem>> -> memref<128xi32, #tpu.memory_space<vmem>>
        %dma_wait3A_152 = arith.constant 0 : i32
        %dma_wait3A_153 = arith.constant 0 : i32
        %dma_wait3A_154 = tpu.memref_slice %arg10[%dma_wait3A_152, %dma_wait3A_153] : memref<10240x128xbf16, #tpu.memory_space<vmem_shared>> -> memref<10240x128xbf16, #tpu.memory_space<vmem_shared>>
        tpu.wait_indirect_dma semaphore(%arg13 : memref<!tpu.dma_semaphore, #tpu.memory_space<semaphore_mem>>) src(%dma_wait3A_148 : memref<128x128xbf16, #tpu.memory_space<vmem>>) dst(%dma_wait3A_154 : memref<10240x128xbf16, #tpu.memory_space<vmem_shared>>)
        %mul3A_155 = arith.constant 2 : i32
        %mul3A_156 = arith.muli %mul3A_79, %mul3A_155 : i32
        %add3A_157 = arith.constant 1 : i32
        %add3A_158 = arith.addi %mul3A_156, %add3A_157 : i32
        %dma_wait3A_159 = arith.constant 1 : i32
        %dma_wait3A_160 = arith.constant 0 : i32
        %dma_wait3A_161 = arith.constant 0 : i32
        %dma_wait3A_162 = tpu.memref_slice %arg8[%dma_wait3A_159, %dma_wait3A_160, %dma_wait3A_161] : memref<4x128x128xbf16, #tpu.memory_space<vmem>> -> memref<1x128x128xbf16, #tpu.memory_space<vmem>>
        %dma_wait3A_163 = tpu.memref_squeeze %dma_wait3A_162 : memref<1x128x128xbf16, #tpu.memory_space<vmem>> -> memref<128x128xbf16, #tpu.memory_space<vmem>>
        %dma_wait3A_164 = arith.constant 0 : i32
        %dma_wait3A_165 = tpu.memref_slice %arg7[%add3A_158, %dma_wait3A_164] : memref<128x128xi32, #tpu.memory_space<vmem>> -> memref<1x128xi32, #tpu.memory_space<vmem>>
        %dma_wait3A_166 = tpu.memref_squeeze %dma_wait3A_165 : memref<1x128xi32, #tpu.memory_space<vmem>> -> memref<128xi32, #tpu.memory_space<vmem>>
        %dma_wait3A_167 = arith.constant 0 : i32
        %dma_wait3A_168 = arith.constant 0 : i32
        %dma_wait3A_169 = tpu.memref_slice %arg10[%dma_wait3A_167, %dma_wait3A_168] : memref<10240x128xbf16, #tpu.memory_space<vmem_shared>> -> memref<10240x128xbf16, #tpu.memory_space<vmem_shared>>
        tpu.wait_indirect_dma semaphore(%arg13 : memref<!tpu.dma_semaphore, #tpu.memory_space<semaphore_mem>>) src(%dma_wait3A_163 : memref<128x128xbf16, #tpu.memory_space<vmem>>) dst(%dma_wait3A_169 : memref<10240x128xbf16, #tpu.memory_space<vmem_shared>>)
        %add3A_170 = arith.constant 1 : i32
        %add3A_171 = arith.addi %scan3A_77, %add3A_170 : i32
        %lt3A = arith.constant 32 : i32
        %lt3A_172 = arith.cmpi slt, %add3A_171, %lt3A : i32
        %convert_element_type3A_173 = arith.extui %lt3A_172 : i1 to i32
        %cond3A_174 = arith.constant 0 : i32
        %cond3A_175 = arith.cmpi ne, %convert_element_type3A_173, %cond3A_174 : i32
        scf.if %cond3A_175 {
          %add3A_273 = arith.constant 2 : i32
          %add3A_274 = arith.addi %mul3A_79, %add3A_273 : i32
          %mul3A_275 = arith.constant 2 : i32
          %mul3A_276 = arith.muli %add3A_274, %mul3A_275 : i32
          %add3A_277 = arith.constant 0 : i32
          %add3A_278 = arith.addi %mul3A_276, %add3A_277 : i32
          %dma_start3A_279 = arith.constant 0 : i32
          %dma_start3A_280 = arith.constant 0 : i32
          %dma_start3A_281 = arith.constant 0 : i32
          %dma_start3A_282 = tpu.memref_slice %arg8[%dma_start3A_279, %dma_start3A_280, %dma_start3A_281] : memref<4x128x128xbf16, #tpu.memory_space<vmem>> -> memref<1x128x128xbf16, #tpu.memory_space<vmem>>
          %dma_start3A_283 = tpu.memref_squeeze %dma_start3A_282 : memref<1x128x128xbf16, #tpu.memory_space<vmem>> -> memref<128x128xbf16, #tpu.memory_space<vmem>>
          %dma_start3A_284 = arith.constant 0 : i32
          %dma_start3A_285 = tpu.memref_slice %arg6[%add3A_278, %dma_start3A_284] : memref<128x128xi32, #tpu.memory_space<vmem>> -> memref<1x128xi32, #tpu.memory_space<vmem>>
          %dma_start3A_286 = tpu.memref_squeeze %dma_start3A_285 : memref<1x128xi32, #tpu.memory_space<vmem>> -> memref<128xi32, #tpu.memory_space<vmem>>
          %dma_start3A_287 = arith.constant 0 : i32
          %dma_start3A_288 = arith.constant 0 : i32
          %dma_start3A_289 = tpu.memref_slice %arg2[%dma_start3A_287, %dma_start3A_288] : memref<10000x128xbf16, #tpu.memory_space<hbm>> -> memref<10000x128xbf16, #tpu.memory_space<hbm>>
          tpu.enqueue_indirect_dma source(%dma_start3A_289 : memref<10000x128xbf16, #tpu.memory_space<hbm>>) target(%dma_start3A_283 : memref<128x128xbf16, #tpu.memory_space<vmem>>) offsets(%dma_start3A_286 : memref<128xi32, #tpu.memory_space<vmem>>) semaphore(%arg11 : memref<!tpu.dma_semaphore, #tpu.memory_space<semaphore_mem>>)
          %mul3A_290 = arith.constant 2 : i32
          %mul3A_291 = arith.muli %add3A_274, %mul3A_290 : i32
          %add3A_292 = arith.constant 1 : i32
          %add3A_293 = arith.addi %mul3A_291, %add3A_292 : i32
          %dma_start3A_294 = arith.constant 1 : i32
          %dma_start3A_295 = arith.constant 0 : i32
          %dma_start3A_296 = arith.constant 0 : i32
          %dma_start3A_297 = tpu.memref_slice %arg8[%dma_start3A_294, %dma_start3A_295, %dma_start3A_296] : memref<4x128x128xbf16, #tpu.memory_space<vmem>> -> memref<1x128x128xbf16, #tpu.memory_space<vmem>>
          %dma_start3A_298 = tpu.memref_squeeze %dma_start3A_297 : memref<1x128x128xbf16, #tpu.memory_space<vmem>> -> memref<128x128xbf16, #tpu.memory_space<vmem>>
          %dma_start3A_299 = arith.constant 0 : i32
          %dma_start3A_300 = tpu.memref_slice %arg6[%add3A_293, %dma_start3A_299] : memref<128x128xi32, #tpu.memory_space<vmem>> -> memref<1x128xi32, #tpu.memory_space<vmem>>
          %dma_start3A_301 = tpu.memref_squeeze %dma_start3A_300 : memref<1x128xi32, #tpu.memory_space<vmem>> -> memref<128xi32, #tpu.memory_space<vmem>>
          %dma_start3A_302 = arith.constant 0 : i32
          %dma_start3A_303 = arith.constant 0 : i32
          %dma_start3A_304 = tpu.memref_slice %arg2[%dma_start3A_302, %dma_start3A_303] : memref<10000x128xbf16, #tpu.memory_space<hbm>> -> memref<10000x128xbf16, #tpu.memory_space<hbm>>
          tpu.enqueue_indirect_dma source(%dma_start3A_304 : memref<10000x128xbf16, #tpu.memory_space<hbm>>) target(%dma_start3A_298 : memref<128x128xbf16, #tpu.memory_space<vmem>>) offsets(%dma_start3A_301 : memref<128xi32, #tpu.memory_space<vmem>>) semaphore(%arg11 : memref<!tpu.dma_semaphore, #tpu.memory_space<semaphore_mem>>)
        } else {
        }
        %mul3A_176 = arith.constant 2 : i32
        %mul3A_177 = arith.muli %add3A_80, %mul3A_176 : i32
        %add3A_178 = arith.constant 0 : i32
        %add3A_179 = arith.addi %mul3A_177, %add3A_178 : i32
        %dma_wait3A_180 = arith.constant 2 : i32
        %dma_wait3A_181 = arith.constant 0 : i32
        %dma_wait3A_182 = arith.constant 0 : i32
        %dma_wait3A_183 = tpu.memref_slice %arg8[%dma_wait3A_180, %dma_wait3A_181, %dma_wait3A_182] : memref<4x128x128xbf16, #tpu.memory_space<vmem>> -> memref<1x128x128xbf16, #tpu.memory_space<vmem>>
        %dma_wait3A_184 = tpu.memref_squeeze %dma_wait3A_183 : memref<1x128x128xbf16, #tpu.memory_space<vmem>> -> memref<128x128xbf16, #tpu.memory_space<vmem>>
        %dma_wait3A_185 = arith.constant 0 : i32
        %dma_wait3A_186 = tpu.memref_slice %arg6[%add3A_179, %dma_wait3A_185] : memref<128x128xi32, #tpu.memory_space<vmem>> -> memref<1x128xi32, #tpu.memory_space<vmem>>
        %dma_wait3A_187 = tpu.memref_squeeze %dma_wait3A_186 : memref<1x128xi32, #tpu.memory_space<vmem>> -> memref<128xi32, #tpu.memory_space<vmem>>
        %dma_wait3A_188 = arith.constant 0 : i32
        %dma_wait3A_189 = arith.constant 0 : i32
        %dma_wait3A_190 = tpu.memref_slice %arg2[%dma_wait3A_188, %dma_wait3A_189] : memref<10000x128xbf16, #tpu.memory_space<hbm>> -> memref<10000x128xbf16, #tpu.memory_space<hbm>>
        tpu.wait_indirect_dma semaphore(%arg12 : memref<!tpu.dma_semaphore, #tpu.memory_space<semaphore_mem>>) src(%dma_wait3A_190 : memref<10000x128xbf16, #tpu.memory_space<hbm>>) dst(%dma_wait3A_184 : memref<128x128xbf16, #tpu.memory_space<vmem>>)
        %mul3A_191 = arith.constant 2 : i32
        %mul3A_192 = arith.muli %add3A_80, %mul3A_191 : i32
        %add3A_193 = arith.constant 1 : i32
        %add3A_194 = arith.addi %mul3A_192, %add3A_193 : i32
        %dma_wait3A_195 = arith.constant 3 : i32
        %dma_wait3A_196 = arith.constant 0 : i32
        %dma_wait3A_197 = arith.constant 0 : i32
        %dma_wait3A_198 = tpu.memref_slice %arg8[%dma_wait3A_195, %dma_wait3A_196, %dma_wait3A_197] : memref<4x128x128xbf16, #tpu.memory_space<vmem>> -> memref<1x128x128xbf16, #tpu.memory_space<vmem>>
        %dma_wait3A_199 = tpu.memref_squeeze %dma_wait3A_198 : memref<1x128x128xbf16, #tpu.memory_space<vmem>> -> memref<128x128xbf16, #tpu.memory_space<vmem>>
        %dma_wait3A_200 = arith.constant 0 : i32
        %dma_wait3A_201 = tpu.memref_slice %arg6[%add3A_194, %dma_wait3A_200] : memref<128x128xi32, #tpu.memory_space<vmem>> -> memref<1x128xi32, #tpu.memory_space<vmem>>
        %dma_wait3A_202 = tpu.memref_squeeze %dma_wait3A_201 : memref<1x128xi32, #tpu.memory_space<vmem>> -> memref<128xi32, #tpu.memory_space<vmem>>
        %dma_wait3A_203 = arith.constant 0 : i32
        %dma_wait3A_204 = arith.constant 0 : i32
        %dma_wait3A_205 = tpu.memref_slice %arg2[%dma_wait3A_203, %dma_wait3A_204] : memref<10000x128xbf16, #tpu.memory_space<hbm>> -> memref<10000x128xbf16, #tpu.memory_space<hbm>>
        tpu.wait_indirect_dma semaphore(%arg12 : memref<!tpu.dma_semaphore, #tpu.memory_space<semaphore_mem>>) src(%dma_wait3A_205 : memref<10000x128xbf16, #tpu.memory_space<hbm>>) dst(%dma_wait3A_199 : memref<128x128xbf16, #tpu.memory_space<vmem>>)
        %mul3A_206 = arith.constant 2 : i32
        %mul3A_207 = arith.muli %add3A_80, %mul3A_206 : i32
        %add3A_208 = arith.constant 0 : i32
        %add3A_209 = arith.addi %mul3A_207, %add3A_208 : i32
        %dma_start3A_210 = arith.constant 2 : i32
        %dma_start3A_211 = arith.constant 0 : i32
        %dma_start3A_212 = arith.constant 0 : i32
        %dma_start3A_213 = tpu.memref_slice %arg8[%dma_start3A_210, %dma_start3A_211, %dma_start3A_212] : memref<4x128x128xbf16, #tpu.memory_space<vmem>> -> memref<1x128x128xbf16, #tpu.memory_space<vmem>>
        %dma_start3A_214 = tpu.memref_squeeze %dma_start3A_213 : memref<1x128x128xbf16, #tpu.memory_space<vmem>> -> memref<128x128xbf16, #tpu.memory_space<vmem>>
        %dma_start3A_215 = arith.constant 0 : i32
        %dma_start3A_216 = tpu.memref_slice %arg7[%add3A_209, %dma_start3A_215] : memref<128x128xi32, #tpu.memory_space<vmem>> -> memref<1x128xi32, #tpu.memory_space<vmem>>
        %dma_start3A_217 = tpu.memref_squeeze %dma_start3A_216 : memref<1x128xi32, #tpu.memory_space<vmem>> -> memref<128xi32, #tpu.memory_space<vmem>>
        %dma_start3A_218 = arith.constant 0 : i32
        %dma_start3A_219 = arith.constant 0 : i32
        %dma_start3A_220 = tpu.memref_slice %arg10[%dma_start3A_218, %dma_start3A_219] : memref<10240x128xbf16, #tpu.memory_space<vmem_shared>> -> memref<10240x128xbf16, #tpu.memory_space<vmem_shared>>
        tpu.enqueue_indirect_dma source(%dma_start3A_214 : memref<128x128xbf16, #tpu.memory_space<vmem>>) target(%dma_start3A_220 : memref<10240x128xbf16, #tpu.memory_space<vmem_shared>>) offsets(%dma_start3A_217 : memref<128xi32, #tpu.memory_space<vmem>>) semaphore(%arg14 : memref<!tpu.dma_semaphore, #tpu.memory_space<semaphore_mem>>) {add = true}
        %mul3A_221 = arith.constant 2 : i32
        %mul3A_222 = arith.muli %add3A_80, %mul3A_221 : i32
        %add3A_223 = arith.constant 1 : i32
        %add3A_224 = arith.addi %mul3A_222, %add3A_223 : i32
        %dma_start3A_225 = arith.constant 3 : i32
        %dma_start3A_226 = arith.constant 0 : i32
        %dma_start3A_227 = arith.constant 0 : i32
        %dma_start3A_228 = tpu.memref_slice %arg8[%dma_start3A_225, %dma_start3A_226, %dma_start3A_227] : memref<4x128x128xbf16, #tpu.memory_space<vmem>> -> memref<1x128x128xbf16, #tpu.memory_space<vmem>>
        %dma_start3A_229 = tpu.memref_squeeze %dma_start3A_228 : memref<1x128x128xbf16, #tpu.memory_space<vmem>> -> memref<128x128xbf16, #tpu.memory_space<vmem>>
        %dma_start3A_230 = arith.constant 0 : i32
        %dma_start3A_231 = tpu.memref_slice %arg7[%add3A_224, %dma_start3A_230] : memref<128x128xi32, #tpu.memory_space<vmem>> -> memref<1x128xi32, #tpu.memory_space<vmem>>
        %dma_start3A_232 = tpu.memref_squeeze %dma_start3A_231 : memref<1x128xi32, #tpu.memory_space<vmem>> -> memref<128xi32, #tpu.memory_space<vmem>>
        %dma_start3A_233 = arith.constant 0 : i32
        %dma_start3A_234 = arith.constant 0 : i32
        %dma_start3A_235 = tpu.memref_slice %arg10[%dma_start3A_233, %dma_start3A_234] : memref<10240x128xbf16, #tpu.memory_space<vmem_shared>> -> memref<10240x128xbf16, #tpu.memory_space<vmem_shared>>
        tpu.enqueue_indirect_dma source(%dma_start3A_229 : memref<128x128xbf16, #tpu.memory_space<vmem>>) target(%dma_start3A_235 : memref<10240x128xbf16, #tpu.memory_space<vmem_shared>>) offsets(%dma_start3A_232 : memref<128xi32, #tpu.memory_space<vmem>>) semaphore(%arg14 : memref<!tpu.dma_semaphore, #tpu.memory_space<semaphore_mem>>) {add = true}
        %mul3A_236 = arith.constant 2 : i32
        %mul3A_237 = arith.muli %add3A_80, %mul3A_236 : i32
        %add3A_238 = arith.constant 0 : i32
        %add3A_239 = arith.addi %mul3A_237, %add3A_238 : i32
        %dma_wait3A_240 = arith.constant 2 : i32
        %dma_wait3A_241 = arith.constant 0 : i32
        %dma_wait3A_242 = arith.constant 0 : i32
        %dma_wait3A_243 = tpu.memref_slice %arg8[%dma_wait3A_240, %dma_wait3A_241, %dma_wait3A_242] : memref<4x128x128xbf16, #tpu.memory_space<vmem>> -> memref<1x128x128xbf16, #tpu.memory_space<vmem>>
        %dma_wait3A_244 = tpu.memref_squeeze %dma_wait3A_243 : memref<1x128x128xbf16, #tpu.memory_space<vmem>> -> memref<128x128xbf16, #tpu.memory_space<vmem>>
        %dma_wait3A_245 = arith.constant 0 : i32
        %dma_wait3A_246 = tpu.memref_slice %arg7[%add3A_239, %dma_wait3A_245] : memref<128x128xi32, #tpu.memory_space<vmem>> -> memref<1x128xi32, #tpu.memory_space<vmem>>
        %dma_wait3A_247 = tpu.memref_squeeze %dma_wait3A_246 : memref<1x128xi32, #tpu.memory_space<vmem>> -> memref<128xi32, #tpu.memory_space<vmem>>
        %dma_wait3A_248 = arith.constant 0 : i32
        %dma_wait3A_249 = arith.constant 0 : i32
        %dma_wait3A_250 = tpu.memref_slice %arg10[%dma_wait3A_248, %dma_wait3A_249] : memref<10240x128xbf16, #tpu.memory_space<vmem_shared>> -> memref<10240x128xbf16, #tpu.memory_space<vmem_shared>>
        tpu.wait_indirect_dma semaphore(%arg14 : memref<!tpu.dma_semaphore, #tpu.memory_space<semaphore_mem>>) src(%dma_wait3A_244 : memref<128x128xbf16, #tpu.memory_space<vmem>>) dst(%dma_wait3A_250 : memref<10240x128xbf16, #tpu.memory_space<vmem_shared>>)
        %mul3A_251 = arith.constant 2 : i32
        %mul3A_252 = arith.muli %add3A_80, %mul3A_251 : i32
        %add3A_253 = arith.constant 1 : i32
        %add3A_254 = arith.addi %mul3A_252, %add3A_253 : i32
        %dma_wait3A_255 = arith.constant 3 : i32
        %dma_wait3A_256 = arith.constant 0 : i32
        %dma_wait3A_257 = arith.constant 0 : i32
        %dma_wait3A_258 = tpu.memref_slice %arg8[%dma_wait3A_255, %dma_wait3A_256, %dma_wait3A_257] : memref<4x128x128xbf16, #tpu.memory_space<vmem>> -> memref<1x128x128xbf16, #tpu.memory_space<vmem>>
        %dma_wait3A_259 = tpu.memref_squeeze %dma_wait3A_258 : memref<1x128x128xbf16, #tpu.memory_space<vmem>> -> memref<128x128xbf16, #tpu.memory_space<vmem>>
        %dma_wait3A_260 = arith.constant 0 : i32
        %dma_wait3A_261 = tpu.memref_slice %arg7[%add3A_254, %dma_wait3A_260] : memref<128x128xi32, #tpu.memory_space<vmem>> -> memref<1x128xi32, #tpu.memory_space<vmem>>
        %dma_wait3A_262 = tpu.memref_squeeze %dma_wait3A_261 : memref<1x128xi32, #tpu.memory_space<vmem>> -> memref<128xi32, #tpu.memory_space<vmem>>
        %dma_wait3A_263 = arith.constant 0 : i32
        %dma_wait3A_264 = arith.constant 0 : i32
        %dma_wait3A_265 = tpu.memref_slice %arg10[%dma_wait3A_263, %dma_wait3A_264] : memref<10240x128xbf16, #tpu.memory_space<vmem_shared>> -> memref<10240x128xbf16, #tpu.memory_space<vmem_shared>>
        tpu.wait_indirect_dma semaphore(%arg14 : memref<!tpu.dma_semaphore, #tpu.memory_space<semaphore_mem>>) src(%dma_wait3A_259 : memref<128x128xbf16, #tpu.memory_space<vmem>>) dst(%dma_wait3A_265 : memref<10240x128xbf16, #tpu.memory_space<vmem_shared>>)
        %add3A_266 = arith.constant 1 : i32
        %add3A_267 = arith.addi %scan3A_77, %add3A_266 : i32
        %lt3A_268 = arith.constant 32 : i32
        %lt3A_269 = arith.cmpi slt, %add3A_267, %lt3A_268 : i32
        %convert_element_type3A_270 = arith.extui %lt3A_269 : i1 to i32
        %cond3A_271 = arith.constant 0 : i32
        %cond3A_272 = arith.cmpi ne, %convert_element_type3A_270, %cond3A_271 : i32
        scf.if %cond3A_272 {
          %add3A_273 = arith.constant 2 : i32
          %add3A_274 = arith.addi %add3A_80, %add3A_273 : i32
          %mul3A_275 = arith.constant 2 : i32
          %mul3A_276 = arith.muli %add3A_274, %mul3A_275 : i32
          %add3A_277 = arith.constant 0 : i32
          %add3A_278 = arith.addi %mul3A_276, %add3A_277 : i32
          %dma_start3A_279 = arith.constant 2 : i32
          %dma_start3A_280 = arith.constant 0 : i32
          %dma_start3A_281 = arith.constant 0 : i32
          %dma_start3A_282 = tpu.memref_slice %arg8[%dma_start3A_279, %dma_start3A_280, %dma_start3A_281] : memref<4x128x128xbf16, #tpu.memory_space<vmem>> -> memref<1x128x128xbf16, #tpu.memory_space<vmem>>
          %dma_start3A_283 = tpu.memref_squeeze %dma_start3A_282 : memref<1x128x128xbf16, #tpu.memory_space<vmem>> -> memref<128x128xbf16, #tpu.memory_space<vmem>>
          %dma_start3A_284 = arith.constant 0 : i32
          %dma_start3A_285 = tpu.memref_slice %arg6[%add3A_278, %dma_start3A_284] : memref<128x128xi32, #tpu.memory_space<vmem>> -> memref<1x128xi32, #tpu.memory_space<vmem>>
          %dma_start3A_286 = tpu.memref_squeeze %dma_start3A_285 : memref<1x128xi32, #tpu.memory_space<vmem>> -> memref<128xi32, #tpu.memory_space<vmem>>
          %dma_start3A_287 = arith.constant 0 : i32
          %dma_start3A_288 = arith.constant 0 : i32
          %dma_start3A_289 = tpu.memref_slice %arg2[%dma_start3A_287, %dma_start3A_288] : memref<10000x128xbf16, #tpu.memory_space<hbm>> -> memref<10000x128xbf16, #tpu.memory_space<hbm>>
          tpu.enqueue_indirect_dma source(%dma_start3A_289 : memref<10000x128xbf16, #tpu.memory_space<hbm>>) target(%dma_start3A_283 : memref<128x128xbf16, #tpu.memory_space<vmem>>) offsets(%dma_start3A_286 : memref<128xi32, #tpu.memory_space<vmem>>) semaphore(%arg12 : memref<!tpu.dma_semaphore, #tpu.memory_space<semaphore_mem>>)
          %mul3A_290 = arith.constant 2 : i32
          %mul3A_291 = arith.muli %add3A_274, %mul3A_290 : i32
          %add3A_292 = arith.constant 1 : i32
          %add3A_293 = arith.addi %mul3A_291, %add3A_292 : i32
          %dma_start3A_294 = arith.constant 3 : i32
          %dma_start3A_295 = arith.constant 0 : i32
          %dma_start3A_296 = arith.constant 0 : i32
          %dma_start3A_297 = tpu.memref_slice %arg8[%dma_start3A_294, %dma_start3A_295, %dma_start3A_296] : memref<4x128x128xbf16, #tpu.memory_space<vmem>> -> memref<1x128x128xbf16, #tpu.memory_space<vmem>>
          %dma_start3A_298 = tpu.memref_squeeze %dma_start3A_297 : memref<1x128x128xbf16, #tpu.memory_space<vmem>> -> memref<128x128xbf16, #tpu.memory_space<vmem>>
          %dma_start3A_299 = arith.constant 0 : i32
          %dma_start3A_300 = tpu.memref_slice %arg6[%add3A_293, %dma_start3A_299] : memref<128x128xi32, #tpu.memory_space<vmem>> -> memref<1x128xi32, #tpu.memory_space<vmem>>
          %dma_start3A_301 = tpu.memref_squeeze %dma_start3A_300 : memref<1x128xi32, #tpu.memory_space<vmem>> -> memref<128xi32, #tpu.memory_space<vmem>>
          %dma_start3A_302 = arith.constant 0 : i32
          %dma_start3A_303 = arith.constant 0 : i32
          %dma_start3A_304 = tpu.memref_slice %arg2[%dma_start3A_302, %dma_start3A_303] : memref<10000x128xbf16, #tpu.memory_space<hbm>> -> memref<10000x128xbf16, #tpu.memory_space<hbm>>
          tpu.enqueue_indirect_dma source(%dma_start3A_304 : memref<10000x128xbf16, #tpu.memory_space<hbm>>) target(%dma_start3A_298 : memref<128x128xbf16, #tpu.memory_space<vmem>>) offsets(%dma_start3A_301 : memref<128xi32, #tpu.memory_space<vmem>>) semaphore(%arg12 : memref<!tpu.dma_semaphore, #tpu.memory_space<semaphore_mem>>)
        } else {
        }
      }
      %scan3A_76 = arith.constant 32 : i32
    } else {
    }
    %eq3A_13 = arith.constant 1 : i32
    %eq3A_14 = arith.cmpi eq, %arg0, %eq3A_13 : i32
    %convert_element_type3A_15 = arith.extui %eq3A_14 : i1 to i32
    %cond3A_16 = arith.constant 0 : i32
    %cond3A_17 = arith.cmpi ne, %convert_element_type3A_15, %cond3A_16 : i32
    scf.if %cond3A_17 {
      %mul3A_22 = arith.constant 32 : i32
      %mul3A_23 = arith.muli %arg1, %mul3A_22 : i32
      %add3A = arith.constant 2048 : i32
      %add3A_24 = arith.addi %add3A, %mul3A_23 : i32
      "tpu.region"() ({
        %run_scoped3A = tpu.sem_alloc : memref<!tpu.dma_semaphore, #tpu.memory_space<semaphore_mem>>
        %dma_start3A_78 = arith.constant 0 : i32
        %dma_start3A_79 = arith.constant 0 : i32
        %dma_start3A_80 = tpu.memref_slice %arg6[%dma_start3A_78, %dma_start3A_79] : memref<128x128xi32, #tpu.memory_space<vmem>> -> memref<32x128xi32, #tpu.memory_space<vmem>>
        %dma_start3A_81 = arith.constant 0 : i32
        %dma_start3A_82 = tpu.memref_slice %arg3[%add3A_24, %dma_start3A_81] : memref<2560x128xi32, #tpu.memory_space<hbm>> -> memref<32x128xi32, #tpu.memory_space<hbm>>
        %dma_start3A_83 = arith.constant 0 : i32
        %dma_start3A_84 = arith.constant 0 : i32
        %dma_start3A_85 = tpu.memref_slice %arg6[%dma_start3A_83, %dma_start3A_84] : memref<128x128xi32, #tpu.memory_space<vmem>> -> memref<32x128xi32, #tpu.memory_space<vmem>>
        %dma_start3A_86 = arith.constant 0 : i32
        %dma_start3A_87 = tpu.memref_slice %arg3[%add3A_24, %dma_start3A_86] : memref<2560x128xi32, #tpu.memory_space<hbm>> -> memref<32x128xi32, #tpu.memory_space<hbm>>
        tpu.enqueue_dma source(%dma_start3A_87 : memref<32x128xi32, #tpu.memory_space<hbm>>) target(%dma_start3A_85 : memref<32x128xi32, #tpu.memory_space<vmem>>) target_semaphore(%run_scoped3A : memref<!tpu.dma_semaphore, #tpu.memory_space<semaphore_mem>>)
        %dma_wait3A = arith.constant 0 : i32
        %dma_wait3A_88 = arith.constant 0 : i32
        %dma_wait3A_89 = tpu.memref_slice %arg6[%dma_wait3A, %dma_wait3A_88] : memref<128x128xi32, #tpu.memory_space<vmem>> -> memref<32x128xi32, #tpu.memory_space<vmem>>
        %dma_wait3A_90 = arith.constant 0 : i32
        %dma_wait3A_91 = tpu.memref_slice %arg3[%add3A_24, %dma_wait3A_90] : memref<2560x128xi32, #tpu.memory_space<hbm>> -> memref<32x128xi32, #tpu.memory_space<hbm>>
        %dma_wait3A_92 = arith.constant 0 : i32
        %dma_wait3A_93 = arith.constant 0 : i32
        %dma_wait3A_94 = tpu.memref_slice %arg6[%dma_wait3A_92, %dma_wait3A_93] : memref<128x128xi32, #tpu.memory_space<vmem>> -> memref<32x128xi32, #tpu.memory_space<vmem>>
        %dma_wait3A_95 = arith.constant 0 : i32
        %dma_wait3A_96 = tpu.memref_slice %arg3[%add3A_24, %dma_wait3A_95] : memref<2560x128xi32, #tpu.memory_space<hbm>> -> memref<32x128xi32, #tpu.memory_space<hbm>>
        tpu.wait_dma2 semaphore(%run_scoped3A : memref<!tpu.dma_semaphore, #tpu.memory_space<semaphore_mem>>) src(%dma_wait3A_96 : memref<32x128xi32, #tpu.memory_space<hbm>>) dst(%dma_wait3A_94 : memref<32x128xi32, #tpu.memory_space<vmem>>)
        tpu.yield
      }) : () -> ()
      "tpu.region"() ({
        %run_scoped3A = tpu.sem_alloc : memref<!tpu.dma_semaphore, #tpu.memory_space<semaphore_mem>>
        %dma_start3A_78 = arith.constant 0 : i32
        %dma_start3A_79 = arith.constant 0 : i32
        %dma_start3A_80 = tpu.memref_slice %arg7[%dma_start3A_78, %dma_start3A_79] : memref<128x128xi32, #tpu.memory_space<vmem>> -> memref<32x128xi32, #tpu.memory_space<vmem>>
        %dma_start3A_81 = arith.constant 0 : i32
        %dma_start3A_82 = tpu.memref_slice %arg4[%add3A_24, %dma_start3A_81] : memref<2560x128xi32, #tpu.memory_space<hbm>> -> memref<32x128xi32, #tpu.memory_space<hbm>>
        %dma_start3A_83 = arith.constant 0 : i32
        %dma_start3A_84 = arith.constant 0 : i32
        %dma_start3A_85 = tpu.memref_slice %arg7[%dma_start3A_83, %dma_start3A_84] : memref<128x128xi32, #tpu.memory_space<vmem>> -> memref<32x128xi32, #tpu.memory_space<vmem>>
        %dma_start3A_86 = arith.constant 0 : i32
        %dma_start3A_87 = tpu.memref_slice %arg4[%add3A_24, %dma_start3A_86] : memref<2560x128xi32, #tpu.memory_space<hbm>> -> memref<32x128xi32, #tpu.memory_space<hbm>>
        tpu.enqueue_dma source(%dma_start3A_87 : memref<32x128xi32, #tpu.memory_space<hbm>>) target(%dma_start3A_85 : memref<32x128xi32, #tpu.memory_space<vmem>>) target_semaphore(%run_scoped3A : memref<!tpu.dma_semaphore, #tpu.memory_space<semaphore_mem>>)
        %dma_wait3A = arith.constant 0 : i32
        %dma_wait3A_88 = arith.constant 0 : i32
        %dma_wait3A_89 = tpu.memref_slice %arg7[%dma_wait3A, %dma_wait3A_88] : memref<128x128xi32, #tpu.memory_space<vmem>> -> memref<32x128xi32, #tpu.memory_space<vmem>>
        %dma_wait3A_90 = arith.constant 0 : i32
        %dma_wait3A_91 = tpu.memref_slice %arg4[%add3A_24, %dma_wait3A_90] : memref<2560x128xi32, #tpu.memory_space<hbm>> -> memref<32x128xi32, #tpu.memory_space<hbm>>
        %dma_wait3A_92 = arith.constant 0 : i32
        %dma_wait3A_93 = arith.constant 0 : i32
        %dma_wait3A_94 = tpu.memref_slice %arg7[%dma_wait3A_92, %dma_wait3A_93] : memref<128x128xi32, #tpu.memory_space<vmem>> -> memref<32x128xi32, #tpu.memory_space<vmem>>
        %dma_wait3A_95 = arith.constant 0 : i32
        %dma_wait3A_96 = tpu.memref_slice %arg4[%add3A_24, %dma_wait3A_95] : memref<2560x128xi32, #tpu.memory_space<hbm>> -> memref<32x128xi32, #tpu.memory_space<hbm>>
        tpu.wait_dma2 semaphore(%run_scoped3A : memref<!tpu.dma_semaphore, #tpu.memory_space<semaphore_mem>>) src(%dma_wait3A_96 : memref<32x128xi32, #tpu.memory_space<hbm>>) dst(%dma_wait3A_94 : memref<32x128xi32, #tpu.memory_space<vmem>>)
        tpu.yield
      }) : () -> ()
      %dma_start3A = arith.constant 0 : i32
      %dma_start3A_25 = arith.constant 0 : i32
      %dma_start3A_26 = arith.constant 0 : i32
      %dma_start3A_27 = arith.constant 0 : i32
      %dma_start3A_28 = tpu.memref_slice %arg8[%dma_start3A_25, %dma_start3A_26, %dma_start3A_27] : memref<4x128x128xbf16, #tpu.memory_space<vmem>> -> memref<1x128x128xbf16, #tpu.memory_space<vmem>>
      %dma_start3A_29 = tpu.memref_squeeze %dma_start3A_28 : memref<1x128x128xbf16, #tpu.memory_space<vmem>> -> memref<128x128xbf16, #tpu.memory_space<vmem>>
      %dma_start3A_30 = arith.constant 0 : i32
      %dma_start3A_31 = tpu.memref_slice %arg6[%dma_start3A, %dma_start3A_30] : memref<128x128xi32, #tpu.memory_space<vmem>> -> memref<1x128xi32, #tpu.memory_space<vmem>>
      %dma_start3A_32 = tpu.memref_squeeze %dma_start3A_31 : memref<1x128xi32, #tpu.memory_space<vmem>> -> memref<128xi32, #tpu.memory_space<vmem>>
      %dma_start3A_33 = arith.constant 0 : i32
      %dma_start3A_34 = arith.constant 0 : i32
      %dma_start3A_35 = tpu.memref_slice %arg2[%dma_start3A_33, %dma_start3A_34] : memref<10000x128xbf16, #tpu.memory_space<hbm>> -> memref<10000x128xbf16, #tpu.memory_space<hbm>>
      tpu.enqueue_indirect_dma source(%dma_start3A_35 : memref<10000x128xbf16, #tpu.memory_space<hbm>>) target(%dma_start3A_29 : memref<128x128xbf16, #tpu.memory_space<vmem>>) offsets(%dma_start3A_32 : memref<128xi32, #tpu.memory_space<vmem>>) semaphore(%arg11 : memref<!tpu.dma_semaphore, #tpu.memory_space<semaphore_mem>>)
      %dma_start3A_36 = arith.constant 1 : i32
      %dma_start3A_37 = arith.constant 1 : i32
      %dma_start3A_38 = arith.constant 0 : i32
      %dma_start3A_39 = arith.constant 0 : i32
      %dma_start3A_40 = tpu.memref_slice %arg8[%dma_start3A_37, %dma_start3A_38, %dma_start3A_39] : memref<4x128x128xbf16, #tpu.memory_space<vmem>> -> memref<1x128x128xbf16, #tpu.memory_space<vmem>>
      %dma_start3A_41 = tpu.memref_squeeze %dma_start3A_40 : memref<1x128x128xbf16, #tpu.memory_space<vmem>> -> memref<128x128xbf16, #tpu.memory_space<vmem>>
      %dma_start3A_42 = arith.constant 0 : i32
      %dma_start3A_43 = tpu.memref_slice %arg6[%dma_start3A_36, %dma_start3A_42] : memref<128x128xi32, #tpu.memory_space<vmem>> -> memref<1x128xi32, #tpu.memory_space<vmem>>
      %dma_start3A_44 = tpu.memref_squeeze %dma_start3A_43 : memref<1x128xi32, #tpu.memory_space<vmem>> -> memref<128xi32, #tpu.memory_space<vmem>>
      %dma_start3A_45 = arith.constant 0 : i32
      %dma_start3A_46 = arith.constant 0 : i32
      %dma_start3A_47 = tpu.memref_slice %arg2[%dma_start3A_45, %dma_start3A_46] : memref<10000x128xbf16, #tpu.memory_space<hbm>> -> memref<10000x128xbf16, #tpu.memory_space<hbm>>
      tpu.enqueue_indirect_dma source(%dma_start3A_47 : memref<10000x128xbf16, #tpu.memory_space<hbm>>) target(%dma_start3A_41 : memref<128x128xbf16, #tpu.memory_space<vmem>>) offsets(%dma_start3A_44 : memref<128xi32, #tpu.memory_space<vmem>>) semaphore(%arg11 : memref<!tpu.dma_semaphore, #tpu.memory_space<semaphore_mem>>)
      %dma_start3A_48 = arith.constant 2 : i32
      %dma_start3A_49 = arith.constant 2 : i32
      %dma_start3A_50 = arith.constant 0 : i32
      %dma_start3A_51 = arith.constant 0 : i32
      %dma_start3A_52 = tpu.memref_slice %arg8[%dma_start3A_49, %dma_start3A_50, %dma_start3A_51] : memref<4x128x128xbf16, #tpu.memory_space<vmem>> -> memref<1x128x128xbf16, #tpu.memory_space<vmem>>
      %dma_start3A_53 = tpu.memref_squeeze %dma_start3A_52 : memref<1x128x128xbf16, #tpu.memory_space<vmem>> -> memref<128x128xbf16, #tpu.memory_space<vmem>>
      %dma_start3A_54 = arith.constant 0 : i32
      %dma_start3A_55 = tpu.memref_slice %arg6[%dma_start3A_48, %dma_start3A_54] : memref<128x128xi32, #tpu.memory_space<vmem>> -> memref<1x128xi32, #tpu.memory_space<vmem>>
      %dma_start3A_56 = tpu.memref_squeeze %dma_start3A_55 : memref<1x128xi32, #tpu.memory_space<vmem>> -> memref<128xi32, #tpu.memory_space<vmem>>
      %dma_start3A_57 = arith.constant 0 : i32
      %dma_start3A_58 = arith.constant 0 : i32
      %dma_start3A_59 = tpu.memref_slice %arg2[%dma_start3A_57, %dma_start3A_58] : memref<10000x128xbf16, #tpu.memory_space<hbm>> -> memref<10000x128xbf16, #tpu.memory_space<hbm>>
      tpu.enqueue_indirect_dma source(%dma_start3A_59 : memref<10000x128xbf16, #tpu.memory_space<hbm>>) target(%dma_start3A_53 : memref<128x128xbf16, #tpu.memory_space<vmem>>) offsets(%dma_start3A_56 : memref<128xi32, #tpu.memory_space<vmem>>) semaphore(%arg12 : memref<!tpu.dma_semaphore, #tpu.memory_space<semaphore_mem>>)
      %dma_start3A_60 = arith.constant 3 : i32
      %dma_start3A_61 = arith.constant 3 : i32
      %dma_start3A_62 = arith.constant 0 : i32
      %dma_start3A_63 = arith.constant 0 : i32
      %dma_start3A_64 = tpu.memref_slice %arg8[%dma_start3A_61, %dma_start3A_62, %dma_start3A_63] : memref<4x128x128xbf16, #tpu.memory_space<vmem>> -> memref<1x128x128xbf16, #tpu.memory_space<vmem>>
      %dma_start3A_65 = tpu.memref_squeeze %dma_start3A_64 : memref<1x128x128xbf16, #tpu.memory_space<vmem>> -> memref<128x128xbf16, #tpu.memory_space<vmem>>
      %dma_start3A_66 = arith.constant 0 : i32
      %dma_start3A_67 = tpu.memref_slice %arg6[%dma_start3A_60, %dma_start3A_66] : memref<128x128xi32, #tpu.memory_space<vmem>> -> memref<1x128xi32, #tpu.memory_space<vmem>>
      %dma_start3A_68 = tpu.memref_squeeze %dma_start3A_67 : memref<1x128xi32, #tpu.memory_space<vmem>> -> memref<128xi32, #tpu.memory_space<vmem>>
      %dma_start3A_69 = arith.constant 0 : i32
      %dma_start3A_70 = arith.constant 0 : i32
      %dma_start3A_71 = tpu.memref_slice %arg2[%dma_start3A_69, %dma_start3A_70] : memref<10000x128xbf16, #tpu.memory_space<hbm>> -> memref<10000x128xbf16, #tpu.memory_space<hbm>>
      tpu.enqueue_indirect_dma source(%dma_start3A_71 : memref<10000x128xbf16, #tpu.memory_space<hbm>>) target(%dma_start3A_65 : memref<128x128xbf16, #tpu.memory_space<vmem>>) offsets(%dma_start3A_68 : memref<128xi32, #tpu.memory_space<vmem>>) semaphore(%arg12 : memref<!tpu.dma_semaphore, #tpu.memory_space<semaphore_mem>>)
      %scan3A_72 = arith.constant 0 : i32
      %scan3A_73 = arith.constant 0 : i32
      %scan3A_74 = arith.constant 8 : i32
      %scan3A_75 = arith.addi %scan3A_73, %scan3A_74 : i32
      %scan3A_76 = arith.constant 1 : i32
      scf.for %scan3A_78 = %scan3A_73 to %scan3A_75 step %scan3A_76  : i32 {
        %mul3A_79 = arith.constant 2 : i32
        %mul3A_80 = arith.muli %mul3A_79, %scan3A_78 : i32
        %add3A_81 = arith.constant 1 : i32
        %add3A_82 = arith.addi %mul3A_80, %add3A_81 : i32
        %mul3A_83 = arith.constant 2 : i32
        %mul3A_84 = arith.muli %mul3A_80, %mul3A_83 : i32
        %add3A_85 = arith.constant 0 : i32
        %add3A_86 = arith.addi %mul3A_84, %add3A_85 : i32
        %dma_wait3A = arith.constant 0 : i32
        %dma_wait3A_87 = arith.constant 0 : i32
        %dma_wait3A_88 = arith.constant 0 : i32
        %dma_wait3A_89 = tpu.memref_slice %arg8[%dma_wait3A, %dma_wait3A_87, %dma_wait3A_88] : memref<4x128x128xbf16, #tpu.memory_space<vmem>> -> memref<1x128x128xbf16, #tpu.memory_space<vmem>>
        %dma_wait3A_90 = tpu.memref_squeeze %dma_wait3A_89 : memref<1x128x128xbf16, #tpu.memory_space<vmem>> -> memref<128x128xbf16, #tpu.memory_space<vmem>>
        %dma_wait3A_91 = arith.constant 0 : i32
        %dma_wait3A_92 = tpu.memref_slice %arg6[%add3A_86, %dma_wait3A_91] : memref<128x128xi32, #tpu.memory_space<vmem>> -> memref<1x128xi32, #tpu.memory_space<vmem>>
        %dma_wait3A_93 = tpu.memref_squeeze %dma_wait3A_92 : memref<1x128xi32, #tpu.memory_space<vmem>> -> memref<128xi32, #tpu.memory_space<vmem>>
        %dma_wait3A_94 = arith.constant 0 : i32
        %dma_wait3A_95 = arith.constant 0 : i32
        %dma_wait3A_96 = tpu.memref_slice %arg2[%dma_wait3A_94, %dma_wait3A_95] : memref<10000x128xbf16, #tpu.memory_space<hbm>> -> memref<10000x128xbf16, #tpu.memory_space<hbm>>
        tpu.wait_indirect_dma semaphore(%arg11 : memref<!tpu.dma_semaphore, #tpu.memory_space<semaphore_mem>>) src(%dma_wait3A_96 : memref<10000x128xbf16, #tpu.memory_space<hbm>>) dst(%dma_wait3A_90 : memref<128x128xbf16, #tpu.memory_space<vmem>>)
        %mul3A_97 = arith.constant 2 : i32
        %mul3A_98 = arith.muli %mul3A_80, %mul3A_97 : i32
        %add3A_99 = arith.constant 1 : i32
        %add3A_100 = arith.addi %mul3A_98, %add3A_99 : i32
        %dma_wait3A_101 = arith.constant 1 : i32
        %dma_wait3A_102 = arith.constant 0 : i32
        %dma_wait3A_103 = arith.constant 0 : i32
        %dma_wait3A_104 = tpu.memref_slice %arg8[%dma_wait3A_101, %dma_wait3A_102, %dma_wait3A_103] : memref<4x128x128xbf16, #tpu.memory_space<vmem>> -> memref<1x128x128xbf16, #tpu.memory_space<vmem>>
        %dma_wait3A_105 = tpu.memref_squeeze %dma_wait3A_104 : memref<1x128x128xbf16, #tpu.memory_space<vmem>> -> memref<128x128xbf16, #tpu.memory_space<vmem>>
        %dma_wait3A_106 = arith.constant 0 : i32
        %dma_wait3A_107 = tpu.memref_slice %arg6[%add3A_100, %dma_wait3A_106] : memref<128x128xi32, #tpu.memory_space<vmem>> -> memref<1x128xi32, #tpu.memory_space<vmem>>
        %dma_wait3A_108 = tpu.memref_squeeze %dma_wait3A_107 : memref<1x128xi32, #tpu.memory_space<vmem>> -> memref<128xi32, #tpu.memory_space<vmem>>
        %dma_wait3A_109 = arith.constant 0 : i32
        %dma_wait3A_110 = arith.constant 0 : i32
        %dma_wait3A_111 = tpu.memref_slice %arg2[%dma_wait3A_109, %dma_wait3A_110] : memref<10000x128xbf16, #tpu.memory_space<hbm>> -> memref<10000x128xbf16, #tpu.memory_space<hbm>>
        tpu.wait_indirect_dma semaphore(%arg11 : memref<!tpu.dma_semaphore, #tpu.memory_space<semaphore_mem>>) src(%dma_wait3A_111 : memref<10000x128xbf16, #tpu.memory_space<hbm>>) dst(%dma_wait3A_105 : memref<128x128xbf16, #tpu.memory_space<vmem>>)
        %mul3A_112 = arith.constant 2 : i32
        %mul3A_113 = arith.muli %mul3A_80, %mul3A_112 : i32
        %add3A_114 = arith.constant 0 : i32
        %add3A_115 = arith.addi %mul3A_113, %add3A_114 : i32
        %dma_start3A_116 = arith.constant 0 : i32
        %dma_start3A_117 = arith.constant 0 : i32
        %dma_start3A_118 = arith.constant 0 : i32
        %dma_start3A_119 = tpu.memref_slice %arg8[%dma_start3A_116, %dma_start3A_117, %dma_start3A_118] : memref<4x128x128xbf16, #tpu.memory_space<vmem>> -> memref<1x128x128xbf16, #tpu.memory_space<vmem>>
        %dma_start3A_120 = tpu.memref_squeeze %dma_start3A_119 : memref<1x128x128xbf16, #tpu.memory_space<vmem>> -> memref<128x128xbf16, #tpu.memory_space<vmem>>
        %dma_start3A_121 = arith.constant 0 : i32
        %dma_start3A_122 = tpu.memref_slice %arg7[%add3A_115, %dma_start3A_121] : memref<128x128xi32, #tpu.memory_space<vmem>> -> memref<1x128xi32, #tpu.memory_space<vmem>>
        %dma_start3A_123 = tpu.memref_squeeze %dma_start3A_122 : memref<1x128xi32, #tpu.memory_space<vmem>> -> memref<128xi32, #tpu.memory_space<vmem>>
        %dma_start3A_124 = arith.constant 0 : i32
        %dma_start3A_125 = arith.constant 0 : i32
        %dma_start3A_126 = tpu.memref_slice %arg10[%dma_start3A_124, %dma_start3A_125] : memref<10240x128xbf16, #tpu.memory_space<vmem_shared>> -> memref<10240x128xbf16, #tpu.memory_space<vmem_shared>>
        tpu.enqueue_indirect_dma source(%dma_start3A_120 : memref<128x128xbf16, #tpu.memory_space<vmem>>) target(%dma_start3A_126 : memref<10240x128xbf16, #tpu.memory_space<vmem_shared>>) offsets(%dma_start3A_123 : memref<128xi32, #tpu.memory_space<vmem>>) semaphore(%arg13 : memref<!tpu.dma_semaphore, #tpu.memory_space<semaphore_mem>>) {add = true}
        %mul3A_127 = arith.constant 2 : i32
        %mul3A_128 = arith.muli %mul3A_80, %mul3A_127 : i32
        %add3A_129 = arith.constant 1 : i32
        %add3A_130 = arith.addi %mul3A_128, %add3A_129 : i32
        %dma_start3A_131 = arith.constant 1 : i32
        %dma_start3A_132 = arith.constant 0 : i32
        %dma_start3A_133 = arith.constant 0 : i32
        %dma_start3A_134 = tpu.memref_slice %arg8[%dma_start3A_131, %dma_start3A_132, %dma_start3A_133] : memref<4x128x128xbf16, #tpu.memory_space<vmem>> -> memref<1x128x128xbf16, #tpu.memory_space<vmem>>
        %dma_start3A_135 = tpu.memref_squeeze %dma_start3A_134 : memref<1x128x128xbf16, #tpu.memory_space<vmem>> -> memref<128x128xbf16, #tpu.memory_space<vmem>>
        %dma_start3A_136 = arith.constant 0 : i32
        %dma_start3A_137 = tpu.memref_slice %arg7[%add3A_130, %dma_start3A_136] : memref<128x128xi32, #tpu.memory_space<vmem>> -> memref<1x128xi32, #tpu.memory_space<vmem>>
        %dma_start3A_138 = tpu.memref_squeeze %dma_start3A_137 : memref<1x128xi32, #tpu.memory_space<vmem>> -> memref<128xi32, #tpu.memory_space<vmem>>
        %dma_start3A_139 = arith.constant 0 : i32
        %dma_start3A_140 = arith.constant 0 : i32
        %dma_start3A_141 = tpu.memref_slice %arg10[%dma_start3A_139, %dma_start3A_140] : memref<10240x128xbf16, #tpu.memory_space<vmem_shared>> -> memref<10240x128xbf16, #tpu.memory_space<vmem_shared>>
        tpu.enqueue_indirect_dma source(%dma_start3A_135 : memref<128x128xbf16, #tpu.memory_space<vmem>>) target(%dma_start3A_141 : memref<10240x128xbf16, #tpu.memory_space<vmem_shared>>) offsets(%dma_start3A_138 : memref<128xi32, #tpu.memory_space<vmem>>) semaphore(%arg13 : memref<!tpu.dma_semaphore, #tpu.memory_space<semaphore_mem>>) {add = true}
        %mul3A_142 = arith.constant 2 : i32
        %mul3A_143 = arith.muli %mul3A_80, %mul3A_142 : i32
        %add3A_144 = arith.constant 0 : i32
        %add3A_145 = arith.addi %mul3A_143, %add3A_144 : i32
        %dma_wait3A_146 = arith.constant 0 : i32
        %dma_wait3A_147 = arith.constant 0 : i32
        %dma_wait3A_148 = arith.constant 0 : i32
        %dma_wait3A_149 = tpu.memref_slice %arg8[%dma_wait3A_146, %dma_wait3A_147, %dma_wait3A_148] : memref<4x128x128xbf16, #tpu.memory_space<vmem>> -> memref<1x128x128xbf16, #tpu.memory_space<vmem>>
        %dma_wait3A_150 = tpu.memref_squeeze %dma_wait3A_149 : memref<1x128x128xbf16, #tpu.memory_space<vmem>> -> memref<128x128xbf16, #tpu.memory_space<vmem>>
        %dma_wait3A_151 = arith.constant 0 : i32
        %dma_wait3A_152 = tpu.memref_slice %arg7[%add3A_145, %dma_wait3A_151] : memref<128x128xi32, #tpu.memory_space<vmem>> -> memref<1x128xi32, #tpu.memory_space<vmem>>
        %dma_wait3A_153 = tpu.memref_squeeze %dma_wait3A_152 : memref<1x128xi32, #tpu.memory_space<vmem>> -> memref<128xi32, #tpu.memory_space<vmem>>
        %dma_wait3A_154 = arith.constant 0 : i32
        %dma_wait3A_155 = arith.constant 0 : i32
        %dma_wait3A_156 = tpu.memref_slice %arg10[%dma_wait3A_154, %dma_wait3A_155] : memref<10240x128xbf16, #tpu.memory_space<vmem_shared>> -> memref<10240x128xbf16, #tpu.memory_space<vmem_shared>>
        tpu.wait_indirect_dma semaphore(%arg13 : memref<!tpu.dma_semaphore, #tpu.memory_space<semaphore_mem>>) src(%dma_wait3A_150 : memref<128x128xbf16, #tpu.memory_space<vmem>>) dst(%dma_wait3A_156 : memref<10240x128xbf16, #tpu.memory_space<vmem_shared>>)
        %mul3A_157 = arith.constant 2 : i32
        %mul3A_158 = arith.muli %mul3A_80, %mul3A_157 : i32
        %add3A_159 = arith.constant 1 : i32
        %add3A_160 = arith.addi %mul3A_158, %add3A_159 : i32
        %dma_wait3A_161 = arith.constant 1 : i32
        %dma_wait3A_162 = arith.constant 0 : i32
        %dma_wait3A_163 = arith.constant 0 : i32
        %dma_wait3A_164 = tpu.memref_slice %arg8[%dma_wait3A_161, %dma_wait3A_162, %dma_wait3A_163] : memref<4x128x128xbf16, #tpu.memory_space<vmem>> -> memref<1x128x128xbf16, #tpu.memory_space<vmem>>
        %dma_wait3A_165 = tpu.memref_squeeze %dma_wait3A_164 : memref<1x128x128xbf16, #tpu.memory_space<vmem>> -> memref<128x128xbf16, #tpu.memory_space<vmem>>
        %dma_wait3A_166 = arith.constant 0 : i32
        %dma_wait3A_167 = tpu.memref_slice %arg7[%add3A_160, %dma_wait3A_166] : memref<128x128xi32, #tpu.memory_space<vmem>> -> memref<1x128xi32, #tpu.memory_space<vmem>>
        %dma_wait3A_168 = tpu.memref_squeeze %dma_wait3A_167 : memref<1x128xi32, #tpu.memory_space<vmem>> -> memref<128xi32, #tpu.memory_space<vmem>>
        %dma_wait3A_169 = arith.constant 0 : i32
        %dma_wait3A_170 = arith.constant 0 : i32
        %dma_wait3A_171 = tpu.memref_slice %arg10[%dma_wait3A_169, %dma_wait3A_170] : memref<10240x128xbf16, #tpu.memory_space<vmem_shared>> -> memref<10240x128xbf16, #tpu.memory_space<vmem_shared>>
        tpu.wait_indirect_dma semaphore(%arg13 : memref<!tpu.dma_semaphore, #tpu.memory_space<semaphore_mem>>) src(%dma_wait3A_165 : memref<128x128xbf16, #tpu.memory_space<vmem>>) dst(%dma_wait3A_171 : memref<10240x128xbf16, #tpu.memory_space<vmem_shared>>)
        %add3A_172 = arith.constant 1 : i32
        %add3A_173 = arith.addi %scan3A_78, %add3A_172 : i32
        %lt3A = arith.constant 8 : i32
        %lt3A_174 = arith.cmpi slt, %add3A_173, %lt3A : i32
        %convert_element_type3A_175 = arith.extui %lt3A_174 : i1 to i32
        %cond3A_176 = arith.constant 0 : i32
        %cond3A_177 = arith.cmpi ne, %convert_element_type3A_175, %cond3A_176 : i32
        scf.if %cond3A_177 {
          %add3A_275 = arith.constant 2 : i32
          %add3A_276 = arith.addi %mul3A_80, %add3A_275 : i32
          %mul3A_277 = arith.constant 2 : i32
          %mul3A_278 = arith.muli %add3A_276, %mul3A_277 : i32
          %add3A_279 = arith.constant 0 : i32
          %add3A_280 = arith.addi %mul3A_278, %add3A_279 : i32
          %dma_start3A_281 = arith.constant 0 : i32
          %dma_start3A_282 = arith.constant 0 : i32
          %dma_start3A_283 = arith.constant 0 : i32
          %dma_start3A_284 = tpu.memref_slice %arg8[%dma_start3A_281, %dma_start3A_282, %dma_start3A_283] : memref<4x128x128xbf16, #tpu.memory_space<vmem>> -> memref<1x128x128xbf16, #tpu.memory_space<vmem>>
          %dma_start3A_285 = tpu.memref_squeeze %dma_start3A_284 : memref<1x128x128xbf16, #tpu.memory_space<vmem>> -> memref<128x128xbf16, #tpu.memory_space<vmem>>
          %dma_start3A_286 = arith.constant 0 : i32
          %dma_start3A_287 = tpu.memref_slice %arg6[%add3A_280, %dma_start3A_286] : memref<128x128xi32, #tpu.memory_space<vmem>> -> memref<1x128xi32, #tpu.memory_space<vmem>>
          %dma_start3A_288 = tpu.memref_squeeze %dma_start3A_287 : memref<1x128xi32, #tpu.memory_space<vmem>> -> memref<128xi32, #tpu.memory_space<vmem>>
          %dma_start3A_289 = arith.constant 0 : i32
          %dma_start3A_290 = arith.constant 0 : i32
          %dma_start3A_291 = tpu.memref_slice %arg2[%dma_start3A_289, %dma_start3A_290] : memref<10000x128xbf16, #tpu.memory_space<hbm>> -> memref<10000x128xbf16, #tpu.memory_space<hbm>>
          tpu.enqueue_indirect_dma source(%dma_start3A_291 : memref<10000x128xbf16, #tpu.memory_space<hbm>>) target(%dma_start3A_285 : memref<128x128xbf16, #tpu.memory_space<vmem>>) offsets(%dma_start3A_288 : memref<128xi32, #tpu.memory_space<vmem>>) semaphore(%arg11 : memref<!tpu.dma_semaphore, #tpu.memory_space<semaphore_mem>>)
          %mul3A_292 = arith.constant 2 : i32
          %mul3A_293 = arith.muli %add3A_276, %mul3A_292 : i32
          %add3A_294 = arith.constant 1 : i32
          %add3A_295 = arith.addi %mul3A_293, %add3A_294 : i32
          %dma_start3A_296 = arith.constant 1 : i32
          %dma_start3A_297 = arith.constant 0 : i32
          %dma_start3A_298 = arith.constant 0 : i32
          %dma_start3A_299 = tpu.memref_slice %arg8[%dma_start3A_296, %dma_start3A_297, %dma_start3A_298] : memref<4x128x128xbf16, #tpu.memory_space<vmem>> -> memref<1x128x128xbf16, #tpu.memory_space<vmem>>
          %dma_start3A_300 = tpu.memref_squeeze %dma_start3A_299 : memref<1x128x128xbf16, #tpu.memory_space<vmem>> -> memref<128x128xbf16, #tpu.memory_space<vmem>>
          %dma_start3A_301 = arith.constant 0 : i32
          %dma_start3A_302 = tpu.memref_slice %arg6[%add3A_295, %dma_start3A_301] : memref<128x128xi32, #tpu.memory_space<vmem>> -> memref<1x128xi32, #tpu.memory_space<vmem>>
          %dma_start3A_303 = tpu.memref_squeeze %dma_start3A_302 : memref<1x128xi32, #tpu.memory_space<vmem>> -> memref<128xi32, #tpu.memory_space<vmem>>
          %dma_start3A_304 = arith.constant 0 : i32
          %dma_start3A_305 = arith.constant 0 : i32
          %dma_start3A_306 = tpu.memref_slice %arg2[%dma_start3A_304, %dma_start3A_305] : memref<10000x128xbf16, #tpu.memory_space<hbm>> -> memref<10000x128xbf16, #tpu.memory_space<hbm>>
          tpu.enqueue_indirect_dma source(%dma_start3A_306 : memref<10000x128xbf16, #tpu.memory_space<hbm>>) target(%dma_start3A_300 : memref<128x128xbf16, #tpu.memory_space<vmem>>) offsets(%dma_start3A_303 : memref<128xi32, #tpu.memory_space<vmem>>) semaphore(%arg11 : memref<!tpu.dma_semaphore, #tpu.memory_space<semaphore_mem>>)
        } else {
        }
        %mul3A_178 = arith.constant 2 : i32
        %mul3A_179 = arith.muli %add3A_82, %mul3A_178 : i32
        %add3A_180 = arith.constant 0 : i32
        %add3A_181 = arith.addi %mul3A_179, %add3A_180 : i32
        %dma_wait3A_182 = arith.constant 2 : i32
        %dma_wait3A_183 = arith.constant 0 : i32
        %dma_wait3A_184 = arith.constant 0 : i32
        %dma_wait3A_185 = tpu.memref_slice %arg8[%dma_wait3A_182, %dma_wait3A_183, %dma_wait3A_184] : memref<4x128x128xbf16, #tpu.memory_space<vmem>> -> memref<1x128x128xbf16, #tpu.memory_space<vmem>>
        %dma_wait3A_186 = tpu.memref_squeeze %dma_wait3A_185 : memref<1x128x128xbf16, #tpu.memory_space<vmem>> -> memref<128x128xbf16, #tpu.memory_space<vmem>>
        %dma_wait3A_187 = arith.constant 0 : i32
        %dma_wait3A_188 = tpu.memref_slice %arg6[%add3A_181, %dma_wait3A_187] : memref<128x128xi32, #tpu.memory_space<vmem>> -> memref<1x128xi32, #tpu.memory_space<vmem>>
        %dma_wait3A_189 = tpu.memref_squeeze %dma_wait3A_188 : memref<1x128xi32, #tpu.memory_space<vmem>> -> memref<128xi32, #tpu.memory_space<vmem>>
        %dma_wait3A_190 = arith.constant 0 : i32
        %dma_wait3A_191 = arith.constant 0 : i32
        %dma_wait3A_192 = tpu.memref_slice %arg2[%dma_wait3A_190, %dma_wait3A_191] : memref<10000x128xbf16, #tpu.memory_space<hbm>> -> memref<10000x128xbf16, #tpu.memory_space<hbm>>
        tpu.wait_indirect_dma semaphore(%arg12 : memref<!tpu.dma_semaphore, #tpu.memory_space<semaphore_mem>>) src(%dma_wait3A_192 : memref<10000x128xbf16, #tpu.memory_space<hbm>>) dst(%dma_wait3A_186 : memref<128x128xbf16, #tpu.memory_space<vmem>>)
        %mul3A_193 = arith.constant 2 : i32
        %mul3A_194 = arith.muli %add3A_82, %mul3A_193 : i32
        %add3A_195 = arith.constant 1 : i32
        %add3A_196 = arith.addi %mul3A_194, %add3A_195 : i32
        %dma_wait3A_197 = arith.constant 3 : i32
        %dma_wait3A_198 = arith.constant 0 : i32
        %dma_wait3A_199 = arith.constant 0 : i32
        %dma_wait3A_200 = tpu.memref_slice %arg8[%dma_wait3A_197, %dma_wait3A_198, %dma_wait3A_199] : memref<4x128x128xbf16, #tpu.memory_space<vmem>> -> memref<1x128x128xbf16, #tpu.memory_space<vmem>>
        %dma_wait3A_201 = tpu.memref_squeeze %dma_wait3A_200 : memref<1x128x128xbf16, #tpu.memory_space<vmem>> -> memref<128x128xbf16, #tpu.memory_space<vmem>>
        %dma_wait3A_202 = arith.constant 0 : i32
        %dma_wait3A_203 = tpu.memref_slice %arg6[%add3A_196, %dma_wait3A_202] : memref<128x128xi32, #tpu.memory_space<vmem>> -> memref<1x128xi32, #tpu.memory_space<vmem>>
        %dma_wait3A_204 = tpu.memref_squeeze %dma_wait3A_203 : memref<1x128xi32, #tpu.memory_space<vmem>> -> memref<128xi32, #tpu.memory_space<vmem>>
        %dma_wait3A_205 = arith.constant 0 : i32
        %dma_wait3A_206 = arith.constant 0 : i32
        %dma_wait3A_207 = tpu.memref_slice %arg2[%dma_wait3A_205, %dma_wait3A_206] : memref<10000x128xbf16, #tpu.memory_space<hbm>> -> memref<10000x128xbf16, #tpu.memory_space<hbm>>
        tpu.wait_indirect_dma semaphore(%arg12 : memref<!tpu.dma_semaphore, #tpu.memory_space<semaphore_mem>>) src(%dma_wait3A_207 : memref<10000x128xbf16, #tpu.memory_space<hbm>>) dst(%dma_wait3A_201 : memref<128x128xbf16, #tpu.memory_space<vmem>>)
        %mul3A_208 = arith.constant 2 : i32
        %mul3A_209 = arith.muli %add3A_82, %mul3A_208 : i32
        %add3A_210 = arith.constant 0 : i32
        %add3A_211 = arith.addi %mul3A_209, %add3A_210 : i32
        %dma_start3A_212 = arith.constant 2 : i32
        %dma_start3A_213 = arith.constant 0 : i32
        %dma_start3A_214 = arith.constant 0 : i32
        %dma_start3A_215 = tpu.memref_slice %arg8[%dma_start3A_212, %dma_start3A_213, %dma_start3A_214] : memref<4x128x128xbf16, #tpu.memory_space<vmem>> -> memref<1x128x128xbf16, #tpu.memory_space<vmem>>
        %dma_start3A_216 = tpu.memref_squeeze %dma_start3A_215 : memref<1x128x128xbf16, #tpu.memory_space<vmem>> -> memref<128x128xbf16, #tpu.memory_space<vmem>>
        %dma_start3A_217 = arith.constant 0 : i32
        %dma_start3A_218 = tpu.memref_slice %arg7[%add3A_211, %dma_start3A_217] : memref<128x128xi32, #tpu.memory_space<vmem>> -> memref<1x128xi32, #tpu.memory_space<vmem>>
        %dma_start3A_219 = tpu.memref_squeeze %dma_start3A_218 : memref<1x128xi32, #tpu.memory_space<vmem>> -> memref<128xi32, #tpu.memory_space<vmem>>
        %dma_start3A_220 = arith.constant 0 : i32
        %dma_start3A_221 = arith.constant 0 : i32
        %dma_start3A_222 = tpu.memref_slice %arg10[%dma_start3A_220, %dma_start3A_221] : memref<10240x128xbf16, #tpu.memory_space<vmem_shared>> -> memref<10240x128xbf16, #tpu.memory_space<vmem_shared>>
        tpu.enqueue_indirect_dma source(%dma_start3A_216 : memref<128x128xbf16, #tpu.memory_space<vmem>>) target(%dma_start3A_222 : memref<10240x128xbf16, #tpu.memory_space<vmem_shared>>) offsets(%dma_start3A_219 : memref<128xi32, #tpu.memory_space<vmem>>) semaphore(%arg14 : memref<!tpu.dma_semaphore, #tpu.memory_space<semaphore_mem>>) {add = true}
        %mul3A_223 = arith.constant 2 : i32
        %mul3A_224 = arith.muli %add3A_82, %mul3A_223 : i32
        %add3A_225 = arith.constant 1 : i32
        %add3A_226 = arith.addi %mul3A_224, %add3A_225 : i32
        %dma_start3A_227 = arith.constant 3 : i32
        %dma_start3A_228 = arith.constant 0 : i32
        %dma_start3A_229 = arith.constant 0 : i32
        %dma_start3A_230 = tpu.memref_slice %arg8[%dma_start3A_227, %dma_start3A_228, %dma_start3A_229] : memref<4x128x128xbf16, #tpu.memory_space<vmem>> -> memref<1x128x128xbf16, #tpu.memory_space<vmem>>
        %dma_start3A_231 = tpu.memref_squeeze %dma_start3A_230 : memref<1x128x128xbf16, #tpu.memory_space<vmem>> -> memref<128x128xbf16, #tpu.memory_space<vmem>>
        %dma_start3A_232 = arith.constant 0 : i32
        %dma_start3A_233 = tpu.memref_slice %arg7[%add3A_226, %dma_start3A_232] : memref<128x128xi32, #tpu.memory_space<vmem>> -> memref<1x128xi32, #tpu.memory_space<vmem>>
        %dma_start3A_234 = tpu.memref_squeeze %dma_start3A_233 : memref<1x128xi32, #tpu.memory_space<vmem>> -> memref<128xi32, #tpu.memory_space<vmem>>
        %dma_start3A_235 = arith.constant 0 : i32
        %dma_start3A_236 = arith.constant 0 : i32
        %dma_start3A_237 = tpu.memref_slice %arg10[%dma_start3A_235, %dma_start3A_236] : memref<10240x128xbf16, #tpu.memory_space<vmem_shared>> -> memref<10240x128xbf16, #tpu.memory_space<vmem_shared>>
        tpu.enqueue_indirect_dma source(%dma_start3A_231 : memref<128x128xbf16, #tpu.memory_space<vmem>>) target(%dma_start3A_237 : memref<10240x128xbf16, #tpu.memory_space<vmem_shared>>) offsets(%dma_start3A_234 : memref<128xi32, #tpu.memory_space<vmem>>) semaphore(%arg14 : memref<!tpu.dma_semaphore, #tpu.memory_space<semaphore_mem>>) {add = true}
        %mul3A_238 = arith.constant 2 : i32
        %mul3A_239 = arith.muli %add3A_82, %mul3A_238 : i32
        %add3A_240 = arith.constant 0 : i32
        %add3A_241 = arith.addi %mul3A_239, %add3A_240 : i32
        %dma_wait3A_242 = arith.constant 2 : i32
        %dma_wait3A_243 = arith.constant 0 : i32
        %dma_wait3A_244 = arith.constant 0 : i32
        %dma_wait3A_245 = tpu.memref_slice %arg8[%dma_wait3A_242, %dma_wait3A_243, %dma_wait3A_244] : memref<4x128x128xbf16, #tpu.memory_space<vmem>> -> memref<1x128x128xbf16, #tpu.memory_space<vmem>>
        %dma_wait3A_246 = tpu.memref_squeeze %dma_wait3A_245 : memref<1x128x128xbf16, #tpu.memory_space<vmem>> -> memref<128x128xbf16, #tpu.memory_space<vmem>>
        %dma_wait3A_247 = arith.constant 0 : i32
        %dma_wait3A_248 = tpu.memref_slice %arg7[%add3A_241, %dma_wait3A_247] : memref<128x128xi32, #tpu.memory_space<vmem>> -> memref<1x128xi32, #tpu.memory_space<vmem>>
        %dma_wait3A_249 = tpu.memref_squeeze %dma_wait3A_248 : memref<1x128xi32, #tpu.memory_space<vmem>> -> memref<128xi32, #tpu.memory_space<vmem>>
        %dma_wait3A_250 = arith.constant 0 : i32
        %dma_wait3A_251 = arith.constant 0 : i32
        %dma_wait3A_252 = tpu.memref_slice %arg10[%dma_wait3A_250, %dma_wait3A_251] : memref<10240x128xbf16, #tpu.memory_space<vmem_shared>> -> memref<10240x128xbf16, #tpu.memory_space<vmem_shared>>
        tpu.wait_indirect_dma semaphore(%arg14 : memref<!tpu.dma_semaphore, #tpu.memory_space<semaphore_mem>>) src(%dma_wait3A_246 : memref<128x128xbf16, #tpu.memory_space<vmem>>) dst(%dma_wait3A_252 : memref<10240x128xbf16, #tpu.memory_space<vmem_shared>>)
        %mul3A_253 = arith.constant 2 : i32
        %mul3A_254 = arith.muli %add3A_82, %mul3A_253 : i32
        %add3A_255 = arith.constant 1 : i32
        %add3A_256 = arith.addi %mul3A_254, %add3A_255 : i32
        %dma_wait3A_257 = arith.constant 3 : i32
        %dma_wait3A_258 = arith.constant 0 : i32
        %dma_wait3A_259 = arith.constant 0 : i32
        %dma_wait3A_260 = tpu.memref_slice %arg8[%dma_wait3A_257, %dma_wait3A_258, %dma_wait3A_259] : memref<4x128x128xbf16, #tpu.memory_space<vmem>> -> memref<1x128x128xbf16, #tpu.memory_space<vmem>>
        %dma_wait3A_261 = tpu.memref_squeeze %dma_wait3A_260 : memref<1x128x128xbf16, #tpu.memory_space<vmem>> -> memref<128x128xbf16, #tpu.memory_space<vmem>>
        %dma_wait3A_262 = arith.constant 0 : i32
        %dma_wait3A_263 = tpu.memref_slice %arg7[%add3A_256, %dma_wait3A_262] : memref<128x128xi32, #tpu.memory_space<vmem>> -> memref<1x128xi32, #tpu.memory_space<vmem>>
        %dma_wait3A_264 = tpu.memref_squeeze %dma_wait3A_263 : memref<1x128xi32, #tpu.memory_space<vmem>> -> memref<128xi32, #tpu.memory_space<vmem>>
        %dma_wait3A_265 = arith.constant 0 : i32
        %dma_wait3A_266 = arith.constant 0 : i32
        %dma_wait3A_267 = tpu.memref_slice %arg10[%dma_wait3A_265, %dma_wait3A_266] : memref<10240x128xbf16, #tpu.memory_space<vmem_shared>> -> memref<10240x128xbf16, #tpu.memory_space<vmem_shared>>
        tpu.wait_indirect_dma semaphore(%arg14 : memref<!tpu.dma_semaphore, #tpu.memory_space<semaphore_mem>>) src(%dma_wait3A_261 : memref<128x128xbf16, #tpu.memory_space<vmem>>) dst(%dma_wait3A_267 : memref<10240x128xbf16, #tpu.memory_space<vmem_shared>>)
        %add3A_268 = arith.constant 1 : i32
        %add3A_269 = arith.addi %scan3A_78, %add3A_268 : i32
        %lt3A_270 = arith.constant 8 : i32
        %lt3A_271 = arith.cmpi slt, %add3A_269, %lt3A_270 : i32
        %convert_element_type3A_272 = arith.extui %lt3A_271 : i1 to i32
        %cond3A_273 = arith.constant 0 : i32
        %cond3A_274 = arith.cmpi ne, %convert_element_type3A_272, %cond3A_273 : i32
        scf.if %cond3A_274 {
          %add3A_275 = arith.constant 2 : i32
          %add3A_276 = arith.addi %add3A_82, %add3A_275 : i32
          %mul3A_277 = arith.constant 2 : i32
          %mul3A_278 = arith.muli %add3A_276, %mul3A_277 : i32
          %add3A_279 = arith.constant 0 : i32
          %add3A_280 = arith.addi %mul3A_278, %add3A_279 : i32
          %dma_start3A_281 = arith.constant 2 : i32
          %dma_start3A_282 = arith.constant 0 : i32
          %dma_start3A_283 = arith.constant 0 : i32
          %dma_start3A_284 = tpu.memref_slice %arg8[%dma_start3A_281, %dma_start3A_282, %dma_start3A_283] : memref<4x128x128xbf16, #tpu.memory_space<vmem>> -> memref<1x128x128xbf16, #tpu.memory_space<vmem>>
          %dma_start3A_285 = tpu.memref_squeeze %dma_start3A_284 : memref<1x128x128xbf16, #tpu.memory_space<vmem>> -> memref<128x128xbf16, #tpu.memory_space<vmem>>
          %dma_start3A_286 = arith.constant 0 : i32
          %dma_start3A_287 = tpu.memref_slice %arg6[%add3A_280, %dma_start3A_286] : memref<128x128xi32, #tpu.memory_space<vmem>> -> memref<1x128xi32, #tpu.memory_space<vmem>>
          %dma_start3A_288 = tpu.memref_squeeze %dma_start3A_287 : memref<1x128xi32, #tpu.memory_space<vmem>> -> memref<128xi32, #tpu.memory_space<vmem>>
          %dma_start3A_289 = arith.constant 0 : i32
          %dma_start3A_290 = arith.constant 0 : i32
          %dma_start3A_291 = tpu.memref_slice %arg2[%dma_start3A_289, %dma_start3A_290] : memref<10000x128xbf16, #tpu.memory_space<hbm>> -> memref<10000x128xbf16, #tpu.memory_space<hbm>>
          tpu.enqueue_indirect_dma source(%dma_start3A_291 : memref<10000x128xbf16, #tpu.memory_space<hbm>>) target(%dma_start3A_285 : memref<128x128xbf16, #tpu.memory_space<vmem>>) offsets(%dma_start3A_288 : memref<128xi32, #tpu.memory_space<vmem>>) semaphore(%arg12 : memref<!tpu.dma_semaphore, #tpu.memory_space<semaphore_mem>>)
          %mul3A_292 = arith.constant 2 : i32
          %mul3A_293 = arith.muli %add3A_276, %mul3A_292 : i32
          %add3A_294 = arith.constant 1 : i32
          %add3A_295 = arith.addi %mul3A_293, %add3A_294 : i32
          %dma_start3A_296 = arith.constant 3 : i32
          %dma_start3A_297 = arith.constant 0 : i32
          %dma_start3A_298 = arith.constant 0 : i32
          %dma_start3A_299 = tpu.memref_slice %arg8[%dma_start3A_296, %dma_start3A_297, %dma_start3A_298] : memref<4x128x128xbf16, #tpu.memory_space<vmem>> -> memref<1x128x128xbf16, #tpu.memory_space<vmem>>
          %dma_start3A_300 = tpu.memref_squeeze %dma_start3A_299 : memref<1x128x128xbf16, #tpu.memory_space<vmem>> -> memref<128x128xbf16, #tpu.memory_space<vmem>>
          %dma_start3A_301 = arith.constant 0 : i32
          %dma_start3A_302 = tpu.memref_slice %arg6[%add3A_295, %dma_start3A_301] : memref<128x128xi32, #tpu.memory_space<vmem>> -> memref<1x128xi32, #tpu.memory_space<vmem>>
          %dma_start3A_303 = tpu.memref_squeeze %dma_start3A_302 : memref<1x128xi32, #tpu.memory_space<vmem>> -> memref<128xi32, #tpu.memory_space<vmem>>
          %dma_start3A_304 = arith.constant 0 : i32
          %dma_start3A_305 = arith.constant 0 : i32
          %dma_start3A_306 = tpu.memref_slice %arg2[%dma_start3A_304, %dma_start3A_305] : memref<10000x128xbf16, #tpu.memory_space<hbm>> -> memref<10000x128xbf16, #tpu.memory_space<hbm>>
          tpu.enqueue_indirect_dma source(%dma_start3A_306 : memref<10000x128xbf16, #tpu.memory_space<hbm>>) target(%dma_start3A_300 : memref<128x128xbf16, #tpu.memory_space<vmem>>) offsets(%dma_start3A_303 : memref<128xi32, #tpu.memory_space<vmem>>) semaphore(%arg12 : memref<!tpu.dma_semaphore, #tpu.memory_space<semaphore_mem>>)
        } else {
        }
      }
      %scan3A_77 = arith.constant 8 : i32
    } else {
    }
    %barrier3A_18 = arith.constant 0 : index
    tpu.barrier barrier_id(%barrier3A_18)
    %mul3A = arith.constant 640 : i32
    %mul3A_19 = arith.muli %arg1, %mul3A : i32
    %mul3A_20 = arith.constant 640 : i32
    %mul3A_21 = arith.muli %arg1, %mul3A_20 : i32
    "tpu.region"() ({
      %run_scoped3A = tpu.sem_alloc : memref<!tpu.dma_semaphore, #tpu.memory_space<semaphore_mem>>
      %dma_start3A = arith.constant 0 : i32
      %dma_start3A_22 = tpu.memref_slice %arg5[%arg0, %mul3A_21, %dma_start3A] : memref<2x10240x128xbf16, #tpu.memory_space<hbm>> -> memref<1x640x128xbf16, #tpu.memory_space<hbm>>
      %dma_start3A_23 = tpu.memref_squeeze %dma_start3A_22 : memref<1x640x128xbf16, #tpu.memory_space<hbm>> -> memref<640x128xbf16, #tpu.memory_space<hbm>>
      %dma_start3A_24 = arith.constant 0 : i32
      %dma_start3A_25 = tpu.memref_slice %arg10[%mul3A_19, %dma_start3A_24] : memref<10240x128xbf16, #tpu.memory_space<vmem_shared>> -> memref<640x128xbf16, #tpu.memory_space<vmem_shared>>
      tpu.enqueue_dma source(%dma_start3A_25 : memref<640x128xbf16, #tpu.memory_space<vmem_shared>>) target(%dma_start3A_23 : memref<640x128xbf16, #tpu.memory_space<hbm>>) target_semaphore(%run_scoped3A : memref<!tpu.dma_semaphore, #tpu.memory_space<semaphore_mem>>)
      %dma_wait3A = arith.constant 0 : i32
      %dma_wait3A_26 = tpu.memref_slice %arg5[%arg0, %mul3A_21, %dma_wait3A] : memref<2x10240x128xbf16, #tpu.memory_space<hbm>> -> memref<1x640x128xbf16, #tpu.memory_space<hbm>>
      %dma_wait3A_27 = tpu.memref_squeeze %dma_wait3A_26 : memref<1x640x128xbf16, #tpu.memory_space<hbm>> -> memref<640x128xbf16, #tpu.memory_space<hbm>>
      %dma_wait3A_28 = arith.constant 0 : i32
      %dma_wait3A_29 = tpu.memref_slice %arg10[%mul3A_19, %dma_wait3A_28] : memref<10240x128xbf16, #tpu.memory_space<vmem_shared>> -> memref<640x128xbf16, #tpu.memory_space<vmem_shared>>
      tpu.wait_dma2 semaphore(%run_scoped3A : memref<!tpu.dma_semaphore, #tpu.memory_space<semaphore_mem>>) src(%dma_wait3A_29 : memref<640x128xbf16, #tpu.memory_space<vmem_shared>>) dst(%dma_wait3A_27 : memref<640x128xbf16, #tpu.memory_space<hbm>>)
      tpu.yield
    }) : () -> ()
    return
  }
}

#map = affine_map<(d0, d1) -> (0, 0)>
#map1 = affine_map<(d0, d1) -> (0, 0, 0)>
module attributes {stable_mosaic.version = 14 : i64} {
  func.func @body(%arg0: i32, %arg1: i32, %arg2: memref<10000x16xf32, #tpu.memory_space<hbm>>, %arg3: memref<2560x128xi32, #tpu.memory_space<hbm>>, %arg4: memref<2560x128xi32, #tpu.memory_space<hbm>>, %arg5: memref<2x10240x16xf32, #tpu.memory_space<hbm>>, %arg6: memref<96x128xi32, #tpu.memory_space<vmem>>, %arg7: memref<96x128xi32, #tpu.memory_space<vmem>>, %arg8: memref<4x128x16xf32, #tpu.memory_space<vmem>>, %arg9: memref<64x16xf32, #tpu.memory_space<vmem>>, %arg10: memref<10240x16xf32, #tpu.memory_space<vmem_shared>>, %arg11: memref<!tpu.dma_semaphore, #tpu.memory_space<semaphore_mem>>, %arg12: memref<!tpu.dma_semaphore, #tpu.memory_space<semaphore_mem>>, %arg13: memref<!tpu.dma_semaphore, #tpu.memory_space<semaphore_mem>>, %arg14: memref<!tpu.dma_semaphore, #tpu.memory_space<semaphore_mem>>) attributes {dimension_semantics = [#tpu.dimension_semantics<core_parallel>, #tpu.dimension_semantics<subcore_parallel>], iteration_bounds = array<i64: 2, 16>, scalar_prefetch = 0 : i64, scratch_operands = 9 : i64, tpu.core_type = #tpu.core_type<sc_vector_subcore>, window_params = [{transform_indices = #map}, {transform_indices = #map}, {transform_indices = #map}, {transform_indices = #map1}]} {
    %scan3A = arith.constant 0 : i32
    %scan3A_0 = arith.constant 0 : i32
    %scan3A_1 = arith.constant 64 : i32
    %scan3A_2 = arith.addi %scan3A_0, %scan3A_1 : i32
    %scan3A_3 = arith.constant 1 : i32
    scf.for %scan3A_22 = %scan3A_0 to %scan3A_2 step %scan3A_3  : i32 {
      %jit3A = arith.constant 1 : i32
      %div3A = arith.divsi %scan3A_22, %jit3A : i32
      %sign3A = arith.constant 0 : i32
      %sign3A_23 = arith.cmpi sgt, %scan3A_22, %sign3A : i32
      %sign3A_24 = arith.extui %sign3A_23 : i1 to i32
      %sign3A_25 = arith.constant 0 : i32
      %sign3A_26 = arith.cmpi slt, %scan3A_22, %sign3A_25 : i32
      %sign3A_27 = arith.extui %sign3A_26 : i1 to i32
      %sign3A_28 = arith.subi %sign3A_24, %sign3A_27 : i32
      %sign3A_29 = arith.constant 0 : i32
      %sign3A_30 = arith.cmpi sgt, %jit3A, %sign3A_29 : i32
      %sign3A_31 = arith.extui %sign3A_30 : i1 to i32
      %sign3A_32 = arith.constant 0 : i32
      %sign3A_33 = arith.cmpi slt, %jit3A, %sign3A_32 : i32
      %sign3A_34 = arith.extui %sign3A_33 : i1 to i32
      %sign3A_35 = arith.subi %sign3A_31, %sign3A_34 : i32
      %ne3A = arith.cmpi ne, %sign3A_28, %sign3A_35 : i32
      %rem3A = arith.remsi %scan3A_22, %jit3A : i32
      %ne3A_36 = arith.constant 0 : i32
      %ne3A_37 = arith.cmpi ne, %rem3A, %ne3A_36 : i32
      %and3A = arith.andi %ne3A, %ne3A_37 : i1
      %sub3A = arith.constant 1 : i32
      %sub3A_38 = arith.subi %div3A, %sub3A : i32
      %select_n3A = arith.select %and3A, %sub3A_38, %div3A : i32
      %jit3A_39 = arith.constant 1 : i32
      %eq3A_40 = arith.constant 0 : i32
      %eq3A_41 = arith.cmpi eq, %jit3A_39, %eq3A_40 : i32
      %jit3A_42 = arith.constant 1 : i32
      %select_n3A_43 = arith.select %eq3A_41, %jit3A_42, %jit3A_39 : i32
      %rem3A_44 = arith.remsi %scan3A_22, %select_n3A_43 : i32
      %ne3A_45 = arith.constant 0 : i32
      %ne3A_46 = arith.cmpi ne, %rem3A_44, %ne3A_45 : i32
      %lt3A = arith.constant 0 : i32
      %lt3A_47 = arith.cmpi slt, %rem3A_44, %lt3A : i32
      %lt3A_48 = arith.constant 0 : i32
      %lt3A_49 = arith.cmpi slt, %select_n3A_43, %lt3A_48 : i32
      %ne3A_50 = arith.xori %lt3A_47, %lt3A_49 : i1
      %and3A_51 = arith.andi %ne3A_50, %ne3A_46 : i1
      %add3A = arith.addi %rem3A_44, %select_n3A_43 : i32
      %select_n3A_52 = arith.select %and3A_51, %add3A, %rem3A_44 : i32
      %mul3A_53 = arith.constant 16 : i32
      %mul3A_54 = arith.muli %select_n3A_52, %mul3A_53 : i32
      %broadcast_in_dim3A = arith.constant 0.000000e+00 : f32
      %broadcast_in_dim3A_55 = vector.broadcast %broadcast_in_dim3A : f32 to vector<16xf32>
      %swap3A = arith.index_cast %select_n3A : i32 to index
      %swap3A_56 = arith.index_cast %mul3A_54 : i32 to index
      %swap3A_57 = tpu.vector_load %arg9[%swap3A, %swap3A_56] {strides = array<i32>} : memref<64x16xf32, #tpu.memory_space<vmem>>, vector<1x16xf32>,
      %swap3A_58 = vector.shape_cast %swap3A_57 : vector<1x16xf32> to vector<16xf32>
      %swap3A_59 = vector.shape_cast %broadcast_in_dim3A_55 : vector<16xf32> to vector<1x16xf32>
      tpu.vector_store %arg9[%swap3A, %swap3A_56], %swap3A_59 {strides = array<i32>} : memref<64x16xf32, #tpu.memory_space<vmem>>, vector<1x16xf32>,
    }
    %scan3A_4 = arith.constant 64 : i32
    %scan3A_5 = arith.constant 0 : i32
    %scan3A_6 = arith.constant 0 : i32
    %scan3A_7 = arith.constant 10 : i32
    %scan3A_8 = arith.addi %scan3A_6, %scan3A_7 : i32
    %scan3A_9 = arith.constant 1 : i32
    scf.for %scan3A_22 = %scan3A_6 to %scan3A_8 step %scan3A_9  : i32 {
      %mul3A_23 = arith.constant 640 : i32
      %mul3A_24 = arith.muli %arg1, %mul3A_23 : i32
      %mul3A_25 = arith.constant 64 : i32
      %mul3A_26 = arith.muli %scan3A_22, %mul3A_25 : i32
      %add3A = arith.addi %mul3A_24, %mul3A_26 : i32
      "tpu.region"() ({
        %run_scoped3A = tpu.sem_alloc : memref<!tpu.dma_semaphore, #tpu.memory_space<semaphore_mem>>
        %dma_start3A = arith.constant 0 : i32
        %dma_start3A_27 = tpu.memref_slice %arg10[%add3A, %dma_start3A] : memref<10240x16xf32, #tpu.memory_space<vmem_shared>> -> memref<64x16xf32, #tpu.memory_space<vmem_shared>>
        %dma_start3A_28 = arith.constant 0 : i32
        %dma_start3A_29 = tpu.memref_slice %arg10[%add3A, %dma_start3A_28] : memref<10240x16xf32, #tpu.memory_space<vmem_shared>> -> memref<64x16xf32, #tpu.memory_space<vmem_shared>>
        tpu.enqueue_dma source(%arg9 : memref<64x16xf32, #tpu.memory_space<vmem>>) target(%dma_start3A_29 : memref<64x16xf32, #tpu.memory_space<vmem_shared>>) target_semaphore(%run_scoped3A : memref<!tpu.dma_semaphore, #tpu.memory_space<semaphore_mem>>)
        %dma_wait3A = arith.constant 0 : i32
        %dma_wait3A_30 = tpu.memref_slice %arg10[%add3A, %dma_wait3A] : memref<10240x16xf32, #tpu.memory_space<vmem_shared>> -> memref<64x16xf32, #tpu.memory_space<vmem_shared>>
        %dma_wait3A_31 = arith.constant 0 : i32
        %dma_wait3A_32 = tpu.memref_slice %arg10[%add3A, %dma_wait3A_31] : memref<10240x16xf32, #tpu.memory_space<vmem_shared>> -> memref<64x16xf32, #tpu.memory_space<vmem_shared>>
        tpu.wait_dma2 semaphore(%run_scoped3A : memref<!tpu.dma_semaphore, #tpu.memory_space<semaphore_mem>>) src(%arg9 : memref<64x16xf32, #tpu.memory_space<vmem>>) dst(%dma_wait3A_32 : memref<64x16xf32, #tpu.memory_space<vmem_shared>>)
        tpu.yield
      }) : () -> ()
    }
    %scan3A_10 = arith.constant 10 : i32
    %barrier3A = arith.constant 0 : index
    tpu.barrier barrier_id(%barrier3A)
    %eq3A = arith.constant 0 : i32
    %eq3A_11 = arith.cmpi eq, %arg0, %eq3A : i32
    %convert_element_type3A = arith.extui %eq3A_11 : i1 to i32
    %cond3A = arith.constant 0 : i32
    %cond3A_12 = arith.cmpi ne, %convert_element_type3A, %cond3A : i32
    scf.if %cond3A_12 {
      %mul3A_22 = arith.constant 96 : i32
      %mul3A_23 = arith.muli %arg1, %mul3A_22 : i32
      "tpu.region"() ({
        %run_scoped3A = tpu.sem_alloc : memref<!tpu.dma_semaphore, #tpu.memory_space<semaphore_mem>>
        %dma_start3A_77 = arith.constant 0 : i32
        %dma_start3A_78 = arith.constant 0 : i32
        %dma_start3A_79 = tpu.memref_slice %arg6[%dma_start3A_77, %dma_start3A_78] : memref<96x128xi32, #tpu.memory_space<vmem>> -> memref<96x128xi32, #tpu.memory_space<vmem>>
        %dma_start3A_80 = arith.constant 0 : i32
        %dma_start3A_81 = tpu.memref_slice %arg3[%mul3A_23, %dma_start3A_80] : memref<2560x128xi32, #tpu.memory_space<hbm>> -> memref<96x128xi32, #tpu.memory_space<hbm>>
        %dma_start3A_82 = arith.constant 0 : i32
        %dma_start3A_83 = arith.constant 0 : i32
        %dma_start3A_84 = tpu.memref_slice %arg6[%dma_start3A_82, %dma_start3A_83] : memref<96x128xi32, #tpu.memory_space<vmem>> -> memref<96x128xi32, #tpu.memory_space<vmem>>
        %dma_start3A_85 = arith.constant 0 : i32
        %dma_start3A_86 = tpu.memref_slice %arg3[%mul3A_23, %dma_start3A_85] : memref<2560x128xi32, #tpu.memory_space<hbm>> -> memref<96x128xi32, #tpu.memory_space<hbm>>
        tpu.enqueue_dma source(%dma_start3A_86 : memref<96x128xi32, #tpu.memory_space<hbm>>) target(%dma_start3A_84 : memref<96x128xi32, #tpu.memory_space<vmem>>) target_semaphore(%run_scoped3A : memref<!tpu.dma_semaphore, #tpu.memory_space<semaphore_mem>>)
        %dma_wait3A = arith.constant 0 : i32
        %dma_wait3A_87 = arith.constant 0 : i32
        %dma_wait3A_88 = tpu.memref_slice %arg6[%dma_wait3A, %dma_wait3A_87] : memref<96x128xi32, #tpu.memory_space<vmem>> -> memref<96x128xi32, #tpu.memory_space<vmem>>
        %dma_wait3A_89 = arith.constant 0 : i32
        %dma_wait3A_90 = tpu.memref_slice %arg3[%mul3A_23, %dma_wait3A_89] : memref<2560x128xi32, #tpu.memory_space<hbm>> -> memref<96x128xi32, #tpu.memory_space<hbm>>
        %dma_wait3A_91 = arith.constant 0 : i32
        %dma_wait3A_92 = arith.constant 0 : i32
        %dma_wait3A_93 = tpu.memref_slice %arg6[%dma_wait3A_91, %dma_wait3A_92] : memref<96x128xi32, #tpu.memory_space<vmem>> -> memref<96x128xi32, #tpu.memory_space<vmem>>
        %dma_wait3A_94 = arith.constant 0 : i32
        %dma_wait3A_95 = tpu.memref_slice %arg3[%mul3A_23, %dma_wait3A_94] : memref<2560x128xi32, #tpu.memory_space<hbm>> -> memref<96x128xi32, #tpu.memory_space<hbm>>
        tpu.wait_dma2 semaphore(%run_scoped3A : memref<!tpu.dma_semaphore, #tpu.memory_space<semaphore_mem>>) src(%dma_wait3A_95 : memref<96x128xi32, #tpu.memory_space<hbm>>) dst(%dma_wait3A_93 : memref<96x128xi32, #tpu.memory_space<vmem>>)
        tpu.yield
      }) : () -> ()
      "tpu.region"() ({
        %run_scoped3A = tpu.sem_alloc : memref<!tpu.dma_semaphore, #tpu.memory_space<semaphore_mem>>
        %dma_start3A_77 = arith.constant 0 : i32
        %dma_start3A_78 = arith.constant 0 : i32
        %dma_start3A_79 = tpu.memref_slice %arg7[%dma_start3A_77, %dma_start3A_78] : memref<96x128xi32, #tpu.memory_space<vmem>> -> memref<96x128xi32, #tpu.memory_space<vmem>>
        %dma_start3A_80 = arith.constant 0 : i32
        %dma_start3A_81 = tpu.memref_slice %arg4[%mul3A_23, %dma_start3A_80] : memref<2560x128xi32, #tpu.memory_space<hbm>> -> memref<96x128xi32, #tpu.memory_space<hbm>>
        %dma_start3A_82 = arith.constant 0 : i32
        %dma_start3A_83 = arith.constant 0 : i32
        %dma_start3A_84 = tpu.memref_slice %arg7[%dma_start3A_82, %dma_start3A_83] : memref<96x128xi32, #tpu.memory_space<vmem>> -> memref<96x128xi32, #tpu.memory_space<vmem>>
        %dma_start3A_85 = arith.constant 0 : i32
        %dma_start3A_86 = tpu.memref_slice %arg4[%mul3A_23, %dma_start3A_85] : memref<2560x128xi32, #tpu.memory_space<hbm>> -> memref<96x128xi32, #tpu.memory_space<hbm>>
        tpu.enqueue_dma source(%dma_start3A_86 : memref<96x128xi32, #tpu.memory_space<hbm>>) target(%dma_start3A_84 : memref<96x128xi32, #tpu.memory_space<vmem>>) target_semaphore(%run_scoped3A : memref<!tpu.dma_semaphore, #tpu.memory_space<semaphore_mem>>)
        %dma_wait3A = arith.constant 0 : i32
        %dma_wait3A_87 = arith.constant 0 : i32
        %dma_wait3A_88 = tpu.memref_slice %arg7[%dma_wait3A, %dma_wait3A_87] : memref<96x128xi32, #tpu.memory_space<vmem>> -> memref<96x128xi32, #tpu.memory_space<vmem>>
        %dma_wait3A_89 = arith.constant 0 : i32
        %dma_wait3A_90 = tpu.memref_slice %arg4[%mul3A_23, %dma_wait3A_89] : memref<2560x128xi32, #tpu.memory_space<hbm>> -> memref<96x128xi32, #tpu.memory_space<hbm>>
        %dma_wait3A_91 = arith.constant 0 : i32
        %dma_wait3A_92 = arith.constant 0 : i32
        %dma_wait3A_93 = tpu.memref_slice %arg7[%dma_wait3A_91, %dma_wait3A_92] : memref<96x128xi32, #tpu.memory_space<vmem>> -> memref<96x128xi32, #tpu.memory_space<vmem>>
        %dma_wait3A_94 = arith.constant 0 : i32
        %dma_wait3A_95 = tpu.memref_slice %arg4[%mul3A_23, %dma_wait3A_94] : memref<2560x128xi32, #tpu.memory_space<hbm>> -> memref<96x128xi32, #tpu.memory_space<hbm>>
        tpu.wait_dma2 semaphore(%run_scoped3A : memref<!tpu.dma_semaphore, #tpu.memory_space<semaphore_mem>>) src(%dma_wait3A_95 : memref<96x128xi32, #tpu.memory_space<hbm>>) dst(%dma_wait3A_93 : memref<96x128xi32, #tpu.memory_space<vmem>>)
        tpu.yield
      }) : () -> ()
      %dma_start3A = arith.constant 0 : i32
      %dma_start3A_24 = arith.constant 0 : i32
      %dma_start3A_25 = arith.constant 0 : i32
      %dma_start3A_26 = arith.constant 0 : i32
      %dma_start3A_27 = tpu.memref_slice %arg8[%dma_start3A_24, %dma_start3A_25, %dma_start3A_26] : memref<4x128x16xf32, #tpu.memory_space<vmem>> -> memref<1x128x16xf32, #tpu.memory_space<vmem>>
      %dma_start3A_28 = tpu.memref_squeeze %dma_start3A_27 : memref<1x128x16xf32, #tpu.memory_space<vmem>> -> memref<128x16xf32, #tpu.memory_space<vmem>>
      %dma_start3A_29 = arith.constant 0 : i32
      %dma_start3A_30 = tpu.memref_slice %arg6[%dma_start3A, %dma_start3A_29] : memref<96x128xi32, #tpu.memory_space<vmem>> -> memref<1x128xi32, #tpu.memory_space<vmem>>
      %dma_start3A_31 = tpu.memref_squeeze %dma_start3A_30 : memref<1x128xi32, #tpu.memory_space<vmem>> -> memref<128xi32, #tpu.memory_space<vmem>>
      %dma_start3A_32 = arith.constant 0 : i32
      %dma_start3A_33 = arith.constant 0 : i32
      %dma_start3A_34 = tpu.memref_slice %arg2[%dma_start3A_32, %dma_start3A_33] : memref<10000x16xf32, #tpu.memory_space<hbm>> -> memref<10000x16xf32, #tpu.memory_space<hbm>>
      tpu.enqueue_indirect_dma source(%dma_start3A_34 : memref<10000x16xf32, #tpu.memory_space<hbm>>) target(%dma_start3A_28 : memref<128x16xf32, #tpu.memory_space<vmem>>) offsets(%dma_start3A_31 : memref<128xi32, #tpu.memory_space<vmem>>) semaphore(%arg11 : memref<!tpu.dma_semaphore, #tpu.memory_space<semaphore_mem>>)
      %dma_start3A_35 = arith.constant 1 : i32
      %dma_start3A_36 = arith.constant 1 : i32
      %dma_start3A_37 = arith.constant 0 : i32
      %dma_start3A_38 = arith.constant 0 : i32
      %dma_start3A_39 = tpu.memref_slice %arg8[%dma_start3A_36, %dma_start3A_37, %dma_start3A_38] : memref<4x128x16xf32, #tpu.memory_space<vmem>> -> memref<1x128x16xf32, #tpu.memory_space<vmem>>
      %dma_start3A_40 = tpu.memref_squeeze %dma_start3A_39 : memref<1x128x16xf32, #tpu.memory_space<vmem>> -> memref<128x16xf32, #tpu.memory_space<vmem>>
      %dma_start3A_41 = arith.constant 0 : i32
      %dma_start3A_42 = tpu.memref_slice %arg6[%dma_start3A_35, %dma_start3A_41] : memref<96x128xi32, #tpu.memory_space<vmem>> -> memref<1x128xi32, #tpu.memory_space<vmem>>
      %dma_start3A_43 = tpu.memref_squeeze %dma_start3A_42 : memref<1x128xi32, #tpu.memory_space<vmem>> -> memref<128xi32, #tpu.memory_space<vmem>>
      %dma_start3A_44 = arith.constant 0 : i32
      %dma_start3A_45 = arith.constant 0 : i32
      %dma_start3A_46 = tpu.memref_slice %arg2[%dma_start3A_44, %dma_start3A_45] : memref<10000x16xf32, #tpu.memory_space<hbm>> -> memref<10000x16xf32, #tpu.memory_space<hbm>>
      tpu.enqueue_indirect_dma source(%dma_start3A_46 : memref<10000x16xf32, #tpu.memory_space<hbm>>) target(%dma_start3A_40 : memref<128x16xf32, #tpu.memory_space<vmem>>) offsets(%dma_start3A_43 : memref<128xi32, #tpu.memory_space<vmem>>) semaphore(%arg11 : memref<!tpu.dma_semaphore, #tpu.memory_space<semaphore_mem>>)
      %dma_start3A_47 = arith.constant 2 : i32
      %dma_start3A_48 = arith.constant 2 : i32
      %dma_start3A_49 = arith.constant 0 : i32
      %dma_start3A_50 = arith.constant 0 : i32
      %dma_start3A_51 = tpu.memref_slice %arg8[%dma_start3A_48, %dma_start3A_49, %dma_start3A_50] : memref<4x128x16xf32, #tpu.memory_space<vmem>> -> memref<1x128x16xf32, #tpu.memory_space<vmem>>
      %dma_start3A_52 = tpu.memref_squeeze %dma_start3A_51 : memref<1x128x16xf32, #tpu.memory_space<vmem>> -> memref<128x16xf32, #tpu.memory_space<vmem>>
      %dma_start3A_53 = arith.constant 0 : i32
      %dma_start3A_54 = tpu.memref_slice %arg6[%dma_start3A_47, %dma_start3A_53] : memref<96x128xi32, #tpu.memory_space<vmem>> -> memref<1x128xi32, #tpu.memory_space<vmem>>
      %dma_start3A_55 = tpu.memref_squeeze %dma_start3A_54 : memref<1x128xi32, #tpu.memory_space<vmem>> -> memref<128xi32, #tpu.memory_space<vmem>>
      %dma_start3A_56 = arith.constant 0 : i32
      %dma_start3A_57 = arith.constant 0 : i32
      %dma_start3A_58 = tpu.memref_slice %arg2[%dma_start3A_56, %dma_start3A_57] : memref<10000x16xf32, #tpu.memory_space<hbm>> -> memref<10000x16xf32, #tpu.memory_space<hbm>>
      tpu.enqueue_indirect_dma source(%dma_start3A_58 : memref<10000x16xf32, #tpu.memory_space<hbm>>) target(%dma_start3A_52 : memref<128x16xf32, #tpu.memory_space<vmem>>) offsets(%dma_start3A_55 : memref<128xi32, #tpu.memory_space<vmem>>) semaphore(%arg12 : memref<!tpu.dma_semaphore, #tpu.memory_space<semaphore_mem>>)
      %dma_start3A_59 = arith.constant 3 : i32
      %dma_start3A_60 = arith.constant 3 : i32
      %dma_start3A_61 = arith.constant 0 : i32
      %dma_start3A_62 = arith.constant 0 : i32
      %dma_start3A_63 = tpu.memref_slice %arg8[%dma_start3A_60, %dma_start3A_61, %dma_start3A_62] : memref<4x128x16xf32, #tpu.memory_space<vmem>> -> memref<1x128x16xf32, #tpu.memory_space<vmem>>
      %dma_start3A_64 = tpu.memref_squeeze %dma_start3A_63 : memref<1x128x16xf32, #tpu.memory_space<vmem>> -> memref<128x16xf32, #tpu.memory_space<vmem>>
      %dma_start3A_65 = arith.constant 0 : i32
      %dma_start3A_66 = tpu.memref_slice %arg6[%dma_start3A_59, %dma_start3A_65] : memref<96x128xi32, #tpu.memory_space<vmem>> -> memref<1x128xi32, #tpu.memory_space<vmem>>
      %dma_start3A_67 = tpu.memref_squeeze %dma_start3A_66 : memref<1x128xi32, #tpu.memory_space<vmem>> -> memref<128xi32, #tpu.memory_space<vmem>>
      %dma_start3A_68 = arith.constant 0 : i32
      %dma_start3A_69 = arith.constant 0 : i32
      %dma_start3A_70 = tpu.memref_slice %arg2[%dma_start3A_68, %dma_start3A_69] : memref<10000x16xf32, #tpu.memory_space<hbm>> -> memref<10000x16xf32, #tpu.memory_space<hbm>>
      tpu.enqueue_indirect_dma source(%dma_start3A_70 : memref<10000x16xf32, #tpu.memory_space<hbm>>) target(%dma_start3A_64 : memref<128x16xf32, #tpu.memory_space<vmem>>) offsets(%dma_start3A_67 : memref<128xi32, #tpu.memory_space<vmem>>) semaphore(%arg12 : memref<!tpu.dma_semaphore, #tpu.memory_space<semaphore_mem>>)
      %scan3A_71 = arith.constant 0 : i32
      %scan3A_72 = arith.constant 0 : i32
      %scan3A_73 = arith.constant 24 : i32
      %scan3A_74 = arith.addi %scan3A_72, %scan3A_73 : i32
      %scan3A_75 = arith.constant 1 : i32
      scf.for %scan3A_77 = %scan3A_72 to %scan3A_74 step %scan3A_75  : i32 {
        %mul3A_78 = arith.constant 2 : i32
        %mul3A_79 = arith.muli %mul3A_78, %scan3A_77 : i32
        %add3A = arith.constant 1 : i32
        %add3A_80 = arith.addi %mul3A_79, %add3A : i32
        %mul3A_81 = arith.constant 2 : i32
        %mul3A_82 = arith.muli %mul3A_79, %mul3A_81 : i32
        %add3A_83 = arith.constant 0 : i32
        %add3A_84 = arith.addi %mul3A_82, %add3A_83 : i32
        %dma_wait3A = arith.constant 0 : i32
        %dma_wait3A_85 = arith.constant 0 : i32
        %dma_wait3A_86 = arith.constant 0 : i32
        %dma_wait3A_87 = tpu.memref_slice %arg8[%dma_wait3A, %dma_wait3A_85, %dma_wait3A_86] : memref<4x128x16xf32, #tpu.memory_space<vmem>> -> memref<1x128x16xf32, #tpu.memory_space<vmem>>
        %dma_wait3A_88 = tpu.memref_squeeze %dma_wait3A_87 : memref<1x128x16xf32, #tpu.memory_space<vmem>> -> memref<128x16xf32, #tpu.memory_space<vmem>>
        %dma_wait3A_89 = arith.constant 0 : i32
        %dma_wait3A_90 = tpu.memref_slice %arg6[%add3A_84, %dma_wait3A_89] : memref<96x128xi32, #tpu.memory_space<vmem>> -> memref<1x128xi32, #tpu.memory_space<vmem>>
        %dma_wait3A_91 = tpu.memref_squeeze %dma_wait3A_90 : memref<1x128xi32, #tpu.memory_space<vmem>> -> memref<128xi32, #tpu.memory_space<vmem>>
        %dma_wait3A_92 = arith.constant 0 : i32
        %dma_wait3A_93 = arith.constant 0 : i32
        %dma_wait3A_94 = tpu.memref_slice %arg2[%dma_wait3A_92, %dma_wait3A_93] : memref<10000x16xf32, #tpu.memory_space<hbm>> -> memref<10000x16xf32, #tpu.memory_space<hbm>>
        tpu.wait_indirect_dma semaphore(%arg11 : memref<!tpu.dma_semaphore, #tpu.memory_space<semaphore_mem>>) src(%dma_wait3A_94 : memref<10000x16xf32, #tpu.memory_space<hbm>>) dst(%dma_wait3A_88 : memref<128x16xf32, #tpu.memory_space<vmem>>)
        %mul3A_95 = arith.constant 2 : i32
        %mul3A_96 = arith.muli %mul3A_79, %mul3A_95 : i32
        %add3A_97 = arith.constant 1 : i32
        %add3A_98 = arith.addi %mul3A_96, %add3A_97 : i32
        %dma_wait3A_99 = arith.constant 1 : i32
        %dma_wait3A_100 = arith.constant 0 : i32
        %dma_wait3A_101 = arith.constant 0 : i32
        %dma_wait3A_102 = tpu.memref_slice %arg8[%dma_wait3A_99, %dma_wait3A_100, %dma_wait3A_101] : memref<4x128x16xf32, #tpu.memory_space<vmem>> -> memref<1x128x16xf32, #tpu.memory_space<vmem>>
        %dma_wait3A_103 = tpu.memref_squeeze %dma_wait3A_102 : memref<1x128x16xf32, #tpu.memory_space<vmem>> -> memref<128x16xf32, #tpu.memory_space<vmem>>
        %dma_wait3A_104 = arith.constant 0 : i32
        %dma_wait3A_105 = tpu.memref_slice %arg6[%add3A_98, %dma_wait3A_104] : memref<96x128xi32, #tpu.memory_space<vmem>> -> memref<1x128xi32, #tpu.memory_space<vmem>>
        %dma_wait3A_106 = tpu.memref_squeeze %dma_wait3A_105 : memref<1x128xi32, #tpu.memory_space<vmem>> -> memref<128xi32, #tpu.memory_space<vmem>>
        %dma_wait3A_107 = arith.constant 0 : i32
        %dma_wait3A_108 = arith.constant 0 : i32
        %dma_wait3A_109 = tpu.memref_slice %arg2[%dma_wait3A_107, %dma_wait3A_108] : memref<10000x16xf32, #tpu.memory_space<hbm>> -> memref<10000x16xf32, #tpu.memory_space<hbm>>
        tpu.wait_indirect_dma semaphore(%arg11 : memref<!tpu.dma_semaphore, #tpu.memory_space<semaphore_mem>>) src(%dma_wait3A_109 : memref<10000x16xf32, #tpu.memory_space<hbm>>) dst(%dma_wait3A_103 : memref<128x16xf32, #tpu.memory_space<vmem>>)
        %mul3A_110 = arith.constant 2 : i32
        %mul3A_111 = arith.muli %mul3A_79, %mul3A_110 : i32
        %add3A_112 = arith.constant 0 : i32
        %add3A_113 = arith.addi %mul3A_111, %add3A_112 : i32
        %dma_start3A_114 = arith.constant 0 : i32
        %dma_start3A_115 = arith.constant 0 : i32
        %dma_start3A_116 = arith.constant 0 : i32
        %dma_start3A_117 = tpu.memref_slice %arg8[%dma_start3A_114, %dma_start3A_115, %dma_start3A_116] : memref<4x128x16xf32, #tpu.memory_space<vmem>> -> memref<1x128x16xf32, #tpu.memory_space<vmem>>
        %dma_start3A_118 = tpu.memref_squeeze %dma_start3A_117 : memref<1x128x16xf32, #tpu.memory_space<vmem>> -> memref<128x16xf32, #tpu.memory_space<vmem>>
        %dma_start3A_119 = arith.constant 0 : i32
        %dma_start3A_120 = tpu.memref_slice %arg7[%add3A_113, %dma_start3A_119] : memref<96x128xi32, #tpu.memory_space<vmem>> -> memref<1x128xi32, #tpu.memory_space<vmem>>
        %dma_start3A_121 = tpu.memref_squeeze %dma_start3A_120 : memref<1x128xi32, #tpu.memory_space<vmem>> -> memref<128xi32, #tpu.memory_space<vmem>>
        %dma_start3A_122 = arith.constant 0 : i32
        %dma_start3A_123 = arith.constant 0 : i32
        %dma_start3A_124 = tpu.memref_slice %arg10[%dma_start3A_122, %dma_start3A_123] : memref<10240x16xf32, #tpu.memory_space<vmem_shared>> -> memref<10240x16xf32, #tpu.memory_space<vmem_shared>>
        tpu.enqueue_indirect_dma source(%dma_start3A_118 : memref<128x16xf32, #tpu.memory_space<vmem>>) target(%dma_start3A_124 : memref<10240x16xf32, #tpu.memory_space<vmem_shared>>) offsets(%dma_start3A_121 : memref<128xi32, #tpu.memory_space<vmem>>) semaphore(%arg13 : memref<!tpu.dma_semaphore, #tpu.memory_space<semaphore_mem>>) {add = true}
        %mul3A_125 = arith.constant 2 : i32
        %mul3A_126 = arith.muli %mul3A_79, %mul3A_125 : i32
        %add3A_127 = arith.constant 1 : i32
        %add3A_128 = arith.addi %mul3A_126, %add3A_127 : i32
        %dma_start3A_129 = arith.constant 1 : i32
        %dma_start3A_130 = arith.constant 0 : i32
        %dma_start3A_131 = arith.constant 0 : i32
        %dma_start3A_132 = tpu.memref_slice %arg8[%dma_start3A_129, %dma_start3A_130, %dma_start3A_131] : memref<4x128x16xf32, #tpu.memory_space<vmem>> -> memref<1x128x16xf32, #tpu.memory_space<vmem>>
        %dma_start3A_133 = tpu.memref_squeeze %dma_start3A_132 : memref<1x128x16xf32, #tpu.memory_space<vmem>> -> memref<128x16xf32, #tpu.memory_space<vmem>>
        %dma_start3A_134 = arith.constant 0 : i32
        %dma_start3A_135 = tpu.memref_slice %arg7[%add3A_128, %dma_start3A_134] : memref<96x128xi32, #tpu.memory_space<vmem>> -> memref<1x128xi32, #tpu.memory_space<vmem>>
        %dma_start3A_136 = tpu.memref_squeeze %dma_start3A_135 : memref<1x128xi32, #tpu.memory_space<vmem>> -> memref<128xi32, #tpu.memory_space<vmem>>
        %dma_start3A_137 = arith.constant 0 : i32
        %dma_start3A_138 = arith.constant 0 : i32
        %dma_start3A_139 = tpu.memref_slice %arg10[%dma_start3A_137, %dma_start3A_138] : memref<10240x16xf32, #tpu.memory_space<vmem_shared>> -> memref<10240x16xf32, #tpu.memory_space<vmem_shared>>
        tpu.enqueue_indirect_dma source(%dma_start3A_133 : memref<128x16xf32, #tpu.memory_space<vmem>>) target(%dma_start3A_139 : memref<10240x16xf32, #tpu.memory_space<vmem_shared>>) offsets(%dma_start3A_136 : memref<128xi32, #tpu.memory_space<vmem>>) semaphore(%arg13 : memref<!tpu.dma_semaphore, #tpu.memory_space<semaphore_mem>>) {add = true}
        %mul3A_140 = arith.constant 2 : i32
        %mul3A_141 = arith.muli %mul3A_79, %mul3A_140 : i32
        %add3A_142 = arith.constant 0 : i32
        %add3A_143 = arith.addi %mul3A_141, %add3A_142 : i32
        %dma_wait3A_144 = arith.constant 0 : i32
        %dma_wait3A_145 = arith.constant 0 : i32
        %dma_wait3A_146 = arith.constant 0 : i32
        %dma_wait3A_147 = tpu.memref_slice %arg8[%dma_wait3A_144, %dma_wait3A_145, %dma_wait3A_146] : memref<4x128x16xf32, #tpu.memory_space<vmem>> -> memref<1x128x16xf32, #tpu.memory_space<vmem>>
        %dma_wait3A_148 = tpu.memref_squeeze %dma_wait3A_147 : memref<1x128x16xf32, #tpu.memory_space<vmem>> -> memref<128x16xf32, #tpu.memory_space<vmem>>
        %dma_wait3A_149 = arith.constant 0 : i32
        %dma_wait3A_150 = tpu.memref_slice %arg7[%add3A_143, %dma_wait3A_149] : memref<96x128xi32, #tpu.memory_space<vmem>> -> memref<1x128xi32, #tpu.memory_space<vmem>>
        %dma_wait3A_151 = tpu.memref_squeeze %dma_wait3A_150 : memref<1x128xi32, #tpu.memory_space<vmem>> -> memref<128xi32, #tpu.memory_space<vmem>>
        %dma_wait3A_152 = arith.constant 0 : i32
        %dma_wait3A_153 = arith.constant 0 : i32
        %dma_wait3A_154 = tpu.memref_slice %arg10[%dma_wait3A_152, %dma_wait3A_153] : memref<10240x16xf32, #tpu.memory_space<vmem_shared>> -> memref<10240x16xf32, #tpu.memory_space<vmem_shared>>
        tpu.wait_indirect_dma semaphore(%arg13 : memref<!tpu.dma_semaphore, #tpu.memory_space<semaphore_mem>>) src(%dma_wait3A_148 : memref<128x16xf32, #tpu.memory_space<vmem>>) dst(%dma_wait3A_154 : memref<10240x16xf32, #tpu.memory_space<vmem_shared>>)
        %mul3A_155 = arith.constant 2 : i32
        %mul3A_156 = arith.muli %mul3A_79, %mul3A_155 : i32
        %add3A_157 = arith.constant 1 : i32
        %add3A_158 = arith.addi %mul3A_156, %add3A_157 : i32
        %dma_wait3A_159 = arith.constant 1 : i32
        %dma_wait3A_160 = arith.constant 0 : i32
        %dma_wait3A_161 = arith.constant 0 : i32
        %dma_wait3A_162 = tpu.memref_slice %arg8[%dma_wait3A_159, %dma_wait3A_160, %dma_wait3A_161] : memref<4x128x16xf32, #tpu.memory_space<vmem>> -> memref<1x128x16xf32, #tpu.memory_space<vmem>>
        %dma_wait3A_163 = tpu.memref_squeeze %dma_wait3A_162 : memref<1x128x16xf32, #tpu.memory_space<vmem>> -> memref<128x16xf32, #tpu.memory_space<vmem>>
        %dma_wait3A_164 = arith.constant 0 : i32
        %dma_wait3A_165 = tpu.memref_slice %arg7[%add3A_158, %dma_wait3A_164] : memref<96x128xi32, #tpu.memory_space<vmem>> -> memref<1x128xi32, #tpu.memory_space<vmem>>
        %dma_wait3A_166 = tpu.memref_squeeze %dma_wait3A_165 : memref<1x128xi32, #tpu.memory_space<vmem>> -> memref<128xi32, #tpu.memory_space<vmem>>
        %dma_wait3A_167 = arith.constant 0 : i32
        %dma_wait3A_168 = arith.constant 0 : i32
        %dma_wait3A_169 = tpu.memref_slice %arg10[%dma_wait3A_167, %dma_wait3A_168] : memref<10240x16xf32, #tpu.memory_space<vmem_shared>> -> memref<10240x16xf32, #tpu.memory_space<vmem_shared>>
        tpu.wait_indirect_dma semaphore(%arg13 : memref<!tpu.dma_semaphore, #tpu.memory_space<semaphore_mem>>) src(%dma_wait3A_163 : memref<128x16xf32, #tpu.memory_space<vmem>>) dst(%dma_wait3A_169 : memref<10240x16xf32, #tpu.memory_space<vmem_shared>>)
        %add3A_170 = arith.constant 1 : i32
        %add3A_171 = arith.addi %scan3A_77, %add3A_170 : i32
        %lt3A = arith.constant 24 : i32
        %lt3A_172 = arith.cmpi slt, %add3A_171, %lt3A : i32
        %convert_element_type3A_173 = arith.extui %lt3A_172 : i1 to i32
        %cond3A_174 = arith.constant 0 : i32
        %cond3A_175 = arith.cmpi ne, %convert_element_type3A_173, %cond3A_174 : i32
        scf.if %cond3A_175 {
          %add3A_273 = arith.constant 2 : i32
          %add3A_274 = arith.addi %mul3A_79, %add3A_273 : i32
          %mul3A_275 = arith.constant 2 : i32
          %mul3A_276 = arith.muli %add3A_274, %mul3A_275 : i32
          %add3A_277 = arith.constant 0 : i32
          %add3A_278 = arith.addi %mul3A_276, %add3A_277 : i32
          %dma_start3A_279 = arith.constant 0 : i32
          %dma_start3A_280 = arith.constant 0 : i32
          %dma_start3A_281 = arith.constant 0 : i32
          %dma_start3A_282 = tpu.memref_slice %arg8[%dma_start3A_279, %dma_start3A_280, %dma_start3A_281] : memref<4x128x16xf32, #tpu.memory_space<vmem>> -> memref<1x128x16xf32, #tpu.memory_space<vmem>>
          %dma_start3A_283 = tpu.memref_squeeze %dma_start3A_282 : memref<1x128x16xf32, #tpu.memory_space<vmem>> -> memref<128x16xf32, #tpu.memory_space<vmem>>
          %dma_start3A_284 = arith.constant 0 : i32
          %dma_start3A_285 = tpu.memref_slice %arg6[%add3A_278, %dma_start3A_284] : memref<96x128xi32, #tpu.memory_space<vmem>> -> memref<1x128xi32, #tpu.memory_space<vmem>>
          %dma_start3A_286 = tpu.memref_squeeze %dma_start3A_285 : memref<1x128xi32, #tpu.memory_space<vmem>> -> memref<128xi32, #tpu.memory_space<vmem>>
          %dma_start3A_287 = arith.constant 0 : i32
          %dma_start3A_288 = arith.constant 0 : i32
          %dma_start3A_289 = tpu.memref_slice %arg2[%dma_start3A_287, %dma_start3A_288] : memref<10000x16xf32, #tpu.memory_space<hbm>> -> memref<10000x16xf32, #tpu.memory_space<hbm>>
          tpu.enqueue_indirect_dma source(%dma_start3A_289 : memref<10000x16xf32, #tpu.memory_space<hbm>>) target(%dma_start3A_283 : memref<128x16xf32, #tpu.memory_space<vmem>>) offsets(%dma_start3A_286 : memref<128xi32, #tpu.memory_space<vmem>>) semaphore(%arg11 : memref<!tpu.dma_semaphore, #tpu.memory_space<semaphore_mem>>)
          %mul3A_290 = arith.constant 2 : i32
          %mul3A_291 = arith.muli %add3A_274, %mul3A_290 : i32
          %add3A_292 = arith.constant 1 : i32
          %add3A_293 = arith.addi %mul3A_291, %add3A_292 : i32
          %dma_start3A_294 = arith.constant 1 : i32
          %dma_start3A_295 = arith.constant 0 : i32
          %dma_start3A_296 = arith.constant 0 : i32
          %dma_start3A_297 = tpu.memref_slice %arg8[%dma_start3A_294, %dma_start3A_295, %dma_start3A_296] : memref<4x128x16xf32, #tpu.memory_space<vmem>> -> memref<1x128x16xf32, #tpu.memory_space<vmem>>
          %dma_start3A_298 = tpu.memref_squeeze %dma_start3A_297 : memref<1x128x16xf32, #tpu.memory_space<vmem>> -> memref<128x16xf32, #tpu.memory_space<vmem>>
          %dma_start3A_299 = arith.constant 0 : i32
          %dma_start3A_300 = tpu.memref_slice %arg6[%add3A_293, %dma_start3A_299] : memref<96x128xi32, #tpu.memory_space<vmem>> -> memref<1x128xi32, #tpu.memory_space<vmem>>
          %dma_start3A_301 = tpu.memref_squeeze %dma_start3A_300 : memref<1x128xi32, #tpu.memory_space<vmem>> -> memref<128xi32, #tpu.memory_space<vmem>>
          %dma_start3A_302 = arith.constant 0 : i32
          %dma_start3A_303 = arith.constant 0 : i32
          %dma_start3A_304 = tpu.memref_slice %arg2[%dma_start3A_302, %dma_start3A_303] : memref<10000x16xf32, #tpu.memory_space<hbm>> -> memref<10000x16xf32, #tpu.memory_space<hbm>>
          tpu.enqueue_indirect_dma source(%dma_start3A_304 : memref<10000x16xf32, #tpu.memory_space<hbm>>) target(%dma_start3A_298 : memref<128x16xf32, #tpu.memory_space<vmem>>) offsets(%dma_start3A_301 : memref<128xi32, #tpu.memory_space<vmem>>) semaphore(%arg11 : memref<!tpu.dma_semaphore, #tpu.memory_space<semaphore_mem>>)
        } else {
        }
        %mul3A_176 = arith.constant 2 : i32
        %mul3A_177 = arith.muli %add3A_80, %mul3A_176 : i32
        %add3A_178 = arith.constant 0 : i32
        %add3A_179 = arith.addi %mul3A_177, %add3A_178 : i32
        %dma_wait3A_180 = arith.constant 2 : i32
        %dma_wait3A_181 = arith.constant 0 : i32
        %dma_wait3A_182 = arith.constant 0 : i32
        %dma_wait3A_183 = tpu.memref_slice %arg8[%dma_wait3A_180, %dma_wait3A_181, %dma_wait3A_182] : memref<4x128x16xf32, #tpu.memory_space<vmem>> -> memref<1x128x16xf32, #tpu.memory_space<vmem>>
        %dma_wait3A_184 = tpu.memref_squeeze %dma_wait3A_183 : memref<1x128x16xf32, #tpu.memory_space<vmem>> -> memref<128x16xf32, #tpu.memory_space<vmem>>
        %dma_wait3A_185 = arith.constant 0 : i32
        %dma_wait3A_186 = tpu.memref_slice %arg6[%add3A_179, %dma_wait3A_185] : memref<96x128xi32, #tpu.memory_space<vmem>> -> memref<1x128xi32, #tpu.memory_space<vmem>>
        %dma_wait3A_187 = tpu.memref_squeeze %dma_wait3A_186 : memref<1x128xi32, #tpu.memory_space<vmem>> -> memref<128xi32, #tpu.memory_space<vmem>>
        %dma_wait3A_188 = arith.constant 0 : i32
        %dma_wait3A_189 = arith.constant 0 : i32
        %dma_wait3A_190 = tpu.memref_slice %arg2[%dma_wait3A_188, %dma_wait3A_189] : memref<10000x16xf32, #tpu.memory_space<hbm>> -> memref<10000x16xf32, #tpu.memory_space<hbm>>
        tpu.wait_indirect_dma semaphore(%arg12 : memref<!tpu.dma_semaphore, #tpu.memory_space<semaphore_mem>>) src(%dma_wait3A_190 : memref<10000x16xf32, #tpu.memory_space<hbm>>) dst(%dma_wait3A_184 : memref<128x16xf32, #tpu.memory_space<vmem>>)
        %mul3A_191 = arith.constant 2 : i32
        %mul3A_192 = arith.muli %add3A_80, %mul3A_191 : i32
        %add3A_193 = arith.constant 1 : i32
        %add3A_194 = arith.addi %mul3A_192, %add3A_193 : i32
        %dma_wait3A_195 = arith.constant 3 : i32
        %dma_wait3A_196 = arith.constant 0 : i32
        %dma_wait3A_197 = arith.constant 0 : i32
        %dma_wait3A_198 = tpu.memref_slice %arg8[%dma_wait3A_195, %dma_wait3A_196, %dma_wait3A_197] : memref<4x128x16xf32, #tpu.memory_space<vmem>> -> memref<1x128x16xf32, #tpu.memory_space<vmem>>
        %dma_wait3A_199 = tpu.memref_squeeze %dma_wait3A_198 : memref<1x128x16xf32, #tpu.memory_space<vmem>> -> memref<128x16xf32, #tpu.memory_space<vmem>>
        %dma_wait3A_200 = arith.constant 0 : i32
        %dma_wait3A_201 = tpu.memref_slice %arg6[%add3A_194, %dma_wait3A_200] : memref<96x128xi32, #tpu.memory_space<vmem>> -> memref<1x128xi32, #tpu.memory_space<vmem>>
        %dma_wait3A_202 = tpu.memref_squeeze %dma_wait3A_201 : memref<1x128xi32, #tpu.memory_space<vmem>> -> memref<128xi32, #tpu.memory_space<vmem>>
        %dma_wait3A_203 = arith.constant 0 : i32
        %dma_wait3A_204 = arith.constant 0 : i32
        %dma_wait3A_205 = tpu.memref_slice %arg2[%dma_wait3A_203, %dma_wait3A_204] : memref<10000x16xf32, #tpu.memory_space<hbm>> -> memref<10000x16xf32, #tpu.memory_space<hbm>>
        tpu.wait_indirect_dma semaphore(%arg12 : memref<!tpu.dma_semaphore, #tpu.memory_space<semaphore_mem>>) src(%dma_wait3A_205 : memref<10000x16xf32, #tpu.memory_space<hbm>>) dst(%dma_wait3A_199 : memref<128x16xf32, #tpu.memory_space<vmem>>)
        %mul3A_206 = arith.constant 2 : i32
        %mul3A_207 = arith.muli %add3A_80, %mul3A_206 : i32
        %add3A_208 = arith.constant 0 : i32
        %add3A_209 = arith.addi %mul3A_207, %add3A_208 : i32
        %dma_start3A_210 = arith.constant 2 : i32
        %dma_start3A_211 = arith.constant 0 : i32
        %dma_start3A_212 = arith.constant 0 : i32
        %dma_start3A_213 = tpu.memref_slice %arg8[%dma_start3A_210, %dma_start3A_211, %dma_start3A_212] : memref<4x128x16xf32, #tpu.memory_space<vmem>> -> memref<1x128x16xf32, #tpu.memory_space<vmem>>
        %dma_start3A_214 = tpu.memref_squeeze %dma_start3A_213 : memref<1x128x16xf32, #tpu.memory_space<vmem>> -> memref<128x16xf32, #tpu.memory_space<vmem>>
        %dma_start3A_215 = arith.constant 0 : i32
        %dma_start3A_216 = tpu.memref_slice %arg7[%add3A_209, %dma_start3A_215] : memref<96x128xi32, #tpu.memory_space<vmem>> -> memref<1x128xi32, #tpu.memory_space<vmem>>
        %dma_start3A_217 = tpu.memref_squeeze %dma_start3A_216 : memref<1x128xi32, #tpu.memory_space<vmem>> -> memref<128xi32, #tpu.memory_space<vmem>>
        %dma_start3A_218 = arith.constant 0 : i32
        %dma_start3A_219 = arith.constant 0 : i32
        %dma_start3A_220 = tpu.memref_slice %arg10[%dma_start3A_218, %dma_start3A_219] : memref<10240x16xf32, #tpu.memory_space<vmem_shared>> -> memref<10240x16xf32, #tpu.memory_space<vmem_shared>>
        tpu.enqueue_indirect_dma source(%dma_start3A_214 : memref<128x16xf32, #tpu.memory_space<vmem>>) target(%dma_start3A_220 : memref<10240x16xf32, #tpu.memory_space<vmem_shared>>) offsets(%dma_start3A_217 : memref<128xi32, #tpu.memory_space<vmem>>) semaphore(%arg14 : memref<!tpu.dma_semaphore, #tpu.memory_space<semaphore_mem>>) {add = true}
        %mul3A_221 = arith.constant 2 : i32
        %mul3A_222 = arith.muli %add3A_80, %mul3A_221 : i32
        %add3A_223 = arith.constant 1 : i32
        %add3A_224 = arith.addi %mul3A_222, %add3A_223 : i32
        %dma_start3A_225 = arith.constant 3 : i32
        %dma_start3A_226 = arith.constant 0 : i32
        %dma_start3A_227 = arith.constant 0 : i32
        %dma_start3A_228 = tpu.memref_slice %arg8[%dma_start3A_225, %dma_start3A_226, %dma_start3A_227] : memref<4x128x16xf32, #tpu.memory_space<vmem>> -> memref<1x128x16xf32, #tpu.memory_space<vmem>>
        %dma_start3A_229 = tpu.memref_squeeze %dma_start3A_228 : memref<1x128x16xf32, #tpu.memory_space<vmem>> -> memref<128x16xf32, #tpu.memory_space<vmem>>
        %dma_start3A_230 = arith.constant 0 : i32
        %dma_start3A_231 = tpu.memref_slice %arg7[%add3A_224, %dma_start3A_230] : memref<96x128xi32, #tpu.memory_space<vmem>> -> memref<1x128xi32, #tpu.memory_space<vmem>>
        %dma_start3A_232 = tpu.memref_squeeze %dma_start3A_231 : memref<1x128xi32, #tpu.memory_space<vmem>> -> memref<128xi32, #tpu.memory_space<vmem>>
        %dma_start3A_233 = arith.constant 0 : i32
        %dma_start3A_234 = arith.constant 0 : i32
        %dma_start3A_235 = tpu.memref_slice %arg10[%dma_start3A_233, %dma_start3A_234] : memref<10240x16xf32, #tpu.memory_space<vmem_shared>> -> memref<10240x16xf32, #tpu.memory_space<vmem_shared>>
        tpu.enqueue_indirect_dma source(%dma_start3A_229 : memref<128x16xf32, #tpu.memory_space<vmem>>) target(%dma_start3A_235 : memref<10240x16xf32, #tpu.memory_space<vmem_shared>>) offsets(%dma_start3A_232 : memref<128xi32, #tpu.memory_space<vmem>>) semaphore(%arg14 : memref<!tpu.dma_semaphore, #tpu.memory_space<semaphore_mem>>) {add = true}
        %mul3A_236 = arith.constant 2 : i32
        %mul3A_237 = arith.muli %add3A_80, %mul3A_236 : i32
        %add3A_238 = arith.constant 0 : i32
        %add3A_239 = arith.addi %mul3A_237, %add3A_238 : i32
        %dma_wait3A_240 = arith.constant 2 : i32
        %dma_wait3A_241 = arith.constant 0 : i32
        %dma_wait3A_242 = arith.constant 0 : i32
        %dma_wait3A_243 = tpu.memref_slice %arg8[%dma_wait3A_240, %dma_wait3A_241, %dma_wait3A_242] : memref<4x128x16xf32, #tpu.memory_space<vmem>> -> memref<1x128x16xf32, #tpu.memory_space<vmem>>
        %dma_wait3A_244 = tpu.memref_squeeze %dma_wait3A_243 : memref<1x128x16xf32, #tpu.memory_space<vmem>> -> memref<128x16xf32, #tpu.memory_space<vmem>>
        %dma_wait3A_245 = arith.constant 0 : i32
        %dma_wait3A_246 = tpu.memref_slice %arg7[%add3A_239, %dma_wait3A_245] : memref<96x128xi32, #tpu.memory_space<vmem>> -> memref<1x128xi32, #tpu.memory_space<vmem>>
        %dma_wait3A_247 = tpu.memref_squeeze %dma_wait3A_246 : memref<1x128xi32, #tpu.memory_space<vmem>> -> memref<128xi32, #tpu.memory_space<vmem>>
        %dma_wait3A_248 = arith.constant 0 : i32
        %dma_wait3A_249 = arith.constant 0 : i32
        %dma_wait3A_250 = tpu.memref_slice %arg10[%dma_wait3A_248, %dma_wait3A_249] : memref<10240x16xf32, #tpu.memory_space<vmem_shared>> -> memref<10240x16xf32, #tpu.memory_space<vmem_shared>>
        tpu.wait_indirect_dma semaphore(%arg14 : memref<!tpu.dma_semaphore, #tpu.memory_space<semaphore_mem>>) src(%dma_wait3A_244 : memref<128x16xf32, #tpu.memory_space<vmem>>) dst(%dma_wait3A_250 : memref<10240x16xf32, #tpu.memory_space<vmem_shared>>)
        %mul3A_251 = arith.constant 2 : i32
        %mul3A_252 = arith.muli %add3A_80, %mul3A_251 : i32
        %add3A_253 = arith.constant 1 : i32
        %add3A_254 = arith.addi %mul3A_252, %add3A_253 : i32
        %dma_wait3A_255 = arith.constant 3 : i32
        %dma_wait3A_256 = arith.constant 0 : i32
        %dma_wait3A_257 = arith.constant 0 : i32
        %dma_wait3A_258 = tpu.memref_slice %arg8[%dma_wait3A_255, %dma_wait3A_256, %dma_wait3A_257] : memref<4x128x16xf32, #tpu.memory_space<vmem>> -> memref<1x128x16xf32, #tpu.memory_space<vmem>>
        %dma_wait3A_259 = tpu.memref_squeeze %dma_wait3A_258 : memref<1x128x16xf32, #tpu.memory_space<vmem>> -> memref<128x16xf32, #tpu.memory_space<vmem>>
        %dma_wait3A_260 = arith.constant 0 : i32
        %dma_wait3A_261 = tpu.memref_slice %arg7[%add3A_254, %dma_wait3A_260] : memref<96x128xi32, #tpu.memory_space<vmem>> -> memref<1x128xi32, #tpu.memory_space<vmem>>
        %dma_wait3A_262 = tpu.memref_squeeze %dma_wait3A_261 : memref<1x128xi32, #tpu.memory_space<vmem>> -> memref<128xi32, #tpu.memory_space<vmem>>
        %dma_wait3A_263 = arith.constant 0 : i32
        %dma_wait3A_264 = arith.constant 0 : i32
        %dma_wait3A_265 = tpu.memref_slice %arg10[%dma_wait3A_263, %dma_wait3A_264] : memref<10240x16xf32, #tpu.memory_space<vmem_shared>> -> memref<10240x16xf32, #tpu.memory_space<vmem_shared>>
        tpu.wait_indirect_dma semaphore(%arg14 : memref<!tpu.dma_semaphore, #tpu.memory_space<semaphore_mem>>) src(%dma_wait3A_259 : memref<128x16xf32, #tpu.memory_space<vmem>>) dst(%dma_wait3A_265 : memref<10240x16xf32, #tpu.memory_space<vmem_shared>>)
        %add3A_266 = arith.constant 1 : i32
        %add3A_267 = arith.addi %scan3A_77, %add3A_266 : i32
        %lt3A_268 = arith.constant 24 : i32
        %lt3A_269 = arith.cmpi slt, %add3A_267, %lt3A_268 : i32
        %convert_element_type3A_270 = arith.extui %lt3A_269 : i1 to i32
        %cond3A_271 = arith.constant 0 : i32
        %cond3A_272 = arith.cmpi ne, %convert_element_type3A_270, %cond3A_271 : i32
        scf.if %cond3A_272 {
          %add3A_273 = arith.constant 2 : i32
          %add3A_274 = arith.addi %add3A_80, %add3A_273 : i32
          %mul3A_275 = arith.constant 2 : i32
          %mul3A_276 = arith.muli %add3A_274, %mul3A_275 : i32
          %add3A_277 = arith.constant 0 : i32
          %add3A_278 = arith.addi %mul3A_276, %add3A_277 : i32
          %dma_start3A_279 = arith.constant 2 : i32
          %dma_start3A_280 = arith.constant 0 : i32
          %dma_start3A_281 = arith.constant 0 : i32
          %dma_start3A_282 = tpu.memref_slice %arg8[%dma_start3A_279, %dma_start3A_280, %dma_start3A_281] : memref<4x128x16xf32, #tpu.memory_space<vmem>> -> memref<1x128x16xf32, #tpu.memory_space<vmem>>
          %dma_start3A_283 = tpu.memref_squeeze %dma_start3A_282 : memref<1x128x16xf32, #tpu.memory_space<vmem>> -> memref<128x16xf32, #tpu.memory_space<vmem>>
          %dma_start3A_284 = arith.constant 0 : i32
          %dma_start3A_285 = tpu.memref_slice %arg6[%add3A_278, %dma_start3A_284] : memref<96x128xi32, #tpu.memory_space<vmem>> -> memref<1x128xi32, #tpu.memory_space<vmem>>
          %dma_start3A_286 = tpu.memref_squeeze %dma_start3A_285 : memref<1x128xi32, #tpu.memory_space<vmem>> -> memref<128xi32, #tpu.memory_space<vmem>>
          %dma_start3A_287 = arith.constant 0 : i32
          %dma_start3A_288 = arith.constant 0 : i32
          %dma_start3A_289 = tpu.memref_slice %arg2[%dma_start3A_287, %dma_start3A_288] : memref<10000x16xf32, #tpu.memory_space<hbm>> -> memref<10000x16xf32, #tpu.memory_space<hbm>>
          tpu.enqueue_indirect_dma source(%dma_start3A_289 : memref<10000x16xf32, #tpu.memory_space<hbm>>) target(%dma_start3A_283 : memref<128x16xf32, #tpu.memory_space<vmem>>) offsets(%dma_start3A_286 : memref<128xi32, #tpu.memory_space<vmem>>) semaphore(%arg12 : memref<!tpu.dma_semaphore, #tpu.memory_space<semaphore_mem>>)
          %mul3A_290 = arith.constant 2 : i32
          %mul3A_291 = arith.muli %add3A_274, %mul3A_290 : i32
          %add3A_292 = arith.constant 1 : i32
          %add3A_293 = arith.addi %mul3A_291, %add3A_292 : i32
          %dma_start3A_294 = arith.constant 3 : i32
          %dma_start3A_295 = arith.constant 0 : i32
          %dma_start3A_296 = arith.constant 0 : i32
          %dma_start3A_297 = tpu.memref_slice %arg8[%dma_start3A_294, %dma_start3A_295, %dma_start3A_296] : memref<4x128x16xf32, #tpu.memory_space<vmem>> -> memref<1x128x16xf32, #tpu.memory_space<vmem>>
          %dma_start3A_298 = tpu.memref_squeeze %dma_start3A_297 : memref<1x128x16xf32, #tpu.memory_space<vmem>> -> memref<128x16xf32, #tpu.memory_space<vmem>>
          %dma_start3A_299 = arith.constant 0 : i32
          %dma_start3A_300 = tpu.memref_slice %arg6[%add3A_293, %dma_start3A_299] : memref<96x128xi32, #tpu.memory_space<vmem>> -> memref<1x128xi32, #tpu.memory_space<vmem>>
          %dma_start3A_301 = tpu.memref_squeeze %dma_start3A_300 : memref<1x128xi32, #tpu.memory_space<vmem>> -> memref<128xi32, #tpu.memory_space<vmem>>
          %dma_start3A_302 = arith.constant 0 : i32
          %dma_start3A_303 = arith.constant 0 : i32
          %dma_start3A_304 = tpu.memref_slice %arg2[%dma_start3A_302, %dma_start3A_303] : memref<10000x16xf32, #tpu.memory_space<hbm>> -> memref<10000x16xf32, #tpu.memory_space<hbm>>
          tpu.enqueue_indirect_dma source(%dma_start3A_304 : memref<10000x16xf32, #tpu.memory_space<hbm>>) target(%dma_start3A_298 : memref<128x16xf32, #tpu.memory_space<vmem>>) offsets(%dma_start3A_301 : memref<128xi32, #tpu.memory_space<vmem>>) semaphore(%arg12 : memref<!tpu.dma_semaphore, #tpu.memory_space<semaphore_mem>>)
        } else {
        }
      }
      %scan3A_76 = arith.constant 24 : i32
    } else {
    }
    %eq3A_13 = arith.constant 1 : i32
    %eq3A_14 = arith.cmpi eq, %arg0, %eq3A_13 : i32
    %convert_element_type3A_15 = arith.extui %eq3A_14 : i1 to i32
    %cond3A_16 = arith.constant 0 : i32
    %cond3A_17 = arith.cmpi ne, %convert_element_type3A_15, %cond3A_16 : i32
    scf.if %cond3A_17 {
      %mul3A_22 = arith.constant 64 : i32
      %mul3A_23 = arith.muli %arg1, %mul3A_22 : i32
      %add3A = arith.constant 1536 : i32
      %add3A_24 = arith.addi %add3A, %mul3A_23 : i32
      "tpu.region"() ({
        %run_scoped3A = tpu.sem_alloc : memref<!tpu.dma_semaphore, #tpu.memory_space<semaphore_mem>>
        %dma_start3A_78 = arith.constant 0 : i32
        %dma_start3A_79 = arith.constant 0 : i32
        %dma_start3A_80 = tpu.memref_slice %arg6[%dma_start3A_78, %dma_start3A_79] : memref<96x128xi32, #tpu.memory_space<vmem>> -> memref<64x128xi32, #tpu.memory_space<vmem>>
        %dma_start3A_81 = arith.constant 0 : i32
        %dma_start3A_82 = tpu.memref_slice %arg3[%add3A_24, %dma_start3A_81] : memref<2560x128xi32, #tpu.memory_space<hbm>> -> memref<64x128xi32, #tpu.memory_space<hbm>>
        %dma_start3A_83 = arith.constant 0 : i32
        %dma_start3A_84 = arith.constant 0 : i32
        %dma_start3A_85 = tpu.memref_slice %arg6[%dma_start3A_83, %dma_start3A_84] : memref<96x128xi32, #tpu.memory_space<vmem>> -> memref<64x128xi32, #tpu.memory_space<vmem>>
        %dma_start3A_86 = arith.constant 0 : i32
        %dma_start3A_87 = tpu.memref_slice %arg3[%add3A_24, %dma_start3A_86] : memref<2560x128xi32, #tpu.memory_space<hbm>> -> memref<64x128xi32, #tpu.memory_space<hbm>>
        tpu.enqueue_dma source(%dma_start3A_87 : memref<64x128xi32, #tpu.memory_space<hbm>>) target(%dma_start3A_85 : memref<64x128xi32, #tpu.memory_space<vmem>>) target_semaphore(%run_scoped3A : memref<!tpu.dma_semaphore, #tpu.memory_space<semaphore_mem>>)
        %dma_wait3A = arith.constant 0 : i32
        %dma_wait3A_88 = arith.constant 0 : i32
        %dma_wait3A_89 = tpu.memref_slice %arg6[%dma_wait3A, %dma_wait3A_88] : memref<96x128xi32, #tpu.memory_space<vmem>> -> memref<64x128xi32, #tpu.memory_space<vmem>>
        %dma_wait3A_90 = arith.constant 0 : i32
        %dma_wait3A_91 = tpu.memref_slice %arg3[%add3A_24, %dma_wait3A_90] : memref<2560x128xi32, #tpu.memory_space<hbm>> -> memref<64x128xi32, #tpu.memory_space<hbm>>
        %dma_wait3A_92 = arith.constant 0 : i32
        %dma_wait3A_93 = arith.constant 0 : i32
        %dma_wait3A_94 = tpu.memref_slice %arg6[%dma_wait3A_92, %dma_wait3A_93] : memref<96x128xi32, #tpu.memory_space<vmem>> -> memref<64x128xi32, #tpu.memory_space<vmem>>
        %dma_wait3A_95 = arith.constant 0 : i32
        %dma_wait3A_96 = tpu.memref_slice %arg3[%add3A_24, %dma_wait3A_95] : memref<2560x128xi32, #tpu.memory_space<hbm>> -> memref<64x128xi32, #tpu.memory_space<hbm>>
        tpu.wait_dma2 semaphore(%run_scoped3A : memref<!tpu.dma_semaphore, #tpu.memory_space<semaphore_mem>>) src(%dma_wait3A_96 : memref<64x128xi32, #tpu.memory_space<hbm>>) dst(%dma_wait3A_94 : memref<64x128xi32, #tpu.memory_space<vmem>>)
        tpu.yield
      }) : () -> ()
      "tpu.region"() ({
        %run_scoped3A = tpu.sem_alloc : memref<!tpu.dma_semaphore, #tpu.memory_space<semaphore_mem>>
        %dma_start3A_78 = arith.constant 0 : i32
        %dma_start3A_79 = arith.constant 0 : i32
        %dma_start3A_80 = tpu.memref_slice %arg7[%dma_start3A_78, %dma_start3A_79] : memref<96x128xi32, #tpu.memory_space<vmem>> -> memref<64x128xi32, #tpu.memory_space<vmem>>
        %dma_start3A_81 = arith.constant 0 : i32
        %dma_start3A_82 = tpu.memref_slice %arg4[%add3A_24, %dma_start3A_81] : memref<2560x128xi32, #tpu.memory_space<hbm>> -> memref<64x128xi32, #tpu.memory_space<hbm>>
        %dma_start3A_83 = arith.constant 0 : i32
        %dma_start3A_84 = arith.constant 0 : i32
        %dma_start3A_85 = tpu.memref_slice %arg7[%dma_start3A_83, %dma_start3A_84] : memref<96x128xi32, #tpu.memory_space<vmem>> -> memref<64x128xi32, #tpu.memory_space<vmem>>
        %dma_start3A_86 = arith.constant 0 : i32
        %dma_start3A_87 = tpu.memref_slice %arg4[%add3A_24, %dma_start3A_86] : memref<2560x128xi32, #tpu.memory_space<hbm>> -> memref<64x128xi32, #tpu.memory_space<hbm>>
        tpu.enqueue_dma source(%dma_start3A_87 : memref<64x128xi32, #tpu.memory_space<hbm>>) target(%dma_start3A_85 : memref<64x128xi32, #tpu.memory_space<vmem>>) target_semaphore(%run_scoped3A : memref<!tpu.dma_semaphore, #tpu.memory_space<semaphore_mem>>)
        %dma_wait3A = arith.constant 0 : i32
        %dma_wait3A_88 = arith.constant 0 : i32
        %dma_wait3A_89 = tpu.memref_slice %arg7[%dma_wait3A, %dma_wait3A_88] : memref<96x128xi32, #tpu.memory_space<vmem>> -> memref<64x128xi32, #tpu.memory_space<vmem>>
        %dma_wait3A_90 = arith.constant 0 : i32
        %dma_wait3A_91 = tpu.memref_slice %arg4[%add3A_24, %dma_wait3A_90] : memref<2560x128xi32, #tpu.memory_space<hbm>> -> memref<64x128xi32, #tpu.memory_space<hbm>>
        %dma_wait3A_92 = arith.constant 0 : i32
        %dma_wait3A_93 = arith.constant 0 : i32
        %dma_wait3A_94 = tpu.memref_slice %arg7[%dma_wait3A_92, %dma_wait3A_93] : memref<96x128xi32, #tpu.memory_space<vmem>> -> memref<64x128xi32, #tpu.memory_space<vmem>>
        %dma_wait3A_95 = arith.constant 0 : i32
        %dma_wait3A_96 = tpu.memref_slice %arg4[%add3A_24, %dma_wait3A_95] : memref<2560x128xi32, #tpu.memory_space<hbm>> -> memref<64x128xi32, #tpu.memory_space<hbm>>
        tpu.wait_dma2 semaphore(%run_scoped3A : memref<!tpu.dma_semaphore, #tpu.memory_space<semaphore_mem>>) src(%dma_wait3A_96 : memref<64x128xi32, #tpu.memory_space<hbm>>) dst(%dma_wait3A_94 : memref<64x128xi32, #tpu.memory_space<vmem>>)
        tpu.yield
      }) : () -> ()
      %dma_start3A = arith.constant 0 : i32
      %dma_start3A_25 = arith.constant 0 : i32
      %dma_start3A_26 = arith.constant 0 : i32
      %dma_start3A_27 = arith.constant 0 : i32
      %dma_start3A_28 = tpu.memref_slice %arg8[%dma_start3A_25, %dma_start3A_26, %dma_start3A_27] : memref<4x128x16xf32, #tpu.memory_space<vmem>> -> memref<1x128x16xf32, #tpu.memory_space<vmem>>
      %dma_start3A_29 = tpu.memref_squeeze %dma_start3A_28 : memref<1x128x16xf32, #tpu.memory_space<vmem>> -> memref<128x16xf32, #tpu.memory_space<vmem>>
      %dma_start3A_30 = arith.constant 0 : i32
      %dma_start3A_31 = tpu.memref_slice %arg6[%dma_start3A, %dma_start3A_30] : memref<96x128xi32, #tpu.memory_space<vmem>> -> memref<1x128xi32, #tpu.memory_space<vmem>>
      %dma_start3A_32 = tpu.memref_squeeze %dma_start3A_31 : memref<1x128xi32, #tpu.memory_space<vmem>> -> memref<128xi32, #tpu.memory_space<vmem>>
      %dma_start3A_33 = arith.constant 0 : i32
      %dma_start3A_34 = arith.constant 0 : i32
      %dma_start3A_35 = tpu.memref_slice %arg2[%dma_start3A_33, %dma_start3A_34] : memref<10000x16xf32, #tpu.memory_space<hbm>> -> memref<10000x16xf32, #tpu.memory_space<hbm>>
      tpu.enqueue_indirect_dma source(%dma_start3A_35 : memref<10000x16xf32, #tpu.memory_space<hbm>>) target(%dma_start3A_29 : memref<128x16xf32, #tpu.memory_space<vmem>>) offsets(%dma_start3A_32 : memref<128xi32, #tpu.memory_space<vmem>>) semaphore(%arg11 : memref<!tpu.dma_semaphore, #tpu.memory_space<semaphore_mem>>)
      %dma_start3A_36 = arith.constant 1 : i32
      %dma_start3A_37 = arith.constant 1 : i32
      %dma_start3A_38 = arith.constant 0 : i32
      %dma_start3A_39 = arith.constant 0 : i32
      %dma_start3A_40 = tpu.memref_slice %arg8[%dma_start3A_37, %dma_start3A_38, %dma_start3A_39] : memref<4x128x16xf32, #tpu.memory_space<vmem>> -> memref<1x128x16xf32, #tpu.memory_space<vmem>>
      %dma_start3A_41 = tpu.memref_squeeze %dma_start3A_40 : memref<1x128x16xf32, #tpu.memory_space<vmem>> -> memref<128x16xf32, #tpu.memory_space<vmem>>
      %dma_start3A_42 = arith.constant 0 : i32
      %dma_start3A_43 = tpu.memref_slice %arg6[%dma_start3A_36, %dma_start3A_42] : memref<96x128xi32, #tpu.memory_space<vmem>> -> memref<1x128xi32, #tpu.memory_space<vmem>>
      %dma_start3A_44 = tpu.memref_squeeze %dma_start3A_43 : memref<1x128xi32, #tpu.memory_space<vmem>> -> memref<128xi32, #tpu.memory_space<vmem>>
      %dma_start3A_45 = arith.constant 0 : i32
      %dma_start3A_46 = arith.constant 0 : i32
      %dma_start3A_47 = tpu.memref_slice %arg2[%dma_start3A_45, %dma_start3A_46] : memref<10000x16xf32, #tpu.memory_space<hbm>> -> memref<10000x16xf32, #tpu.memory_space<hbm>>
      tpu.enqueue_indirect_dma source(%dma_start3A_47 : memref<10000x16xf32, #tpu.memory_space<hbm>>) target(%dma_start3A_41 : memref<128x16xf32, #tpu.memory_space<vmem>>) offsets(%dma_start3A_44 : memref<128xi32, #tpu.memory_space<vmem>>) semaphore(%arg11 : memref<!tpu.dma_semaphore, #tpu.memory_space<semaphore_mem>>)
      %dma_start3A_48 = arith.constant 2 : i32
      %dma_start3A_49 = arith.constant 2 : i32
      %dma_start3A_50 = arith.constant 0 : i32
      %dma_start3A_51 = arith.constant 0 : i32
      %dma_start3A_52 = tpu.memref_slice %arg8[%dma_start3A_49, %dma_start3A_50, %dma_start3A_51] : memref<4x128x16xf32, #tpu.memory_space<vmem>> -> memref<1x128x16xf32, #tpu.memory_space<vmem>>
      %dma_start3A_53 = tpu.memref_squeeze %dma_start3A_52 : memref<1x128x16xf32, #tpu.memory_space<vmem>> -> memref<128x16xf32, #tpu.memory_space<vmem>>
      %dma_start3A_54 = arith.constant 0 : i32
      %dma_start3A_55 = tpu.memref_slice %arg6[%dma_start3A_48, %dma_start3A_54] : memref<96x128xi32, #tpu.memory_space<vmem>> -> memref<1x128xi32, #tpu.memory_space<vmem>>
      %dma_start3A_56 = tpu.memref_squeeze %dma_start3A_55 : memref<1x128xi32, #tpu.memory_space<vmem>> -> memref<128xi32, #tpu.memory_space<vmem>>
      %dma_start3A_57 = arith.constant 0 : i32
      %dma_start3A_58 = arith.constant 0 : i32
      %dma_start3A_59 = tpu.memref_slice %arg2[%dma_start3A_57, %dma_start3A_58] : memref<10000x16xf32, #tpu.memory_space<hbm>> -> memref<10000x16xf32, #tpu.memory_space<hbm>>
      tpu.enqueue_indirect_dma source(%dma_start3A_59 : memref<10000x16xf32, #tpu.memory_space<hbm>>) target(%dma_start3A_53 : memref<128x16xf32, #tpu.memory_space<vmem>>) offsets(%dma_start3A_56 : memref<128xi32, #tpu.memory_space<vmem>>) semaphore(%arg12 : memref<!tpu.dma_semaphore, #tpu.memory_space<semaphore_mem>>)
      %dma_start3A_60 = arith.constant 3 : i32
      %dma_start3A_61 = arith.constant 3 : i32
      %dma_start3A_62 = arith.constant 0 : i32
      %dma_start3A_63 = arith.constant 0 : i32
      %dma_start3A_64 = tpu.memref_slice %arg8[%dma_start3A_61, %dma_start3A_62, %dma_start3A_63] : memref<4x128x16xf32, #tpu.memory_space<vmem>> -> memref<1x128x16xf32, #tpu.memory_space<vmem>>
      %dma_start3A_65 = tpu.memref_squeeze %dma_start3A_64 : memref<1x128x16xf32, #tpu.memory_space<vmem>> -> memref<128x16xf32, #tpu.memory_space<vmem>>
      %dma_start3A_66 = arith.constant 0 : i32
      %dma_start3A_67 = tpu.memref_slice %arg6[%dma_start3A_60, %dma_start3A_66] : memref<96x128xi32, #tpu.memory_space<vmem>> -> memref<1x128xi32, #tpu.memory_space<vmem>>
      %dma_start3A_68 = tpu.memref_squeeze %dma_start3A_67 : memref<1x128xi32, #tpu.memory_space<vmem>> -> memref<128xi32, #tpu.memory_space<vmem>>
      %dma_start3A_69 = arith.constant 0 : i32
      %dma_start3A_70 = arith.constant 0 : i32
      %dma_start3A_71 = tpu.memref_slice %arg2[%dma_start3A_69, %dma_start3A_70] : memref<10000x16xf32, #tpu.memory_space<hbm>> -> memref<10000x16xf32, #tpu.memory_space<hbm>>
      tpu.enqueue_indirect_dma source(%dma_start3A_71 : memref<10000x16xf32, #tpu.memory_space<hbm>>) target(%dma_start3A_65 : memref<128x16xf32, #tpu.memory_space<vmem>>) offsets(%dma_start3A_68 : memref<128xi32, #tpu.memory_space<vmem>>) semaphore(%arg12 : memref<!tpu.dma_semaphore, #tpu.memory_space<semaphore_mem>>)
      %scan3A_72 = arith.constant 0 : i32
      %scan3A_73 = arith.constant 0 : i32
      %scan3A_74 = arith.constant 16 : i32
      %scan3A_75 = arith.addi %scan3A_73, %scan3A_74 : i32
      %scan3A_76 = arith.constant 1 : i32
      scf.for %scan3A_78 = %scan3A_73 to %scan3A_75 step %scan3A_76  : i32 {
        %mul3A_79 = arith.constant 2 : i32
        %mul3A_80 = arith.muli %mul3A_79, %scan3A_78 : i32
        %add3A_81 = arith.constant 1 : i32
        %add3A_82 = arith.addi %mul3A_80, %add3A_81 : i32
        %mul3A_83 = arith.constant 2 : i32
        %mul3A_84 = arith.muli %mul3A_80, %mul3A_83 : i32
        %add3A_85 = arith.constant 0 : i32
        %add3A_86 = arith.addi %mul3A_84, %add3A_85 : i32
        %dma_wait3A = arith.constant 0 : i32
        %dma_wait3A_87 = arith.constant 0 : i32
        %dma_wait3A_88 = arith.constant 0 : i32
        %dma_wait3A_89 = tpu.memref_slice %arg8[%dma_wait3A, %dma_wait3A_87, %dma_wait3A_88] : memref<4x128x16xf32, #tpu.memory_space<vmem>> -> memref<1x128x16xf32, #tpu.memory_space<vmem>>
        %dma_wait3A_90 = tpu.memref_squeeze %dma_wait3A_89 : memref<1x128x16xf32, #tpu.memory_space<vmem>> -> memref<128x16xf32, #tpu.memory_space<vmem>>
        %dma_wait3A_91 = arith.constant 0 : i32
        %dma_wait3A_92 = tpu.memref_slice %arg6[%add3A_86, %dma_wait3A_91] : memref<96x128xi32, #tpu.memory_space<vmem>> -> memref<1x128xi32, #tpu.memory_space<vmem>>
        %dma_wait3A_93 = tpu.memref_squeeze %dma_wait3A_92 : memref<1x128xi32, #tpu.memory_space<vmem>> -> memref<128xi32, #tpu.memory_space<vmem>>
        %dma_wait3A_94 = arith.constant 0 : i32
        %dma_wait3A_95 = arith.constant 0 : i32
        %dma_wait3A_96 = tpu.memref_slice %arg2[%dma_wait3A_94, %dma_wait3A_95] : memref<10000x16xf32, #tpu.memory_space<hbm>> -> memref<10000x16xf32, #tpu.memory_space<hbm>>
        tpu.wait_indirect_dma semaphore(%arg11 : memref<!tpu.dma_semaphore, #tpu.memory_space<semaphore_mem>>) src(%dma_wait3A_96 : memref<10000x16xf32, #tpu.memory_space<hbm>>) dst(%dma_wait3A_90 : memref<128x16xf32, #tpu.memory_space<vmem>>)
        %mul3A_97 = arith.constant 2 : i32
        %mul3A_98 = arith.muli %mul3A_80, %mul3A_97 : i32
        %add3A_99 = arith.constant 1 : i32
        %add3A_100 = arith.addi %mul3A_98, %add3A_99 : i32
        %dma_wait3A_101 = arith.constant 1 : i32
        %dma_wait3A_102 = arith.constant 0 : i32
        %dma_wait3A_103 = arith.constant 0 : i32
        %dma_wait3A_104 = tpu.memref_slice %arg8[%dma_wait3A_101, %dma_wait3A_102, %dma_wait3A_103] : memref<4x128x16xf32, #tpu.memory_space<vmem>> -> memref<1x128x16xf32, #tpu.memory_space<vmem>>
        %dma_wait3A_105 = tpu.memref_squeeze %dma_wait3A_104 : memref<1x128x16xf32, #tpu.memory_space<vmem>> -> memref<128x16xf32, #tpu.memory_space<vmem>>
        %dma_wait3A_106 = arith.constant 0 : i32
        %dma_wait3A_107 = tpu.memref_slice %arg6[%add3A_100, %dma_wait3A_106] : memref<96x128xi32, #tpu.memory_space<vmem>> -> memref<1x128xi32, #tpu.memory_space<vmem>>
        %dma_wait3A_108 = tpu.memref_squeeze %dma_wait3A_107 : memref<1x128xi32, #tpu.memory_space<vmem>> -> memref<128xi32, #tpu.memory_space<vmem>>
        %dma_wait3A_109 = arith.constant 0 : i32
        %dma_wait3A_110 = arith.constant 0 : i32
        %dma_wait3A_111 = tpu.memref_slice %arg2[%dma_wait3A_109, %dma_wait3A_110] : memref<10000x16xf32, #tpu.memory_space<hbm>> -> memref<10000x16xf32, #tpu.memory_space<hbm>>
        tpu.wait_indirect_dma semaphore(%arg11 : memref<!tpu.dma_semaphore, #tpu.memory_space<semaphore_mem>>) src(%dma_wait3A_111 : memref<10000x16xf32, #tpu.memory_space<hbm>>) dst(%dma_wait3A_105 : memref<128x16xf32, #tpu.memory_space<vmem>>)
        %mul3A_112 = arith.constant 2 : i32
        %mul3A_113 = arith.muli %mul3A_80, %mul3A_112 : i32
        %add3A_114 = arith.constant 0 : i32
        %add3A_115 = arith.addi %mul3A_113, %add3A_114 : i32
        %dma_start3A_116 = arith.constant 0 : i32
        %dma_start3A_117 = arith.constant 0 : i32
        %dma_start3A_118 = arith.constant 0 : i32
        %dma_start3A_119 = tpu.memref_slice %arg8[%dma_start3A_116, %dma_start3A_117, %dma_start3A_118] : memref<4x128x16xf32, #tpu.memory_space<vmem>> -> memref<1x128x16xf32, #tpu.memory_space<vmem>>
        %dma_start3A_120 = tpu.memref_squeeze %dma_start3A_119 : memref<1x128x16xf32, #tpu.memory_space<vmem>> -> memref<128x16xf32, #tpu.memory_space<vmem>>
        %dma_start3A_121 = arith.constant 0 : i32
        %dma_start3A_122 = tpu.memref_slice %arg7[%add3A_115, %dma_start3A_121] : memref<96x128xi32, #tpu.memory_space<vmem>> -> memref<1x128xi32, #tpu.memory_space<vmem>>
        %dma_start3A_123 = tpu.memref_squeeze %dma_start3A_122 : memref<1x128xi32, #tpu.memory_space<vmem>> -> memref<128xi32, #tpu.memory_space<vmem>>
        %dma_start3A_124 = arith.constant 0 : i32
        %dma_start3A_125 = arith.constant 0 : i32
        %dma_start3A_126 = tpu.memref_slice %arg10[%dma_start3A_124, %dma_start3A_125] : memref<10240x16xf32, #tpu.memory_space<vmem_shared>> -> memref<10240x16xf32, #tpu.memory_space<vmem_shared>>
        tpu.enqueue_indirect_dma source(%dma_start3A_120 : memref<128x16xf32, #tpu.memory_space<vmem>>) target(%dma_start3A_126 : memref<10240x16xf32, #tpu.memory_space<vmem_shared>>) offsets(%dma_start3A_123 : memref<128xi32, #tpu.memory_space<vmem>>) semaphore(%arg13 : memref<!tpu.dma_semaphore, #tpu.memory_space<semaphore_mem>>) {add = true}
        %mul3A_127 = arith.constant 2 : i32
        %mul3A_128 = arith.muli %mul3A_80, %mul3A_127 : i32
        %add3A_129 = arith.constant 1 : i32
        %add3A_130 = arith.addi %mul3A_128, %add3A_129 : i32
        %dma_start3A_131 = arith.constant 1 : i32
        %dma_start3A_132 = arith.constant 0 : i32
        %dma_start3A_133 = arith.constant 0 : i32
        %dma_start3A_134 = tpu.memref_slice %arg8[%dma_start3A_131, %dma_start3A_132, %dma_start3A_133] : memref<4x128x16xf32, #tpu.memory_space<vmem>> -> memref<1x128x16xf32, #tpu.memory_space<vmem>>
        %dma_start3A_135 = tpu.memref_squeeze %dma_start3A_134 : memref<1x128x16xf32, #tpu.memory_space<vmem>> -> memref<128x16xf32, #tpu.memory_space<vmem>>
        %dma_start3A_136 = arith.constant 0 : i32
        %dma_start3A_137 = tpu.memref_slice %arg7[%add3A_130, %dma_start3A_136] : memref<96x128xi32, #tpu.memory_space<vmem>> -> memref<1x128xi32, #tpu.memory_space<vmem>>
        %dma_start3A_138 = tpu.memref_squeeze %dma_start3A_137 : memref<1x128xi32, #tpu.memory_space<vmem>> -> memref<128xi32, #tpu.memory_space<vmem>>
        %dma_start3A_139 = arith.constant 0 : i32
        %dma_start3A_140 = arith.constant 0 : i32
        %dma_start3A_141 = tpu.memref_slice %arg10[%dma_start3A_139, %dma_start3A_140] : memref<10240x16xf32, #tpu.memory_space<vmem_shared>> -> memref<10240x16xf32, #tpu.memory_space<vmem_shared>>
        tpu.enqueue_indirect_dma source(%dma_start3A_135 : memref<128x16xf32, #tpu.memory_space<vmem>>) target(%dma_start3A_141 : memref<10240x16xf32, #tpu.memory_space<vmem_shared>>) offsets(%dma_start3A_138 : memref<128xi32, #tpu.memory_space<vmem>>) semaphore(%arg13 : memref<!tpu.dma_semaphore, #tpu.memory_space<semaphore_mem>>) {add = true}
        %mul3A_142 = arith.constant 2 : i32
        %mul3A_143 = arith.muli %mul3A_80, %mul3A_142 : i32
        %add3A_144 = arith.constant 0 : i32
        %add3A_145 = arith.addi %mul3A_143, %add3A_144 : i32
        %dma_wait3A_146 = arith.constant 0 : i32
        %dma_wait3A_147 = arith.constant 0 : i32
        %dma_wait3A_148 = arith.constant 0 : i32
        %dma_wait3A_149 = tpu.memref_slice %arg8[%dma_wait3A_146, %dma_wait3A_147, %dma_wait3A_148] : memref<4x128x16xf32, #tpu.memory_space<vmem>> -> memref<1x128x16xf32, #tpu.memory_space<vmem>>
        %dma_wait3A_150 = tpu.memref_squeeze %dma_wait3A_149 : memref<1x128x16xf32, #tpu.memory_space<vmem>> -> memref<128x16xf32, #tpu.memory_space<vmem>>
        %dma_wait3A_151 = arith.constant 0 : i32
        %dma_wait3A_152 = tpu.memref_slice %arg7[%add3A_145, %dma_wait3A_151] : memref<96x128xi32, #tpu.memory_space<vmem>> -> memref<1x128xi32, #tpu.memory_space<vmem>>
        %dma_wait3A_153 = tpu.memref_squeeze %dma_wait3A_152 : memref<1x128xi32, #tpu.memory_space<vmem>> -> memref<128xi32, #tpu.memory_space<vmem>>
        %dma_wait3A_154 = arith.constant 0 : i32
        %dma_wait3A_155 = arith.constant 0 : i32
        %dma_wait3A_156 = tpu.memref_slice %arg10[%dma_wait3A_154, %dma_wait3A_155] : memref<10240x16xf32, #tpu.memory_space<vmem_shared>> -> memref<10240x16xf32, #tpu.memory_space<vmem_shared>>
        tpu.wait_indirect_dma semaphore(%arg13 : memref<!tpu.dma_semaphore, #tpu.memory_space<semaphore_mem>>) src(%dma_wait3A_150 : memref<128x16xf32, #tpu.memory_space<vmem>>) dst(%dma_wait3A_156 : memref<10240x16xf32, #tpu.memory_space<vmem_shared>>)
        %mul3A_157 = arith.constant 2 : i32
        %mul3A_158 = arith.muli %mul3A_80, %mul3A_157 : i32
        %add3A_159 = arith.constant 1 : i32
        %add3A_160 = arith.addi %mul3A_158, %add3A_159 : i32
        %dma_wait3A_161 = arith.constant 1 : i32
        %dma_wait3A_162 = arith.constant 0 : i32
        %dma_wait3A_163 = arith.constant 0 : i32
        %dma_wait3A_164 = tpu.memref_slice %arg8[%dma_wait3A_161, %dma_wait3A_162, %dma_wait3A_163] : memref<4x128x16xf32, #tpu.memory_space<vmem>> -> memref<1x128x16xf32, #tpu.memory_space<vmem>>
        %dma_wait3A_165 = tpu.memref_squeeze %dma_wait3A_164 : memref<1x128x16xf32, #tpu.memory_space<vmem>> -> memref<128x16xf32, #tpu.memory_space<vmem>>
        %dma_wait3A_166 = arith.constant 0 : i32
        %dma_wait3A_167 = tpu.memref_slice %arg7[%add3A_160, %dma_wait3A_166] : memref<96x128xi32, #tpu.memory_space<vmem>> -> memref<1x128xi32, #tpu.memory_space<vmem>>
        %dma_wait3A_168 = tpu.memref_squeeze %dma_wait3A_167 : memref<1x128xi32, #tpu.memory_space<vmem>> -> memref<128xi32, #tpu.memory_space<vmem>>
        %dma_wait3A_169 = arith.constant 0 : i32
        %dma_wait3A_170 = arith.constant 0 : i32
        %dma_wait3A_171 = tpu.memref_slice %arg10[%dma_wait3A_169, %dma_wait3A_170] : memref<10240x16xf32, #tpu.memory_space<vmem_shared>> -> memref<10240x16xf32, #tpu.memory_space<vmem_shared>>
        tpu.wait_indirect_dma semaphore(%arg13 : memref<!tpu.dma_semaphore, #tpu.memory_space<semaphore_mem>>) src(%dma_wait3A_165 : memref<128x16xf32, #tpu.memory_space<vmem>>) dst(%dma_wait3A_171 : memref<10240x16xf32, #tpu.memory_space<vmem_shared>>)
        %add3A_172 = arith.constant 1 : i32
        %add3A_173 = arith.addi %scan3A_78, %add3A_172 : i32
        %lt3A = arith.constant 16 : i32
        %lt3A_174 = arith.cmpi slt, %add3A_173, %lt3A : i32
        %convert_element_type3A_175 = arith.extui %lt3A_174 : i1 to i32
        %cond3A_176 = arith.constant 0 : i32
        %cond3A_177 = arith.cmpi ne, %convert_element_type3A_175, %cond3A_176 : i32
        scf.if %cond3A_177 {
          %add3A_275 = arith.constant 2 : i32
          %add3A_276 = arith.addi %mul3A_80, %add3A_275 : i32
          %mul3A_277 = arith.constant 2 : i32
          %mul3A_278 = arith.muli %add3A_276, %mul3A_277 : i32
          %add3A_279 = arith.constant 0 : i32
          %add3A_280 = arith.addi %mul3A_278, %add3A_279 : i32
          %dma_start3A_281 = arith.constant 0 : i32
          %dma_start3A_282 = arith.constant 0 : i32
          %dma_start3A_283 = arith.constant 0 : i32
          %dma_start3A_284 = tpu.memref_slice %arg8[%dma_start3A_281, %dma_start3A_282, %dma_start3A_283] : memref<4x128x16xf32, #tpu.memory_space<vmem>> -> memref<1x128x16xf32, #tpu.memory_space<vmem>>
          %dma_start3A_285 = tpu.memref_squeeze %dma_start3A_284 : memref<1x128x16xf32, #tpu.memory_space<vmem>> -> memref<128x16xf32, #tpu.memory_space<vmem>>
          %dma_start3A_286 = arith.constant 0 : i32
          %dma_start3A_287 = tpu.memref_slice %arg6[%add3A_280, %dma_start3A_286] : memref<96x128xi32, #tpu.memory_space<vmem>> -> memref<1x128xi32, #tpu.memory_space<vmem>>
          %dma_start3A_288 = tpu.memref_squeeze %dma_start3A_287 : memref<1x128xi32, #tpu.memory_space<vmem>> -> memref<128xi32, #tpu.memory_space<vmem>>
          %dma_start3A_289 = arith.constant 0 : i32
          %dma_start3A_290 = arith.constant 0 : i32
          %dma_start3A_291 = tpu.memref_slice %arg2[%dma_start3A_289, %dma_start3A_290] : memref<10000x16xf32, #tpu.memory_space<hbm>> -> memref<10000x16xf32, #tpu.memory_space<hbm>>
          tpu.enqueue_indirect_dma source(%dma_start3A_291 : memref<10000x16xf32, #tpu.memory_space<hbm>>) target(%dma_start3A_285 : memref<128x16xf32, #tpu.memory_space<vmem>>) offsets(%dma_start3A_288 : memref<128xi32, #tpu.memory_space<vmem>>) semaphore(%arg11 : memref<!tpu.dma_semaphore, #tpu.memory_space<semaphore_mem>>)
          %mul3A_292 = arith.constant 2 : i32
          %mul3A_293 = arith.muli %add3A_276, %mul3A_292 : i32
          %add3A_294 = arith.constant 1 : i32
          %add3A_295 = arith.addi %mul3A_293, %add3A_294 : i32
          %dma_start3A_296 = arith.constant 1 : i32
          %dma_start3A_297 = arith.constant 0 : i32
          %dma_start3A_298 = arith.constant 0 : i32
          %dma_start3A_299 = tpu.memref_slice %arg8[%dma_start3A_296, %dma_start3A_297, %dma_start3A_298] : memref<4x128x16xf32, #tpu.memory_space<vmem>> -> memref<1x128x16xf32, #tpu.memory_space<vmem>>
          %dma_start3A_300 = tpu.memref_squeeze %dma_start3A_299 : memref<1x128x16xf32, #tpu.memory_space<vmem>> -> memref<128x16xf32, #tpu.memory_space<vmem>>
          %dma_start3A_301 = arith.constant 0 : i32
          %dma_start3A_302 = tpu.memref_slice %arg6[%add3A_295, %dma_start3A_301] : memref<96x128xi32, #tpu.memory_space<vmem>> -> memref<1x128xi32, #tpu.memory_space<vmem>>
          %dma_start3A_303 = tpu.memref_squeeze %dma_start3A_302 : memref<1x128xi32, #tpu.memory_space<vmem>> -> memref<128xi32, #tpu.memory_space<vmem>>
          %dma_start3A_304 = arith.constant 0 : i32
          %dma_start3A_305 = arith.constant 0 : i32
          %dma_start3A_306 = tpu.memref_slice %arg2[%dma_start3A_304, %dma_start3A_305] : memref<10000x16xf32, #tpu.memory_space<hbm>> -> memref<10000x16xf32, #tpu.memory_space<hbm>>
          tpu.enqueue_indirect_dma source(%dma_start3A_306 : memref<10000x16xf32, #tpu.memory_space<hbm>>) target(%dma_start3A_300 : memref<128x16xf32, #tpu.memory_space<vmem>>) offsets(%dma_start3A_303 : memref<128xi32, #tpu.memory_space<vmem>>) semaphore(%arg11 : memref<!tpu.dma_semaphore, #tpu.memory_space<semaphore_mem>>)
        } else {
        }
        %mul3A_178 = arith.constant 2 : i32
        %mul3A_179 = arith.muli %add3A_82, %mul3A_178 : i32
        %add3A_180 = arith.constant 0 : i32
        %add3A_181 = arith.addi %mul3A_179, %add3A_180 : i32
        %dma_wait3A_182 = arith.constant 2 : i32
        %dma_wait3A_183 = arith.constant 0 : i32
        %dma_wait3A_184 = arith.constant 0 : i32
        %dma_wait3A_185 = tpu.memref_slice %arg8[%dma_wait3A_182, %dma_wait3A_183, %dma_wait3A_184] : memref<4x128x16xf32, #tpu.memory_space<vmem>> -> memref<1x128x16xf32, #tpu.memory_space<vmem>>
        %dma_wait3A_186 = tpu.memref_squeeze %dma_wait3A_185 : memref<1x128x16xf32, #tpu.memory_space<vmem>> -> memref<128x16xf32, #tpu.memory_space<vmem>>
        %dma_wait3A_187 = arith.constant 0 : i32
        %dma_wait3A_188 = tpu.memref_slice %arg6[%add3A_181, %dma_wait3A_187] : memref<96x128xi32, #tpu.memory_space<vmem>> -> memref<1x128xi32, #tpu.memory_space<vmem>>
        %dma_wait3A_189 = tpu.memref_squeeze %dma_wait3A_188 : memref<1x128xi32, #tpu.memory_space<vmem>> -> memref<128xi32, #tpu.memory_space<vmem>>
        %dma_wait3A_190 = arith.constant 0 : i32
        %dma_wait3A_191 = arith.constant 0 : i32
        %dma_wait3A_192 = tpu.memref_slice %arg2[%dma_wait3A_190, %dma_wait3A_191] : memref<10000x16xf32, #tpu.memory_space<hbm>> -> memref<10000x16xf32, #tpu.memory_space<hbm>>
        tpu.wait_indirect_dma semaphore(%arg12 : memref<!tpu.dma_semaphore, #tpu.memory_space<semaphore_mem>>) src(%dma_wait3A_192 : memref<10000x16xf32, #tpu.memory_space<hbm>>) dst(%dma_wait3A_186 : memref<128x16xf32, #tpu.memory_space<vmem>>)
        %mul3A_193 = arith.constant 2 : i32
        %mul3A_194 = arith.muli %add3A_82, %mul3A_193 : i32
        %add3A_195 = arith.constant 1 : i32
        %add3A_196 = arith.addi %mul3A_194, %add3A_195 : i32
        %dma_wait3A_197 = arith.constant 3 : i32
        %dma_wait3A_198 = arith.constant 0 : i32
        %dma_wait3A_199 = arith.constant 0 : i32
        %dma_wait3A_200 = tpu.memref_slice %arg8[%dma_wait3A_197, %dma_wait3A_198, %dma_wait3A_199] : memref<4x128x16xf32, #tpu.memory_space<vmem>> -> memref<1x128x16xf32, #tpu.memory_space<vmem>>
        %dma_wait3A_201 = tpu.memref_squeeze %dma_wait3A_200 : memref<1x128x16xf32, #tpu.memory_space<vmem>> -> memref<128x16xf32, #tpu.memory_space<vmem>>
        %dma_wait3A_202 = arith.constant 0 : i32
        %dma_wait3A_203 = tpu.memref_slice %arg6[%add3A_196, %dma_wait3A_202] : memref<96x128xi32, #tpu.memory_space<vmem>> -> memref<1x128xi32, #tpu.memory_space<vmem>>
        %dma_wait3A_204 = tpu.memref_squeeze %dma_wait3A_203 : memref<1x128xi32, #tpu.memory_space<vmem>> -> memref<128xi32, #tpu.memory_space<vmem>>
        %dma_wait3A_205 = arith.constant 0 : i32
        %dma_wait3A_206 = arith.constant 0 : i32
        %dma_wait3A_207 = tpu.memref_slice %arg2[%dma_wait3A_205, %dma_wait3A_206] : memref<10000x16xf32, #tpu.memory_space<hbm>> -> memref<10000x16xf32, #tpu.memory_space<hbm>>
        tpu.wait_indirect_dma semaphore(%arg12 : memref<!tpu.dma_semaphore, #tpu.memory_space<semaphore_mem>>) src(%dma_wait3A_207 : memref<10000x16xf32, #tpu.memory_space<hbm>>) dst(%dma_wait3A_201 : memref<128x16xf32, #tpu.memory_space<vmem>>)
        %mul3A_208 = arith.constant 2 : i32
        %mul3A_209 = arith.muli %add3A_82, %mul3A_208 : i32
        %add3A_210 = arith.constant 0 : i32
        %add3A_211 = arith.addi %mul3A_209, %add3A_210 : i32
        %dma_start3A_212 = arith.constant 2 : i32
        %dma_start3A_213 = arith.constant 0 : i32
        %dma_start3A_214 = arith.constant 0 : i32
        %dma_start3A_215 = tpu.memref_slice %arg8[%dma_start3A_212, %dma_start3A_213, %dma_start3A_214] : memref<4x128x16xf32, #tpu.memory_space<vmem>> -> memref<1x128x16xf32, #tpu.memory_space<vmem>>
        %dma_start3A_216 = tpu.memref_squeeze %dma_start3A_215 : memref<1x128x16xf32, #tpu.memory_space<vmem>> -> memref<128x16xf32, #tpu.memory_space<vmem>>
        %dma_start3A_217 = arith.constant 0 : i32
        %dma_start3A_218 = tpu.memref_slice %arg7[%add3A_211, %dma_start3A_217] : memref<96x128xi32, #tpu.memory_space<vmem>> -> memref<1x128xi32, #tpu.memory_space<vmem>>
        %dma_start3A_219 = tpu.memref_squeeze %dma_start3A_218 : memref<1x128xi32, #tpu.memory_space<vmem>> -> memref<128xi32, #tpu.memory_space<vmem>>
        %dma_start3A_220 = arith.constant 0 : i32
        %dma_start3A_221 = arith.constant 0 : i32
        %dma_start3A_222 = tpu.memref_slice %arg10[%dma_start3A_220, %dma_start3A_221] : memref<10240x16xf32, #tpu.memory_space<vmem_shared>> -> memref<10240x16xf32, #tpu.memory_space<vmem_shared>>
        tpu.enqueue_indirect_dma source(%dma_start3A_216 : memref<128x16xf32, #tpu.memory_space<vmem>>) target(%dma_start3A_222 : memref<10240x16xf32, #tpu.memory_space<vmem_shared>>) offsets(%dma_start3A_219 : memref<128xi32, #tpu.memory_space<vmem>>) semaphore(%arg14 : memref<!tpu.dma_semaphore, #tpu.memory_space<semaphore_mem>>) {add = true}
        %mul3A_223 = arith.constant 2 : i32
        %mul3A_224 = arith.muli %add3A_82, %mul3A_223 : i32
        %add3A_225 = arith.constant 1 : i32
        %add3A_226 = arith.addi %mul3A_224, %add3A_225 : i32
        %dma_start3A_227 = arith.constant 3 : i32
        %dma_start3A_228 = arith.constant 0 : i32
        %dma_start3A_229 = arith.constant 0 : i32
        %dma_start3A_230 = tpu.memref_slice %arg8[%dma_start3A_227, %dma_start3A_228, %dma_start3A_229] : memref<4x128x16xf32, #tpu.memory_space<vmem>> -> memref<1x128x16xf32, #tpu.memory_space<vmem>>
        %dma_start3A_231 = tpu.memref_squeeze %dma_start3A_230 : memref<1x128x16xf32, #tpu.memory_space<vmem>> -> memref<128x16xf32, #tpu.memory_space<vmem>>
        %dma_start3A_232 = arith.constant 0 : i32
        %dma_start3A_233 = tpu.memref_slice %arg7[%add3A_226, %dma_start3A_232] : memref<96x128xi32, #tpu.memory_space<vmem>> -> memref<1x128xi32, #tpu.memory_space<vmem>>
        %dma_start3A_234 = tpu.memref_squeeze %dma_start3A_233 : memref<1x128xi32, #tpu.memory_space<vmem>> -> memref<128xi32, #tpu.memory_space<vmem>>
        %dma_start3A_235 = arith.constant 0 : i32
        %dma_start3A_236 = arith.constant 0 : i32
        %dma_start3A_237 = tpu.memref_slice %arg10[%dma_start3A_235, %dma_start3A_236] : memref<10240x16xf32, #tpu.memory_space<vmem_shared>> -> memref<10240x16xf32, #tpu.memory_space<vmem_shared>>
        tpu.enqueue_indirect_dma source(%dma_start3A_231 : memref<128x16xf32, #tpu.memory_space<vmem>>) target(%dma_start3A_237 : memref<10240x16xf32, #tpu.memory_space<vmem_shared>>) offsets(%dma_start3A_234 : memref<128xi32, #tpu.memory_space<vmem>>) semaphore(%arg14 : memref<!tpu.dma_semaphore, #tpu.memory_space<semaphore_mem>>) {add = true}
        %mul3A_238 = arith.constant 2 : i32
        %mul3A_239 = arith.muli %add3A_82, %mul3A_238 : i32
        %add3A_240 = arith.constant 0 : i32
        %add3A_241 = arith.addi %mul3A_239, %add3A_240 : i32
        %dma_wait3A_242 = arith.constant 2 : i32
        %dma_wait3A_243 = arith.constant 0 : i32
        %dma_wait3A_244 = arith.constant 0 : i32
        %dma_wait3A_245 = tpu.memref_slice %arg8[%dma_wait3A_242, %dma_wait3A_243, %dma_wait3A_244] : memref<4x128x16xf32, #tpu.memory_space<vmem>> -> memref<1x128x16xf32, #tpu.memory_space<vmem>>
        %dma_wait3A_246 = tpu.memref_squeeze %dma_wait3A_245 : memref<1x128x16xf32, #tpu.memory_space<vmem>> -> memref<128x16xf32, #tpu.memory_space<vmem>>
        %dma_wait3A_247 = arith.constant 0 : i32
        %dma_wait3A_248 = tpu.memref_slice %arg7[%add3A_241, %dma_wait3A_247] : memref<96x128xi32, #tpu.memory_space<vmem>> -> memref<1x128xi32, #tpu.memory_space<vmem>>
        %dma_wait3A_249 = tpu.memref_squeeze %dma_wait3A_248 : memref<1x128xi32, #tpu.memory_space<vmem>> -> memref<128xi32, #tpu.memory_space<vmem>>
        %dma_wait3A_250 = arith.constant 0 : i32
        %dma_wait3A_251 = arith.constant 0 : i32
        %dma_wait3A_252 = tpu.memref_slice %arg10[%dma_wait3A_250, %dma_wait3A_251] : memref<10240x16xf32, #tpu.memory_space<vmem_shared>> -> memref<10240x16xf32, #tpu.memory_space<vmem_shared>>
        tpu.wait_indirect_dma semaphore(%arg14 : memref<!tpu.dma_semaphore, #tpu.memory_space<semaphore_mem>>) src(%dma_wait3A_246 : memref<128x16xf32, #tpu.memory_space<vmem>>) dst(%dma_wait3A_252 : memref<10240x16xf32, #tpu.memory_space<vmem_shared>>)
        %mul3A_253 = arith.constant 2 : i32
        %mul3A_254 = arith.muli %add3A_82, %mul3A_253 : i32
        %add3A_255 = arith.constant 1 : i32
        %add3A_256 = arith.addi %mul3A_254, %add3A_255 : i32
        %dma_wait3A_257 = arith.constant 3 : i32
        %dma_wait3A_258 = arith.constant 0 : i32
        %dma_wait3A_259 = arith.constant 0 : i32
        %dma_wait3A_260 = tpu.memref_slice %arg8[%dma_wait3A_257, %dma_wait3A_258, %dma_wait3A_259] : memref<4x128x16xf32, #tpu.memory_space<vmem>> -> memref<1x128x16xf32, #tpu.memory_space<vmem>>
        %dma_wait3A_261 = tpu.memref_squeeze %dma_wait3A_260 : memref<1x128x16xf32, #tpu.memory_space<vmem>> -> memref<128x16xf32, #tpu.memory_space<vmem>>
        %dma_wait3A_262 = arith.constant 0 : i32
        %dma_wait3A_263 = tpu.memref_slice %arg7[%add3A_256, %dma_wait3A_262] : memref<96x128xi32, #tpu.memory_space<vmem>> -> memref<1x128xi32, #tpu.memory_space<vmem>>
        %dma_wait3A_264 = tpu.memref_squeeze %dma_wait3A_263 : memref<1x128xi32, #tpu.memory_space<vmem>> -> memref<128xi32, #tpu.memory_space<vmem>>
        %dma_wait3A_265 = arith.constant 0 : i32
        %dma_wait3A_266 = arith.constant 0 : i32
        %dma_wait3A_267 = tpu.memref_slice %arg10[%dma_wait3A_265, %dma_wait3A_266] : memref<10240x16xf32, #tpu.memory_space<vmem_shared>> -> memref<10240x16xf32, #tpu.memory_space<vmem_shared>>
        tpu.wait_indirect_dma semaphore(%arg14 : memref<!tpu.dma_semaphore, #tpu.memory_space<semaphore_mem>>) src(%dma_wait3A_261 : memref<128x16xf32, #tpu.memory_space<vmem>>) dst(%dma_wait3A_267 : memref<10240x16xf32, #tpu.memory_space<vmem_shared>>)
        %add3A_268 = arith.constant 1 : i32
        %add3A_269 = arith.addi %scan3A_78, %add3A_268 : i32
        %lt3A_270 = arith.constant 16 : i32
        %lt3A_271 = arith.cmpi slt, %add3A_269, %lt3A_270 : i32
        %convert_element_type3A_272 = arith.extui %lt3A_271 : i1 to i32
        %cond3A_273 = arith.constant 0 : i32
        %cond3A_274 = arith.cmpi ne, %convert_element_type3A_272, %cond3A_273 : i32
        scf.if %cond3A_274 {
          %add3A_275 = arith.constant 2 : i32
          %add3A_276 = arith.addi %add3A_82, %add3A_275 : i32
          %mul3A_277 = arith.constant 2 : i32
          %mul3A_278 = arith.muli %add3A_276, %mul3A_277 : i32
          %add3A_279 = arith.constant 0 : i32
          %add3A_280 = arith.addi %mul3A_278, %add3A_279 : i32
          %dma_start3A_281 = arith.constant 2 : i32
          %dma_start3A_282 = arith.constant 0 : i32
          %dma_start3A_283 = arith.constant 0 : i32
          %dma_start3A_284 = tpu.memref_slice %arg8[%dma_start3A_281, %dma_start3A_282, %dma_start3A_283] : memref<4x128x16xf32, #tpu.memory_space<vmem>> -> memref<1x128x16xf32, #tpu.memory_space<vmem>>
          %dma_start3A_285 = tpu.memref_squeeze %dma_start3A_284 : memref<1x128x16xf32, #tpu.memory_space<vmem>> -> memref<128x16xf32, #tpu.memory_space<vmem>>
          %dma_start3A_286 = arith.constant 0 : i32
          %dma_start3A_287 = tpu.memref_slice %arg6[%add3A_280, %dma_start3A_286] : memref<96x128xi32, #tpu.memory_space<vmem>> -> memref<1x128xi32, #tpu.memory_space<vmem>>
          %dma_start3A_288 = tpu.memref_squeeze %dma_start3A_287 : memref<1x128xi32, #tpu.memory_space<vmem>> -> memref<128xi32, #tpu.memory_space<vmem>>
          %dma_start3A_289 = arith.constant 0 : i32
          %dma_start3A_290 = arith.constant 0 : i32
          %dma_start3A_291 = tpu.memref_slice %arg2[%dma_start3A_289, %dma_start3A_290] : memref<10000x16xf32, #tpu.memory_space<hbm>> -> memref<10000x16xf32, #tpu.memory_space<hbm>>
          tpu.enqueue_indirect_dma source(%dma_start3A_291 : memref<10000x16xf32, #tpu.memory_space<hbm>>) target(%dma_start3A_285 : memref<128x16xf32, #tpu.memory_space<vmem>>) offsets(%dma_start3A_288 : memref<128xi32, #tpu.memory_space<vmem>>) semaphore(%arg12 : memref<!tpu.dma_semaphore, #tpu.memory_space<semaphore_mem>>)
          %mul3A_292 = arith.constant 2 : i32
          %mul3A_293 = arith.muli %add3A_276, %mul3A_292 : i32
          %add3A_294 = arith.constant 1 : i32
          %add3A_295 = arith.addi %mul3A_293, %add3A_294 : i32
          %dma_start3A_296 = arith.constant 3 : i32
          %dma_start3A_297 = arith.constant 0 : i32
          %dma_start3A_298 = arith.constant 0 : i32
          %dma_start3A_299 = tpu.memref_slice %arg8[%dma_start3A_296, %dma_start3A_297, %dma_start3A_298] : memref<4x128x16xf32, #tpu.memory_space<vmem>> -> memref<1x128x16xf32, #tpu.memory_space<vmem>>
          %dma_start3A_300 = tpu.memref_squeeze %dma_start3A_299 : memref<1x128x16xf32, #tpu.memory_space<vmem>> -> memref<128x16xf32, #tpu.memory_space<vmem>>
          %dma_start3A_301 = arith.constant 0 : i32
          %dma_start3A_302 = tpu.memref_slice %arg6[%add3A_295, %dma_start3A_301] : memref<96x128xi32, #tpu.memory_space<vmem>> -> memref<1x128xi32, #tpu.memory_space<vmem>>
          %dma_start3A_303 = tpu.memref_squeeze %dma_start3A_302 : memref<1x128xi32, #tpu.memory_space<vmem>> -> memref<128xi32, #tpu.memory_space<vmem>>
          %dma_start3A_304 = arith.constant 0 : i32
          %dma_start3A_305 = arith.constant 0 : i32
          %dma_start3A_306 = tpu.memref_slice %arg2[%dma_start3A_304, %dma_start3A_305] : memref<10000x16xf32, #tpu.memory_space<hbm>> -> memref<10000x16xf32, #tpu.memory_space<hbm>>
          tpu.enqueue_indirect_dma source(%dma_start3A_306 : memref<10000x16xf32, #tpu.memory_space<hbm>>) target(%dma_start3A_300 : memref<128x16xf32, #tpu.memory_space<vmem>>) offsets(%dma_start3A_303 : memref<128xi32, #tpu.memory_space<vmem>>) semaphore(%arg12 : memref<!tpu.dma_semaphore, #tpu.memory_space<semaphore_mem>>)
        } else {
        }
      }
      %scan3A_77 = arith.constant 16 : i32
    } else {
    }
    %barrier3A_18 = arith.constant 0 : index
    tpu.barrier barrier_id(%barrier3A_18)
    %mul3A = arith.constant 640 : i32
    %mul3A_19 = arith.muli %arg1, %mul3A : i32
    %mul3A_20 = arith.constant 640 : i32
    %mul3A_21 = arith.muli %arg1, %mul3A_20 : i32
    "tpu.region"() ({
      %run_scoped3A = tpu.sem_alloc : memref<!tpu.dma_semaphore, #tpu.memory_space<semaphore_mem>>
      %dma_start3A = arith.constant 0 : i32
      %dma_start3A_22 = tpu.memref_slice %arg5[%arg0, %mul3A_21, %dma_start3A] : memref<2x10240x16xf32, #tpu.memory_space<hbm>> -> memref<1x640x16xf32, #tpu.memory_space<hbm>>
      %dma_start3A_23 = tpu.memref_squeeze %dma_start3A_22 : memref<1x640x16xf32, #tpu.memory_space<hbm>> -> memref<640x16xf32, #tpu.memory_space<hbm>>
      %dma_start3A_24 = arith.constant 0 : i32
      %dma_start3A_25 = tpu.memref_slice %arg10[%mul3A_19, %dma_start3A_24] : memref<10240x16xf32, #tpu.memory_space<vmem_shared>> -> memref<640x16xf32, #tpu.memory_space<vmem_shared>>
      tpu.enqueue_dma source(%dma_start3A_25 : memref<640x16xf32, #tpu.memory_space<vmem_shared>>) target(%dma_start3A_23 : memref<640x16xf32, #tpu.memory_space<hbm>>) target_semaphore(%run_scoped3A : memref<!tpu.dma_semaphore, #tpu.memory_space<semaphore_mem>>)
      %dma_wait3A = arith.constant 0 : i32
      %dma_wait3A_26 = tpu.memref_slice %arg5[%arg0, %mul3A_21, %dma_wait3A] : memref<2x10240x16xf32, #tpu.memory_space<hbm>> -> memref<1x640x16xf32, #tpu.memory_space<hbm>>
      %dma_wait3A_27 = tpu.memref_squeeze %dma_wait3A_26 : memref<1x640x16xf32, #tpu.memory_space<hbm>> -> memref<640x16xf32, #tpu.memory_space<hbm>>
      %dma_wait3A_28 = arith.constant 0 : i32
      %dma_wait3A_29 = tpu.memref_slice %arg10[%mul3A_19, %dma_wait3A_28] : memref<10240x16xf32, #tpu.memory_space<vmem_shared>> -> memref<640x16xf32, #tpu.memory_space<vmem_shared>>
      tpu.wait_dma2 semaphore(%run_scoped3A : memref<!tpu.dma_semaphore, #tpu.memory_space<semaphore_mem>>) src(%dma_wait3A_29 : memref<640x16xf32, #tpu.memory_space<vmem_shared>>) dst(%dma_wait3A_27 : memref<640x16xf32, #tpu.memory_space<hbm>>)
      tpu.yield
    }) : () -> ()
    return
  }
}

#map = affine_map<(d0, d1) -> (0, 0)>
#map1 = affine_map<(d0, d1) -> (0, 0, 0)>
module attributes {stable_mosaic.version = 14 : i64} {
  func.func @body(%arg0: i32, %arg1: i32, %arg2: memref<10000x16xf32, #tpu.memory_space<hbm>>, %arg3: memref<2560x128xi32, #tpu.memory_space<hbm>>, %arg4: memref<2560x128xi32, #tpu.memory_space<hbm>>, %arg5: memref<2x10240x16xf32, #tpu.memory_space<hbm>>, %arg6: memref<96x128xi32, #tpu.memory_space<vmem>>, %arg7: memref<96x128xi32, #tpu.memory_space<vmem>>, %arg8: memref<4x128x16xf32, #tpu.memory_space<vmem>>, %arg9: memref<64x16xf32, #tpu.memory_space<vmem>>, %arg10: memref<10240x16xf32, #tpu.memory_space<vmem_shared>>, %arg11: memref<!tpu.dma_semaphore, #tpu.memory_space<semaphore_mem>>, %arg12: memref<!tpu.dma_semaphore, #tpu.memory_space<semaphore_mem>>, %arg13: memref<!tpu.dma_semaphore, #tpu.memory_space<semaphore_mem>>, %arg14: memref<!tpu.dma_semaphore, #tpu.memory_space<semaphore_mem>>) attributes {dimension_semantics = [#tpu.dimension_semantics<core_parallel>, #tpu.dimension_semantics<subcore_parallel>], iteration_bounds = array<i64: 2, 16>, scalar_prefetch = 0 : i64, scratch_operands = 9 : i64, tpu.core_type = #tpu.core_type<sc_vector_subcore>, window_params = [{transform_indices = #map}, {transform_indices = #map}, {transform_indices = #map}, {transform_indices = #map1}]} {
    %scan3A = arith.constant 0 : i32
    %scan3A_0 = arith.constant 0 : i32
    %scan3A_1 = arith.constant 64 : i32
    %scan3A_2 = arith.addi %scan3A_0, %scan3A_1 : i32
    %scan3A_3 = arith.constant 1 : i32
    scf.for %scan3A_22 = %scan3A_0 to %scan3A_2 step %scan3A_3  : i32 {
      %jit3A = arith.constant 1 : i32
      %div3A = arith.divsi %scan3A_22, %jit3A : i32
      %sign3A = arith.constant 0 : i32
      %sign3A_23 = arith.cmpi sgt, %scan3A_22, %sign3A : i32
      %sign3A_24 = arith.extui %sign3A_23 : i1 to i32
      %sign3A_25 = arith.constant 0 : i32
      %sign3A_26 = arith.cmpi slt, %scan3A_22, %sign3A_25 : i32
      %sign3A_27 = arith.extui %sign3A_26 : i1 to i32
      %sign3A_28 = arith.subi %sign3A_24, %sign3A_27 : i32
      %sign3A_29 = arith.constant 0 : i32
      %sign3A_30 = arith.cmpi sgt, %jit3A, %sign3A_29 : i32
      %sign3A_31 = arith.extui %sign3A_30 : i1 to i32
      %sign3A_32 = arith.constant 0 : i32
      %sign3A_33 = arith.cmpi slt, %jit3A, %sign3A_32 : i32
      %sign3A_34 = arith.extui %sign3A_33 : i1 to i32
      %sign3A_35 = arith.subi %sign3A_31, %sign3A_34 : i32
      %ne3A = arith.cmpi ne, %sign3A_28, %sign3A_35 : i32
      %rem3A = arith.remsi %scan3A_22, %jit3A : i32
      %ne3A_36 = arith.constant 0 : i32
      %ne3A_37 = arith.cmpi ne, %rem3A, %ne3A_36 : i32
      %and3A = arith.andi %ne3A, %ne3A_37 : i1
      %sub3A = arith.constant 1 : i32
      %sub3A_38 = arith.subi %div3A, %sub3A : i32
      %select_n3A = arith.select %and3A, %sub3A_38, %div3A : i32
      %jit3A_39 = arith.constant 1 : i32
      %eq3A_40 = arith.constant 0 : i32
      %eq3A_41 = arith.cmpi eq, %jit3A_39, %eq3A_40 : i32
      %jit3A_42 = arith.constant 1 : i32
      %select_n3A_43 = arith.select %eq3A_41, %jit3A_42, %jit3A_39 : i32
      %rem3A_44 = arith.remsi %scan3A_22, %select_n3A_43 : i32
      %ne3A_45 = arith.constant 0 : i32
      %ne3A_46 = arith.cmpi ne, %rem3A_44, %ne3A_45 : i32
      %lt3A = arith.constant 0 : i32
      %lt3A_47 = arith.cmpi slt, %rem3A_44, %lt3A : i32
      %lt3A_48 = arith.constant 0 : i32
      %lt3A_49 = arith.cmpi slt, %select_n3A_43, %lt3A_48 : i32
      %ne3A_50 = arith.xori %lt3A_47, %lt3A_49 : i1
      %and3A_51 = arith.andi %ne3A_50, %ne3A_46 : i1
      %add3A = arith.addi %rem3A_44, %select_n3A_43 : i32
      %select_n3A_52 = arith.select %and3A_51, %add3A, %rem3A_44 : i32
      %mul3A_53 = arith.constant 16 : i32
      %mul3A_54 = arith.muli %select_n3A_52, %mul3A_53 : i32
      %broadcast_in_dim3A = arith.constant 0.000000e+00 : f32
      %broadcast_in_dim3A_55 = vector.broadcast %broadcast_in_dim3A : f32 to vector<16xf32>
      %swap3A = arith.index_cast %select_n3A : i32 to index
      %swap3A_56 = arith.index_cast %mul3A_54 : i32 to index
      %swap3A_57 = tpu.vector_load %arg9[%swap3A, %swap3A_56] {strides = array<i32>} : memref<64x16xf32, #tpu.memory_space<vmem>>, vector<1x16xf32>,
      %swap3A_58 = vector.shape_cast %swap3A_57 : vector<1x16xf32> to vector<16xf32>
      %swap3A_59 = vector.shape_cast %broadcast_in_dim3A_55 : vector<16xf32> to vector<1x16xf32>
      tpu.vector_store %arg9[%swap3A, %swap3A_56], %swap3A_59 {strides = array<i32>} : memref<64x16xf32, #tpu.memory_space<vmem>>, vector<1x16xf32>,
    }
    %scan3A_4 = arith.constant 64 : i32
    %scan3A_5 = arith.constant 0 : i32
    %scan3A_6 = arith.constant 0 : i32
    %scan3A_7 = arith.constant 10 : i32
    %scan3A_8 = arith.addi %scan3A_6, %scan3A_7 : i32
    %scan3A_9 = arith.constant 1 : i32
    scf.for %scan3A_22 = %scan3A_6 to %scan3A_8 step %scan3A_9  : i32 {
      %mul3A_23 = arith.constant 640 : i32
      %mul3A_24 = arith.muli %arg1, %mul3A_23 : i32
      %mul3A_25 = arith.constant 64 : i32
      %mul3A_26 = arith.muli %scan3A_22, %mul3A_25 : i32
      %add3A = arith.addi %mul3A_24, %mul3A_26 : i32
      "tpu.region"() ({
        %run_scoped3A = tpu.sem_alloc : memref<!tpu.dma_semaphore, #tpu.memory_space<semaphore_mem>>
        %dma_start3A = arith.constant 0 : i32
        %dma_start3A_27 = tpu.memref_slice %arg10[%add3A, %dma_start3A] : memref<10240x16xf32, #tpu.memory_space<vmem_shared>> -> memref<64x16xf32, #tpu.memory_space<vmem_shared>>
        %dma_start3A_28 = arith.constant 0 : i32
        %dma_start3A_29 = tpu.memref_slice %arg10[%add3A, %dma_start3A_28] : memref<10240x16xf32, #tpu.memory_space<vmem_shared>> -> memref<64x16xf32, #tpu.memory_space<vmem_shared>>
        tpu.enqueue_dma source(%arg9 : memref<64x16xf32, #tpu.memory_space<vmem>>) target(%dma_start3A_29 : memref<64x16xf32, #tpu.memory_space<vmem_shared>>) target_semaphore(%run_scoped3A : memref<!tpu.dma_semaphore, #tpu.memory_space<semaphore_mem>>)
        %dma_wait3A = arith.constant 0 : i32
        %dma_wait3A_30 = tpu.memref_slice %arg10[%add3A, %dma_wait3A] : memref<10240x16xf32, #tpu.memory_space<vmem_shared>> -> memref<64x16xf32, #tpu.memory_space<vmem_shared>>
        %dma_wait3A_31 = arith.constant 0 : i32
        %dma_wait3A_32 = tpu.memref_slice %arg10[%add3A, %dma_wait3A_31] : memref<10240x16xf32, #tpu.memory_space<vmem_shared>> -> memref<64x16xf32, #tpu.memory_space<vmem_shared>>
        tpu.wait_dma2 semaphore(%run_scoped3A : memref<!tpu.dma_semaphore, #tpu.memory_space<semaphore_mem>>) src(%arg9 : memref<64x16xf32, #tpu.memory_space<vmem>>) dst(%dma_wait3A_32 : memref<64x16xf32, #tpu.memory_space<vmem_shared>>)
        tpu.yield
      }) : () -> ()
    }
    %scan3A_10 = arith.constant 10 : i32
    %barrier3A = arith.constant 0 : index
    tpu.barrier barrier_id(%barrier3A)
    %eq3A = arith.constant 0 : i32
    %eq3A_11 = arith.cmpi eq, %arg0, %eq3A : i32
    %convert_element_type3A = arith.extui %eq3A_11 : i1 to i32
    %cond3A = arith.constant 0 : i32
    %cond3A_12 = arith.cmpi ne, %convert_element_type3A, %cond3A : i32
    scf.if %cond3A_12 {
      %mul3A_22 = arith.constant 96 : i32
      %mul3A_23 = arith.muli %arg1, %mul3A_22 : i32
      "tpu.region"() ({
        %run_scoped3A = tpu.sem_alloc : memref<!tpu.dma_semaphore, #tpu.memory_space<semaphore_mem>>
        %dma_start3A_77 = arith.constant 0 : i32
        %dma_start3A_78 = arith.constant 0 : i32
        %dma_start3A_79 = tpu.memref_slice %arg6[%dma_start3A_77, %dma_start3A_78] : memref<96x128xi32, #tpu.memory_space<vmem>> -> memref<96x128xi32, #tpu.memory_space<vmem>>
        %dma_start3A_80 = arith.constant 0 : i32
        %dma_start3A_81 = tpu.memref_slice %arg3[%mul3A_23, %dma_start3A_80] : memref<2560x128xi32, #tpu.memory_space<hbm>> -> memref<96x128xi32, #tpu.memory_space<hbm>>
        %dma_start3A_82 = arith.constant 0 : i32
        %dma_start3A_83 = arith.constant 0 : i32
        %dma_start3A_84 = tpu.memref_slice %arg6[%dma_start3A_82, %dma_start3A_83] : memref<96x128xi32, #tpu.memory_space<vmem>> -> memref<96x128xi32, #tpu.memory_space<vmem>>
        %dma_start3A_85 = arith.constant 0 : i32
        %dma_start3A_86 = tpu.memref_slice %arg3[%mul3A_23, %dma_start3A_85] : memref<2560x128xi32, #tpu.memory_space<hbm>> -> memref<96x128xi32, #tpu.memory_space<hbm>>
        tpu.enqueue_dma source(%dma_start3A_86 : memref<96x128xi32, #tpu.memory_space<hbm>>) target(%dma_start3A_84 : memref<96x128xi32, #tpu.memory_space<vmem>>) target_semaphore(%run_scoped3A : memref<!tpu.dma_semaphore, #tpu.memory_space<semaphore_mem>>)
        %dma_wait3A = arith.constant 0 : i32
        %dma_wait3A_87 = arith.constant 0 : i32
        %dma_wait3A_88 = tpu.memref_slice %arg6[%dma_wait3A, %dma_wait3A_87] : memref<96x128xi32, #tpu.memory_space<vmem>> -> memref<96x128xi32, #tpu.memory_space<vmem>>
        %dma_wait3A_89 = arith.constant 0 : i32
        %dma_wait3A_90 = tpu.memref_slice %arg3[%mul3A_23, %dma_wait3A_89] : memref<2560x128xi32, #tpu.memory_space<hbm>> -> memref<96x128xi32, #tpu.memory_space<hbm>>
        %dma_wait3A_91 = arith.constant 0 : i32
        %dma_wait3A_92 = arith.constant 0 : i32
        %dma_wait3A_93 = tpu.memref_slice %arg6[%dma_wait3A_91, %dma_wait3A_92] : memref<96x128xi32, #tpu.memory_space<vmem>> -> memref<96x128xi32, #tpu.memory_space<vmem>>
        %dma_wait3A_94 = arith.constant 0 : i32
        %dma_wait3A_95 = tpu.memref_slice %arg3[%mul3A_23, %dma_wait3A_94] : memref<2560x128xi32, #tpu.memory_space<hbm>> -> memref<96x128xi32, #tpu.memory_space<hbm>>
        tpu.wait_dma2 semaphore(%run_scoped3A : memref<!tpu.dma_semaphore, #tpu.memory_space<semaphore_mem>>) src(%dma_wait3A_95 : memref<96x128xi32, #tpu.memory_space<hbm>>) dst(%dma_wait3A_93 : memref<96x128xi32, #tpu.memory_space<vmem>>)
        tpu.yield
      }) : () -> ()
      "tpu.region"() ({
        %run_scoped3A = tpu.sem_alloc : memref<!tpu.dma_semaphore, #tpu.memory_space<semaphore_mem>>
        %dma_start3A_77 = arith.constant 0 : i32
        %dma_start3A_78 = arith.constant 0 : i32
        %dma_start3A_79 = tpu.memref_slice %arg7[%dma_start3A_77, %dma_start3A_78] : memref<96x128xi32, #tpu.memory_space<vmem>> -> memref<96x128xi32, #tpu.memory_space<vmem>>
        %dma_start3A_80 = arith.constant 0 : i32
        %dma_start3A_81 = tpu.memref_slice %arg4[%mul3A_23, %dma_start3A_80] : memref<2560x128xi32, #tpu.memory_space<hbm>> -> memref<96x128xi32, #tpu.memory_space<hbm>>
        %dma_start3A_82 = arith.constant 0 : i32
        %dma_start3A_83 = arith.constant 0 : i32
        %dma_start3A_84 = tpu.memref_slice %arg7[%dma_start3A_82, %dma_start3A_83] : memref<96x128xi32, #tpu.memory_space<vmem>> -> memref<96x128xi32, #tpu.memory_space<vmem>>
        %dma_start3A_85 = arith.constant 0 : i32
        %dma_start3A_86 = tpu.memref_slice %arg4[%mul3A_23, %dma_start3A_85] : memref<2560x128xi32, #tpu.memory_space<hbm>> -> memref<96x128xi32, #tpu.memory_space<hbm>>
        tpu.enqueue_dma source(%dma_start3A_86 : memref<96x128xi32, #tpu.memory_space<hbm>>) target(%dma_start3A_84 : memref<96x128xi32, #tpu.memory_space<vmem>>) target_semaphore(%run_scoped3A : memref<!tpu.dma_semaphore, #tpu.memory_space<semaphore_mem>>)
        %dma_wait3A = arith.constant 0 : i32
        %dma_wait3A_87 = arith.constant 0 : i32
        %dma_wait3A_88 = tpu.memref_slice %arg7[%dma_wait3A, %dma_wait3A_87] : memref<96x128xi32, #tpu.memory_space<vmem>> -> memref<96x128xi32, #tpu.memory_space<vmem>>
        %dma_wait3A_89 = arith.constant 0 : i32
        %dma_wait3A_90 = tpu.memref_slice %arg4[%mul3A_23, %dma_wait3A_89] : memref<2560x128xi32, #tpu.memory_space<hbm>> -> memref<96x128xi32, #tpu.memory_space<hbm>>
        %dma_wait3A_91 = arith.constant 0 : i32
        %dma_wait3A_92 = arith.constant 0 : i32
        %dma_wait3A_93 = tpu.memref_slice %arg7[%dma_wait3A_91, %dma_wait3A_92] : memref<96x128xi32, #tpu.memory_space<vmem>> -> memref<96x128xi32, #tpu.memory_space<vmem>>
        %dma_wait3A_94 = arith.constant 0 : i32
        %dma_wait3A_95 = tpu.memref_slice %arg4[%mul3A_23, %dma_wait3A_94] : memref<2560x128xi32, #tpu.memory_space<hbm>> -> memref<96x128xi32, #tpu.memory_space<hbm>>
        tpu.wait_dma2 semaphore(%run_scoped3A : memref<!tpu.dma_semaphore, #tpu.memory_space<semaphore_mem>>) src(%dma_wait3A_95 : memref<96x128xi32, #tpu.memory_space<hbm>>) dst(%dma_wait3A_93 : memref<96x128xi32, #tpu.memory_space<vmem>>)
        tpu.yield
      }) : () -> ()
      %dma_start3A = arith.constant 0 : i32
      %dma_start3A_24 = arith.constant 0 : i32
      %dma_start3A_25 = arith.constant 0 : i32
      %dma_start3A_26 = arith.constant 0 : i32
      %dma_start3A_27 = tpu.memref_slice %arg8[%dma_start3A_24, %dma_start3A_25, %dma_start3A_26] : memref<4x128x16xf32, #tpu.memory_space<vmem>> -> memref<1x128x16xf32, #tpu.memory_space<vmem>>
      %dma_start3A_28 = tpu.memref_squeeze %dma_start3A_27 : memref<1x128x16xf32, #tpu.memory_space<vmem>> -> memref<128x16xf32, #tpu.memory_space<vmem>>
      %dma_start3A_29 = arith.constant 0 : i32
      %dma_start3A_30 = tpu.memref_slice %arg6[%dma_start3A, %dma_start3A_29] : memref<96x128xi32, #tpu.memory_space<vmem>> -> memref<1x128xi32, #tpu.memory_space<vmem>>
      %dma_start3A_31 = tpu.memref_squeeze %dma_start3A_30 : memref<1x128xi32, #tpu.memory_space<vmem>> -> memref<128xi32, #tpu.memory_space<vmem>>
      %dma_start3A_32 = arith.constant 0 : i32
      %dma_start3A_33 = arith.constant 0 : i32
      %dma_start3A_34 = tpu.memref_slice %arg2[%dma_start3A_32, %dma_start3A_33] : memref<10000x16xf32, #tpu.memory_space<hbm>> -> memref<10000x16xf32, #tpu.memory_space<hbm>>
      tpu.enqueue_indirect_dma source(%dma_start3A_34 : memref<10000x16xf32, #tpu.memory_space<hbm>>) target(%dma_start3A_28 : memref<128x16xf32, #tpu.memory_space<vmem>>) offsets(%dma_start3A_31 : memref<128xi32, #tpu.memory_space<vmem>>) semaphore(%arg11 : memref<!tpu.dma_semaphore, #tpu.memory_space<semaphore_mem>>)
      %dma_start3A_35 = arith.constant 1 : i32
      %dma_start3A_36 = arith.constant 1 : i32
      %dma_start3A_37 = arith.constant 0 : i32
      %dma_start3A_38 = arith.constant 0 : i32
      %dma_start3A_39 = tpu.memref_slice %arg8[%dma_start3A_36, %dma_start3A_37, %dma_start3A_38] : memref<4x128x16xf32, #tpu.memory_space<vmem>> -> memref<1x128x16xf32, #tpu.memory_space<vmem>>
      %dma_start3A_40 = tpu.memref_squeeze %dma_start3A_39 : memref<1x128x16xf32, #tpu.memory_space<vmem>> -> memref<128x16xf32, #tpu.memory_space<vmem>>
      %dma_start3A_41 = arith.constant 0 : i32
      %dma_start3A_42 = tpu.memref_slice %arg6[%dma_start3A_35, %dma_start3A_41] : memref<96x128xi32, #tpu.memory_space<vmem>> -> memref<1x128xi32, #tpu.memory_space<vmem>>
      %dma_start3A_43 = tpu.memref_squeeze %dma_start3A_42 : memref<1x128xi32, #tpu.memory_space<vmem>> -> memref<128xi32, #tpu.memory_space<vmem>>
      %dma_start3A_44 = arith.constant 0 : i32
      %dma_start3A_45 = arith.constant 0 : i32
      %dma_start3A_46 = tpu.memref_slice %arg2[%dma_start3A_44, %dma_start3A_45] : memref<10000x16xf32, #tpu.memory_space<hbm>> -> memref<10000x16xf32, #tpu.memory_space<hbm>>
      tpu.enqueue_indirect_dma source(%dma_start3A_46 : memref<10000x16xf32, #tpu.memory_space<hbm>>) target(%dma_start3A_40 : memref<128x16xf32, #tpu.memory_space<vmem>>) offsets(%dma_start3A_43 : memref<128xi32, #tpu.memory_space<vmem>>) semaphore(%arg11 : memref<!tpu.dma_semaphore, #tpu.memory_space<semaphore_mem>>)
      %dma_start3A_47 = arith.constant 2 : i32
      %dma_start3A_48 = arith.constant 2 : i32
      %dma_start3A_49 = arith.constant 0 : i32
      %dma_start3A_50 = arith.constant 0 : i32
      %dma_start3A_51 = tpu.memref_slice %arg8[%dma_start3A_48, %dma_start3A_49, %dma_start3A_50] : memref<4x128x16xf32, #tpu.memory_space<vmem>> -> memref<1x128x16xf32, #tpu.memory_space<vmem>>
      %dma_start3A_52 = tpu.memref_squeeze %dma_start3A_51 : memref<1x128x16xf32, #tpu.memory_space<vmem>> -> memref<128x16xf32, #tpu.memory_space<vmem>>
      %dma_start3A_53 = arith.constant 0 : i32
      %dma_start3A_54 = tpu.memref_slice %arg6[%dma_start3A_47, %dma_start3A_53] : memref<96x128xi32, #tpu.memory_space<vmem>> -> memref<1x128xi32, #tpu.memory_space<vmem>>
      %dma_start3A_55 = tpu.memref_squeeze %dma_start3A_54 : memref<1x128xi32, #tpu.memory_space<vmem>> -> memref<128xi32, #tpu.memory_space<vmem>>
      %dma_start3A_56 = arith.constant 0 : i32
      %dma_start3A_57 = arith.constant 0 : i32
      %dma_start3A_58 = tpu.memref_slice %arg2[%dma_start3A_56, %dma_start3A_57] : memref<10000x16xf32, #tpu.memory_space<hbm>> -> memref<10000x16xf32, #tpu.memory_space<hbm>>
      tpu.enqueue_indirect_dma source(%dma_start3A_58 : memref<10000x16xf32, #tpu.memory_space<hbm>>) target(%dma_start3A_52 : memref<128x16xf32, #tpu.memory_space<vmem>>) offsets(%dma_start3A_55 : memref<128xi32, #tpu.memory_space<vmem>>) semaphore(%arg12 : memref<!tpu.dma_semaphore, #tpu.memory_space<semaphore_mem>>)
      %dma_start3A_59 = arith.constant 3 : i32
      %dma_start3A_60 = arith.constant 3 : i32
      %dma_start3A_61 = arith.constant 0 : i32
      %dma_start3A_62 = arith.constant 0 : i32
      %dma_start3A_63 = tpu.memref_slice %arg8[%dma_start3A_60, %dma_start3A_61, %dma_start3A_62] : memref<4x128x16xf32, #tpu.memory_space<vmem>> -> memref<1x128x16xf32, #tpu.memory_space<vmem>>
      %dma_start3A_64 = tpu.memref_squeeze %dma_start3A_63 : memref<1x128x16xf32, #tpu.memory_space<vmem>> -> memref<128x16xf32, #tpu.memory_space<vmem>>
      %dma_start3A_65 = arith.constant 0 : i32
      %dma_start3A_66 = tpu.memref_slice %arg6[%dma_start3A_59, %dma_start3A_65] : memref<96x128xi32, #tpu.memory_space<vmem>> -> memref<1x128xi32, #tpu.memory_space<vmem>>
      %dma_start3A_67 = tpu.memref_squeeze %dma_start3A_66 : memref<1x128xi32, #tpu.memory_space<vmem>> -> memref<128xi32, #tpu.memory_space<vmem>>
      %dma_start3A_68 = arith.constant 0 : i32
      %dma_start3A_69 = arith.constant 0 : i32
      %dma_start3A_70 = tpu.memref_slice %arg2[%dma_start3A_68, %dma_start3A_69] : memref<10000x16xf32, #tpu.memory_space<hbm>> -> memref<10000x16xf32, #tpu.memory_space<hbm>>
      tpu.enqueue_indirect_dma source(%dma_start3A_70 : memref<10000x16xf32, #tpu.memory_space<hbm>>) target(%dma_start3A_64 : memref<128x16xf32, #tpu.memory_space<vmem>>) offsets(%dma_start3A_67 : memref<128xi32, #tpu.memory_space<vmem>>) semaphore(%arg12 : memref<!tpu.dma_semaphore, #tpu.memory_space<semaphore_mem>>)
      %scan3A_71 = arith.constant 0 : i32
      %scan3A_72 = arith.constant 0 : i32
      %scan3A_73 = arith.constant 24 : i32
      %scan3A_74 = arith.addi %scan3A_72, %scan3A_73 : i32
      %scan3A_75 = arith.constant 1 : i32
      scf.for %scan3A_77 = %scan3A_72 to %scan3A_74 step %scan3A_75  : i32 {
        %mul3A_78 = arith.constant 2 : i32
        %mul3A_79 = arith.muli %mul3A_78, %scan3A_77 : i32
        %add3A = arith.constant 1 : i32
        %add3A_80 = arith.addi %mul3A_79, %add3A : i32
        %mul3A_81 = arith.constant 2 : i32
        %mul3A_82 = arith.muli %mul3A_79, %mul3A_81 : i32
        %add3A_83 = arith.constant 0 : i32
        %add3A_84 = arith.addi %mul3A_82, %add3A_83 : i32
        %dma_wait3A = arith.constant 0 : i32
        %dma_wait3A_85 = arith.constant 0 : i32
        %dma_wait3A_86 = arith.constant 0 : i32
        %dma_wait3A_87 = tpu.memref_slice %arg8[%dma_wait3A, %dma_wait3A_85, %dma_wait3A_86] : memref<4x128x16xf32, #tpu.memory_space<vmem>> -> memref<1x128x16xf32, #tpu.memory_space<vmem>>
        %dma_wait3A_88 = tpu.memref_squeeze %dma_wait3A_87 : memref<1x128x16xf32, #tpu.memory_space<vmem>> -> memref<128x16xf32, #tpu.memory_space<vmem>>
        %dma_wait3A_89 = arith.constant 0 : i32
        %dma_wait3A_90 = tpu.memref_slice %arg6[%add3A_84, %dma_wait3A_89] : memref<96x128xi32, #tpu.memory_space<vmem>> -> memref<1x128xi32, #tpu.memory_space<vmem>>
        %dma_wait3A_91 = tpu.memref_squeeze %dma_wait3A_90 : memref<1x128xi32, #tpu.memory_space<vmem>> -> memref<128xi32, #tpu.memory_space<vmem>>
        %dma_wait3A_92 = arith.constant 0 : i32
        %dma_wait3A_93 = arith.constant 0 : i32
        %dma_wait3A_94 = tpu.memref_slice %arg2[%dma_wait3A_92, %dma_wait3A_93] : memref<10000x16xf32, #tpu.memory_space<hbm>> -> memref<10000x16xf32, #tpu.memory_space<hbm>>
        tpu.wait_indirect_dma semaphore(%arg11 : memref<!tpu.dma_semaphore, #tpu.memory_space<semaphore_mem>>) src(%dma_wait3A_94 : memref<10000x16xf32, #tpu.memory_space<hbm>>) dst(%dma_wait3A_88 : memref<128x16xf32, #tpu.memory_space<vmem>>)
        %mul3A_95 = arith.constant 2 : i32
        %mul3A_96 = arith.muli %mul3A_79, %mul3A_95 : i32
        %add3A_97 = arith.constant 1 : i32
        %add3A_98 = arith.addi %mul3A_96, %add3A_97 : i32
        %dma_wait3A_99 = arith.constant 1 : i32
        %dma_wait3A_100 = arith.constant 0 : i32
        %dma_wait3A_101 = arith.constant 0 : i32
        %dma_wait3A_102 = tpu.memref_slice %arg8[%dma_wait3A_99, %dma_wait3A_100, %dma_wait3A_101] : memref<4x128x16xf32, #tpu.memory_space<vmem>> -> memref<1x128x16xf32, #tpu.memory_space<vmem>>
        %dma_wait3A_103 = tpu.memref_squeeze %dma_wait3A_102 : memref<1x128x16xf32, #tpu.memory_space<vmem>> -> memref<128x16xf32, #tpu.memory_space<vmem>>
        %dma_wait3A_104 = arith.constant 0 : i32
        %dma_wait3A_105 = tpu.memref_slice %arg6[%add3A_98, %dma_wait3A_104] : memref<96x128xi32, #tpu.memory_space<vmem>> -> memref<1x128xi32, #tpu.memory_space<vmem>>
        %dma_wait3A_106 = tpu.memref_squeeze %dma_wait3A_105 : memref<1x128xi32, #tpu.memory_space<vmem>> -> memref<128xi32, #tpu.memory_space<vmem>>
        %dma_wait3A_107 = arith.constant 0 : i32
        %dma_wait3A_108 = arith.constant 0 : i32
        %dma_wait3A_109 = tpu.memref_slice %arg2[%dma_wait3A_107, %dma_wait3A_108] : memref<10000x16xf32, #tpu.memory_space<hbm>> -> memref<10000x16xf32, #tpu.memory_space<hbm>>
        tpu.wait_indirect_dma semaphore(%arg11 : memref<!tpu.dma_semaphore, #tpu.memory_space<semaphore_mem>>) src(%dma_wait3A_109 : memref<10000x16xf32, #tpu.memory_space<hbm>>) dst(%dma_wait3A_103 : memref<128x16xf32, #tpu.memory_space<vmem>>)
        %mul3A_110 = arith.constant 2 : i32
        %mul3A_111 = arith.muli %mul3A_79, %mul3A_110 : i32
        %add3A_112 = arith.constant 0 : i32
        %add3A_113 = arith.addi %mul3A_111, %add3A_112 : i32
        %dma_start3A_114 = arith.constant 0 : i32
        %dma_start3A_115 = arith.constant 0 : i32
        %dma_start3A_116 = arith.constant 0 : i32
        %dma_start3A_117 = tpu.memref_slice %arg8[%dma_start3A_114, %dma_start3A_115, %dma_start3A_116] : memref<4x128x16xf32, #tpu.memory_space<vmem>> -> memref<1x128x16xf32, #tpu.memory_space<vmem>>
        %dma_start3A_118 = tpu.memref_squeeze %dma_start3A_117 : memref<1x128x16xf32, #tpu.memory_space<vmem>> -> memref<128x16xf32, #tpu.memory_space<vmem>>
        %dma_start3A_119 = arith.constant 0 : i32
        %dma_start3A_120 = tpu.memref_slice %arg7[%add3A_113, %dma_start3A_119] : memref<96x128xi32, #tpu.memory_space<vmem>> -> memref<1x128xi32, #tpu.memory_space<vmem>>
        %dma_start3A_121 = tpu.memref_squeeze %dma_start3A_120 : memref<1x128xi32, #tpu.memory_space<vmem>> -> memref<128xi32, #tpu.memory_space<vmem>>
        %dma_start3A_122 = arith.constant 0 : i32
        %dma_start3A_123 = arith.constant 0 : i32
        %dma_start3A_124 = tpu.memref_slice %arg10[%dma_start3A_122, %dma_start3A_123] : memref<10240x16xf32, #tpu.memory_space<vmem_shared>> -> memref<10240x16xf32, #tpu.memory_space<vmem_shared>>
        tpu.enqueue_indirect_dma source(%dma_start3A_118 : memref<128x16xf32, #tpu.memory_space<vmem>>) target(%dma_start3A_124 : memref<10240x16xf32, #tpu.memory_space<vmem_shared>>) offsets(%dma_start3A_121 : memref<128xi32, #tpu.memory_space<vmem>>) semaphore(%arg13 : memref<!tpu.dma_semaphore, #tpu.memory_space<semaphore_mem>>) {add = true}
        %mul3A_125 = arith.constant 2 : i32
        %mul3A_126 = arith.muli %mul3A_79, %mul3A_125 : i32
        %add3A_127 = arith.constant 1 : i32
        %add3A_128 = arith.addi %mul3A_126, %add3A_127 : i32
        %dma_start3A_129 = arith.constant 1 : i32
        %dma_start3A_130 = arith.constant 0 : i32
        %dma_start3A_131 = arith.constant 0 : i32
        %dma_start3A_132 = tpu.memref_slice %arg8[%dma_start3A_129, %dma_start3A_130, %dma_start3A_131] : memref<4x128x16xf32, #tpu.memory_space<vmem>> -> memref<1x128x16xf32, #tpu.memory_space<vmem>>
        %dma_start3A_133 = tpu.memref_squeeze %dma_start3A_132 : memref<1x128x16xf32, #tpu.memory_space<vmem>> -> memref<128x16xf32, #tpu.memory_space<vmem>>
        %dma_start3A_134 = arith.constant 0 : i32
        %dma_start3A_135 = tpu.memref_slice %arg7[%add3A_128, %dma_start3A_134] : memref<96x128xi32, #tpu.memory_space<vmem>> -> memref<1x128xi32, #tpu.memory_space<vmem>>
        %dma_start3A_136 = tpu.memref_squeeze %dma_start3A_135 : memref<1x128xi32, #tpu.memory_space<vmem>> -> memref<128xi32, #tpu.memory_space<vmem>>
        %dma_start3A_137 = arith.constant 0 : i32
        %dma_start3A_138 = arith.constant 0 : i32
        %dma_start3A_139 = tpu.memref_slice %arg10[%dma_start3A_137, %dma_start3A_138] : memref<10240x16xf32, #tpu.memory_space<vmem_shared>> -> memref<10240x16xf32, #tpu.memory_space<vmem_shared>>
        tpu.enqueue_indirect_dma source(%dma_start3A_133 : memref<128x16xf32, #tpu.memory_space<vmem>>) target(%dma_start3A_139 : memref<10240x16xf32, #tpu.memory_space<vmem_shared>>) offsets(%dma_start3A_136 : memref<128xi32, #tpu.memory_space<vmem>>) semaphore(%arg13 : memref<!tpu.dma_semaphore, #tpu.memory_space<semaphore_mem>>) {add = true}
        %mul3A_140 = arith.constant 2 : i32
        %mul3A_141 = arith.muli %mul3A_79, %mul3A_140 : i32
        %add3A_142 = arith.constant 0 : i32
        %add3A_143 = arith.addi %mul3A_141, %add3A_142 : i32
        %dma_wait3A_144 = arith.constant 0 : i32
        %dma_wait3A_145 = arith.constant 0 : i32
        %dma_wait3A_146 = arith.constant 0 : i32
        %dma_wait3A_147 = tpu.memref_slice %arg8[%dma_wait3A_144, %dma_wait3A_145, %dma_wait3A_146] : memref<4x128x16xf32, #tpu.memory_space<vmem>> -> memref<1x128x16xf32, #tpu.memory_space<vmem>>
        %dma_wait3A_148 = tpu.memref_squeeze %dma_wait3A_147 : memref<1x128x16xf32, #tpu.memory_space<vmem>> -> memref<128x16xf32, #tpu.memory_space<vmem>>
        %dma_wait3A_149 = arith.constant 0 : i32
        %dma_wait3A_150 = tpu.memref_slice %arg7[%add3A_143, %dma_wait3A_149] : memref<96x128xi32, #tpu.memory_space<vmem>> -> memref<1x128xi32, #tpu.memory_space<vmem>>
        %dma_wait3A_151 = tpu.memref_squeeze %dma_wait3A_150 : memref<1x128xi32, #tpu.memory_space<vmem>> -> memref<128xi32, #tpu.memory_space<vmem>>
        %dma_wait3A_152 = arith.constant 0 : i32
        %dma_wait3A_153 = arith.constant 0 : i32
        %dma_wait3A_154 = tpu.memref_slice %arg10[%dma_wait3A_152, %dma_wait3A_153] : memref<10240x16xf32, #tpu.memory_space<vmem_shared>> -> memref<10240x16xf32, #tpu.memory_space<vmem_shared>>
        tpu.wait_indirect_dma semaphore(%arg13 : memref<!tpu.dma_semaphore, #tpu.memory_space<semaphore_mem>>) src(%dma_wait3A_148 : memref<128x16xf32, #tpu.memory_space<vmem>>) dst(%dma_wait3A_154 : memref<10240x16xf32, #tpu.memory_space<vmem_shared>>)
        %mul3A_155 = arith.constant 2 : i32
        %mul3A_156 = arith.muli %mul3A_79, %mul3A_155 : i32
        %add3A_157 = arith.constant 1 : i32
        %add3A_158 = arith.addi %mul3A_156, %add3A_157 : i32
        %dma_wait3A_159 = arith.constant 1 : i32
        %dma_wait3A_160 = arith.constant 0 : i32
        %dma_wait3A_161 = arith.constant 0 : i32
        %dma_wait3A_162 = tpu.memref_slice %arg8[%dma_wait3A_159, %dma_wait3A_160, %dma_wait3A_161] : memref<4x128x16xf32, #tpu.memory_space<vmem>> -> memref<1x128x16xf32, #tpu.memory_space<vmem>>
        %dma_wait3A_163 = tpu.memref_squeeze %dma_wait3A_162 : memref<1x128x16xf32, #tpu.memory_space<vmem>> -> memref<128x16xf32, #tpu.memory_space<vmem>>
        %dma_wait3A_164 = arith.constant 0 : i32
        %dma_wait3A_165 = tpu.memref_slice %arg7[%add3A_158, %dma_wait3A_164] : memref<96x128xi32, #tpu.memory_space<vmem>> -> memref<1x128xi32, #tpu.memory_space<vmem>>
        %dma_wait3A_166 = tpu.memref_squeeze %dma_wait3A_165 : memref<1x128xi32, #tpu.memory_space<vmem>> -> memref<128xi32, #tpu.memory_space<vmem>>
        %dma_wait3A_167 = arith.constant 0 : i32
        %dma_wait3A_168 = arith.constant 0 : i32
        %dma_wait3A_169 = tpu.memref_slice %arg10[%dma_wait3A_167, %dma_wait3A_168] : memref<10240x16xf32, #tpu.memory_space<vmem_shared>> -> memref<10240x16xf32, #tpu.memory_space<vmem_shared>>
        tpu.wait_indirect_dma semaphore(%arg13 : memref<!tpu.dma_semaphore, #tpu.memory_space<semaphore_mem>>) src(%dma_wait3A_163 : memref<128x16xf32, #tpu.memory_space<vmem>>) dst(%dma_wait3A_169 : memref<10240x16xf32, #tpu.memory_space<vmem_shared>>)
        %add3A_170 = arith.constant 1 : i32
        %add3A_171 = arith.addi %scan3A_77, %add3A_170 : i32
        %lt3A = arith.constant 24 : i32
        %lt3A_172 = arith.cmpi slt, %add3A_171, %lt3A : i32
        %convert_element_type3A_173 = arith.extui %lt3A_172 : i1 to i32
        %cond3A_174 = arith.constant 0 : i32
        %cond3A_175 = arith.cmpi ne, %convert_element_type3A_173, %cond3A_174 : i32
        scf.if %cond3A_175 {
          %add3A_273 = arith.constant 2 : i32
          %add3A_274 = arith.addi %mul3A_79, %add3A_273 : i32
          %mul3A_275 = arith.constant 2 : i32
          %mul3A_276 = arith.muli %add3A_274, %mul3A_275 : i32
          %add3A_277 = arith.constant 0 : i32
          %add3A_278 = arith.addi %mul3A_276, %add3A_277 : i32
          %dma_start3A_279 = arith.constant 0 : i32
          %dma_start3A_280 = arith.constant 0 : i32
          %dma_start3A_281 = arith.constant 0 : i32
          %dma_start3A_282 = tpu.memref_slice %arg8[%dma_start3A_279, %dma_start3A_280, %dma_start3A_281] : memref<4x128x16xf32, #tpu.memory_space<vmem>> -> memref<1x128x16xf32, #tpu.memory_space<vmem>>
          %dma_start3A_283 = tpu.memref_squeeze %dma_start3A_282 : memref<1x128x16xf32, #tpu.memory_space<vmem>> -> memref<128x16xf32, #tpu.memory_space<vmem>>
          %dma_start3A_284 = arith.constant 0 : i32
          %dma_start3A_285 = tpu.memref_slice %arg6[%add3A_278, %dma_start3A_284] : memref<96x128xi32, #tpu.memory_space<vmem>> -> memref<1x128xi32, #tpu.memory_space<vmem>>
          %dma_start3A_286 = tpu.memref_squeeze %dma_start3A_285 : memref<1x128xi32, #tpu.memory_space<vmem>> -> memref<128xi32, #tpu.memory_space<vmem>>
          %dma_start3A_287 = arith.constant 0 : i32
          %dma_start3A_288 = arith.constant 0 : i32
          %dma_start3A_289 = tpu.memref_slice %arg2[%dma_start3A_287, %dma_start3A_288] : memref<10000x16xf32, #tpu.memory_space<hbm>> -> memref<10000x16xf32, #tpu.memory_space<hbm>>
          tpu.enqueue_indirect_dma source(%dma_start3A_289 : memref<10000x16xf32, #tpu.memory_space<hbm>>) target(%dma_start3A_283 : memref<128x16xf32, #tpu.memory_space<vmem>>) offsets(%dma_start3A_286 : memref<128xi32, #tpu.memory_space<vmem>>) semaphore(%arg11 : memref<!tpu.dma_semaphore, #tpu.memory_space<semaphore_mem>>)
          %mul3A_290 = arith.constant 2 : i32
          %mul3A_291 = arith.muli %add3A_274, %mul3A_290 : i32
          %add3A_292 = arith.constant 1 : i32
          %add3A_293 = arith.addi %mul3A_291, %add3A_292 : i32
          %dma_start3A_294 = arith.constant 1 : i32
          %dma_start3A_295 = arith.constant 0 : i32
          %dma_start3A_296 = arith.constant 0 : i32
          %dma_start3A_297 = tpu.memref_slice %arg8[%dma_start3A_294, %dma_start3A_295, %dma_start3A_296] : memref<4x128x16xf32, #tpu.memory_space<vmem>> -> memref<1x128x16xf32, #tpu.memory_space<vmem>>
          %dma_start3A_298 = tpu.memref_squeeze %dma_start3A_297 : memref<1x128x16xf32, #tpu.memory_space<vmem>> -> memref<128x16xf32, #tpu.memory_space<vmem>>
          %dma_start3A_299 = arith.constant 0 : i32
          %dma_start3A_300 = tpu.memref_slice %arg6[%add3A_293, %dma_start3A_299] : memref<96x128xi32, #tpu.memory_space<vmem>> -> memref<1x128xi32, #tpu.memory_space<vmem>>
          %dma_start3A_301 = tpu.memref_squeeze %dma_start3A_300 : memref<1x128xi32, #tpu.memory_space<vmem>> -> memref<128xi32, #tpu.memory_space<vmem>>
          %dma_start3A_302 = arith.constant 0 : i32
          %dma_start3A_303 = arith.constant 0 : i32
          %dma_start3A_304 = tpu.memref_slice %arg2[%dma_start3A_302, %dma_start3A_303] : memref<10000x16xf32, #tpu.memory_space<hbm>> -> memref<10000x16xf32, #tpu.memory_space<hbm>>
          tpu.enqueue_indirect_dma source(%dma_start3A_304 : memref<10000x16xf32, #tpu.memory_space<hbm>>) target(%dma_start3A_298 : memref<128x16xf32, #tpu.memory_space<vmem>>) offsets(%dma_start3A_301 : memref<128xi32, #tpu.memory_space<vmem>>) semaphore(%arg11 : memref<!tpu.dma_semaphore, #tpu.memory_space<semaphore_mem>>)
        } else {
        }
        %mul3A_176 = arith.constant 2 : i32
        %mul3A_177 = arith.muli %add3A_80, %mul3A_176 : i32
        %add3A_178 = arith.constant 0 : i32
        %add3A_179 = arith.addi %mul3A_177, %add3A_178 : i32
        %dma_wait3A_180 = arith.constant 2 : i32
        %dma_wait3A_181 = arith.constant 0 : i32
        %dma_wait3A_182 = arith.constant 0 : i32
        %dma_wait3A_183 = tpu.memref_slice %arg8[%dma_wait3A_180, %dma_wait3A_181, %dma_wait3A_182] : memref<4x128x16xf32, #tpu.memory_space<vmem>> -> memref<1x128x16xf32, #tpu.memory_space<vmem>>
        %dma_wait3A_184 = tpu.memref_squeeze %dma_wait3A_183 : memref<1x128x16xf32, #tpu.memory_space<vmem>> -> memref<128x16xf32, #tpu.memory_space<vmem>>
        %dma_wait3A_185 = arith.constant 0 : i32
        %dma_wait3A_186 = tpu.memref_slice %arg6[%add3A_179, %dma_wait3A_185] : memref<96x128xi32, #tpu.memory_space<vmem>> -> memref<1x128xi32, #tpu.memory_space<vmem>>
        %dma_wait3A_187 = tpu.memref_squeeze %dma_wait3A_186 : memref<1x128xi32, #tpu.memory_space<vmem>> -> memref<128xi32, #tpu.memory_space<vmem>>
        %dma_wait3A_188 = arith.constant 0 : i32
        %dma_wait3A_189 = arith.constant 0 : i32
        %dma_wait3A_190 = tpu.memref_slice %arg2[%dma_wait3A_188, %dma_wait3A_189] : memref<10000x16xf32, #tpu.memory_space<hbm>> -> memref<10000x16xf32, #tpu.memory_space<hbm>>
        tpu.wait_indirect_dma semaphore(%arg12 : memref<!tpu.dma_semaphore, #tpu.memory_space<semaphore_mem>>) src(%dma_wait3A_190 : memref<10000x16xf32, #tpu.memory_space<hbm>>) dst(%dma_wait3A_184 : memref<128x16xf32, #tpu.memory_space<vmem>>)
        %mul3A_191 = arith.constant 2 : i32
        %mul3A_192 = arith.muli %add3A_80, %mul3A_191 : i32
        %add3A_193 = arith.constant 1 : i32
        %add3A_194 = arith.addi %mul3A_192, %add3A_193 : i32
        %dma_wait3A_195 = arith.constant 3 : i32
        %dma_wait3A_196 = arith.constant 0 : i32
        %dma_wait3A_197 = arith.constant 0 : i32
        %dma_wait3A_198 = tpu.memref_slice %arg8[%dma_wait3A_195, %dma_wait3A_196, %dma_wait3A_197] : memref<4x128x16xf32, #tpu.memory_space<vmem>> -> memref<1x128x16xf32, #tpu.memory_space<vmem>>
        %dma_wait3A_199 = tpu.memref_squeeze %dma_wait3A_198 : memref<1x128x16xf32, #tpu.memory_space<vmem>> -> memref<128x16xf32, #tpu.memory_space<vmem>>
        %dma_wait3A_200 = arith.constant 0 : i32
        %dma_wait3A_201 = tpu.memref_slice %arg6[%add3A_194, %dma_wait3A_200] : memref<96x128xi32, #tpu.memory_space<vmem>> -> memref<1x128xi32, #tpu.memory_space<vmem>>
        %dma_wait3A_202 = tpu.memref_squeeze %dma_wait3A_201 : memref<1x128xi32, #tpu.memory_space<vmem>> -> memref<128xi32, #tpu.memory_space<vmem>>
        %dma_wait3A_203 = arith.constant 0 : i32
        %dma_wait3A_204 = arith.constant 0 : i32
        %dma_wait3A_205 = tpu.memref_slice %arg2[%dma_wait3A_203, %dma_wait3A_204] : memref<10000x16xf32, #tpu.memory_space<hbm>> -> memref<10000x16xf32, #tpu.memory_space<hbm>>
        tpu.wait_indirect_dma semaphore(%arg12 : memref<!tpu.dma_semaphore, #tpu.memory_space<semaphore_mem>>) src(%dma_wait3A_205 : memref<10000x16xf32, #tpu.memory_space<hbm>>) dst(%dma_wait3A_199 : memref<128x16xf32, #tpu.memory_space<vmem>>)
        %mul3A_206 = arith.constant 2 : i32
        %mul3A_207 = arith.muli %add3A_80, %mul3A_206 : i32
        %add3A_208 = arith.constant 0 : i32
        %add3A_209 = arith.addi %mul3A_207, %add3A_208 : i32
        %dma_start3A_210 = arith.constant 2 : i32
        %dma_start3A_211 = arith.constant 0 : i32
        %dma_start3A_212 = arith.constant 0 : i32
        %dma_start3A_213 = tpu.memref_slice %arg8[%dma_start3A_210, %dma_start3A_211, %dma_start3A_212] : memref<4x128x16xf32, #tpu.memory_space<vmem>> -> memref<1x128x16xf32, #tpu.memory_space<vmem>>
        %dma_start3A_214 = tpu.memref_squeeze %dma_start3A_213 : memref<1x128x16xf32, #tpu.memory_space<vmem>> -> memref<128x16xf32, #tpu.memory_space<vmem>>
        %dma_start3A_215 = arith.constant 0 : i32
        %dma_start3A_216 = tpu.memref_slice %arg7[%add3A_209, %dma_start3A_215] : memref<96x128xi32, #tpu.memory_space<vmem>> -> memref<1x128xi32, #tpu.memory_space<vmem>>
        %dma_start3A_217 = tpu.memref_squeeze %dma_start3A_216 : memref<1x128xi32, #tpu.memory_space<vmem>> -> memref<128xi32, #tpu.memory_space<vmem>>
        %dma_start3A_218 = arith.constant 0 : i32
        %dma_start3A_219 = arith.constant 0 : i32
        %dma_start3A_220 = tpu.memref_slice %arg10[%dma_start3A_218, %dma_start3A_219] : memref<10240x16xf32, #tpu.memory_space<vmem_shared>> -> memref<10240x16xf32, #tpu.memory_space<vmem_shared>>
        tpu.enqueue_indirect_dma source(%dma_start3A_214 : memref<128x16xf32, #tpu.memory_space<vmem>>) target(%dma_start3A_220 : memref<10240x16xf32, #tpu.memory_space<vmem_shared>>) offsets(%dma_start3A_217 : memref<128xi32, #tpu.memory_space<vmem>>) semaphore(%arg14 : memref<!tpu.dma_semaphore, #tpu.memory_space<semaphore_mem>>) {add = true}
        %mul3A_221 = arith.constant 2 : i32
        %mul3A_222 = arith.muli %add3A_80, %mul3A_221 : i32
        %add3A_223 = arith.constant 1 : i32
        %add3A_224 = arith.addi %mul3A_222, %add3A_223 : i32
        %dma_start3A_225 = arith.constant 3 : i32
        %dma_start3A_226 = arith.constant 0 : i32
        %dma_start3A_227 = arith.constant 0 : i32
        %dma_start3A_228 = tpu.memref_slice %arg8[%dma_start3A_225, %dma_start3A_226, %dma_start3A_227] : memref<4x128x16xf32, #tpu.memory_space<vmem>> -> memref<1x128x16xf32, #tpu.memory_space<vmem>>
        %dma_start3A_229 = tpu.memref_squeeze %dma_start3A_228 : memref<1x128x16xf32, #tpu.memory_space<vmem>> -> memref<128x16xf32, #tpu.memory_space<vmem>>
        %dma_start3A_230 = arith.constant 0 : i32
        %dma_start3A_231 = tpu.memref_slice %arg7[%add3A_224, %dma_start3A_230] : memref<96x128xi32, #tpu.memory_space<vmem>> -> memref<1x128xi32, #tpu.memory_space<vmem>>
        %dma_start3A_232 = tpu.memref_squeeze %dma_start3A_231 : memref<1x128xi32, #tpu.memory_space<vmem>> -> memref<128xi32, #tpu.memory_space<vmem>>
        %dma_start3A_233 = arith.constant 0 : i32
        %dma_start3A_234 = arith.constant 0 : i32
        %dma_start3A_235 = tpu.memref_slice %arg10[%dma_start3A_233, %dma_start3A_234] : memref<10240x16xf32, #tpu.memory_space<vmem_shared>> -> memref<10240x16xf32, #tpu.memory_space<vmem_shared>>
        tpu.enqueue_indirect_dma source(%dma_start3A_229 : memref<128x16xf32, #tpu.memory_space<vmem>>) target(%dma_start3A_235 : memref<10240x16xf32, #tpu.memory_space<vmem_shared>>) offsets(%dma_start3A_232 : memref<128xi32, #tpu.memory_space<vmem>>) semaphore(%arg14 : memref<!tpu.dma_semaphore, #tpu.memory_space<semaphore_mem>>) {add = true}
        %mul3A_236 = arith.constant 2 : i32
        %mul3A_237 = arith.muli %add3A_80, %mul3A_236 : i32
        %add3A_238 = arith.constant 0 : i32
        %add3A_239 = arith.addi %mul3A_237, %add3A_238 : i32
        %dma_wait3A_240 = arith.constant 2 : i32
        %dma_wait3A_241 = arith.constant 0 : i32
        %dma_wait3A_242 = arith.constant 0 : i32
        %dma_wait3A_243 = tpu.memref_slice %arg8[%dma_wait3A_240, %dma_wait3A_241, %dma_wait3A_242] : memref<4x128x16xf32, #tpu.memory_space<vmem>> -> memref<1x128x16xf32, #tpu.memory_space<vmem>>
        %dma_wait3A_244 = tpu.memref_squeeze %dma_wait3A_243 : memref<1x128x16xf32, #tpu.memory_space<vmem>> -> memref<128x16xf32, #tpu.memory_space<vmem>>
        %dma_wait3A_245 = arith.constant 0 : i32
        %dma_wait3A_246 = tpu.memref_slice %arg7[%add3A_239, %dma_wait3A_245] : memref<96x128xi32, #tpu.memory_space<vmem>> -> memref<1x128xi32, #tpu.memory_space<vmem>>
        %dma_wait3A_247 = tpu.memref_squeeze %dma_wait3A_246 : memref<1x128xi32, #tpu.memory_space<vmem>> -> memref<128xi32, #tpu.memory_space<vmem>>
        %dma_wait3A_248 = arith.constant 0 : i32
        %dma_wait3A_249 = arith.constant 0 : i32
        %dma_wait3A_250 = tpu.memref_slice %arg10[%dma_wait3A_248, %dma_wait3A_249] : memref<10240x16xf32, #tpu.memory_space<vmem_shared>> -> memref<10240x16xf32, #tpu.memory_space<vmem_shared>>
        tpu.wait_indirect_dma semaphore(%arg14 : memref<!tpu.dma_semaphore, #tpu.memory_space<semaphore_mem>>) src(%dma_wait3A_244 : memref<128x16xf32, #tpu.memory_space<vmem>>) dst(%dma_wait3A_250 : memref<10240x16xf32, #tpu.memory_space<vmem_shared>>)
        %mul3A_251 = arith.constant 2 : i32
        %mul3A_252 = arith.muli %add3A_80, %mul3A_251 : i32
        %add3A_253 = arith.constant 1 : i32
        %add3A_254 = arith.addi %mul3A_252, %add3A_253 : i32
        %dma_wait3A_255 = arith.constant 3 : i32
        %dma_wait3A_256 = arith.constant 0 : i32
        %dma_wait3A_257 = arith.constant 0 : i32
        %dma_wait3A_258 = tpu.memref_slice %arg8[%dma_wait3A_255, %dma_wait3A_256, %dma_wait3A_257] : memref<4x128x16xf32, #tpu.memory_space<vmem>> -> memref<1x128x16xf32, #tpu.memory_space<vmem>>
        %dma_wait3A_259 = tpu.memref_squeeze %dma_wait3A_258 : memref<1x128x16xf32, #tpu.memory_space<vmem>> -> memref<128x16xf32, #tpu.memory_space<vmem>>
        %dma_wait3A_260 = arith.constant 0 : i32
        %dma_wait3A_261 = tpu.memref_slice %arg7[%add3A_254, %dma_wait3A_260] : memref<96x128xi32, #tpu.memory_space<vmem>> -> memref<1x128xi32, #tpu.memory_space<vmem>>
        %dma_wait3A_262 = tpu.memref_squeeze %dma_wait3A_261 : memref<1x128xi32, #tpu.memory_space<vmem>> -> memref<128xi32, #tpu.memory_space<vmem>>
        %dma_wait3A_263 = arith.constant 0 : i32
        %dma_wait3A_264 = arith.constant 0 : i32
        %dma_wait3A_265 = tpu.memref_slice %arg10[%dma_wait3A_263, %dma_wait3A_264] : memref<10240x16xf32, #tpu.memory_space<vmem_shared>> -> memref<10240x16xf32, #tpu.memory_space<vmem_shared>>
        tpu.wait_indirect_dma semaphore(%arg14 : memref<!tpu.dma_semaphore, #tpu.memory_space<semaphore_mem>>) src(%dma_wait3A_259 : memref<128x16xf32, #tpu.memory_space<vmem>>) dst(%dma_wait3A_265 : memref<10240x16xf32, #tpu.memory_space<vmem_shared>>)
        %add3A_266 = arith.constant 1 : i32
        %add3A_267 = arith.addi %scan3A_77, %add3A_266 : i32
        %lt3A_268 = arith.constant 24 : i32
        %lt3A_269 = arith.cmpi slt, %add3A_267, %lt3A_268 : i32
        %convert_element_type3A_270 = arith.extui %lt3A_269 : i1 to i32
        %cond3A_271 = arith.constant 0 : i32
        %cond3A_272 = arith.cmpi ne, %convert_element_type3A_270, %cond3A_271 : i32
        scf.if %cond3A_272 {
          %add3A_273 = arith.constant 2 : i32
          %add3A_274 = arith.addi %add3A_80, %add3A_273 : i32
          %mul3A_275 = arith.constant 2 : i32
          %mul3A_276 = arith.muli %add3A_274, %mul3A_275 : i32
          %add3A_277 = arith.constant 0 : i32
          %add3A_278 = arith.addi %mul3A_276, %add3A_277 : i32
          %dma_start3A_279 = arith.constant 2 : i32
          %dma_start3A_280 = arith.constant 0 : i32
          %dma_start3A_281 = arith.constant 0 : i32
          %dma_start3A_282 = tpu.memref_slice %arg8[%dma_start3A_279, %dma_start3A_280, %dma_start3A_281] : memref<4x128x16xf32, #tpu.memory_space<vmem>> -> memref<1x128x16xf32, #tpu.memory_space<vmem>>
          %dma_start3A_283 = tpu.memref_squeeze %dma_start3A_282 : memref<1x128x16xf32, #tpu.memory_space<vmem>> -> memref<128x16xf32, #tpu.memory_space<vmem>>
          %dma_start3A_284 = arith.constant 0 : i32
          %dma_start3A_285 = tpu.memref_slice %arg6[%add3A_278, %dma_start3A_284] : memref<96x128xi32, #tpu.memory_space<vmem>> -> memref<1x128xi32, #tpu.memory_space<vmem>>
          %dma_start3A_286 = tpu.memref_squeeze %dma_start3A_285 : memref<1x128xi32, #tpu.memory_space<vmem>> -> memref<128xi32, #tpu.memory_space<vmem>>
          %dma_start3A_287 = arith.constant 0 : i32
          %dma_start3A_288 = arith.constant 0 : i32
          %dma_start3A_289 = tpu.memref_slice %arg2[%dma_start3A_287, %dma_start3A_288] : memref<10000x16xf32, #tpu.memory_space<hbm>> -> memref<10000x16xf32, #tpu.memory_space<hbm>>
          tpu.enqueue_indirect_dma source(%dma_start3A_289 : memref<10000x16xf32, #tpu.memory_space<hbm>>) target(%dma_start3A_283 : memref<128x16xf32, #tpu.memory_space<vmem>>) offsets(%dma_start3A_286 : memref<128xi32, #tpu.memory_space<vmem>>) semaphore(%arg12 : memref<!tpu.dma_semaphore, #tpu.memory_space<semaphore_mem>>)
          %mul3A_290 = arith.constant 2 : i32
          %mul3A_291 = arith.muli %add3A_274, %mul3A_290 : i32
          %add3A_292 = arith.constant 1 : i32
          %add3A_293 = arith.addi %mul3A_291, %add3A_292 : i32
          %dma_start3A_294 = arith.constant 3 : i32
          %dma_start3A_295 = arith.constant 0 : i32
          %dma_start3A_296 = arith.constant 0 : i32
          %dma_start3A_297 = tpu.memref_slice %arg8[%dma_start3A_294, %dma_start3A_295, %dma_start3A_296] : memref<4x128x16xf32, #tpu.memory_space<vmem>> -> memref<1x128x16xf32, #tpu.memory_space<vmem>>
          %dma_start3A_298 = tpu.memref_squeeze %dma_start3A_297 : memref<1x128x16xf32, #tpu.memory_space<vmem>> -> memref<128x16xf32, #tpu.memory_space<vmem>>
          %dma_start3A_299 = arith.constant 0 : i32
          %dma_start3A_300 = tpu.memref_slice %arg6[%add3A_293, %dma_start3A_299] : memref<96x128xi32, #tpu.memory_space<vmem>> -> memref<1x128xi32, #tpu.memory_space<vmem>>
          %dma_start3A_301 = tpu.memref_squeeze %dma_start3A_300 : memref<1x128xi32, #tpu.memory_space<vmem>> -> memref<128xi32, #tpu.memory_space<vmem>>
          %dma_start3A_302 = arith.constant 0 : i32
          %dma_start3A_303 = arith.constant 0 : i32
          %dma_start3A_304 = tpu.memref_slice %arg2[%dma_start3A_302, %dma_start3A_303] : memref<10000x16xf32, #tpu.memory_space<hbm>> -> memref<10000x16xf32, #tpu.memory_space<hbm>>
          tpu.enqueue_indirect_dma source(%dma_start3A_304 : memref<10000x16xf32, #tpu.memory_space<hbm>>) target(%dma_start3A_298 : memref<128x16xf32, #tpu.memory_space<vmem>>) offsets(%dma_start3A_301 : memref<128xi32, #tpu.memory_space<vmem>>) semaphore(%arg12 : memref<!tpu.dma_semaphore, #tpu.memory_space<semaphore_mem>>)
        } else {
        }
      }
      %scan3A_76 = arith.constant 24 : i32
    } else {
    }
    %eq3A_13 = arith.constant 1 : i32
    %eq3A_14 = arith.cmpi eq, %arg0, %eq3A_13 : i32
    %convert_element_type3A_15 = arith.extui %eq3A_14 : i1 to i32
    %cond3A_16 = arith.constant 0 : i32
    %cond3A_17 = arith.cmpi ne, %convert_element_type3A_15, %cond3A_16 : i32
    scf.if %cond3A_17 {
      %mul3A_22 = arith.constant 64 : i32
      %mul3A_23 = arith.muli %arg1, %mul3A_22 : i32
      %add3A = arith.constant 1536 : i32
      %add3A_24 = arith.addi %add3A, %mul3A_23 : i32
      "tpu.region"() ({
        %run_scoped3A = tpu.sem_alloc : memref<!tpu.dma_semaphore, #tpu.memory_space<semaphore_mem>>
        %dma_start3A_78 = arith.constant 0 : i32
        %dma_start3A_79 = arith.constant 0 : i32
        %dma_start3A_80 = tpu.memref_slice %arg6[%dma_start3A_78, %dma_start3A_79] : memref<96x128xi32, #tpu.memory_space<vmem>> -> memref<64x128xi32, #tpu.memory_space<vmem>>
        %dma_start3A_81 = arith.constant 0 : i32
        %dma_start3A_82 = tpu.memref_slice %arg3[%add3A_24, %dma_start3A_81] : memref<2560x128xi32, #tpu.memory_space<hbm>> -> memref<64x128xi32, #tpu.memory_space<hbm>>
        %dma_start3A_83 = arith.constant 0 : i32
        %dma_start3A_84 = arith.constant 0 : i32
        %dma_start3A_85 = tpu.memref_slice %arg6[%dma_start3A_83, %dma_start3A_84] : memref<96x128xi32, #tpu.memory_space<vmem>> -> memref<64x128xi32, #tpu.memory_space<vmem>>
        %dma_start3A_86 = arith.constant 0 : i32
        %dma_start3A_87 = tpu.memref_slice %arg3[%add3A_24, %dma_start3A_86] : memref<2560x128xi32, #tpu.memory_space<hbm>> -> memref<64x128xi32, #tpu.memory_space<hbm>>
        tpu.enqueue_dma source(%dma_start3A_87 : memref<64x128xi32, #tpu.memory_space<hbm>>) target(%dma_start3A_85 : memref<64x128xi32, #tpu.memory_space<vmem>>) target_semaphore(%run_scoped3A : memref<!tpu.dma_semaphore, #tpu.memory_space<semaphore_mem>>)
        %dma_wait3A = arith.constant 0 : i32
        %dma_wait3A_88 = arith.constant 0 : i32
        %dma_wait3A_89 = tpu.memref_slice %arg6[%dma_wait3A, %dma_wait3A_88] : memref<96x128xi32, #tpu.memory_space<vmem>> -> memref<64x128xi32, #tpu.memory_space<vmem>>
        %dma_wait3A_90 = arith.constant 0 : i32
        %dma_wait3A_91 = tpu.memref_slice %arg3[%add3A_24, %dma_wait3A_90] : memref<2560x128xi32, #tpu.memory_space<hbm>> -> memref<64x128xi32, #tpu.memory_space<hbm>>
        %dma_wait3A_92 = arith.constant 0 : i32
        %dma_wait3A_93 = arith.constant 0 : i32
        %dma_wait3A_94 = tpu.memref_slice %arg6[%dma_wait3A_92, %dma_wait3A_93] : memref<96x128xi32, #tpu.memory_space<vmem>> -> memref<64x128xi32, #tpu.memory_space<vmem>>
        %dma_wait3A_95 = arith.constant 0 : i32
        %dma_wait3A_96 = tpu.memref_slice %arg3[%add3A_24, %dma_wait3A_95] : memref<2560x128xi32, #tpu.memory_space<hbm>> -> memref<64x128xi32, #tpu.memory_space<hbm>>
        tpu.wait_dma2 semaphore(%run_scoped3A : memref<!tpu.dma_semaphore, #tpu.memory_space<semaphore_mem>>) src(%dma_wait3A_96 : memref<64x128xi32, #tpu.memory_space<hbm>>) dst(%dma_wait3A_94 : memref<64x128xi32, #tpu.memory_space<vmem>>)
        tpu.yield
      }) : () -> ()
      "tpu.region"() ({
        %run_scoped3A = tpu.sem_alloc : memref<!tpu.dma_semaphore, #tpu.memory_space<semaphore_mem>>
        %dma_start3A_78 = arith.constant 0 : i32
        %dma_start3A_79 = arith.constant 0 : i32
        %dma_start3A_80 = tpu.memref_slice %arg7[%dma_start3A_78, %dma_start3A_79] : memref<96x128xi32, #tpu.memory_space<vmem>> -> memref<64x128xi32, #tpu.memory_space<vmem>>
        %dma_start3A_81 = arith.constant 0 : i32
        %dma_start3A_82 = tpu.memref_slice %arg4[%add3A_24, %dma_start3A_81] : memref<2560x128xi32, #tpu.memory_space<hbm>> -> memref<64x128xi32, #tpu.memory_space<hbm>>
        %dma_start3A_83 = arith.constant 0 : i32
        %dma_start3A_84 = arith.constant 0 : i32
        %dma_start3A_85 = tpu.memref_slice %arg7[%dma_start3A_83, %dma_start3A_84] : memref<96x128xi32, #tpu.memory_space<vmem>> -> memref<64x128xi32, #tpu.memory_space<vmem>>
        %dma_start3A_86 = arith.constant 0 : i32
        %dma_start3A_87 = tpu.memref_slice %arg4[%add3A_24, %dma_start3A_86] : memref<2560x128xi32, #tpu.memory_space<hbm>> -> memref<64x128xi32, #tpu.memory_space<hbm>>
        tpu.enqueue_dma source(%dma_start3A_87 : memref<64x128xi32, #tpu.memory_space<hbm>>) target(%dma_start3A_85 : memref<64x128xi32, #tpu.memory_space<vmem>>) target_semaphore(%run_scoped3A : memref<!tpu.dma_semaphore, #tpu.memory_space<semaphore_mem>>)
        %dma_wait3A = arith.constant 0 : i32
        %dma_wait3A_88 = arith.constant 0 : i32
        %dma_wait3A_89 = tpu.memref_slice %arg7[%dma_wait3A, %dma_wait3A_88] : memref<96x128xi32, #tpu.memory_space<vmem>> -> memref<64x128xi32, #tpu.memory_space<vmem>>
        %dma_wait3A_90 = arith.constant 0 : i32
        %dma_wait3A_91 = tpu.memref_slice %arg4[%add3A_24, %dma_wait3A_90] : memref<2560x128xi32, #tpu.memory_space<hbm>> -> memref<64x128xi32, #tpu.memory_space<hbm>>
        %dma_wait3A_92 = arith.constant 0 : i32
        %dma_wait3A_93 = arith.constant 0 : i32
        %dma_wait3A_94 = tpu.memref_slice %arg7[%dma_wait3A_92, %dma_wait3A_93] : memref<96x128xi32, #tpu.memory_space<vmem>> -> memref<64x128xi32, #tpu.memory_space<vmem>>
        %dma_wait3A_95 = arith.constant 0 : i32
        %dma_wait3A_96 = tpu.memref_slice %arg4[%add3A_24, %dma_wait3A_95] : memref<2560x128xi32, #tpu.memory_space<hbm>> -> memref<64x128xi32, #tpu.memory_space<hbm>>
        tpu.wait_dma2 semaphore(%run_scoped3A : memref<!tpu.dma_semaphore, #tpu.memory_space<semaphore_mem>>) src(%dma_wait3A_96 : memref<64x128xi32, #tpu.memory_space<hbm>>) dst(%dma_wait3A_94 : memref<64x128xi32, #tpu.memory_space<vmem>>)
        tpu.yield
      }) : () -> ()
      %dma_start3A = arith.constant 0 : i32
      %dma_start3A_25 = arith.constant 0 : i32
      %dma_start3A_26 = arith.constant 0 : i32
      %dma_start3A_27 = arith.constant 0 : i32
      %dma_start3A_28 = tpu.memref_slice %arg8[%dma_start3A_25, %dma_start3A_26, %dma_start3A_27] : memref<4x128x16xf32, #tpu.memory_space<vmem>> -> memref<1x128x16xf32, #tpu.memory_space<vmem>>
      %dma_start3A_29 = tpu.memref_squeeze %dma_start3A_28 : memref<1x128x16xf32, #tpu.memory_space<vmem>> -> memref<128x16xf32, #tpu.memory_space<vmem>>
      %dma_start3A_30 = arith.constant 0 : i32
      %dma_start3A_31 = tpu.memref_slice %arg6[%dma_start3A, %dma_start3A_30] : memref<96x128xi32, #tpu.memory_space<vmem>> -> memref<1x128xi32, #tpu.memory_space<vmem>>
      %dma_start3A_32 = tpu.memref_squeeze %dma_start3A_31 : memref<1x128xi32, #tpu.memory_space<vmem>> -> memref<128xi32, #tpu.memory_space<vmem>>
      %dma_start3A_33 = arith.constant 0 : i32
      %dma_start3A_34 = arith.constant 0 : i32
      %dma_start3A_35 = tpu.memref_slice %arg2[%dma_start3A_33, %dma_start3A_34] : memref<10000x16xf32, #tpu.memory_space<hbm>> -> memref<10000x16xf32, #tpu.memory_space<hbm>>
      tpu.enqueue_indirect_dma source(%dma_start3A_35 : memref<10000x16xf32, #tpu.memory_space<hbm>>) target(%dma_start3A_29 : memref<128x16xf32, #tpu.memory_space<vmem>>) offsets(%dma_start3A_32 : memref<128xi32, #tpu.memory_space<vmem>>) semaphore(%arg11 : memref<!tpu.dma_semaphore, #tpu.memory_space<semaphore_mem>>)
      %dma_start3A_36 = arith.constant 1 : i32
      %dma_start3A_37 = arith.constant 1 : i32
      %dma_start3A_38 = arith.constant 0 : i32
      %dma_start3A_39 = arith.constant 0 : i32
      %dma_start3A_40 = tpu.memref_slice %arg8[%dma_start3A_37, %dma_start3A_38, %dma_start3A_39] : memref<4x128x16xf32, #tpu.memory_space<vmem>> -> memref<1x128x16xf32, #tpu.memory_space<vmem>>
      %dma_start3A_41 = tpu.memref_squeeze %dma_start3A_40 : memref<1x128x16xf32, #tpu.memory_space<vmem>> -> memref<128x16xf32, #tpu.memory_space<vmem>>
      %dma_start3A_42 = arith.constant 0 : i32
      %dma_start3A_43 = tpu.memref_slice %arg6[%dma_start3A_36, %dma_start3A_42] : memref<96x128xi32, #tpu.memory_space<vmem>> -> memref<1x128xi32, #tpu.memory_space<vmem>>
      %dma_start3A_44 = tpu.memref_squeeze %dma_start3A_43 : memref<1x128xi32, #tpu.memory_space<vmem>> -> memref<128xi32, #tpu.memory_space<vmem>>
      %dma_start3A_45 = arith.constant 0 : i32
      %dma_start3A_46 = arith.constant 0 : i32
      %dma_start3A_47 = tpu.memref_slice %arg2[%dma_start3A_45, %dma_start3A_46] : memref<10000x16xf32, #tpu.memory_space<hbm>> -> memref<10000x16xf32, #tpu.memory_space<hbm>>
      tpu.enqueue_indirect_dma source(%dma_start3A_47 : memref<10000x16xf32, #tpu.memory_space<hbm>>) target(%dma_start3A_41 : memref<128x16xf32, #tpu.memory_space<vmem>>) offsets(%dma_start3A_44 : memref<128xi32, #tpu.memory_space<vmem>>) semaphore(%arg11 : memref<!tpu.dma_semaphore, #tpu.memory_space<semaphore_mem>>)
      %dma_start3A_48 = arith.constant 2 : i32
      %dma_start3A_49 = arith.constant 2 : i32
      %dma_start3A_50 = arith.constant 0 : i32
      %dma_start3A_51 = arith.constant 0 : i32
      %dma_start3A_52 = tpu.memref_slice %arg8[%dma_start3A_49, %dma_start3A_50, %dma_start3A_51] : memref<4x128x16xf32, #tpu.memory_space<vmem>> -> memref<1x128x16xf32, #tpu.memory_space<vmem>>
      %dma_start3A_53 = tpu.memref_squeeze %dma_start3A_52 : memref<1x128x16xf32, #tpu.memory_space<vmem>> -> memref<128x16xf32, #tpu.memory_space<vmem>>
      %dma_start3A_54 = arith.constant 0 : i32
      %dma_start3A_55 = tpu.memref_slice %arg6[%dma_start3A_48, %dma_start3A_54] : memref<96x128xi32, #tpu.memory_space<vmem>> -> memref<1x128xi32, #tpu.memory_space<vmem>>
      %dma_start3A_56 = tpu.memref_squeeze %dma_start3A_55 : memref<1x128xi32, #tpu.memory_space<vmem>> -> memref<128xi32, #tpu.memory_space<vmem>>
      %dma_start3A_57 = arith.constant 0 : i32
      %dma_start3A_58 = arith.constant 0 : i32
      %dma_start3A_59 = tpu.memref_slice %arg2[%dma_start3A_57, %dma_start3A_58] : memref<10000x16xf32, #tpu.memory_space<hbm>> -> memref<10000x16xf32, #tpu.memory_space<hbm>>
      tpu.enqueue_indirect_dma source(%dma_start3A_59 : memref<10000x16xf32, #tpu.memory_space<hbm>>) target(%dma_start3A_53 : memref<128x16xf32, #tpu.memory_space<vmem>>) offsets(%dma_start3A_56 : memref<128xi32, #tpu.memory_space<vmem>>) semaphore(%arg12 : memref<!tpu.dma_semaphore, #tpu.memory_space<semaphore_mem>>)
      %dma_start3A_60 = arith.constant 3 : i32
      %dma_start3A_61 = arith.constant 3 : i32
      %dma_start3A_62 = arith.constant 0 : i32
      %dma_start3A_63 = arith.constant 0 : i32
      %dma_start3A_64 = tpu.memref_slice %arg8[%dma_start3A_61, %dma_start3A_62, %dma_start3A_63] : memref<4x128x16xf32, #tpu.memory_space<vmem>> -> memref<1x128x16xf32, #tpu.memory_space<vmem>>
      %dma_start3A_65 = tpu.memref_squeeze %dma_start3A_64 : memref<1x128x16xf32, #tpu.memory_space<vmem>> -> memref<128x16xf32, #tpu.memory_space<vmem>>
      %dma_start3A_66 = arith.constant 0 : i32
      %dma_start3A_67 = tpu.memref_slice %arg6[%dma_start3A_60, %dma_start3A_66] : memref<96x128xi32, #tpu.memory_space<vmem>> -> memref<1x128xi32, #tpu.memory_space<vmem>>
      %dma_start3A_68 = tpu.memref_squeeze %dma_start3A_67 : memref<1x128xi32, #tpu.memory_space<vmem>> -> memref<128xi32, #tpu.memory_space<vmem>>
      %dma_start3A_69 = arith.constant 0 : i32
      %dma_start3A_70 = arith.constant 0 : i32
      %dma_start3A_71 = tpu.memref_slice %arg2[%dma_start3A_69, %dma_start3A_70] : memref<10000x16xf32, #tpu.memory_space<hbm>> -> memref<10000x16xf32, #tpu.memory_space<hbm>>
      tpu.enqueue_indirect_dma source(%dma_start3A_71 : memref<10000x16xf32, #tpu.memory_space<hbm>>) target(%dma_start3A_65 : memref<128x16xf32, #tpu.memory_space<vmem>>) offsets(%dma_start3A_68 : memref<128xi32, #tpu.memory_space<vmem>>) semaphore(%arg12 : memref<!tpu.dma_semaphore, #tpu.memory_space<semaphore_mem>>)
      %scan3A_72 = arith.constant 0 : i32
      %scan3A_73 = arith.constant 0 : i32
      %scan3A_74 = arith.constant 16 : i32
      %scan3A_75 = arith.addi %scan3A_73, %scan3A_74 : i32
      %scan3A_76 = arith.constant 1 : i32
      scf.for %scan3A_78 = %scan3A_73 to %scan3A_75 step %scan3A_76  : i32 {
        %mul3A_79 = arith.constant 2 : i32
        %mul3A_80 = arith.muli %mul3A_79, %scan3A_78 : i32
        %add3A_81 = arith.constant 1 : i32
        %add3A_82 = arith.addi %mul3A_80, %add3A_81 : i32
        %mul3A_83 = arith.constant 2 : i32
        %mul3A_84 = arith.muli %mul3A_80, %mul3A_83 : i32
        %add3A_85 = arith.constant 0 : i32
        %add3A_86 = arith.addi %mul3A_84, %add3A_85 : i32
        %dma_wait3A = arith.constant 0 : i32
        %dma_wait3A_87 = arith.constant 0 : i32
        %dma_wait3A_88 = arith.constant 0 : i32
        %dma_wait3A_89 = tpu.memref_slice %arg8[%dma_wait3A, %dma_wait3A_87, %dma_wait3A_88] : memref<4x128x16xf32, #tpu.memory_space<vmem>> -> memref<1x128x16xf32, #tpu.memory_space<vmem>>
        %dma_wait3A_90 = tpu.memref_squeeze %dma_wait3A_89 : memref<1x128x16xf32, #tpu.memory_space<vmem>> -> memref<128x16xf32, #tpu.memory_space<vmem>>
        %dma_wait3A_91 = arith.constant 0 : i32
        %dma_wait3A_92 = tpu.memref_slice %arg6[%add3A_86, %dma_wait3A_91] : memref<96x128xi32, #tpu.memory_space<vmem>> -> memref<1x128xi32, #tpu.memory_space<vmem>>
        %dma_wait3A_93 = tpu.memref_squeeze %dma_wait3A_92 : memref<1x128xi32, #tpu.memory_space<vmem>> -> memref<128xi32, #tpu.memory_space<vmem>>
        %dma_wait3A_94 = arith.constant 0 : i32
        %dma_wait3A_95 = arith.constant 0 : i32
        %dma_wait3A_96 = tpu.memref_slice %arg2[%dma_wait3A_94, %dma_wait3A_95] : memref<10000x16xf32, #tpu.memory_space<hbm>> -> memref<10000x16xf32, #tpu.memory_space<hbm>>
        tpu.wait_indirect_dma semaphore(%arg11 : memref<!tpu.dma_semaphore, #tpu.memory_space<semaphore_mem>>) src(%dma_wait3A_96 : memref<10000x16xf32, #tpu.memory_space<hbm>>) dst(%dma_wait3A_90 : memref<128x16xf32, #tpu.memory_space<vmem>>)
        %mul3A_97 = arith.constant 2 : i32
        %mul3A_98 = arith.muli %mul3A_80, %mul3A_97 : i32
        %add3A_99 = arith.constant 1 : i32
        %add3A_100 = arith.addi %mul3A_98, %add3A_99 : i32
        %dma_wait3A_101 = arith.constant 1 : i32
        %dma_wait3A_102 = arith.constant 0 : i32
        %dma_wait3A_103 = arith.constant 0 : i32
        %dma_wait3A_104 = tpu.memref_slice %arg8[%dma_wait3A_101, %dma_wait3A_102, %dma_wait3A_103] : memref<4x128x16xf32, #tpu.memory_space<vmem>> -> memref<1x128x16xf32, #tpu.memory_space<vmem>>
        %dma_wait3A_105 = tpu.memref_squeeze %dma_wait3A_104 : memref<1x128x16xf32, #tpu.memory_space<vmem>> -> memref<128x16xf32, #tpu.memory_space<vmem>>
        %dma_wait3A_106 = arith.constant 0 : i32
        %dma_wait3A_107 = tpu.memref_slice %arg6[%add3A_100, %dma_wait3A_106] : memref<96x128xi32, #tpu.memory_space<vmem>> -> memref<1x128xi32, #tpu.memory_space<vmem>>
        %dma_wait3A_108 = tpu.memref_squeeze %dma_wait3A_107 : memref<1x128xi32, #tpu.memory_space<vmem>> -> memref<128xi32, #tpu.memory_space<vmem>>
        %dma_wait3A_109 = arith.constant 0 : i32
        %dma_wait3A_110 = arith.constant 0 : i32
        %dma_wait3A_111 = tpu.memref_slice %arg2[%dma_wait3A_109, %dma_wait3A_110] : memref<10000x16xf32, #tpu.memory_space<hbm>> -> memref<10000x16xf32, #tpu.memory_space<hbm>>
        tpu.wait_indirect_dma semaphore(%arg11 : memref<!tpu.dma_semaphore, #tpu.memory_space<semaphore_mem>>) src(%dma_wait3A_111 : memref<10000x16xf32, #tpu.memory_space<hbm>>) dst(%dma_wait3A_105 : memref<128x16xf32, #tpu.memory_space<vmem>>)
        %mul3A_112 = arith.constant 2 : i32
        %mul3A_113 = arith.muli %mul3A_80, %mul3A_112 : i32
        %add3A_114 = arith.constant 0 : i32
        %add3A_115 = arith.addi %mul3A_113, %add3A_114 : i32
        %dma_start3A_116 = arith.constant 0 : i32
        %dma_start3A_117 = arith.constant 0 : i32
        %dma_start3A_118 = arith.constant 0 : i32
        %dma_start3A_119 = tpu.memref_slice %arg8[%dma_start3A_116, %dma_start3A_117, %dma_start3A_118] : memref<4x128x16xf32, #tpu.memory_space<vmem>> -> memref<1x128x16xf32, #tpu.memory_space<vmem>>
        %dma_start3A_120 = tpu.memref_squeeze %dma_start3A_119 : memref<1x128x16xf32, #tpu.memory_space<vmem>> -> memref<128x16xf32, #tpu.memory_space<vmem>>
        %dma_start3A_121 = arith.constant 0 : i32
        %dma_start3A_122 = tpu.memref_slice %arg7[%add3A_115, %dma_start3A_121] : memref<96x128xi32, #tpu.memory_space<vmem>> -> memref<1x128xi32, #tpu.memory_space<vmem>>
        %dma_start3A_123 = tpu.memref_squeeze %dma_start3A_122 : memref<1x128xi32, #tpu.memory_space<vmem>> -> memref<128xi32, #tpu.memory_space<vmem>>
        %dma_start3A_124 = arith.constant 0 : i32
        %dma_start3A_125 = arith.constant 0 : i32
        %dma_start3A_126 = tpu.memref_slice %arg10[%dma_start3A_124, %dma_start3A_125] : memref<10240x16xf32, #tpu.memory_space<vmem_shared>> -> memref<10240x16xf32, #tpu.memory_space<vmem_shared>>
        tpu.enqueue_indirect_dma source(%dma_start3A_120 : memref<128x16xf32, #tpu.memory_space<vmem>>) target(%dma_start3A_126 : memref<10240x16xf32, #tpu.memory_space<vmem_shared>>) offsets(%dma_start3A_123 : memref<128xi32, #tpu.memory_space<vmem>>) semaphore(%arg13 : memref<!tpu.dma_semaphore, #tpu.memory_space<semaphore_mem>>) {add = true}
        %mul3A_127 = arith.constant 2 : i32
        %mul3A_128 = arith.muli %mul3A_80, %mul3A_127 : i32
        %add3A_129 = arith.constant 1 : i32
        %add3A_130 = arith.addi %mul3A_128, %add3A_129 : i32
        %dma_start3A_131 = arith.constant 1 : i32
        %dma_start3A_132 = arith.constant 0 : i32
        %dma_start3A_133 = arith.constant 0 : i32
        %dma_start3A_134 = tpu.memref_slice %arg8[%dma_start3A_131, %dma_start3A_132, %dma_start3A_133] : memref<4x128x16xf32, #tpu.memory_space<vmem>> -> memref<1x128x16xf32, #tpu.memory_space<vmem>>
        %dma_start3A_135 = tpu.memref_squeeze %dma_start3A_134 : memref<1x128x16xf32, #tpu.memory_space<vmem>> -> memref<128x16xf32, #tpu.memory_space<vmem>>
        %dma_start3A_136 = arith.constant 0 : i32
        %dma_start3A_137 = tpu.memref_slice %arg7[%add3A_130, %dma_start3A_136] : memref<96x128xi32, #tpu.memory_space<vmem>> -> memref<1x128xi32, #tpu.memory_space<vmem>>
        %dma_start3A_138 = tpu.memref_squeeze %dma_start3A_137 : memref<1x128xi32, #tpu.memory_space<vmem>> -> memref<128xi32, #tpu.memory_space<vmem>>
        %dma_start3A_139 = arith.constant 0 : i32
        %dma_start3A_140 = arith.constant 0 : i32
        %dma_start3A_141 = tpu.memref_slice %arg10[%dma_start3A_139, %dma_start3A_140] : memref<10240x16xf32, #tpu.memory_space<vmem_shared>> -> memref<10240x16xf32, #tpu.memory_space<vmem_shared>>
        tpu.enqueue_indirect_dma source(%dma_start3A_135 : memref<128x16xf32, #tpu.memory_space<vmem>>) target(%dma_start3A_141 : memref<10240x16xf32, #tpu.memory_space<vmem_shared>>) offsets(%dma_start3A_138 : memref<128xi32, #tpu.memory_space<vmem>>) semaphore(%arg13 : memref<!tpu.dma_semaphore, #tpu.memory_space<semaphore_mem>>) {add = true}
        %mul3A_142 = arith.constant 2 : i32
        %mul3A_143 = arith.muli %mul3A_80, %mul3A_142 : i32
        %add3A_144 = arith.constant 0 : i32
        %add3A_145 = arith.addi %mul3A_143, %add3A_144 : i32
        %dma_wait3A_146 = arith.constant 0 : i32
        %dma_wait3A_147 = arith.constant 0 : i32
        %dma_wait3A_148 = arith.constant 0 : i32
        %dma_wait3A_149 = tpu.memref_slice %arg8[%dma_wait3A_146, %dma_wait3A_147, %dma_wait3A_148] : memref<4x128x16xf32, #tpu.memory_space<vmem>> -> memref<1x128x16xf32, #tpu.memory_space<vmem>>
        %dma_wait3A_150 = tpu.memref_squeeze %dma_wait3A_149 : memref<1x128x16xf32, #tpu.memory_space<vmem>> -> memref<128x16xf32, #tpu.memory_space<vmem>>
        %dma_wait3A_151 = arith.constant 0 : i32
        %dma_wait3A_152 = tpu.memref_slice %arg7[%add3A_145, %dma_wait3A_151] : memref<96x128xi32, #tpu.memory_space<vmem>> -> memref<1x128xi32, #tpu.memory_space<vmem>>
        %dma_wait3A_153 = tpu.memref_squeeze %dma_wait3A_152 : memref<1x128xi32, #tpu.memory_space<vmem>> -> memref<128xi32, #tpu.memory_space<vmem>>
        %dma_wait3A_154 = arith.constant 0 : i32
        %dma_wait3A_155 = arith.constant 0 : i32
        %dma_wait3A_156 = tpu.memref_slice %arg10[%dma_wait3A_154, %dma_wait3A_155] : memref<10240x16xf32, #tpu.memory_space<vmem_shared>> -> memref<10240x16xf32, #tpu.memory_space<vmem_shared>>
        tpu.wait_indirect_dma semaphore(%arg13 : memref<!tpu.dma_semaphore, #tpu.memory_space<semaphore_mem>>) src(%dma_wait3A_150 : memref<128x16xf32, #tpu.memory_space<vmem>>) dst(%dma_wait3A_156 : memref<10240x16xf32, #tpu.memory_space<vmem_shared>>)
        %mul3A_157 = arith.constant 2 : i32
        %mul3A_158 = arith.muli %mul3A_80, %mul3A_157 : i32
        %add3A_159 = arith.constant 1 : i32
        %add3A_160 = arith.addi %mul3A_158, %add3A_159 : i32
        %dma_wait3A_161 = arith.constant 1 : i32
        %dma_wait3A_162 = arith.constant 0 : i32
        %dma_wait3A_163 = arith.constant 0 : i32
        %dma_wait3A_164 = tpu.memref_slice %arg8[%dma_wait3A_161, %dma_wait3A_162, %dma_wait3A_163] : memref<4x128x16xf32, #tpu.memory_space<vmem>> -> memref<1x128x16xf32, #tpu.memory_space<vmem>>
        %dma_wait3A_165 = tpu.memref_squeeze %dma_wait3A_164 : memref<1x128x16xf32, #tpu.memory_space<vmem>> -> memref<128x16xf32, #tpu.memory_space<vmem>>
        %dma_wait3A_166 = arith.constant 0 : i32
        %dma_wait3A_167 = tpu.memref_slice %arg7[%add3A_160, %dma_wait3A_166] : memref<96x128xi32, #tpu.memory_space<vmem>> -> memref<1x128xi32, #tpu.memory_space<vmem>>
        %dma_wait3A_168 = tpu.memref_squeeze %dma_wait3A_167 : memref<1x128xi32, #tpu.memory_space<vmem>> -> memref<128xi32, #tpu.memory_space<vmem>>
        %dma_wait3A_169 = arith.constant 0 : i32
        %dma_wait3A_170 = arith.constant 0 : i32
        %dma_wait3A_171 = tpu.memref_slice %arg10[%dma_wait3A_169, %dma_wait3A_170] : memref<10240x16xf32, #tpu.memory_space<vmem_shared>> -> memref<10240x16xf32, #tpu.memory_space<vmem_shared>>
        tpu.wait_indirect_dma semaphore(%arg13 : memref<!tpu.dma_semaphore, #tpu.memory_space<semaphore_mem>>) src(%dma_wait3A_165 : memref<128x16xf32, #tpu.memory_space<vmem>>) dst(%dma_wait3A_171 : memref<10240x16xf32, #tpu.memory_space<vmem_shared>>)
        %add3A_172 = arith.constant 1 : i32
        %add3A_173 = arith.addi %scan3A_78, %add3A_172 : i32
        %lt3A = arith.constant 16 : i32
        %lt3A_174 = arith.cmpi slt, %add3A_173, %lt3A : i32
        %convert_element_type3A_175 = arith.extui %lt3A_174 : i1 to i32
        %cond3A_176 = arith.constant 0 : i32
        %cond3A_177 = arith.cmpi ne, %convert_element_type3A_175, %cond3A_176 : i32
        scf.if %cond3A_177 {
          %add3A_275 = arith.constant 2 : i32
          %add3A_276 = arith.addi %mul3A_80, %add3A_275 : i32
          %mul3A_277 = arith.constant 2 : i32
          %mul3A_278 = arith.muli %add3A_276, %mul3A_277 : i32
          %add3A_279 = arith.constant 0 : i32
          %add3A_280 = arith.addi %mul3A_278, %add3A_279 : i32
          %dma_start3A_281 = arith.constant 0 : i32
          %dma_start3A_282 = arith.constant 0 : i32
          %dma_start3A_283 = arith.constant 0 : i32
          %dma_start3A_284 = tpu.memref_slice %arg8[%dma_start3A_281, %dma_start3A_282, %dma_start3A_283] : memref<4x128x16xf32, #tpu.memory_space<vmem>> -> memref<1x128x16xf32, #tpu.memory_space<vmem>>
          %dma_start3A_285 = tpu.memref_squeeze %dma_start3A_284 : memref<1x128x16xf32, #tpu.memory_space<vmem>> -> memref<128x16xf32, #tpu.memory_space<vmem>>
          %dma_start3A_286 = arith.constant 0 : i32
          %dma_start3A_287 = tpu.memref_slice %arg6[%add3A_280, %dma_start3A_286] : memref<96x128xi32, #tpu.memory_space<vmem>> -> memref<1x128xi32, #tpu.memory_space<vmem>>
          %dma_start3A_288 = tpu.memref_squeeze %dma_start3A_287 : memref<1x128xi32, #tpu.memory_space<vmem>> -> memref<128xi32, #tpu.memory_space<vmem>>
          %dma_start3A_289 = arith.constant 0 : i32
          %dma_start3A_290 = arith.constant 0 : i32
          %dma_start3A_291 = tpu.memref_slice %arg2[%dma_start3A_289, %dma_start3A_290] : memref<10000x16xf32, #tpu.memory_space<hbm>> -> memref<10000x16xf32, #tpu.memory_space<hbm>>
          tpu.enqueue_indirect_dma source(%dma_start3A_291 : memref<10000x16xf32, #tpu.memory_space<hbm>>) target(%dma_start3A_285 : memref<128x16xf32, #tpu.memory_space<vmem>>) offsets(%dma_start3A_288 : memref<128xi32, #tpu.memory_space<vmem>>) semaphore(%arg11 : memref<!tpu.dma_semaphore, #tpu.memory_space<semaphore_mem>>)
          %mul3A_292 = arith.constant 2 : i32
          %mul3A_293 = arith.muli %add3A_276, %mul3A_292 : i32
          %add3A_294 = arith.constant 1 : i32
          %add3A_295 = arith.addi %mul3A_293, %add3A_294 : i32
          %dma_start3A_296 = arith.constant 1 : i32
          %dma_start3A_297 = arith.constant 0 : i32
          %dma_start3A_298 = arith.constant 0 : i32
          %dma_start3A_299 = tpu.memref_slice %arg8[%dma_start3A_296, %dma_start3A_297, %dma_start3A_298] : memref<4x128x16xf32, #tpu.memory_space<vmem>> -> memref<1x128x16xf32, #tpu.memory_space<vmem>>
          %dma_start3A_300 = tpu.memref_squeeze %dma_start3A_299 : memref<1x128x16xf32, #tpu.memory_space<vmem>> -> memref<128x16xf32, #tpu.memory_space<vmem>>
          %dma_start3A_301 = arith.constant 0 : i32
          %dma_start3A_302 = tpu.memref_slice %arg6[%add3A_295, %dma_start3A_301] : memref<96x128xi32, #tpu.memory_space<vmem>> -> memref<1x128xi32, #tpu.memory_space<vmem>>
          %dma_start3A_303 = tpu.memref_squeeze %dma_start3A_302 : memref<1x128xi32, #tpu.memory_space<vmem>> -> memref<128xi32, #tpu.memory_space<vmem>>
          %dma_start3A_304 = arith.constant 0 : i32
          %dma_start3A_305 = arith.constant 0 : i32
          %dma_start3A_306 = tpu.memref_slice %arg2[%dma_start3A_304, %dma_start3A_305] : memref<10000x16xf32, #tpu.memory_space<hbm>> -> memref<10000x16xf32, #tpu.memory_space<hbm>>
          tpu.enqueue_indirect_dma source(%dma_start3A_306 : memref<10000x16xf32, #tpu.memory_space<hbm>>) target(%dma_start3A_300 : memref<128x16xf32, #tpu.memory_space<vmem>>) offsets(%dma_start3A_303 : memref<128xi32, #tpu.memory_space<vmem>>) semaphore(%arg11 : memref<!tpu.dma_semaphore, #tpu.memory_space<semaphore_mem>>)
        } else {
        }
        %mul3A_178 = arith.constant 2 : i32
        %mul3A_179 = arith.muli %add3A_82, %mul3A_178 : i32
        %add3A_180 = arith.constant 0 : i32
        %add3A_181 = arith.addi %mul3A_179, %add3A_180 : i32
        %dma_wait3A_182 = arith.constant 2 : i32
        %dma_wait3A_183 = arith.constant 0 : i32
        %dma_wait3A_184 = arith.constant 0 : i32
        %dma_wait3A_185 = tpu.memref_slice %arg8[%dma_wait3A_182, %dma_wait3A_183, %dma_wait3A_184] : memref<4x128x16xf32, #tpu.memory_space<vmem>> -> memref<1x128x16xf32, #tpu.memory_space<vmem>>
        %dma_wait3A_186 = tpu.memref_squeeze %dma_wait3A_185 : memref<1x128x16xf32, #tpu.memory_space<vmem>> -> memref<128x16xf32, #tpu.memory_space<vmem>>
        %dma_wait3A_187 = arith.constant 0 : i32
        %dma_wait3A_188 = tpu.memref_slice %arg6[%add3A_181, %dma_wait3A_187] : memref<96x128xi32, #tpu.memory_space<vmem>> -> memref<1x128xi32, #tpu.memory_space<vmem>>
        %dma_wait3A_189 = tpu.memref_squeeze %dma_wait3A_188 : memref<1x128xi32, #tpu.memory_space<vmem>> -> memref<128xi32, #tpu.memory_space<vmem>>
        %dma_wait3A_190 = arith.constant 0 : i32
        %dma_wait3A_191 = arith.constant 0 : i32
        %dma_wait3A_192 = tpu.memref_slice %arg2[%dma_wait3A_190, %dma_wait3A_191] : memref<10000x16xf32, #tpu.memory_space<hbm>> -> memref<10000x16xf32, #tpu.memory_space<hbm>>
        tpu.wait_indirect_dma semaphore(%arg12 : memref<!tpu.dma_semaphore, #tpu.memory_space<semaphore_mem>>) src(%dma_wait3A_192 : memref<10000x16xf32, #tpu.memory_space<hbm>>) dst(%dma_wait3A_186 : memref<128x16xf32, #tpu.memory_space<vmem>>)
        %mul3A_193 = arith.constant 2 : i32
        %mul3A_194 = arith.muli %add3A_82, %mul3A_193 : i32
        %add3A_195 = arith.constant 1 : i32
        %add3A_196 = arith.addi %mul3A_194, %add3A_195 : i32
        %dma_wait3A_197 = arith.constant 3 : i32
        %dma_wait3A_198 = arith.constant 0 : i32
        %dma_wait3A_199 = arith.constant 0 : i32
        %dma_wait3A_200 = tpu.memref_slice %arg8[%dma_wait3A_197, %dma_wait3A_198, %dma_wait3A_199] : memref<4x128x16xf32, #tpu.memory_space<vmem>> -> memref<1x128x16xf32, #tpu.memory_space<vmem>>
        %dma_wait3A_201 = tpu.memref_squeeze %dma_wait3A_200 : memref<1x128x16xf32, #tpu.memory_space<vmem>> -> memref<128x16xf32, #tpu.memory_space<vmem>>
        %dma_wait3A_202 = arith.constant 0 : i32
        %dma_wait3A_203 = tpu.memref_slice %arg6[%add3A_196, %dma_wait3A_202] : memref<96x128xi32, #tpu.memory_space<vmem>> -> memref<1x128xi32, #tpu.memory_space<vmem>>
        %dma_wait3A_204 = tpu.memref_squeeze %dma_wait3A_203 : memref<1x128xi32, #tpu.memory_space<vmem>> -> memref<128xi32, #tpu.memory_space<vmem>>
        %dma_wait3A_205 = arith.constant 0 : i32
        %dma_wait3A_206 = arith.constant 0 : i32
        %dma_wait3A_207 = tpu.memref_slice %arg2[%dma_wait3A_205, %dma_wait3A_206] : memref<10000x16xf32, #tpu.memory_space<hbm>> -> memref<10000x16xf32, #tpu.memory_space<hbm>>
        tpu.wait_indirect_dma semaphore(%arg12 : memref<!tpu.dma_semaphore, #tpu.memory_space<semaphore_mem>>) src(%dma_wait3A_207 : memref<10000x16xf32, #tpu.memory_space<hbm>>) dst(%dma_wait3A_201 : memref<128x16xf32, #tpu.memory_space<vmem>>)
        %mul3A_208 = arith.constant 2 : i32
        %mul3A_209 = arith.muli %add3A_82, %mul3A_208 : i32
        %add3A_210 = arith.constant 0 : i32
        %add3A_211 = arith.addi %mul3A_209, %add3A_210 : i32
        %dma_start3A_212 = arith.constant 2 : i32
        %dma_start3A_213 = arith.constant 0 : i32
        %dma_start3A_214 = arith.constant 0 : i32
        %dma_start3A_215 = tpu.memref_slice %arg8[%dma_start3A_212, %dma_start3A_213, %dma_start3A_214] : memref<4x128x16xf32, #tpu.memory_space<vmem>> -> memref<1x128x16xf32, #tpu.memory_space<vmem>>
        %dma_start3A_216 = tpu.memref_squeeze %dma_start3A_215 : memref<1x128x16xf32, #tpu.memory_space<vmem>> -> memref<128x16xf32, #tpu.memory_space<vmem>>
        %dma_start3A_217 = arith.constant 0 : i32
        %dma_start3A_218 = tpu.memref_slice %arg7[%add3A_211, %dma_start3A_217] : memref<96x128xi32, #tpu.memory_space<vmem>> -> memref<1x128xi32, #tpu.memory_space<vmem>>
        %dma_start3A_219 = tpu.memref_squeeze %dma_start3A_218 : memref<1x128xi32, #tpu.memory_space<vmem>> -> memref<128xi32, #tpu.memory_space<vmem>>
        %dma_start3A_220 = arith.constant 0 : i32
        %dma_start3A_221 = arith.constant 0 : i32
        %dma_start3A_222 = tpu.memref_slice %arg10[%dma_start3A_220, %dma_start3A_221] : memref<10240x16xf32, #tpu.memory_space<vmem_shared>> -> memref<10240x16xf32, #tpu.memory_space<vmem_shared>>
        tpu.enqueue_indirect_dma source(%dma_start3A_216 : memref<128x16xf32, #tpu.memory_space<vmem>>) target(%dma_start3A_222 : memref<10240x16xf32, #tpu.memory_space<vmem_shared>>) offsets(%dma_start3A_219 : memref<128xi32, #tpu.memory_space<vmem>>) semaphore(%arg14 : memref<!tpu.dma_semaphore, #tpu.memory_space<semaphore_mem>>) {add = true}
        %mul3A_223 = arith.constant 2 : i32
        %mul3A_224 = arith.muli %add3A_82, %mul3A_223 : i32
        %add3A_225 = arith.constant 1 : i32
        %add3A_226 = arith.addi %mul3A_224, %add3A_225 : i32
        %dma_start3A_227 = arith.constant 3 : i32
        %dma_start3A_228 = arith.constant 0 : i32
        %dma_start3A_229 = arith.constant 0 : i32
        %dma_start3A_230 = tpu.memref_slice %arg8[%dma_start3A_227, %dma_start3A_228, %dma_start3A_229] : memref<4x128x16xf32, #tpu.memory_space<vmem>> -> memref<1x128x16xf32, #tpu.memory_space<vmem>>
        %dma_start3A_231 = tpu.memref_squeeze %dma_start3A_230 : memref<1x128x16xf32, #tpu.memory_space<vmem>> -> memref<128x16xf32, #tpu.memory_space<vmem>>
        %dma_start3A_232 = arith.constant 0 : i32
        %dma_start3A_233 = tpu.memref_slice %arg7[%add3A_226, %dma_start3A_232] : memref<96x128xi32, #tpu.memory_space<vmem>> -> memref<1x128xi32, #tpu.memory_space<vmem>>
        %dma_start3A_234 = tpu.memref_squeeze %dma_start3A_233 : memref<1x128xi32, #tpu.memory_space<vmem>> -> memref<128xi32, #tpu.memory_space<vmem>>
        %dma_start3A_235 = arith.constant 0 : i32
        %dma_start3A_236 = arith.constant 0 : i32
        %dma_start3A_237 = tpu.memref_slice %arg10[%dma_start3A_235, %dma_start3A_236] : memref<10240x16xf32, #tpu.memory_space<vmem_shared>> -> memref<10240x16xf32, #tpu.memory_space<vmem_shared>>
        tpu.enqueue_indirect_dma source(%dma_start3A_231 : memref<128x16xf32, #tpu.memory_space<vmem>>) target(%dma_start3A_237 : memref<10240x16xf32, #tpu.memory_space<vmem_shared>>) offsets(%dma_start3A_234 : memref<128xi32, #tpu.memory_space<vmem>>) semaphore(%arg14 : memref<!tpu.dma_semaphore, #tpu.memory_space<semaphore_mem>>) {add = true}
        %mul3A_238 = arith.constant 2 : i32
        %mul3A_239 = arith.muli %add3A_82, %mul3A_238 : i32
        %add3A_240 = arith.constant 0 : i32
        %add3A_241 = arith.addi %mul3A_239, %add3A_240 : i32
        %dma_wait3A_242 = arith.constant 2 : i32
        %dma_wait3A_243 = arith.constant 0 : i32
        %dma_wait3A_244 = arith.constant 0 : i32
        %dma_wait3A_245 = tpu.memref_slice %arg8[%dma_wait3A_242, %dma_wait3A_243, %dma_wait3A_244] : memref<4x128x16xf32, #tpu.memory_space<vmem>> -> memref<1x128x16xf32, #tpu.memory_space<vmem>>
        %dma_wait3A_246 = tpu.memref_squeeze %dma_wait3A_245 : memref<1x128x16xf32, #tpu.memory_space<vmem>> -> memref<128x16xf32, #tpu.memory_space<vmem>>
        %dma_wait3A_247 = arith.constant 0 : i32
        %dma_wait3A_248 = tpu.memref_slice %arg7[%add3A_241, %dma_wait3A_247] : memref<96x128xi32, #tpu.memory_space<vmem>> -> memref<1x128xi32, #tpu.memory_space<vmem>>
        %dma_wait3A_249 = tpu.memref_squeeze %dma_wait3A_248 : memref<1x128xi32, #tpu.memory_space<vmem>> -> memref<128xi32, #tpu.memory_space<vmem>>
        %dma_wait3A_250 = arith.constant 0 : i32
        %dma_wait3A_251 = arith.constant 0 : i32
        %dma_wait3A_252 = tpu.memref_slice %arg10[%dma_wait3A_250, %dma_wait3A_251] : memref<10240x16xf32, #tpu.memory_space<vmem_shared>> -> memref<10240x16xf32, #tpu.memory_space<vmem_shared>>
        tpu.wait_indirect_dma semaphore(%arg14 : memref<!tpu.dma_semaphore, #tpu.memory_space<semaphore_mem>>) src(%dma_wait3A_246 : memref<128x16xf32, #tpu.memory_space<vmem>>) dst(%dma_wait3A_252 : memref<10240x16xf32, #tpu.memory_space<vmem_shared>>)
        %mul3A_253 = arith.constant 2 : i32
        %mul3A_254 = arith.muli %add3A_82, %mul3A_253 : i32
        %add3A_255 = arith.constant 1 : i32
        %add3A_256 = arith.addi %mul3A_254, %add3A_255 : i32
        %dma_wait3A_257 = arith.constant 3 : i32
        %dma_wait3A_258 = arith.constant 0 : i32
        %dma_wait3A_259 = arith.constant 0 : i32
        %dma_wait3A_260 = tpu.memref_slice %arg8[%dma_wait3A_257, %dma_wait3A_258, %dma_wait3A_259] : memref<4x128x16xf32, #tpu.memory_space<vmem>> -> memref<1x128x16xf32, #tpu.memory_space<vmem>>
        %dma_wait3A_261 = tpu.memref_squeeze %dma_wait3A_260 : memref<1x128x16xf32, #tpu.memory_space<vmem>> -> memref<128x16xf32, #tpu.memory_space<vmem>>
        %dma_wait3A_262 = arith.constant 0 : i32
        %dma_wait3A_263 = tpu.memref_slice %arg7[%add3A_256, %dma_wait3A_262] : memref<96x128xi32, #tpu.memory_space<vmem>> -> memref<1x128xi32, #tpu.memory_space<vmem>>
        %dma_wait3A_264 = tpu.memref_squeeze %dma_wait3A_263 : memref<1x128xi32, #tpu.memory_space<vmem>> -> memref<128xi32, #tpu.memory_space<vmem>>
        %dma_wait3A_265 = arith.constant 0 : i32
        %dma_wait3A_266 = arith.constant 0 : i32
        %dma_wait3A_267 = tpu.memref_slice %arg10[%dma_wait3A_265, %dma_wait3A_266] : memref<10240x16xf32, #tpu.memory_space<vmem_shared>> -> memref<10240x16xf32, #tpu.memory_space<vmem_shared>>
        tpu.wait_indirect_dma semaphore(%arg14 : memref<!tpu.dma_semaphore, #tpu.memory_space<semaphore_mem>>) src(%dma_wait3A_261 : memref<128x16xf32, #tpu.memory_space<vmem>>) dst(%dma_wait3A_267 : memref<10240x16xf32, #tpu.memory_space<vmem_shared>>)
        %add3A_268 = arith.constant 1 : i32
        %add3A_269 = arith.addi %scan3A_78, %add3A_268 : i32
        %lt3A_270 = arith.constant 16 : i32
        %lt3A_271 = arith.cmpi slt, %add3A_269, %lt3A_270 : i32
        %convert_element_type3A_272 = arith.extui %lt3A_271 : i1 to i32
        %cond3A_273 = arith.constant 0 : i32
        %cond3A_274 = arith.cmpi ne, %convert_element_type3A_272, %cond3A_273 : i32
        scf.if %cond3A_274 {
          %add3A_275 = arith.constant 2 : i32
          %add3A_276 = arith.addi %add3A_82, %add3A_275 : i32
          %mul3A_277 = arith.constant 2 : i32
          %mul3A_278 = arith.muli %add3A_276, %mul3A_277 : i32
          %add3A_279 = arith.constant 0 : i32
          %add3A_280 = arith.addi %mul3A_278, %add3A_279 : i32
          %dma_start3A_281 = arith.constant 2 : i32
          %dma_start3A_282 = arith.constant 0 : i32
          %dma_start3A_283 = arith.constant 0 : i32
          %dma_start3A_284 = tpu.memref_slice %arg8[%dma_start3A_281, %dma_start3A_282, %dma_start3A_283] : memref<4x128x16xf32, #tpu.memory_space<vmem>> -> memref<1x128x16xf32, #tpu.memory_space<vmem>>
          %dma_start3A_285 = tpu.memref_squeeze %dma_start3A_284 : memref<1x128x16xf32, #tpu.memory_space<vmem>> -> memref<128x16xf32, #tpu.memory_space<vmem>>
          %dma_start3A_286 = arith.constant 0 : i32
          %dma_start3A_287 = tpu.memref_slice %arg6[%add3A_280, %dma_start3A_286] : memref<96x128xi32, #tpu.memory_space<vmem>> -> memref<1x128xi32, #tpu.memory_space<vmem>>
          %dma_start3A_288 = tpu.memref_squeeze %dma_start3A_287 : memref<1x128xi32, #tpu.memory_space<vmem>> -> memref<128xi32, #tpu.memory_space<vmem>>
          %dma_start3A_289 = arith.constant 0 : i32
          %dma_start3A_290 = arith.constant 0 : i32
          %dma_start3A_291 = tpu.memref_slice %arg2[%dma_start3A_289, %dma_start3A_290] : memref<10000x16xf32, #tpu.memory_space<hbm>> -> memref<10000x16xf32, #tpu.memory_space<hbm>>
          tpu.enqueue_indirect_dma source(%dma_start3A_291 : memref<10000x16xf32, #tpu.memory_space<hbm>>) target(%dma_start3A_285 : memref<128x16xf32, #tpu.memory_space<vmem>>) offsets(%dma_start3A_288 : memref<128xi32, #tpu.memory_space<vmem>>) semaphore(%arg12 : memref<!tpu.dma_semaphore, #tpu.memory_space<semaphore_mem>>)
          %mul3A_292 = arith.constant 2 : i32
          %mul3A_293 = arith.muli %add3A_276, %mul3A_292 : i32
          %add3A_294 = arith.constant 1 : i32
          %add3A_295 = arith.addi %mul3A_293, %add3A_294 : i32
          %dma_start3A_296 = arith.constant 3 : i32
          %dma_start3A_297 = arith.constant 0 : i32
          %dma_start3A_298 = arith.constant 0 : i32
          %dma_start3A_299 = tpu.memref_slice %arg8[%dma_start3A_296, %dma_start3A_297, %dma_start3A_298] : memref<4x128x16xf32, #tpu.memory_space<vmem>> -> memref<1x128x16xf32, #tpu.memory_space<vmem>>
          %dma_start3A_300 = tpu.memref_squeeze %dma_start3A_299 : memref<1x128x16xf32, #tpu.memory_space<vmem>> -> memref<128x16xf32, #tpu.memory_space<vmem>>
          %dma_start3A_301 = arith.constant 0 : i32
          %dma_start3A_302 = tpu.memref_slice %arg6[%add3A_295, %dma_start3A_301] : memref<96x128xi32, #tpu.memory_space<vmem>> -> memref<1x128xi32, #tpu.memory_space<vmem>>
          %dma_start3A_303 = tpu.memref_squeeze %dma_start3A_302 : memref<1x128xi32, #tpu.memory_space<vmem>> -> memref<128xi32, #tpu.memory_space<vmem>>
          %dma_start3A_304 = arith.constant 0 : i32
          %dma_start3A_305 = arith.constant 0 : i32
          %dma_start3A_306 = tpu.memref_slice %arg2[%dma_start3A_304, %dma_start3A_305] : memref<10000x16xf32, #tpu.memory_space<hbm>> -> memref<10000x16xf32, #tpu.memory_space<hbm>>
          tpu.enqueue_indirect_dma source(%dma_start3A_306 : memref<10000x16xf32, #tpu.memory_space<hbm>>) target(%dma_start3A_300 : memref<128x16xf32, #tpu.memory_space<vmem>>) offsets(%dma_start3A_303 : memref<128xi32, #tpu.memory_space<vmem>>) semaphore(%arg12 : memref<!tpu.dma_semaphore, #tpu.memory_space<semaphore_mem>>)
        } else {
        }
      }
      %scan3A_77 = arith.constant 16 : i32
    } else {
    }
    %barrier3A_18 = arith.constant 0 : index
    tpu.barrier barrier_id(%barrier3A_18)
    %mul3A = arith.constant 640 : i32
    %mul3A_19 = arith.muli %arg1, %mul3A : i32
    %mul3A_20 = arith.constant 640 : i32
    %mul3A_21 = arith.muli %arg1, %mul3A_20 : i32
    "tpu.region"() ({
      %run_scoped3A = tpu.sem_alloc : memref<!tpu.dma_semaphore, #tpu.memory_space<semaphore_mem>>
      %dma_start3A = arith.constant 0 : i32
      %dma_start3A_22 = tpu.memref_slice %arg5[%arg0, %mul3A_21, %dma_start3A] : memref<2x10240x16xf32, #tpu.memory_space<hbm>> -> memref<1x640x16xf32, #tpu.memory_space<hbm>>
      %dma_start3A_23 = tpu.memref_squeeze %dma_start3A_22 : memref<1x640x16xf32, #tpu.memory_space<hbm>> -> memref<640x16xf32, #tpu.memory_space<hbm>>
      %dma_start3A_24 = arith.constant 0 : i32
      %dma_start3A_25 = tpu.memref_slice %arg10[%mul3A_19, %dma_start3A_24] : memref<10240x16xf32, #tpu.memory_space<vmem_shared>> -> memref<640x16xf32, #tpu.memory_space<vmem_shared>>
      tpu.enqueue_dma source(%dma_start3A_25 : memref<640x16xf32, #tpu.memory_space<vmem_shared>>) target(%dma_start3A_23 : memref<640x16xf32, #tpu.memory_space<hbm>>) target_semaphore(%run_scoped3A : memref<!tpu.dma_semaphore, #tpu.memory_space<semaphore_mem>>)
      %dma_wait3A = arith.constant 0 : i32
      %dma_wait3A_26 = tpu.memref_slice %arg5[%arg0, %mul3A_21, %dma_wait3A] : memref<2x10240x16xf32, #tpu.memory_space<hbm>> -> memref<1x640x16xf32, #tpu.memory_space<hbm>>
      %dma_wait3A_27 = tpu.memref_squeeze %dma_wait3A_26 : memref<1x640x16xf32, #tpu.memory_space<hbm>> -> memref<640x16xf32, #tpu.memory_space<hbm>>
      %dma_wait3A_28 = arith.constant 0 : i32
      %dma_wait3A_29 = tpu.memref_slice %arg10[%mul3A_19, %dma_wait3A_28] : memref<10240x16xf32, #tpu.memory_space<vmem_shared>> -> memref<640x16xf32, #tpu.memory_space<vmem_shared>>
      tpu.wait_dma2 semaphore(%run_scoped3A : memref<!tpu.dma_semaphore, #tpu.memory_space<semaphore_mem>>) src(%dma_wait3A_29 : memref<640x16xf32, #tpu.memory_space<vmem_shared>>) dst(%dma_wait3A_27 : memref<640x16xf32, #tpu.memory_space<hbm>>)
      tpu.yield
    }) : () -> ()
    return
  }
}

module attributes {stable_mosaic.version = 14 : i64} {
  func.func @_enc_body(%arg0: memref<10000x128xf32, #tpu.memory_space<vmem>>, %arg1: memref<128x16xf32, #tpu.memory_space<vmem>>, %arg2: memref<1x16xf32, #tpu.memory_space<vmem>>, %arg3: memref<10000x16xf32, #tpu.memory_space<vmem>>) attributes {dimension_semantics = [], scalar_prefetch = 0 : i64, scratch_operands = 0 : i64, tpu.core_type = #tpu.core_type<tc>} {
    %get3A = arith.constant 0 : index
    %get3A_0 = arith.constant 0 : index
    %get3A_1 = vector.load %arg0[%get3A, %get3A_0] : memref<10000x128xf32, #tpu.memory_space<vmem>>, vector<10000x128xf32>
    %get3A_2 = arith.constant 0 : index
    %get3A_3 = arith.constant 0 : index
    %get3A_4 = vector.load %arg1[%get3A_2, %get3A_3] : memref<128x16xf32, #tpu.memory_space<vmem>>, vector<128x16xf32>
    %dot_general3A = arith.constant dense<0.000000e+00> : vector<10000x16xf32>
    %dot_general3A_5 = tpu.matmul %get3A_1, %get3A_4, %dot_general3A {dimension_numbers = #tpu.dot_dimension_numbers<[1], [0], [0], [1], [0, 0, 1, 1], [], []>, transpose_lhs_hint = false} : vector<10000x128xf32>, vector<128x16xf32>, vector<10000x16xf32> -> vector<10000x16xf32>
    %get3A_6 = arith.constant 0 : index
    %get3A_7 = arith.constant 0 : index
    %get3A_8 = vector.load %arg2[%get3A_6, %get3A_7] : memref<1x16xf32, #tpu.memory_space<vmem>>, vector<1x16xf32>
    %add3A = vector.broadcast %get3A_8 : vector<1x16xf32> to vector<10000x16xf32>
    %add3A_9 = arith.addf %dot_general3A_5, %add3A : vector<10000x16xf32>
    %swap3A = arith.constant 0 : index
    %swap3A_10 = arith.constant 0 : index
    %swap3A_11 = vector.load %arg3[%swap3A, %swap3A_10] : memref<10000x16xf32, #tpu.memory_space<vmem>>, vector<10000x16xf32>
    tpu.vector_store %arg3[%swap3A, %swap3A_10], %add3A_9 {strides = array<i32>} : memref<10000x16xf32, #tpu.memory_space<vmem>>, vector<10000x16xf32>,
    return
  }
}

module attributes {stable_mosaic.version = 14 : i64} {
  func.func @_layer0_body(%arg0: memref<2x10240x16xf32, #tpu.memory_space<vmem>>, %arg1: memref<10000x16xf32, #tpu.memory_space<vmem>>, %arg2: memref<8x128xf32, #tpu.memory_space<vmem>>, %arg3: memref<1x128xf32, #tpu.memory_space<vmem>>, %arg4: memref<8x128xf32, #tpu.memory_space<vmem>>, %arg5: memref<1x128xf32, #tpu.memory_space<vmem>>, %arg6: memref<1x128xf32, #tpu.memory_space<vmem>>, %arg7: memref<10000x128xf32, #tpu.memory_space<vmem>>, %arg8: memref<10000x128xbf16, #tpu.memory_space<vmem>>, %arg9: memref<10000x1xf32, #tpu.memory_space<vmem>>) attributes {dimension_semantics = [], scalar_prefetch = 0 : i64, scratch_operands = 0 : i64, tpu.core_type = #tpu.core_type<tc>} {
    %get3A = arith.constant 0 : index
    %get3A_0 = arith.constant 0 : index
    %get3A_1 = arith.constant 0 : index
    %get3A_2 = vector.load %arg0[%get3A, %get3A_0, %get3A_1] : memref<2x10240x16xf32, #tpu.memory_space<vmem>>, vector<1x10000x16xf32>
    %get3A_3 = vector.shape_cast %get3A_2 : vector<1x10000x16xf32> to vector<10000x16xf32>
    %get3A_4 = arith.constant 1 : index
    %get3A_5 = arith.constant 0 : index
    %get3A_6 = arith.constant 0 : index
    %get3A_7 = vector.load %arg0[%get3A_4, %get3A_5, %get3A_6] : memref<2x10240x16xf32, #tpu.memory_space<vmem>>, vector<1x10000x16xf32>
    %get3A_8 = vector.shape_cast %get3A_7 : vector<1x10000x16xf32> to vector<10000x16xf32>
    %add3A = arith.addf %get3A_3, %get3A_8 : vector<10000x16xf32>
    %slice3A = vector.extract_strided_slice %add3A {offsets = [0, 8], sizes = [10000, 1], strides = [1, 1]} : vector<10000x16xf32> to vector<10000x1xf32>
    %max3A = arith.constant 1.000000e+00 : f32
    %max3A_9 = vector.broadcast %max3A : f32 to vector<10000x1xf32>
    %max3A_10 = arith.maximumf %slice3A, %max3A_9 : vector<10000x1xf32>
    %slice3A_11 = vector.extract_strided_slice %add3A {offsets = [0, 0], sizes = [10000, 8], strides = [1, 1]} : vector<10000x16xf32> to vector<10000x8xf32>
    %div3A = vector.broadcast %max3A_10 : vector<10000x1xf32> to vector<10000x8xf32>
    %div3A_12 = arith.divf %slice3A_11, %div3A : vector<10000x8xf32>
    %get3A_13 = arith.constant 0 : index
    %get3A_14 = arith.constant 0 : index
    %get3A_15 = vector.load %arg1[%get3A_13, %get3A_14] : memref<10000x16xf32, #tpu.memory_space<vmem>>, vector<10000x16xf32>
    %slice3A_16 = vector.extract_strided_slice %get3A_15 {offsets = [0, 0], sizes = [10000, 8], strides = [1, 1]} : vector<10000x16xf32> to vector<10000x8xf32>
    %get3A_17 = arith.constant 0 : index
    %get3A_18 = arith.constant 0 : index
    %get3A_19 = vector.load %arg2[%get3A_17, %get3A_18] : memref<8x128xf32, #tpu.memory_space<vmem>>, vector<8x128xf32>
    %dot_general3A = arith.constant dense<0.000000e+00> : vector<10000x128xf32>
    %dot_general3A_20 = tpu.matmul %div3A_12, %get3A_19, %dot_general3A {dimension_numbers = #tpu.dot_dimension_numbers<[1], [0], [0], [1], [0, 0, 1, 1], [], []>, transpose_lhs_hint = false} : vector<10000x8xf32>, vector<8x128xf32>, vector<10000x128xf32> -> vector<10000x128xf32>
    %get3A_21 = arith.constant 0 : index
    %get3A_22 = arith.constant 0 : index
    %get3A_23 = vector.load %arg3[%get3A_21, %get3A_22] : memref<1x128xf32, #tpu.memory_space<vmem>>, vector<1x128xf32>
    %add3A_24 = vector.broadcast %get3A_23 : vector<1x128xf32> to vector<10000x128xf32>
    %add3A_25 = arith.addf %dot_general3A_20, %add3A_24 : vector<10000x128xf32>
    %get3A_26 = arith.constant 0 : index
    %get3A_27 = arith.constant 0 : index
    %get3A_28 = vector.load %arg4[%get3A_26, %get3A_27] : memref<8x128xf32, #tpu.memory_space<vmem>>, vector<8x128xf32>
    %dot_general3A_29 = arith.constant dense<0.000000e+00> : vector<10000x128xf32>
    %dot_general3A_30 = tpu.matmul %slice3A_16, %get3A_28, %dot_general3A_29 {dimension_numbers = #tpu.dot_dimension_numbers<[1], [0], [0], [1], [0, 0, 1, 1], [], []>, transpose_lhs_hint = false} : vector<10000x8xf32>, vector<8x128xf32>, vector<10000x128xf32> -> vector<10000x128xf32>
    %add3A_31 = arith.addf %add3A_25, %dot_general3A_30 : vector<10000x128xf32>
    %get3A_32 = arith.constant 0 : index
    %get3A_33 = arith.constant 0 : index
    %get3A_34 = vector.load %arg5[%get3A_32, %get3A_33] : memref<1x128xf32, #tpu.memory_space<vmem>>, vector<1x128xf32>
    %get3A_35 = arith.constant 0 : index
    %get3A_36 = arith.constant 0 : index
    %get3A_37 = vector.load %arg6[%get3A_35, %get3A_36] : memref<1x128xf32, #tpu.memory_space<vmem>>, vector<1x128xf32>
    %reduce_sum3A = arith.constant dense<0.000000e+00> : vector<128xf32>
    %reduce_sum3A_38 = vector.multi_reduction <add>, %add3A_31, %reduce_sum3A [0] : vector<10000x128xf32> to vector<128xf32>
    %broadcast_in_dim3A = vector.shape_cast %reduce_sum3A_38 : vector<128xf32> to vector<1x128xf32>
    %div3A_39 = arith.constant 1.000000e+04 : f32
    %div3A_40 = vector.broadcast %div3A_39 : f32 to vector<1x128xf32>
    %div3A_41 = arith.divf %broadcast_in_dim3A, %div3A_40 : vector<1x128xf32>
    %sub3A = vector.broadcast %div3A_41 : vector<1x128xf32> to vector<10000x128xf32>
    %sub3A_42 = arith.subf %add3A_31, %sub3A : vector<10000x128xf32>
    %integer_pow3A = arith.mulf %sub3A_42, %sub3A_42 : vector<10000x128xf32>
    %reduce_sum3A_43 = arith.constant dense<0.000000e+00> : vector<128xf32>
    %reduce_sum3A_44 = vector.multi_reduction <add>, %integer_pow3A, %reduce_sum3A_43 [0] : vector<10000x128xf32> to vector<128xf32>
    %broadcast_in_dim3A_45 = vector.shape_cast %reduce_sum3A_44 : vector<128xf32> to vector<1x128xf32>
    %div3A_46 = arith.constant 1.000000e+04 : f32
    %div3A_47 = vector.broadcast %div3A_46 : f32 to vector<1x128xf32>
    %div3A_48 = arith.divf %broadcast_in_dim3A_45, %div3A_47 : vector<1x128xf32>
    %sub3A_49 = vector.broadcast %div3A_41 : vector<1x128xf32> to vector<10000x128xf32>
    %sub3A_50 = arith.subf %add3A_31, %sub3A_49 : vector<10000x128xf32>
    %add3A_51 = arith.constant 9.99999974E-6 : f32
    %add3A_52 = vector.broadcast %add3A_51 : f32 to vector<1x128xf32>
    %add3A_53 = arith.addf %div3A_48, %add3A_52 : vector<1x128xf32>
    %sqrt3A = math.sqrt %add3A_53 : vector<1x128xf32>
    %div3A_54 = vector.broadcast %sqrt3A : vector<1x128xf32> to vector<10000x128xf32>
    %div3A_55 = arith.divf %sub3A_50, %div3A_54 : vector<10000x128xf32>
    %mul3A = vector.broadcast %get3A_34 : vector<1x128xf32> to vector<10000x128xf32>
    %mul3A_56 = arith.mulf %div3A_55, %mul3A : vector<10000x128xf32>
    %add3A_57 = vector.broadcast %get3A_37 : vector<1x128xf32> to vector<10000x128xf32>
    %add3A_58 = arith.addf %mul3A_56, %add3A_57 : vector<10000x128xf32>
    %max3A_59 = arith.constant 0.000000e+00 : f32
    %max3A_60 = vector.broadcast %max3A_59 : f32 to vector<10000x128xf32>
    %max3A_61 = arith.maximumf %add3A_58, %max3A_60 : vector<10000x128xf32>
    %swap3A = arith.constant 0 : index
    %swap3A_62 = arith.constant 0 : index
    %swap3A_63 = vector.load %arg7[%swap3A, %swap3A_62] : memref<10000x128xf32, #tpu.memory_space<vmem>>, vector<10000x128xf32>
    tpu.vector_store %arg7[%swap3A, %swap3A_62], %max3A_61 {strides = array<i32>} : memref<10000x128xf32, #tpu.memory_space<vmem>>, vector<10000x128xf32>,
    %convert_element_type3A = arith.truncf %max3A_61 : vector<10000x128xf32> to vector<10000x128xbf16>
    %swap3A_64 = arith.constant 0 : index
    %swap3A_65 = arith.constant 0 : index
    %swap3A_66 = vector.load %arg8[%swap3A_64, %swap3A_65] : memref<10000x128xbf16, #tpu.memory_space<vmem>>, vector<10000x128xbf16>
    tpu.vector_store %arg8[%swap3A_64, %swap3A_65], %convert_element_type3A {strides = array<i32>} : memref<10000x128xbf16, #tpu.memory_space<vmem>>, vector<10000x128xbf16>,
    %swap3A_67 = arith.constant 0 : index
    %swap3A_68 = arith.constant 0 : index
    %swap3A_69 = vector.load %arg9[%swap3A_67, %swap3A_68] : memref<10000x1xf32, #tpu.memory_space<vmem>>, vector<10000x1xf32>
    tpu.vector_store %arg9[%swap3A_67, %swap3A_68], %max3A_10 {strides = array<i32>} : memref<10000x1xf32, #tpu.memory_space<vmem>>, vector<10000x1xf32>,
    return
  }
}

module attributes {stable_mosaic.version = 14 : i64} {
  func.func @_mid_body(%arg0: memref<2x10240x128xbf16, #tpu.memory_space<vmem>>, %arg1: memref<10000x128xf32, #tpu.memory_space<vmem>>, %arg2: memref<10000x1xf32, #tpu.memory_space<vmem>>, %arg3: memref<128x128xf32, #tpu.memory_space<vmem>>, %arg4: memref<1x128xf32, #tpu.memory_space<vmem>>, %arg5: memref<128x128xf32, #tpu.memory_space<vmem>>, %arg6: memref<1x128xf32, #tpu.memory_space<vmem>>, %arg7: memref<1x128xf32, #tpu.memory_space<vmem>>, %arg8: memref<10000x128xf32, #tpu.memory_space<vmem>>, %arg9: memref<10000x128xbf16, #tpu.memory_space<vmem>>) attributes {dimension_semantics = [], scalar_prefetch = 0 : i64, scratch_operands = 0 : i64, tpu.core_type = #tpu.core_type<tc>} {
    %get3A = arith.constant 0 : index
    %get3A_0 = arith.constant 0 : index
    %get3A_1 = arith.constant 0 : index
    %get3A_2 = vector.load %arg0[%get3A, %get3A_0, %get3A_1] : memref<2x10240x128xbf16, #tpu.memory_space<vmem>>, vector<1x10000x128xbf16>
    %get3A_3 = vector.shape_cast %get3A_2 : vector<1x10000x128xbf16> to vector<10000x128xbf16>
    %convert_element_type3A = arith.extf %get3A_3 : vector<10000x128xbf16> to vector<10000x128xf32>
    %get3A_4 = arith.constant 1 : index
    %get3A_5 = arith.constant 0 : index
    %get3A_6 = arith.constant 0 : index
    %get3A_7 = vector.load %arg0[%get3A_4, %get3A_5, %get3A_6] : memref<2x10240x128xbf16, #tpu.memory_space<vmem>>, vector<1x10000x128xbf16>
    %get3A_8 = vector.shape_cast %get3A_7 : vector<1x10000x128xbf16> to vector<10000x128xbf16>
    %convert_element_type3A_9 = arith.extf %get3A_8 : vector<10000x128xbf16> to vector<10000x128xf32>
    %add3A = arith.addf %convert_element_type3A, %convert_element_type3A_9 : vector<10000x128xf32>
    %get3A_10 = arith.constant 0 : index
    %get3A_11 = arith.constant 0 : index
    %get3A_12 = vector.load %arg2[%get3A_10, %get3A_11] : memref<10000x1xf32, #tpu.memory_space<vmem>>, vector<10000x1xf32>
    %div3A = vector.broadcast %get3A_12 : vector<10000x1xf32> to vector<10000x128xf32>
    %div3A_13 = arith.divf %add3A, %div3A : vector<10000x128xf32>
    %get3A_14 = arith.constant 0 : index
    %get3A_15 = arith.constant 0 : index
    %get3A_16 = vector.load %arg3[%get3A_14, %get3A_15] : memref<128x128xf32, #tpu.memory_space<vmem>>, vector<128x128xf32>
    %dot_general3A = arith.constant dense<0.000000e+00> : vector<10000x128xf32>
    %dot_general3A_17 = tpu.matmul %div3A_13, %get3A_16, %dot_general3A {dimension_numbers = #tpu.dot_dimension_numbers<[1], [0], [0], [1], [0, 0, 1, 1], [], []>, transpose_lhs_hint = false} : vector<10000x128xf32>, vector<128x128xf32>, vector<10000x128xf32> -> vector<10000x128xf32>
    %get3A_18 = arith.constant 0 : index
    %get3A_19 = arith.constant 0 : index
    %get3A_20 = vector.load %arg4[%get3A_18, %get3A_19] : memref<1x128xf32, #tpu.memory_space<vmem>>, vector<1x128xf32>
    %add3A_21 = vector.broadcast %get3A_20 : vector<1x128xf32> to vector<10000x128xf32>
    %add3A_22 = arith.addf %dot_general3A_17, %add3A_21 : vector<10000x128xf32>
    %get3A_23 = arith.constant 0 : index
    %get3A_24 = arith.constant 0 : index
    %get3A_25 = vector.load %arg1[%get3A_23, %get3A_24] : memref<10000x128xf32, #tpu.memory_space<vmem>>, vector<10000x128xf32>
    %get3A_26 = arith.constant 0 : index
    %get3A_27 = arith.constant 0 : index
    %get3A_28 = vector.load %arg5[%get3A_26, %get3A_27] : memref<128x128xf32, #tpu.memory_space<vmem>>, vector<128x128xf32>
    %dot_general3A_29 = arith.constant dense<0.000000e+00> : vector<10000x128xf32>
    %dot_general3A_30 = tpu.matmul %get3A_25, %get3A_28, %dot_general3A_29 {dimension_numbers = #tpu.dot_dimension_numbers<[1], [0], [0], [1], [0, 0, 1, 1], [], []>, transpose_lhs_hint = false} : vector<10000x128xf32>, vector<128x128xf32>, vector<10000x128xf32> -> vector<10000x128xf32>
    %add3A_31 = arith.addf %add3A_22, %dot_general3A_30 : vector<10000x128xf32>
    %get3A_32 = arith.constant 0 : index
    %get3A_33 = arith.constant 0 : index
    %get3A_34 = vector.load %arg6[%get3A_32, %get3A_33] : memref<1x128xf32, #tpu.memory_space<vmem>>, vector<1x128xf32>
    %get3A_35 = arith.constant 0 : index
    %get3A_36 = arith.constant 0 : index
    %get3A_37 = vector.load %arg7[%get3A_35, %get3A_36] : memref<1x128xf32, #tpu.memory_space<vmem>>, vector<1x128xf32>
    %reduce_sum3A = arith.constant dense<0.000000e+00> : vector<128xf32>
    %reduce_sum3A_38 = vector.multi_reduction <add>, %add3A_31, %reduce_sum3A [0] : vector<10000x128xf32> to vector<128xf32>
    %broadcast_in_dim3A = vector.shape_cast %reduce_sum3A_38 : vector<128xf32> to vector<1x128xf32>
    %div3A_39 = arith.constant 1.000000e+04 : f32
    %div3A_40 = vector.broadcast %div3A_39 : f32 to vector<1x128xf32>
    %div3A_41 = arith.divf %broadcast_in_dim3A, %div3A_40 : vector<1x128xf32>
    %sub3A = vector.broadcast %div3A_41 : vector<1x128xf32> to vector<10000x128xf32>
    %sub3A_42 = arith.subf %add3A_31, %sub3A : vector<10000x128xf32>
    %integer_pow3A = arith.mulf %sub3A_42, %sub3A_42 : vector<10000x128xf32>
    %reduce_sum3A_43 = arith.constant dense<0.000000e+00> : vector<128xf32>
    %reduce_sum3A_44 = vector.multi_reduction <add>, %integer_pow3A, %reduce_sum3A_43 [0] : vector<10000x128xf32> to vector<128xf32>
    %broadcast_in_dim3A_45 = vector.shape_cast %reduce_sum3A_44 : vector<128xf32> to vector<1x128xf32>
    %div3A_46 = arith.constant 1.000000e+04 : f32
    %div3A_47 = vector.broadcast %div3A_46 : f32 to vector<1x128xf32>
    %div3A_48 = arith.divf %broadcast_in_dim3A_45, %div3A_47 : vector<1x128xf32>
    %sub3A_49 = vector.broadcast %div3A_41 : vector<1x128xf32> to vector<10000x128xf32>
    %sub3A_50 = arith.subf %add3A_31, %sub3A_49 : vector<10000x128xf32>
    %add3A_51 = arith.constant 9.99999974E-6 : f32
    %add3A_52 = vector.broadcast %add3A_51 : f32 to vector<1x128xf32>
    %add3A_53 = arith.addf %div3A_48, %add3A_52 : vector<1x128xf32>
    %sqrt3A = math.sqrt %add3A_53 : vector<1x128xf32>
    %div3A_54 = vector.broadcast %sqrt3A : vector<1x128xf32> to vector<10000x128xf32>
    %div3A_55 = arith.divf %sub3A_50, %div3A_54 : vector<10000x128xf32>
    %mul3A = vector.broadcast %get3A_34 : vector<1x128xf32> to vector<10000x128xf32>
    %mul3A_56 = arith.mulf %div3A_55, %mul3A : vector<10000x128xf32>
    %add3A_57 = vector.broadcast %get3A_37 : vector<1x128xf32> to vector<10000x128xf32>
    %add3A_58 = arith.addf %mul3A_56, %add3A_57 : vector<10000x128xf32>
    %max3A = arith.constant 0.000000e+00 : f32
    %max3A_59 = vector.broadcast %max3A : f32 to vector<10000x128xf32>
    %max3A_60 = arith.maximumf %add3A_58, %max3A_59 : vector<10000x128xf32>
    %swap3A = arith.constant 0 : index
    %swap3A_61 = arith.constant 0 : index
    %swap3A_62 = vector.load %arg8[%swap3A, %swap3A_61] : memref<10000x128xf32, #tpu.memory_space<vmem>>, vector<10000x128xf32>
    tpu.vector_store %arg8[%swap3A, %swap3A_61], %max3A_60 {strides = array<i32>} : memref<10000x128xf32, #tpu.memory_space<vmem>>, vector<10000x128xf32>,
    %convert_element_type3A_63 = arith.truncf %max3A_60 : vector<10000x128xf32> to vector<10000x128xbf16>
    %swap3A_64 = arith.constant 0 : index
    %swap3A_65 = arith.constant 0 : index
    %swap3A_66 = vector.load %arg9[%swap3A_64, %swap3A_65] : memref<10000x128xbf16, #tpu.memory_space<vmem>>, vector<10000x128xbf16>
    tpu.vector_store %arg9[%swap3A_64, %swap3A_65], %convert_element_type3A_63 {strides = array<i32>} : memref<10000x128xbf16, #tpu.memory_space<vmem>>, vector<10000x128xbf16>,
    return
  }
}

module attributes {stable_mosaic.version = 14 : i64} {
  func.func @_mid2_body(%arg0: memref<2x10240x128xbf16, #tpu.memory_space<vmem>>, %arg1: memref<10000x128xf32, #tpu.memory_space<vmem>>, %arg2: memref<10000x1xf32, #tpu.memory_space<vmem>>, %arg3: memref<128x128xf32, #tpu.memory_space<vmem>>, %arg4: memref<1x128xf32, #tpu.memory_space<vmem>>, %arg5: memref<128x128xf32, #tpu.memory_space<vmem>>, %arg6: memref<1x128xf32, #tpu.memory_space<vmem>>, %arg7: memref<1x128xf32, #tpu.memory_space<vmem>>, %arg8: memref<128x16xf32, #tpu.memory_space<vmem>>, %arg9: memref<10000x128xf32, #tpu.memory_space<vmem>>, %arg10: memref<10000x16xf32, #tpu.memory_space<vmem>>) attributes {dimension_semantics = [], scalar_prefetch = 0 : i64, scratch_operands = 0 : i64, tpu.core_type = #tpu.core_type<tc>} {
    %get3A = arith.constant 0 : index
    %get3A_0 = arith.constant 0 : index
    %get3A_1 = arith.constant 0 : index
    %get3A_2 = vector.load %arg0[%get3A, %get3A_0, %get3A_1] : memref<2x10240x128xbf16, #tpu.memory_space<vmem>>, vector<1x10000x128xbf16>
    %get3A_3 = vector.shape_cast %get3A_2 : vector<1x10000x128xbf16> to vector<10000x128xbf16>
    %convert_element_type3A = arith.extf %get3A_3 : vector<10000x128xbf16> to vector<10000x128xf32>
    %get3A_4 = arith.constant 1 : index
    %get3A_5 = arith.constant 0 : index
    %get3A_6 = arith.constant 0 : index
    %get3A_7 = vector.load %arg0[%get3A_4, %get3A_5, %get3A_6] : memref<2x10240x128xbf16, #tpu.memory_space<vmem>>, vector<1x10000x128xbf16>
    %get3A_8 = vector.shape_cast %get3A_7 : vector<1x10000x128xbf16> to vector<10000x128xbf16>
    %convert_element_type3A_9 = arith.extf %get3A_8 : vector<10000x128xbf16> to vector<10000x128xf32>
    %add3A = arith.addf %convert_element_type3A, %convert_element_type3A_9 : vector<10000x128xf32>
    %get3A_10 = arith.constant 0 : index
    %get3A_11 = arith.constant 0 : index
    %get3A_12 = vector.load %arg2[%get3A_10, %get3A_11] : memref<10000x1xf32, #tpu.memory_space<vmem>>, vector<10000x1xf32>
    %div3A = vector.broadcast %get3A_12 : vector<10000x1xf32> to vector<10000x128xf32>
    %div3A_13 = arith.divf %add3A, %div3A : vector<10000x128xf32>
    %get3A_14 = arith.constant 0 : index
    %get3A_15 = arith.constant 0 : index
    %get3A_16 = vector.load %arg3[%get3A_14, %get3A_15] : memref<128x128xf32, #tpu.memory_space<vmem>>, vector<128x128xf32>
    %dot_general3A = arith.constant dense<0.000000e+00> : vector<10000x128xf32>
    %dot_general3A_17 = tpu.matmul %div3A_13, %get3A_16, %dot_general3A {dimension_numbers = #tpu.dot_dimension_numbers<[1], [0], [0], [1], [0, 0, 1, 1], [], []>, transpose_lhs_hint = false} : vector<10000x128xf32>, vector<128x128xf32>, vector<10000x128xf32> -> vector<10000x128xf32>
    %get3A_18 = arith.constant 0 : index
    %get3A_19 = arith.constant 0 : index
    %get3A_20 = vector.load %arg4[%get3A_18, %get3A_19] : memref<1x128xf32, #tpu.memory_space<vmem>>, vector<1x128xf32>
    %add3A_21 = vector.broadcast %get3A_20 : vector<1x128xf32> to vector<10000x128xf32>
    %add3A_22 = arith.addf %dot_general3A_17, %add3A_21 : vector<10000x128xf32>
    %get3A_23 = arith.constant 0 : index
    %get3A_24 = arith.constant 0 : index
    %get3A_25 = vector.load %arg1[%get3A_23, %get3A_24] : memref<10000x128xf32, #tpu.memory_space<vmem>>, vector<10000x128xf32>
    %get3A_26 = arith.constant 0 : index
    %get3A_27 = arith.constant 0 : index
    %get3A_28 = vector.load %arg5[%get3A_26, %get3A_27] : memref<128x128xf32, #tpu.memory_space<vmem>>, vector<128x128xf32>
    %dot_general3A_29 = arith.constant dense<0.000000e+00> : vector<10000x128xf32>
    %dot_general3A_30 = tpu.matmul %get3A_25, %get3A_28, %dot_general3A_29 {dimension_numbers = #tpu.dot_dimension_numbers<[1], [0], [0], [1], [0, 0, 1, 1], [], []>, transpose_lhs_hint = false} : vector<10000x128xf32>, vector<128x128xf32>, vector<10000x128xf32> -> vector<10000x128xf32>
    %add3A_31 = arith.addf %add3A_22, %dot_general3A_30 : vector<10000x128xf32>
    %get3A_32 = arith.constant 0 : index
    %get3A_33 = arith.constant 0 : index
    %get3A_34 = vector.load %arg6[%get3A_32, %get3A_33] : memref<1x128xf32, #tpu.memory_space<vmem>>, vector<1x128xf32>
    %get3A_35 = arith.constant 0 : index
    %get3A_36 = arith.constant 0 : index
    %get3A_37 = vector.load %arg7[%get3A_35, %get3A_36] : memref<1x128xf32, #tpu.memory_space<vmem>>, vector<1x128xf32>
    %reduce_sum3A = arith.constant dense<0.000000e+00> : vector<128xf32>
    %reduce_sum3A_38 = vector.multi_reduction <add>, %add3A_31, %reduce_sum3A [0] : vector<10000x128xf32> to vector<128xf32>
    %broadcast_in_dim3A = vector.shape_cast %reduce_sum3A_38 : vector<128xf32> to vector<1x128xf32>
    %div3A_39 = arith.constant 1.000000e+04 : f32
    %div3A_40 = vector.broadcast %div3A_39 : f32 to vector<1x128xf32>
    %div3A_41 = arith.divf %broadcast_in_dim3A, %div3A_40 : vector<1x128xf32>
    %sub3A = vector.broadcast %div3A_41 : vector<1x128xf32> to vector<10000x128xf32>
    %sub3A_42 = arith.subf %add3A_31, %sub3A : vector<10000x128xf32>
    %integer_pow3A = arith.mulf %sub3A_42, %sub3A_42 : vector<10000x128xf32>
    %reduce_sum3A_43 = arith.constant dense<0.000000e+00> : vector<128xf32>
    %reduce_sum3A_44 = vector.multi_reduction <add>, %integer_pow3A, %reduce_sum3A_43 [0] : vector<10000x128xf32> to vector<128xf32>
    %broadcast_in_dim3A_45 = vector.shape_cast %reduce_sum3A_44 : vector<128xf32> to vector<1x128xf32>
    %div3A_46 = arith.constant 1.000000e+04 : f32
    %div3A_47 = vector.broadcast %div3A_46 : f32 to vector<1x128xf32>
    %div3A_48 = arith.divf %broadcast_in_dim3A_45, %div3A_47 : vector<1x128xf32>
    %sub3A_49 = vector.broadcast %div3A_41 : vector<1x128xf32> to vector<10000x128xf32>
    %sub3A_50 = arith.subf %add3A_31, %sub3A_49 : vector<10000x128xf32>
    %add3A_51 = arith.constant 9.99999974E-6 : f32
    %add3A_52 = vector.broadcast %add3A_51 : f32 to vector<1x128xf32>
    %add3A_53 = arith.addf %div3A_48, %add3A_52 : vector<1x128xf32>
    %sqrt3A = math.sqrt %add3A_53 : vector<1x128xf32>
    %div3A_54 = vector.broadcast %sqrt3A : vector<1x128xf32> to vector<10000x128xf32>
    %div3A_55 = arith.divf %sub3A_50, %div3A_54 : vector<10000x128xf32>
    %mul3A = vector.broadcast %get3A_34 : vector<1x128xf32> to vector<10000x128xf32>
    %mul3A_56 = arith.mulf %div3A_55, %mul3A : vector<10000x128xf32>
    %add3A_57 = vector.broadcast %get3A_37 : vector<1x128xf32> to vector<10000x128xf32>
    %add3A_58 = arith.addf %mul3A_56, %add3A_57 : vector<10000x128xf32>
    %max3A = arith.constant 0.000000e+00 : f32
    %max3A_59 = vector.broadcast %max3A : f32 to vector<10000x128xf32>
    %max3A_60 = arith.maximumf %add3A_58, %max3A_59 : vector<10000x128xf32>
    %swap3A = arith.constant 0 : index
    %swap3A_61 = arith.constant 0 : index
    %swap3A_62 = vector.load %arg9[%swap3A, %swap3A_61] : memref<10000x128xf32, #tpu.memory_space<vmem>>, vector<10000x128xf32>
    tpu.vector_store %arg9[%swap3A, %swap3A_61], %max3A_60 {strides = array<i32>} : memref<10000x128xf32, #tpu.memory_space<vmem>>, vector<10000x128xf32>,
    %get3A_63 = arith.constant 0 : index
    %get3A_64 = arith.constant 0 : index
    %get3A_65 = vector.load %arg8[%get3A_63, %get3A_64] : memref<128x16xf32, #tpu.memory_space<vmem>>, vector<128x16xf32>
    %dot_general3A_66 = arith.constant dense<0.000000e+00> : vector<10000x16xf32>
    %dot_general3A_67 = tpu.matmul %max3A_60, %get3A_65, %dot_general3A_66 {dimension_numbers = #tpu.dot_dimension_numbers<[1], [0], [0], [1], [0, 0, 1, 1], [], []>, transpose_lhs_hint = false} : vector<10000x128xf32>, vector<128x16xf32>, vector<10000x16xf32> -> vector<10000x16xf32>
    %swap3A_68 = arith.constant 0 : index
    %swap3A_69 = arith.constant 0 : index
    %swap3A_70 = vector.load %arg10[%swap3A_68, %swap3A_69] : memref<10000x16xf32, #tpu.memory_space<vmem>>, vector<10000x16xf32>
    tpu.vector_store %arg10[%swap3A_68, %swap3A_69], %dot_general3A_67 {strides = array<i32>} : memref<10000x16xf32, #tpu.memory_space<vmem>>, vector<10000x16xf32>,
    return
  }
}

module attributes {stable_mosaic.version = 14 : i64} {
  func.func @_fin_body(%arg0: memref<2x10240x16xf32, #tpu.memory_space<vmem>>, %arg1: memref<10000x128xf32, #tpu.memory_space<vmem>>, %arg2: memref<10000x1xf32, #tpu.memory_space<vmem>>, %arg3: memref<1x8xf32, #tpu.memory_space<vmem>>, %arg4: memref<128x8xf32, #tpu.memory_space<vmem>>, %arg5: memref<8x4xf32, #tpu.memory_space<vmem>>, %arg6: memref<1x4xf32, #tpu.memory_space<vmem>>, %arg7: memref<10000x4xf32, #tpu.memory_space<vmem>>) attributes {dimension_semantics = [], scalar_prefetch = 0 : i64, scratch_operands = 0 : i64, tpu.core_type = #tpu.core_type<tc>} {
    %get3A = arith.constant 0 : index
    %get3A_0 = arith.constant 0 : index
    %get3A_1 = arith.constant 0 : index
    %get3A_2 = vector.load %arg0[%get3A, %get3A_0, %get3A_1] : memref<2x10240x16xf32, #tpu.memory_space<vmem>>, vector<1x10000x8xf32>
    %get3A_3 = vector.shape_cast %get3A_2 : vector<1x10000x8xf32> to vector<10000x8xf32>
    %get3A_4 = arith.constant 1 : index
    %get3A_5 = arith.constant 0 : index
    %get3A_6 = arith.constant 0 : index
    %get3A_7 = vector.load %arg0[%get3A_4, %get3A_5, %get3A_6] : memref<2x10240x16xf32, #tpu.memory_space<vmem>>, vector<1x10000x8xf32>
    %get3A_8 = vector.shape_cast %get3A_7 : vector<1x10000x8xf32> to vector<10000x8xf32>
    %add3A = arith.addf %get3A_3, %get3A_8 : vector<10000x8xf32>
    %get3A_9 = arith.constant 0 : index
    %get3A_10 = arith.constant 0 : index
    %get3A_11 = vector.load %arg2[%get3A_9, %get3A_10] : memref<10000x1xf32, #tpu.memory_space<vmem>>, vector<10000x1xf32>
    %div3A = vector.broadcast %get3A_11 : vector<10000x1xf32> to vector<10000x8xf32>
    %div3A_12 = arith.divf %add3A, %div3A : vector<10000x8xf32>
    %get3A_13 = arith.constant 0 : index
    %get3A_14 = arith.constant 0 : index
    %get3A_15 = vector.load %arg3[%get3A_13, %get3A_14] : memref<1x8xf32, #tpu.memory_space<vmem>>, vector<1x8xf32>
    %add3A_16 = vector.broadcast %get3A_15 : vector<1x8xf32> to vector<10000x8xf32>
    %add3A_17 = arith.addf %div3A_12, %add3A_16 : vector<10000x8xf32>
    %get3A_18 = arith.constant 0 : index
    %get3A_19 = arith.constant 0 : index
    %get3A_20 = vector.load %arg1[%get3A_18, %get3A_19] : memref<10000x128xf32, #tpu.memory_space<vmem>>, vector<10000x128xf32>
    %get3A_21 = arith.constant 0 : index
    %get3A_22 = arith.constant 0 : index
    %get3A_23 = vector.load %arg4[%get3A_21, %get3A_22] : memref<128x8xf32, #tpu.memory_space<vmem>>, vector<128x8xf32>
    %dot_general3A = arith.constant dense<0.000000e+00> : vector<10000x8xf32>
    %dot_general3A_24 = tpu.matmul %get3A_20, %get3A_23, %dot_general3A {dimension_numbers = #tpu.dot_dimension_numbers<[1], [0], [0], [1], [0, 0, 1, 1], [], []>, transpose_lhs_hint = false} : vector<10000x128xf32>, vector<128x8xf32>, vector<10000x8xf32> -> vector<10000x8xf32>
    %add3A_25 = arith.addf %add3A_17, %dot_general3A_24 : vector<10000x8xf32>
    %get3A_26 = arith.constant 0 : index
    %get3A_27 = arith.constant 0 : index
    %get3A_28 = vector.load %arg5[%get3A_26, %get3A_27] : memref<8x4xf32, #tpu.memory_space<vmem>>, vector<8x4xf32>
    %dot_general3A_29 = arith.constant dense<0.000000e+00> : vector<10000x4xf32>
    %dot_general3A_30 = tpu.matmul %add3A_25, %get3A_28, %dot_general3A_29 {dimension_numbers = #tpu.dot_dimension_numbers<[1], [0], [0], [1], [0, 0, 1, 1], [], []>, transpose_lhs_hint = false} : vector<10000x8xf32>, vector<8x4xf32>, vector<10000x4xf32> -> vector<10000x4xf32>
    %get3A_31 = arith.constant 0 : index
    %get3A_32 = arith.constant 0 : index
    %get3A_33 = vector.load %arg6[%get3A_31, %get3A_32] : memref<1x4xf32, #tpu.memory_space<vmem>>, vector<1x4xf32>
    %add3A_34 = vector.broadcast %get3A_33 : vector<1x4xf32> to vector<10000x4xf32>
    %add3A_35 = arith.addf %dot_general3A_30, %add3A_34 : vector<10000x4xf32>
    %swap3A = arith.constant 0 : index
    %swap3A_36 = arith.constant 0 : index
    %swap3A_37 = vector.load %arg7[%swap3A, %swap3A_36] : memref<10000x4xf32, #tpu.memory_space<vmem>>, vector<10000x4xf32>
    tpu.vector_store %arg7[%swap3A, %swap3A_36], %add3A_35 {strides = array<i32>} : memref<10000x4xf32, #tpu.memory_space<vmem>>, vector<10000x4xf32>,
    return
  }
}

</mosaic_0001>

<sc_bundles>
// kernel: kernel.11.cloned.1.call-start
scs
__scs_entry_jumppad:
0x0: {  	(pc) =	sbr.rel $0x88, $3  }
0x1: {  	(tag) =	ssettag $0x0;
	lr =	simm.s32 $0x1  }
0x2: {  	[smem:$0x3F89] =	sst lr;
	_ =	strace $0xD0000000  }
0x3: {  	_ = 	snop  }
0x4: {  	_ = 	snop  }
0x5: {  	_ = 	snop  }
0x6: {  	_ = 	snop  }
0x7: {  	_ = 	snop  }
__scs_overlays_trampoline_lowered:
0x8: {  	[smem:$0x3F98] =	sst s0  }
0x9: {  	[smem:$0x3F99] =	sst s1  }
0xa: {  	[smem:$0x3F9A] =	sst s2  }
0xb: {  	[smem:$0x3F9B] =	sst s3  }
0xc: {  	[smem:$0x3F9C] =	sst s4  }
0xd: {  	[smem:$0x3F9D] =	sst s5  }
0xe: {  	[smem:$0x3F9E] =	sst s6  }
0xf: {  	[smem:$0x3F9F] =	sst s7  }
0x10: {  	[smem:$0x3FA0] =	sst s8  }
0x11: {  	[smem:$0x3FA1] =	sst s9;
	s0 =	simm.s32 @!p0 $0x0  }
0x12: {  	s1 =	sld [smem:$0x3F87];
	s0 =	simm.s32 @p0 $0x1  }
0x13: {  	[smem:$0x3FA2] =	sst s0;
	s0 =	simm.s32 @!p1 $0x0  }
0x14: {  	s2 =	sld [smem:$0x3F86];
	s0 =	simm.s32 @p1 $0x1  }
0x15: {  	[smem:$0x3FA3] =	sst s0;
	s0 =	simm.s32 @!p2 $0x0  }
0x16: {  	s3 =	sld [smem:$0x3FDB];
	s0 =	simm.s32 @p2 $0x1  }
0x17: {  	s4 =	simm.s32 $0x1BF5;
	[smem:$0x3FA5] =	sst s0  }
0x18: {  	s0 =	sld [smem:$0x3F88];
	_ =	swait.ge [sflag:s4], $0x0  }
0x19: {  	s7 =	sld [smem:$0x3F89]  }
0x1a: {  	s8 =	sadd.s32 $0xFFFFE003, lr  }
0x1b: {  	s9 =	sadd.s32 $0xFFFFFEF7, lr;
	s5 =	simm.s32 $0xFFFFFFFF;
	p2 =	slt.u32 s8, $0xFFFFF086  }
0x1c: {  	p1 =	slt.u32 s9, $0xF7A;
	s5 =	simm.s32 @!p2 $0x0  }
0x1d: {  	s5 =	simm.s32 @p1 $0x1;
	p0 =	seq.s32 s7, s2  }
0x1e: {  	s7 =	smul.u32 @!p0 $0xF7A, s2;
	p2 =	seq.s32 @!p0 s5, $0x0  }
0x1f: {  	s9 =	smul.u32 $0xF7A, s1;
	s8 =	simm.s32 @!p0 $0x1BF5;
	p2 =	por !p2, p0  }
0x20: {  	[sflag:s8] =	ssyncset.s32 @!p0 $0xFFFFF086;
	s6 =	sadd.s32 @!p0 s3, s7;
	s7 =	simm.s32 @!p0 $0x108  }
0x21: {  	s3 =	sadd.s32 s3, s9;
	s6 =	sadd.s32 @!p0 $0x88, s6;
	s7 =	simm.s32 @p2 $0x1082  }
0x22: {  	[simem:s7], [sflag:s8] =	dma.local @!p0 [hbm:s6], $0xF7A  }
0x23: {  	s9 =	sor.u32 $0xD0000000, s2;
	s6 =	simm.s32 $0x108;
	_ =	swait.ge @!p0 [sflag:s8], $0x0  }
0x24: {  	s3 =	sadd.s32 $0x88, s3;
	s6 =	simm.s32 @!p1 $0x1082;
	[sflag:s4] =	ssyncset.s32 $0xFFFFF086  }
0x25: {  	[simem:s6], [sflag:s4] =	dma.local [hbm:s3], $0xF7A  }
0x26: {  	[smem:$0x3F89] =	sst s1;
	(tag) =	ssettag s2;
	_ =	strace s9  }
0x27: {  	s1 =	sld [smem:$0x3F99]  }
0x28: {  	s2 =	sld [smem:$0x3F9A]  }
0x29: {  	s4 =	sld [smem:$0x3F9C]  }
0x2a: {  	p0 =	seq.s32 s5, $0x0;
	s5 =	sld [smem:$0x3F9D]  }
0x2b: {  	s6 =	sld [smem:$0x3F9E]  }
0x2c: {  	s7 =	sld [smem:$0x3F9F]  }
0x2d: {  	s3 =	simm.s32 $0x108;
	s8 =	sld [smem:$0x3FA0]  }
0x2e: {  	s3 =	simm.s32 @!p0 $0x1082;
	s9 =	sld [smem:$0x3FA1]  }
0x2f: {  	lr =	sadd.s32 s0, s3;
	s0 =	sld [smem:$0x3F98]  }
0x30: {  	s3 =	sld [smem:$0x3F9B]  }
0x31: {  	[smem:$0x3FA4] =	sst s10  }
0x32: {  	s10 =	sld [smem:$0x3FA2];
	_ =	sdelay $0x3  }
0x33: {  	p0 =	seq.s32 s10, $0x1;
	s10 =	sld [smem:$0x3FA4];
	_ =	sdelay $0x3  }
0x34: {  	[smem:$0x3FA4] =	sst s10  }
0x35: {  	s10 =	sld [smem:$0x3FA3];
	_ =	sdelay $0x3  }
0x36: {  	p1 =	seq.s32 s10, $0x1;
	s10 =	sld [smem:$0x3FA4];
	_ =	sdelay $0x3  }
0x37: {  	[smem:$0x3FA4] =	sst s10  }
0x38: {  	s10 =	sld [smem:$0x3FA5]  }
0x39: {  	_ = 	snop;
	(pc) =	sbr.ind lr, $3  }
0x3a: {  	_ = 	snop  }
0x3b: {  	_ = 	snop  }
0x3c: {  	p2 =	seq.s32 s10, $0x1;
	s10 =	sld [smem:$0x3FA4]  }
0x3d: {  	_ =	shalt  }
0x3e: {  	_ =	shalt  }
0x3f: {  	_ =	shalt  }
0x40: {  	_ =	shalt  }
0x41: {  	_ =	shalt  }
0x42: {  	_ =	shalt  }
0x43: {  	_ =	shalt  }
0x44: {  	_ =	shalt  }
0x45: {  	_ =	shalt  }
0x46: {  	_ =	shalt  }
0x47: {  	_ =	shalt  }
0x48: {  	_ =	shalt  }
0x49: {  	_ =	shalt  }
0x4a: {  	_ =	shalt  }
0x4b: {  	_ =	shalt  }
0x4c: {  	_ =	shalt  }
0x4d: {  	_ =	shalt  }
0x4e: {  	_ =	shalt  }
0x4f: {  	_ =	shalt  }
0x50: {  	_ =	shalt  }
0x51: {  	_ =	shalt  }
0x52: {  	_ =	shalt  }
0x53: {  	_ =	shalt  }
0x54: {  	_ =	shalt  }
0x55: {  	_ =	shalt  }
0x56: {  	_ =	shalt  }
0x57: {  	_ =	shalt  }
0x58: {  	_ =	shalt  }
0x59: {  	_ =	shalt  }
0x5a: {  	_ =	shalt  }
0x5b: {  	_ =	shalt  }
0x5c: {  	_ =	shalt  }
0x5d: {  	_ =	shalt  }
0x5e: {  	_ =	shalt  }
0x5f: {  	_ =	shalt  }
0x60: {  	_ =	shalt  }
0x61: {  	_ =	shalt  }
0x62: {  	_ =	shalt  }
0x63: {  	_ =	shalt  }
0x64: {  	_ =	shalt  }
0x65: {  	_ =	shalt  }
0x66: {  	_ =	shalt  }
0x67: {  	_ =	shalt  }
0x68: {  	_ =	shalt  }
0x69: {  	_ =	shalt  }
0x6a: {  	_ =	shalt  }
0x6b: {  	_ =	shalt  }
0x6c: {  	_ =	shalt  }
0x6d: {  	_ =	shalt  }
0x6e: {  	_ =	shalt  }
0x6f: {  	_ =	shalt  }
0x70: {  	_ =	shalt  }
0x71: {  	_ =	shalt  }
0x72: {  	_ =	shalt  }
0x73: {  	_ =	shalt  }
0x74: {  	_ =	shalt  }
0x75: {  	_ =	shalt  }
0x76: {  	_ =	shalt  }
0x77: {  	_ =	shalt  }
0x78: {  	_ =	shalt  }
0x79: {  	_ =	shalt  }
0x7a: {  	_ =	shalt  }
0x7b: {  	_ =	shalt  }
0x7c: {  	_ =	shalt  }
0x7d: {  	_ =	shalt  }
0x7e: {  	_ =	shalt  }
0x7f: {  	_ =	shalt  }
0x80: {  	_ =	shalt  }
0x81: {  	_ =	shalt  }
0x82: {  	_ =	shalt  }
0x83: {  	_ =	shalt  }
0x84: {  	_ =	shalt  }
0x85: {  	_ =	shalt  }
0x86: {  	_ =	shalt  }
0x87: {  	_ =	shalt  }
.Lfunc_end0:
.L_simem_size_0:
called_computation_lowered:
.L_overlay_start_0:
0x88: {  	s2 =	sld [smem:$0x3FD9]  }
0x89: {  	s3 =	sld [smem:$0x3FFE];
	_ =	sdelay $0x1  }
0x8a: {  	s1 =	srdreg.scid  }
0x8b: {  	s0 =	sand.u32 $0x1, s1  }
0x8c: {  	s16 =	sshll.u32 s0, $0xA;
	s2 =	sadd.s32 s3, s2  }
0x8d: {  	s2 =	sadd.s32 s2, s16  }
0x8e: {  	[smem:$0x3FB0] =	sst s2  }
0x8f: {  	_ = 	snop  }
0x90: {  	(tm) =	ssettm $0x1  }
0x91: {  	s17 =	sld [smem:$0x3FFB];
	_ =	sdelay $0x3  }
0x92: {  	_ =	strace s17  }
0x93: {  	s2 =	sld [smem:$0x3FFC];
	_ =	sdelay $0x3  }
0x94: {  	_ =	strace s2  }
0x95: {  	s2 =	sld [smem:$0x3FFD];
	_ =	sdelay $0x3  }
0x96: {  	_ =	strace s2  }
0x97: {  	_ =	strace $0x8FFFFFFF  }
0x98: {  	s18 =	sld [smem:$0x3FDB];
	_ =	sdelay $0x1  }
0x99: {  	s19 =	simm.s32 $_scs_section_size  }
0x9a: {  	s4 =	simm.s32 $_size__tile_overlayer_lowered;
	s5 =	simm.s32 $_tile_overlayer_lowered  }
0x9b: {  	s22 =	simm.s32 $0x1BFF;
	s21 =	sshll.u32 s5, $0x1;
	s2 =	sadd.s32 s19, s18  }
0x9c: {  	s6 =	simm.s32 $0x0;
	s20 =	sshll.u32 s4, $0x1;
	s4 =	sadd.s32 s21, s2  }
0x9d: {  	[timem:s6], [sflag:s22] =	dma.local [hbm:s4], s20  }
0x9e: {  	_ =	swait.ge [sflag:s22], s20  }
0x9f: {  	s3 =	ssub.s32 $0x0, s20;
	[sflag:s22] =	ssyncset.done $0x0  }
0xa0: {  	[sflag:s22] =	ssyncadd.s32 s3;
	_ =	sdelay $0x1  }
0xa1: {  	s23 =	simm.s32 $0x1B8B  }
0xa2: {  	_ =	swait.ge [sflag:s23], $0x1  }
0xa3: {  	[sflag:s23] =	ssyncset.done $0x0  }
0xa4: {  	s25 =	simm.s32 $0x1B8E;
	s24 =	sld [smem:$0x3FFE];
	[sflag:s23] =	ssyncadd.s32 $0xFFFFFFFF  }
0xa5: {  	s26 =	simm.s32 $execute0_lowered;
	[smem:$0x3FD2] =	sst s25  }
0xa6: {  	s4 =	sshll.u32 s26, $0x1;
	_ =	strace $0x80000046;
	[dreg:$0x1] =	wrdreg $0xFFFFFFFF  }
0xa7: {  	s28 =	simm.s32 $_size_execute0_lowered;
	s2 =	sadd.s32 s2, s4;
	[dreg:$0x0] =	wrdreg $0x0  }
0xa8: {  	s4 =	sshll.u32 s28, $0x1;
	[dreg:$0x2] =	wrdreg s2  }
0xa9: {  	[dreg:$0x3] =	wrdreg s4  }
0xaa: {  	[dreg:$0x4] =	wrdreg $0xC0  }
0xab: {  	_ =	task [dreg:s6], $0x5FFFF  }
0xac: {  	[dreg:$0x1] =	wrdreg $0xFFFFFFFF  }
0xad: {  	[dreg:$0x0] =	wrdreg $0x60  }
0xae: {  	[dreg:$0x2] =	wrdreg s24  }
0xaf: {  	[dreg:$0x3] =	wrdreg $0x84000  }
0xb0: {  	[dreg:$0x4] =	wrdreg $0x9  }
0xb1: {  	_ =	task.clear_ibuf [dreg:s6], $0x5FFFF;
	_ =	strace $0x90000046  }
0xb2: {  	s29 =	simm.s32 $0x9;
	_ =	strace $0x80000048  }
0xb3: {  	_ =	swait.ge [sflag:s29], $0x1  }
0xb4: {  	[sflag:s29] =	ssyncadd.s32 $0xFFFFFFFF  }
0xb5: {  	_ =	strace $0x90000048  }
0xb6: {  	_ =	sfence  }
0xb7: {  	s30 =	sld [smem:$0x0];
	_ =	sdelay $0x2  }
0xb8: {  	s31 =	sshll.u32 s1, $0xD;
	s1 =	sshrl.u32 s1, $0x2  }
0xb9: {  	s3 =	sand.u32 $0x4000, s31;
	s1 =	sadd.s32 s1, s30  }
0xba: {  	s0 =	sor.u32 s3, s0;
	s1 =	sshll.u32 s1, $0x11  }
0xbb: {  	s0 =	sor.u32 s1, s0  }
0xbc: {  	s0 =	sadd.s32 $0x8F2B, s0  }
0xbd: {  	[sflag:s0] =	ssyncadd.remote.s32 $0x1  }
0xbe: {  	_ =	sfence.sel $0xFFFF  }
0xbf: {  	[dreg:$0x0] =	wrdreg $0xFFFFFFFF;
	(pc) =	sbr.abs _section_cstart, $3  }
0xc0: {  	[dreg:$0x1] =	wrdreg $0xFFFFFFFF  }
0xc1: {  	_ =	task.clear_ibuf [dreg:s6], $0x2FFFF;
	_ =	strace $0x9FFFFFFF  }
0xc2: {  	(tm) =	ssettm $0x7FFFFFFF  }
0xc3: {  	_ =	shalt  }
tec
execute0_lowered:
.L_overlay_start_1:
0x0: {  	(tag) =	ssettag $0x1  }
0x1: {  	s0 =	rddreg [dreg:$0x0];
	s1 =	srdreg.scid  }
0x2: {  	s2 =	rddreg [dreg:$0x1];
	s13 =	stileid.u32;
	s3 =	simm.s32 $0x0  }
0x3: {  	s21 =	simm.s32 $0x8000;
	s22 =	simm.s32 $0x5;
	s28 =	simm.s32 $0x6800  }
0x4: {  	s30 =	simm.s32 $0x7000;
	s1 =	sand.u32 $0x1, s1;
	s6 =	smul.u32 $0x2800, s13  }
0x5: {  	[smem:$0x7FF] =	sst s3;
	s4 =	sadd.s32 $0xDC00, s0;
	s8 =	smul.u32 $0xA000, s13  }
0x6: {  	s7 =	sadd.s32 $0x3C00, s0;
	s9 =	sadd.s32 $0x12C00, s0;
	s11 =	smul.u32 $0x600, s13  }
0x7: {  	s24 =	sshll.u32 s13, $0xA;
	s5 =	smul.u32 $0x28000, s1;
	_ =	strace $0x80000047  }
0x8: {  	s23 =	ssub.s32 $0x2, s1;
	p0 =	seq.s32 s1, $0x1;
	s26 =	sadd.s32 $0x6000, s24  }
0x9: {  	s24 =	simm.s32 $0x80;
	s10 =	sshrl.u32 s23, $0x1;
	s8 =	sshrl.u32 s8, $0x2  }
0xa: {  	s25 =	sadd.s32 s7, s11;
	s29 =	sadd.s32 s9, s11;
	s7 =	sadd.s32 s7, s26  }
0xb: {  	s1 =	sadd.s32 s9, s26;
	s31 =	sadd.s32 s6, s2;
	[dreg:$0x3] =	wrdreg s25  }
0xc: {  	s26 =	simm.s32 $0x6000;
	s9 =	simm.s32 $0x4;
	[dreg:$0x4] =	wrdreg s29  }
0xd: {  	s5 =	sadd.s32 s6, s5;
	s12 =	ssub.s32 s23, s10;
	[dreg:$0x5] =	wrdreg s7  }
0xe: {  	[dreg:$0x6] =	wrdreg s1;
	s25 =	sshrl.u32 s31, $0x3;
	s6 =	simm.s32 $0x1  }
0xf: {  	s7 =	simm.s32 $0x3;
	s5 =	sshrl.u32 s5, $0x3;
	s11 =	smax.u32 s12, $0x1  }
.Ltmp0:
0x10: {  	s0 =	sadd.s32 s5, s0;
	s5 =	sadd.s32 s8, s2;
	(pc) =	sbr.rel .LBB2_1-.Ltmp0, $4  }
0x11: {  	s8 =	simm.s32 $0x2;
	s10 =	sadd.s32 $0x1CC00, s0;
	s12 =	sadd.s32 $0x400, s5  }
0x12: {  	s13 =	sadd.s32 $0x800, s5;
	s14 =	sadd.s32 $0xC00, s5;
	s15 =	sadd.s32 $0x1000, s5  }
0x13: {  	s16 =	sadd.s32 $0x1400, s5;
	s17 =	sadd.s32 $0x1800, s5;
	s18 =	sadd.s32 $0x1C00, s5  }
0x14: {  	v0 =	vimm.f32 $0.0e+00;
	s19 =	sadd.s32 $0x2000, s5;
	s20 =	sadd.s32 $0x2400, s5;
	s0 =	simm.s32 $0x7800  }
.LBB2_6:
0x15: {  	[tilespmem:s0], [sflag:$0x2] =	stream.indirect.gather [hbm4b:s4+s24], $0x10, s1, s24, $0xb8;
	[tilespmem:$0xAC00] =	vst v63  }
0x16: {  	s23 =	simm.s32 $0x5F80  }
0x17: {  	s29 =	simm.s32 $0x5F00;
	s31 =	simm.s32 $0x5E80;
	s1 =	simm.s32 $0x5E00  }
.LBB2_10:
0x18: {  	_ =	swait.ge [sflag:s6], $0x800  }
0x19: {  	[sflag:s6] =	ssyncset.done $0x0  }
0x1a: {  	[sflag:s6] =	ssyncadd.s32 $0xFFFFF800  }
0x1b: {  	_ =	swait.ge [sflag:s6], $0x800  }
0x1c: {  	[sflag:s6] =	ssyncset.done $0x0  }
0x1d: {  	[sflag:s6] =	ssyncadd.s32 $0xFFFFF800  }
0x1e: {  	[spmem:s2] =	stream.indirect.scatter.add.f32 [tilespmem:s26], [sflag:$0x3], $0x10, s1, s24, $0xb8;
	[tilespmem:$0xAC00] =	vst v63  }
0x1f: {  	_ = 	snop  }
0x20: {  	[spmem:s2] =	stream.indirect.scatter.add.f32 [tilespmem:s28], [sflag:$0x3], $0x10, s31, s24, $0xb8;
	[tilespmem:$0xAC00] =	vst v63  }
0x21: {  	_ =	swait.ge [sflag:s7], $0x800  }
0x22: {  	[sflag:s7] =	ssyncset.done $0x0  }
0x23: {  	[sflag:s7] =	ssyncadd.s32 $0xFFFFF800  }
0x24: {  	_ =	swait.ge [sflag:s7], $0x800  }
0x25: {  	[sflag:s7] =	ssyncset.done $0x0  }
0x26: {  	[sflag:s7] =	ssyncadd.s32 $0xFFFFF800  }
0x27: {  	_ =	swait.ge [sflag:s8], $0x800  }
0x28: {  	[sflag:s8] =	ssyncset.done $0x0  }
0x29: {  	[sflag:s8] =	ssyncadd.s32 $0xFFFFF800  }
0x2a: {  	_ =	swait.ge [sflag:s8], $0x800  }
0x2b: {  	[sflag:s8] =	ssyncset.done $0x0  }
0x2c: {  	[sflag:s8] =	ssyncadd.s32 $0xFFFFF800  }
0x2d: {  	[spmem:s2] =	stream.indirect.scatter.add.f32 [tilespmem:s30], [sflag:$0x4], $0x10, s29, s24, $0xb8;
	[tilespmem:$0xAC00] =	vst v63  }
0x2e: {  	_ = 	snop  }
0x2f: {  	[spmem:s2] =	stream.indirect.scatter.add.f32 [tilespmem:s0], [sflag:$0x4], $0x10, s23, s24, $0xb8;
	[tilespmem:$0xAC00] =	vst v63  }
0x30: {  	_ =	swait.ge [sflag:s9], $0x800  }
0x31: {  	[sflag:s9] =	ssyncset.done $0x0  }
0x32: {  	[sflag:s9] =	ssyncadd.s32 $0xFFFFF800  }
0x33: {  	_ =	swait.ge [sflag:s9], $0x800  }
0x34: {  	s3 =	sadd.s32 $0x1, s3;
	s31 =	stileid.u32;
	[sflag:s9] =	ssyncset.done $0x0  }
0x35: {  	p1 =	sne.s32 s3, s11;
	s1 =	sshll.u32 s31, $0x6;
	[sflag:s9] =	ssyncadd.s32 $0xFFFFF800  }
.Ltmp1:
0x36: {  	s1 =	sor.u32 $0x1C05, s1;
	[bflag:$0x0] =	sbarrier.arrive $0xFFFF;
	(pc) =	sbr.rel @!p1 .LBB2_11-.Ltmp1, $4  }
0x37: {  	[hbm:s10], [sflag:s1] =	dma.local [spmem:s25], $0x500  }
0x38: {  	_ =	swait.ge [sflag:s22], $0x500  }
0x39: {  	[sflag:s22] =	ssyncset.done $0x0  }
0x3a: {  	[sflag:s22] =	ssyncadd.s32 $0xFFFFFB00  }
.LBB2_1:
0x3b: {  	s23 =	simm.s32 $0x40;
	s1 =	simm.s32 $0x0  }
.LBB2_2:
0x3c: {  	p1 =	sne.s32 s23, $0xFC0;
	[tilespmem:s1+$0x8000] =	vst v0;
	s1 =	smov.u32 s23;
	s23 =	sadd.s32 $0x40, s23  }
.Ltmp2:
0x3d: {  	(pc) =	sbr.rel @p1 .LBB2_2-.Ltmp2, $2  }
0x3e: {  	_ =	sdelay $0x2  }
0x3f: {  	s1 =	sshra.s32 s1, $0x2  }
0x40: {  	[tilespmem:s1+$0x8000] =	vst v0  }
0x41: {  	[spmem:s5] =	stream.linear.scatter [tilespmem:s21], [sflag:$0x5], $0x400, $0x38;
	[tilespmem:$0xAC00] =	vst v63  }
0x42: {  	_ =	swait.ge [sflag:s22], $0x400  }
0x43: {  	[sflag:s22] =	ssyncset.done $0x0  }
0x44: {  	[sflag:s22] =	ssyncadd.s32 $0xFFFFFC00  }
0x45: {  	[spmem:s12] =	stream.linear.scatter [tilespmem:s21], [sflag:$0x5], $0x400, $0x38;
	[tilespmem:$0xAC00] =	vst v63  }
0x46: {  	_ =	swait.ge [sflag:s22], $0x400  }
0x47: {  	[sflag:s22] =	ssyncset.done $0x0  }
0x48: {  	[sflag:s22] =	ssyncadd.s32 $0xFFFFFC00  }
0x49: {  	[spmem:s13] =	stream.linear.scatter [tilespmem:s21], [sflag:$0x5], $0x400, $0x38;
	[tilespmem:$0xAC00] =	vst v63  }
0x4a: {  	_ =	swait.ge [sflag:s22], $0x400  }
0x4b: {  	[sflag:s22] =	ssyncset.done $0x0  }
0x4c: {  	[sflag:s22] =	ssyncadd.s32 $0xFFFFFC00  }
0x4d: {  	[spmem:s14] =	stream.linear.scatter [tilespmem:s21], [sflag:$0x5], $0x400, $0x38;
	[tilespmem:$0xAC00] =	vst v63  }
0x4e: {  	_ =	swait.ge [sflag:s22], $0x400  }
0x4f: {  	[sflag:s22] =	ssyncset.done $0x0  }
0x50: {  	[sflag:s22] =	ssyncadd.s32 $0xFFFFFC00  }
0x51: {  	[spmem:s15] =	stream.linear.scatter [tilespmem:s21], [sflag:$0x5], $0x400, $0x38;
	[tilespmem:$0xAC00] =	vst v63  }
0x52: {  	_ =	swait.ge [sflag:s22], $0x400  }
0x53: {  	[sflag:s22] =	ssyncset.done $0x0  }
0x54: {  	[sflag:s22] =	ssyncadd.s32 $0xFFFFFC00  }
0x55: {  	[spmem:s16] =	stream.linear.scatter [tilespmem:s21], [sflag:$0x5], $0x400, $0x38;
	[tilespmem:$0xAC00] =	vst v63  }
0x56: {  	_ =	swait.ge [sflag:s22], $0x400  }
0x57: {  	[sflag:s22] =	ssyncset.done $0x0  }
0x58: {  	[sflag:s22] =	ssyncadd.s32 $0xFFFFFC00  }
0x59: {  	[spmem:s17] =	stream.linear.scatter [tilespmem:s21], [sflag:$0x5], $0x400, $0x38;
	[tilespmem:$0xAC00] =	vst v63  }
0x5a: {  	_ =	swait.ge [sflag:s22], $0x400  }
0x5b: {  	[sflag:s22] =	ssyncset.done $0x0  }
0x5c: {  	[sflag:s22] =	ssyncadd.s32 $0xFFFFFC00  }
0x5d: {  	[spmem:s18] =	stream.linear.scatter [tilespmem:s21], [sflag:$0x5], $0x400, $0x38;
	[tilespmem:$0xAC00] =	vst v63  }
0x5e: {  	_ =	swait.ge [sflag:s22], $0x400  }
0x5f: {  	[sflag:s22] =	ssyncset.done $0x0  }
0x60: {  	[sflag:s22] =	ssyncadd.s32 $0xFFFFFC00  }
0x61: {  	[spmem:s19] =	stream.linear.scatter [tilespmem:s21], [sflag:$0x5], $0x400, $0x38;
	[tilespmem:$0xAC00] =	vst v63  }
0x62: {  	_ =	swait.ge [sflag:s22], $0x400  }
0x63: {  	[sflag:s22] =	ssyncset.done $0x0  }
0x64: {  	[sflag:s22] =	ssyncadd.s32 $0xFFFFFC00  }
0x65: {  	[spmem:s20] =	stream.linear.scatter [tilespmem:s21], [sflag:$0x5], $0x400, $0x38;
	[tilespmem:$0xAC00] =	vst v63  }
.Ltmp3:
0x66: {  	_ =	swait.ge [sflag:s22], $0x400;
	(pc) =	sbr.rel @!p0 .LBB2_4-.Ltmp3, $4  }
0x67: {  	[sflag:s22] =	ssyncset.done $0x0  }
0x68: {  	[sflag:s22] =	ssyncadd.s32 $0xFFFFFC00  }
0x69: {  	[bflag:$0x0] =	sbarrier.arrive $0xFFFF  }
0x6a: {  	s1 =	simm.s32 $0x0  }
0x6b: {  	s23 =	rddreg [dreg:$0x5]  }
0x6c: {  	[tilespmem:s1], [sflag:$0x5] =	stream.linear.gather [hbm4b:s23+s1], $0x2000, $0x38;
	[tilespmem:$0xAC00] =	vst v63  }
0x6d: {  	_ =	swait.ge [sflag:s22], $0x2000  }
0x6e: {  	[sflag:s22] =	ssyncset.done $0x0  }
0x6f: {  	s29 =	simm.s32 $0x3000;
	s31 =	rddreg [dreg:$0x6];
	[sflag:s22] =	ssyncadd.s32 $0xFFFFE000  }
0x70: {  	[tilespmem:s29], [sflag:$0x5] =	stream.linear.gather [hbm4b:s31+s1], $0x2000, $0x38;
	[tilespmem:$0xAC00] =	vst v63  }
0x71: {  	_ =	swait.ge [sflag:s22], $0x2000  }
0x72: {  	[sflag:s22] =	ssyncset.done $0x0  }
0x73: {  	[sflag:s22] =	ssyncadd.s32 $0xFFFFE000  }
0x74: {  	[tilespmem:s26], [sflag:$0x1] =	stream.indirect.gather [hbm4b:s4+s24], $0x10, s1, s24, $0xb8;
	[tilespmem:$0xAC00] =	vst v63  }
0x75: {  	_ = 	snop  }
0x76: {  	[tilespmem:s28], [sflag:$0x1] =	stream.indirect.gather [hbm4b:s4+s24], $0x10, s24, s24, $0xb8;
	[tilespmem:$0xAC00] =	vst v63  }
0x77: {  	s23 =	simm.s32 $0x100  }
0x78: {  	[tilespmem:s30], [sflag:$0x2] =	stream.indirect.gather [hbm4b:s4+s24], $0x10, s23, s24, $0xb8;
	[tilespmem:$0xAC00] =	vst v63  }
0x79: {  	s29 =	simm.s32 $0x180  }
0x7a: {  	[tilespmem:s0], [sflag:$0x2] =	stream.indirect.gather [hbm4b:s4+s24], $0x10, s29, s24, $0xb8;
	[tilespmem:$0xAC00] =	vst v63  }
0x7b: {  	_ =	swait.ge [sflag:s6], $0x800  }
0x7c: {  	[sflag:s6] =	ssyncset.done $0x0  }
0x7d: {  	[sflag:s6] =	ssyncadd.s32 $0xFFFFF800  }
0x7e: {  	_ =	swait.ge [sflag:s6], $0x800  }
0x7f: {  	[sflag:s6] =	ssyncset.done $0x0  }
0x80: {  	s31 =	simm.s32 $0x3000;
	[sflag:s6] =	ssyncadd.s32 $0xFFFFF800  }
0x81: {  	[spmem:s2] =	stream.indirect.scatter.add.f32 [tilespmem:s26], [sflag:$0x3], $0x10, s31, s24, $0xb8;
	[tilespmem:$0xAC00] =	vst v63  }
0x82: {  	s23 =	simm.s32 $0x3080  }
0x83: {  	[spmem:s2] =	stream.indirect.scatter.add.f32 [tilespmem:s28], [sflag:$0x3], $0x10, s23, s24, $0xb8;
	[tilespmem:$0xAC00] =	vst v63  }
0x84: {  	_ =	swait.ge [sflag:s7], $0x800  }
0x85: {  	[sflag:s7] =	ssyncset.done $0x0  }
0x86: {  	[sflag:s7] =	ssyncadd.s32 $0xFFFFF800  }
0x87: {  	_ =	swait.ge [sflag:s7], $0x800  }
0x88: {  	[sflag:s7] =	ssyncset.done $0x0  }
0x89: {  	s29 =	simm.s32 $0x200;
	[sflag:s7] =	ssyncadd.s32 $0xFFFFF800  }
0x8a: {  	[tilespmem:s26], [sflag:$0x1] =	stream.indirect.gather [hbm4b:s4+s24], $0x10, s29, s24, $0xb8;
	[tilespmem:$0xAC00] =	vst v63  }
0x8b: {  	s31 =	simm.s32 $0x280  }
0x8c: {  	[tilespmem:s28], [sflag:$0x1] =	stream.indirect.gather [hbm4b:s4+s24], $0x10, s31, s24, $0xb8;
	[tilespmem:$0xAC00] =	vst v63  }
0x8d: {  	_ =	swait.ge [sflag:s8], $0x800  }
0x8e: {  	[sflag:s8] =	ssyncset.done $0x0  }
0x8f: {  	[sflag:s8] =	ssyncadd.s32 $0xFFFFF800  }
0x90: {  	_ =	swait.ge [sflag:s8], $0x800  }
0x91: {  	[sflag:s8] =	ssyncset.done $0x0  }
0x92: {  	s23 =	simm.s32 $0x3100;
	[sflag:s8] =	ssyncadd.s32 $0xFFFFF800  }
0x93: {  	[spmem:s2] =	stream.indirect.scatter.add.f32 [tilespmem:s30], [sflag:$0x4], $0x10, s23, s24, $0xb8;
	[tilespmem:$0xAC00] =	vst v63  }
0x94: {  	s29 =	simm.s32 $0x3180  }
0x95: {  	[spmem:s2] =	stream.indirect.scatter.add.f32 [tilespmem:s0], [sflag:$0x4], $0x10, s29, s24, $0xb8;
	[tilespmem:$0xAC00] =	vst v63  }
0x96: {  	_ =	swait.ge [sflag:s9], $0x800  }
0x97: {  	[sflag:s9] =	ssyncset.done $0x0  }
0x98: {  	[sflag:s9] =	ssyncadd.s32 $0xFFFFF800  }
0x99: {  	_ =	swait.ge [sflag:s9], $0x800  }
0x9a: {  	s1 =	simm.s32 $0x380;
	[sflag:s9] =	ssyncset.done $0x0  }
0x9b: {  	s31 =	simm.s32 $0x300;
	s23 =	simm.s32 $0x800;
	[sflag:s9] =	ssyncadd.s32 $0xFFFFF800  }
0x9c: {  	[tilespmem:s30], [sflag:$0x2] =	stream.indirect.gather [hbm4b:s4+s24], $0x10, s31, s24, $0xb8;
	[tilespmem:$0xAC00] =	vst v63  }
.LBB2_8:
0x9d: {  	[tilespmem:s0], [sflag:$0x2] =	stream.indirect.gather [hbm4b:s4+s24], $0x10, s1, s24, $0xb8;
	[tilespmem:$0xAC00] =	vst v63  }
0x9e: {  	s1 =	smov.u32 s23  }
0x9f: {  	p1 =	sne.s32 s23, $0x7000;
	s23 =	sadd.s32 $0x800, s23;
	_ =	swait.ge [sflag:s6], $0x800  }
0xa0: {  	[sflag:s6] =	ssyncset.done $0x0  }
0xa1: {  	[sflag:s6] =	ssyncadd.s32 $0xFFFFF800  }
0xa2: {  	_ =	swait.ge [sflag:s6], $0x800  }
0xa3: {  	s29 =	sshra.s32 s1, $0x2;
	[sflag:s6] =	ssyncset.done $0x0  }
0xa4: {  	s1 =	sadd.s32 $0x3000, s29;
	[sflag:s6] =	ssyncadd.s32 $0xFFFFF800  }
0xa5: {  	[spmem:s2] =	stream.indirect.scatter.add.f32 [tilespmem:s26], [sflag:$0x3], $0x10, s1, s24, $0xb8;
	[tilespmem:$0xAC00] =	vst v63  }
0xa6: {  	s1 =	sadd.s32 $0x3080, s29  }
0xa7: {  	[spmem:s2] =	stream.indirect.scatter.add.f32 [tilespmem:s28], [sflag:$0x3], $0x10, s1, s24, $0xb8;
	[tilespmem:$0xAC00] =	vst v63  }
0xa8: {  	_ =	swait.ge [sflag:s7], $0x800  }
0xa9: {  	[sflag:s7] =	ssyncset.done $0x0  }
0xaa: {  	[sflag:s7] =	ssyncadd.s32 $0xFFFFF800  }
0xab: {  	_ =	swait.ge [sflag:s7], $0x800  }
0xac: {  	[sflag:s7] =	ssyncset.done $0x0  }
0xad: {  	s1 =	sadd.s32 $0x200, s29;
	[sflag:s7] =	ssyncadd.s32 $0xFFFFF800  }
0xae: {  	[tilespmem:s26], [sflag:$0x1] =	stream.indirect.gather [hbm4b:s4+s24], $0x10, s1, s24, $0xb8;
	[tilespmem:$0xAC00] =	vst v63  }
0xaf: {  	s1 =	sadd.s32 $0x280, s29  }
0xb0: {  	[tilespmem:s28], [sflag:$0x1] =	stream.indirect.gather [hbm4b:s4+s24], $0x10, s1, s24, $0xb8;
	[tilespmem:$0xAC00] =	vst v63  }
0xb1: {  	_ =	swait.ge [sflag:s8], $0x800  }
0xb2: {  	[sflag:s8] =	ssyncset.done $0x0  }
0xb3: {  	[sflag:s8] =	ssyncadd.s32 $0xFFFFF800  }
0xb4: {  	_ =	swait.ge [sflag:s8], $0x800  }
0xb5: {  	[sflag:s8] =	ssyncset.done $0x0  }
0xb6: {  	s1 =	sadd.s32 $0x3100, s29;
	[sflag:s8] =	ssyncadd.s32 $0xFFFFF800  }
0xb7: {  	[spmem:s2] =	stream.indirect.scatter.add.f32 [tilespmem:s30], [sflag:$0x4], $0x10, s1, s24, $0xb8;
	[tilespmem:$0xAC00] =	vst v63  }
0xb8: {  	s1 =	sadd.s32 $0x3180, s29  }
0xb9: {  	[spmem:s2] =	stream.indirect.scatter.add.f32 [tilespmem:s0], [sflag:$0x4], $0x10, s1, s24, $0xb8;
	[tilespmem:$0xAC00] =	vst v63  }
0xba: {  	_ =	swait.ge [sflag:s9], $0x800  }
0xbb: {  	[sflag:s9] =	ssyncset.done $0x0  }
0xbc: {  	[sflag:s9] =	ssyncadd.s32 $0xFFFFF800  }
.Ltmp4:
0xbd: {  	_ =	swait.ge [sflag:s9], $0x800;
	(pc) =	sbr.rel @p1 .LBB2_8-.Ltmp4, $4  }
0xbe: {  	[sflag:s9] =	ssyncset.done $0x0  }
0xbf: {  	s1 =	sadd.s32 $0x300, s29;
	[sflag:s9] =	ssyncadd.s32 $0xFFFFF800  }
0xc0: {  	[tilespmem:s30], [sflag:$0x2] =	stream.indirect.gather [hbm4b:s4+s24], $0x10, s1, s24, $0xb8;
	[tilespmem:$0xAC00] =	vst v63  }
0xc1: {  	s1 =	sadd.s32 $0x380, s29  }
.Ltmp5:
0xc2: {  	(pc) =	sbr.rel .LBB2_10-.Ltmp5, $4  }
0xc3: {  	_ = 	snop  }
0xc4: {  	[tilespmem:s0], [sflag:$0x2] =	stream.indirect.gather [hbm4b:s4+s24], $0x10, s1, s24, $0xb8;
	[tilespmem:$0xAC00] =	vst v63  }
0xc5: {  	s23 =	simm.s32 $0x4F80  }
0xc6: {  	s29 =	simm.s32 $0x4F00;
	s31 =	simm.s32 $0x4E80;
	s1 =	simm.s32 $0x4E00  }
.LBB2_4:
0xc7: {  	s23 =	rddreg [dreg:$0x3]  }
0xc8: {  	[tilespmem:s1], [sflag:$0x5] =	stream.linear.gather [hbm4b:s23+s1], $0x3000, $0x38;
	[tilespmem:$0xAC00] =	vst v63  }
0xc9: {  	_ =	swait.ge [sflag:s22], $0x3000  }
0xca: {  	[sflag:s22] =	ssyncset.done $0x0  }
0xcb: {  	s29 =	simm.s32 $0x3000;
	s31 =	rddreg [dreg:$0x4];
	[sflag:s22] =	ssyncadd.s32 $0xFFFFD000  }
0xcc: {  	[tilespmem:s29], [sflag:$0x5] =	stream.linear.gather [hbm4b:s31+s1], $0x3000, $0x38;
	[tilespmem:$0xAC00] =	vst v63  }
0xcd: {  	_ =	swait.ge [sflag:s22], $0x3000  }
0xce: {  	[sflag:s22] =	ssyncset.done $0x0  }
0xcf: {  	[sflag:s22] =	ssyncadd.s32 $0xFFFFD000  }
0xd0: {  	[tilespmem:s26], [sflag:$0x1] =	stream.indirect.gather [hbm4b:s4+s24], $0x10, s1, s24, $0xb8;
	[tilespmem:$0xAC00] =	vst v63  }
0xd1: {  	_ = 	snop  }
0xd2: {  	[tilespmem:s28], [sflag:$0x1] =	stream.indirect.gather [hbm4b:s4+s24], $0x10, s24, s24, $0xb8;
	[tilespmem:$0xAC00] =	vst v63  }
0xd3: {  	s23 =	simm.s32 $0x100  }
0xd4: {  	[tilespmem:s30], [sflag:$0x2] =	stream.indirect.gather [hbm4b:s4+s24], $0x10, s23, s24, $0xb8;
	[tilespmem:$0xAC00] =	vst v63  }
0xd5: {  	s29 =	simm.s32 $0x180  }
0xd6: {  	[tilespmem:s0], [sflag:$0x2] =	stream.indirect.gather [hbm4b:s4+s24], $0x10, s29, s24, $0xb8;
	[tilespmem:$0xAC00] =	vst v63  }
0xd7: {  	_ =	swait.ge [sflag:s6], $0x800  }
0xd8: {  	[sflag:s6] =	ssyncset.done $0x0  }
0xd9: {  	[sflag:s6] =	ssyncadd.s32 $0xFFFFF800  }
0xda: {  	_ =	swait.ge [sflag:s6], $0x800  }
0xdb: {  	[sflag:s6] =	ssyncset.done $0x0  }
0xdc: {  	s31 =	simm.s32 $0x3000;
	[sflag:s6] =	ssyncadd.s32 $0xFFFFF800  }
0xdd: {  	[spmem:s2] =	stream.indirect.scatter.add.f32 [tilespmem:s26], [sflag:$0x3], $0x10, s31, s24, $0xb8;
	[tilespmem:$0xAC00] =	vst v63  }
0xde: {  	s23 =	simm.s32 $0x3080  }
0xdf: {  	[spmem:s2] =	stream.indirect.scatter.add.f32 [tilespmem:s28], [sflag:$0x3], $0x10, s23, s24, $0xb8;
	[tilespmem:$0xAC00] =	vst v63  }
0xe0: {  	_ =	swait.ge [sflag:s7], $0x800  }
0xe1: {  	[sflag:s7] =	ssyncset.done $0x0  }
0xe2: {  	[sflag:s7] =	ssyncadd.s32 $0xFFFFF800  }
0xe3: {  	_ =	swait.ge [sflag:s7], $0x800  }
0xe4: {  	[sflag:s7] =	ssyncset.done $0x0  }
0xe5: {  	s29 =	simm.s32 $0x200;
	[sflag:s7] =	ssyncadd.s32 $0xFFFFF800  }
0xe6: {  	[tilespmem:s26], [sflag:$0x1] =	stream.indirect.gather [hbm4b:s4+s24], $0x10, s29, s24, $0xb8;
	[tilespmem:$0xAC00] =	vst v63  }
0xe7: {  	s31 =	simm.s32 $0x280  }
0xe8: {  	[tilespmem:s28], [sflag:$0x1] =	stream.indirect.gather [hbm4b:s4+s24], $0x10, s31, s24, $0xb8;
	[tilespmem:$0xAC00] =	vst v63  }
0xe9: {  	_ =	swait.ge [sflag:s8], $0x800  }
0xea: {  	[sflag:s8] =	ssyncset.done $0x0  }
0xeb: {  	[sflag:s8] =	ssyncadd.s32 $0xFFFFF800  }
0xec: {  	_ =	swait.ge [sflag:s8], $0x800  }
0xed: {  	[sflag:s8] =	ssyncset.done $0x0  }
0xee: {  	s23 =	simm.s32 $0x3100;
	[sflag:s8] =	ssyncadd.s32 $0xFFFFF800  }
0xef: {  	[spmem:s2] =	stream.indirect.scatter.add.f32 [tilespmem:s30], [sflag:$0x4], $0x10, s23, s24, $0xb8;
	[tilespmem:$0xAC00] =	vst v63  }
0xf0: {  	s29 =	simm.s32 $0x3180  }
0xf1: {  	[spmem:s2] =	stream.indirect.scatter.add.f32 [tilespmem:s0], [sflag:$0x4], $0x10, s29, s24, $0xb8;
	[tilespmem:$0xAC00] =	vst v63  }
0xf2: {  	_ =	swait.ge [sflag:s9], $0x800  }
0xf3: {  	p1 =	por $0x0, $0x0;
	[sflag:s9] =	ssyncset.done $0x0  }
.Ltmp6:
0xf4: {  	[sflag:s9] =	ssyncadd.s32 $0xFFFFF800;
	(pc) =	sbr.rel @p1 .LBB2_6-.Ltmp6, $4  }
0xf5: {  	_ =	swait.ge [sflag:s9], $0x800  }
0xf6: {  	s1 =	simm.s32 $0x380;
	[sflag:s9] =	ssyncset.done $0x0  }
0xf7: {  	s31 =	simm.s32 $0x300;
	s23 =	simm.s32 $0x800;
	[sflag:s9] =	ssyncadd.s32 $0xFFFFF800  }
0xf8: {  	[tilespmem:s30], [sflag:$0x2] =	stream.indirect.gather [hbm4b:s4+s24], $0x10, s31, s24, $0xb8;
	[tilespmem:$0xAC00] =	vst v63  }
.LBB2_5:
0xf9: {  	[tilespmem:s0], [sflag:$0x2] =	stream.indirect.gather [hbm4b:s4+s24], $0x10, s1, s24, $0xb8;
	[tilespmem:$0xAC00] =	vst v63  }
0xfa: {  	s1 =	smov.u32 s23  }
0xfb: {  	p1 =	seq.s32 s23, $0xB000;
	s23 =	sadd.s32 $0x800, s23;
	_ =	swait.ge [sflag:s6], $0x800  }
0xfc: {  	[sflag:s6] =	ssyncset.done $0x0  }
0xfd: {  	[sflag:s6] =	ssyncadd.s32 $0xFFFFF800  }
0xfe: {  	_ =	swait.ge [sflag:s6], $0x800  }
0xff: {  	s29 =	sshra.s32 s1, $0x2;
	[sflag:s6] =	ssyncset.done $0x0  }
0x100: {  	s1 =	sadd.s32 $0x3000, s29;
	[sflag:s6] =	ssyncadd.s32 $0xFFFFF800  }
0x101: {  	[spmem:s2] =	stream.indirect.scatter.add.f32 [tilespmem:s26], [sflag:$0x3], $0x10, s1, s24, $0xb8;
	[tilespmem:$0xAC00] =	vst v63  }
0x102: {  	s1 =	sadd.s32 $0x3080, s29  }
0x103: {  	[spmem:s2] =	stream.indirect.scatter.add.f32 [tilespmem:s28], [sflag:$0x3], $0x10, s1, s24, $0xb8;
	[tilespmem:$0xAC00] =	vst v63  }
0x104: {  	_ =	swait.ge [sflag:s7], $0x800  }
0x105: {  	[sflag:s7] =	ssyncset.done $0x0  }
0x106: {  	[sflag:s7] =	ssyncadd.s32 $0xFFFFF800  }
0x107: {  	_ =	swait.ge [sflag:s7], $0x800  }
0x108: {  	[sflag:s7] =	ssyncset.done $0x0  }
0x109: {  	s1 =	sadd.s32 $0x200, s29;
	[sflag:s7] =	ssyncadd.s32 $0xFFFFF800  }
0x10a: {  	[tilespmem:s26], [sflag:$0x1] =	stream.indirect.gather [hbm4b:s4+s24], $0x10, s1, s24, $0xb8;
	[tilespmem:$0xAC00] =	vst v63  }
0x10b: {  	s1 =	sadd.s32 $0x280, s29  }
0x10c: {  	[tilespmem:s28], [sflag:$0x1] =	stream.indirect.gather [hbm4b:s4+s24], $0x10, s1, s24, $0xb8;
	[tilespmem:$0xAC00] =	vst v63  }
0x10d: {  	_ =	swait.ge [sflag:s8], $0x800  }
0x10e: {  	[sflag:s8] =	ssyncset.done $0x0  }
0x10f: {  	[sflag:s8] =	ssyncadd.s32 $0xFFFFF800  }
0x110: {  	_ =	swait.ge [sflag:s8], $0x800  }
0x111: {  	[sflag:s8] =	ssyncset.done $0x0  }
0x112: {  	s1 =	sadd.s32 $0x3100, s29;
	[sflag:s8] =	ssyncadd.s32 $0xFFFFF800  }
0x113: {  	[spmem:s2] =	stream.indirect.scatter.add.f32 [tilespmem:s30], [sflag:$0x4], $0x10, s1, s24, $0xb8;
	[tilespmem:$0xAC00] =	vst v63  }
0x114: {  	s1 =	sadd.s32 $0x3180, s29  }
0x115: {  	[spmem:s2] =	stream.indirect.scatter.add.f32 [tilespmem:s0], [sflag:$0x4], $0x10, s1, s24, $0xb8;
	[tilespmem:$0xAC00] =	vst v63  }
0x116: {  	_ =	swait.ge [sflag:s9], $0x800  }
0x117: {  	[sflag:s9] =	ssyncset.done $0x0  }
0x118: {  	[sflag:s9] =	ssyncadd.s32 $0xFFFFF800  }
.Ltmp7:
0x119: {  	_ =	swait.ge [sflag:s9], $0x800;
	(pc) =	sbr.rel @!p1 .LBB2_5-.Ltmp7, $4  }
0x11a: {  	[sflag:s9] =	ssyncset.done $0x0  }
0x11b: {  	s1 =	sadd.s32 $0x300, s29;
	[sflag:s9] =	ssyncadd.s32 $0xFFFFF800  }
0x11c: {  	[tilespmem:s30], [sflag:$0x2] =	stream.indirect.gather [hbm4b:s4+s24], $0x10, s1, s24, $0xb8;
	[tilespmem:$0xAC00] =	vst v63  }
0x11d: {  	s1 =	sadd.s32 $0x380, s29  }
.Ltmp8:
0x11e: {  	_ = 	snop;
	(pc) =	sbr.rel .LBB2_6-.Ltmp8, $1  }
0x11f: {  	_ =	sdelay $0x3  }
.LBB2_11:
0x120: {  	_ =	sfence.sel $0x180000  }
0x121: {  	[bflag:$0x0] =	sbarrier.arrive $0xFFFF  }
0x122: {  	_ =	strace $0x90000047  }
0x123: {  	s0 =	stileid.u32;
	[bflag:$0x2] =	sbarrier.arrive $0xFFFF  }
0x124: {  	p0 =	sne.s32 s0, $0x0;
	s0 =	rddreg [dreg:$0x2]  }
0x125: {  	s0 =	sadd.s32 @!p0 $0x100000, s0  }
0x126: {  	[sflag:s0] =	ssyncadd.tile.s32 @!p0 $0x1;
	_ =	shalt  }
.Lfunc_end2:
_tile_overlayer_lowered:
.L_overlay_start_2:
0x127: {  	(tag) =	ssettag $0x2  }
0x128: {  	s0 =	rddreg [dreg:$0x0];
	s2 =	stileid.u32  }
0x129: {  	s1 =	rddreg [dreg:$0x1];
	p0 =	sne.s32 s2, $0x0  }
0x12a: {  	s3 =	rddreg [dreg:$0x2];
	[bflag:$0x3] =	sbarrier.arrive $0xFFFF;
	s2 =	simm.s32 @!p0 $0x1C05  }
0x12b: {  	[timem:s3], [sflag:s2] =	dma.local @!p0 [hbm:s0], s1  }
0x12c: {  	s0 =	simm.s32 @!p0 $0x5  }
0x12d: {  	_ =	swait.ge @!p0 [sflag:s0], s1  }
0x12e: {  	s1 =	ssub.s32 @!p0 $0x0, s1;
	[sflag:s0] =	ssyncset.done @!p0 $0x0  }
0x12f: {  	[sflag:s0] =	ssyncadd.s32 @!p0 s1  }
0x130: {  	[bflag:$0x3] =	sbarrier.arrive $0xFFFF  }
0x131: {  	_ =	shalt  }

// kernel: kernel.14.cloned.1.call-start
scs
__scs_entry_jumppad:
0x0: {  	(pc) =	sbr.rel $0x88, $3  }
0x1: {  	(tag) =	ssettag $0x0;
	lr =	simm.s32 $0x1  }
0x2: {  	[smem:$0x3F89] =	sst lr;
	_ =	strace $0xD0000000  }
0x3: {  	_ = 	snop  }
0x4: {  	_ = 	snop  }
0x5: {  	_ = 	snop  }
0x6: {  	_ = 	snop  }
0x7: {  	_ = 	snop  }
__scs_overlays_trampoline_lowered:
0x8: {  	[smem:$0x3F98] =	sst s0  }
0x9: {  	[smem:$0x3F99] =	sst s1  }
0xa: {  	[smem:$0x3F9A] =	sst s2  }
0xb: {  	[smem:$0x3F9B] =	sst s3  }
0xc: {  	[smem:$0x3F9C] =	sst s4  }
0xd: {  	[smem:$0x3F9D] =	sst s5  }
0xe: {  	[smem:$0x3F9E] =	sst s6  }
0xf: {  	[smem:$0x3F9F] =	sst s7  }
0x10: {  	[smem:$0x3FA0] =	sst s8  }
0x11: {  	[smem:$0x3FA1] =	sst s9;
	s0 =	simm.s32 @!p0 $0x0  }
0x12: {  	s1 =	sld [smem:$0x3F87];
	s0 =	simm.s32 @p0 $0x1  }
0x13: {  	[smem:$0x3FA2] =	sst s0;
	s0 =	simm.s32 @!p1 $0x0  }
0x14: {  	s2 =	sld [smem:$0x3F86];
	s0 =	simm.s32 @p1 $0x1  }
0x15: {  	[smem:$0x3FA3] =	sst s0;
	s0 =	simm.s32 @!p2 $0x0  }
0x16: {  	s3 =	sld [smem:$0x3FDB];
	s0 =	simm.s32 @p2 $0x1  }
0x17: {  	s4 =	simm.s32 $0x1BF5;
	[smem:$0x3FA5] =	sst s0  }
0x18: {  	s0 =	sld [smem:$0x3F88];
	_ =	swait.ge [sflag:s4], $0x0  }
0x19: {  	s7 =	sld [smem:$0x3F89]  }
0x1a: {  	s8 =	sadd.s32 $0xFFFFE003, lr  }
0x1b: {  	s9 =	sadd.s32 $0xFFFFFEF7, lr;
	s5 =	simm.s32 $0xFFFFFFFF;
	p2 =	slt.u32 s8, $0xFFFFF086  }
0x1c: {  	p1 =	slt.u32 s9, $0xF7A;
	s5 =	simm.s32 @!p2 $0x0  }
0x1d: {  	s5 =	simm.s32 @p1 $0x1;
	p0 =	seq.s32 s7, s2  }
0x1e: {  	s7 =	smul.u32 @!p0 $0xF7A, s2;
	p2 =	seq.s32 @!p0 s5, $0x0  }
0x1f: {  	s9 =	smul.u32 $0xF7A, s1;
	s8 =	simm.s32 @!p0 $0x1BF5;
	p2 =	por !p2, p0  }
0x20: {  	[sflag:s8] =	ssyncset.s32 @!p0 $0xFFFFF086;
	s6 =	sadd.s32 @!p0 s3, s7;
	s7 =	simm.s32 @!p0 $0x108  }
0x21: {  	s3 =	sadd.s32 s3, s9;
	s6 =	sadd.s32 @!p0 $0x88, s6;
	s7 =	simm.s32 @p2 $0x1082  }
0x22: {  	[simem:s7], [sflag:s8] =	dma.local @!p0 [hbm:s6], $0xF7A  }
0x23: {  	s9 =	sor.u32 $0xD0000000, s2;
	s6 =	simm.s32 $0x108;
	_ =	swait.ge @!p0 [sflag:s8], $0x0  }
0x24: {  	s3 =	sadd.s32 $0x88, s3;
	s6 =	simm.s32 @!p1 $0x1082;
	[sflag:s4] =	ssyncset.s32 $0xFFFFF086  }
0x25: {  	[simem:s6], [sflag:s4] =	dma.local [hbm:s3], $0xF7A  }
0x26: {  	[smem:$0x3F89] =	sst s1;
	(tag) =	ssettag s2;
	_ =	strace s9  }
0x27: {  	s1 =	sld [smem:$0x3F99]  }
0x28: {  	s2 =	sld [smem:$0x3F9A]  }
0x29: {  	s4 =	sld [smem:$0x3F9C]  }
0x2a: {  	p0 =	seq.s32 s5, $0x0;
	s5 =	sld [smem:$0x3F9D]  }
0x2b: {  	s6 =	sld [smem:$0x3F9E]  }
0x2c: {  	s7 =	sld [smem:$0x3F9F]  }
0x2d: {  	s3 =	simm.s32 $0x108;
	s8 =	sld [smem:$0x3FA0]  }
0x2e: {  	s3 =	simm.s32 @!p0 $0x1082;
	s9 =	sld [smem:$0x3FA1]  }
0x2f: {  	lr =	sadd.s32 s0, s3;
	s0 =	sld [smem:$0x3F98]  }
0x30: {  	s3 =	sld [smem:$0x3F9B]  }
0x31: {  	[smem:$0x3FA4] =	sst s10  }
0x32: {  	s10 =	sld [smem:$0x3FA2];
	_ =	sdelay $0x3  }
0x33: {  	p0 =	seq.s32 s10, $0x1;
	s10 =	sld [smem:$0x3FA4];
	_ =	sdelay $0x3  }
0x34: {  	[smem:$0x3FA4] =	sst s10  }
0x35: {  	s10 =	sld [smem:$0x3FA3];
	_ =	sdelay $0x3  }
0x36: {  	p1 =	seq.s32 s10, $0x1;
	s10 =	sld [smem:$0x3FA4];
	_ =	sdelay $0x3  }
0x37: {  	[smem:$0x3FA4] =	sst s10  }
0x38: {  	s10 =	sld [smem:$0x3FA5]  }
0x39: {  	_ = 	snop;
	(pc) =	sbr.ind lr, $3  }
0x3a: {  	_ = 	snop  }
0x3b: {  	_ = 	snop  }
0x3c: {  	p2 =	seq.s32 s10, $0x1;
	s10 =	sld [smem:$0x3FA4]  }
0x3d: {  	_ =	shalt  }
0x3e: {  	_ =	shalt  }
0x3f: {  	_ =	shalt  }
0x40: {  	_ =	shalt  }
0x41: {  	_ =	shalt  }
0x42: {  	_ =	shalt  }
0x43: {  	_ =	shalt  }
0x44: {  	_ =	shalt  }
0x45: {  	_ =	shalt  }
0x46: {  	_ =	shalt  }
0x47: {  	_ =	shalt  }
0x48: {  	_ =	shalt  }
0x49: {  	_ =	shalt  }
0x4a: {  	_ =	shalt  }
0x4b: {  	_ =	shalt  }
0x4c: {  	_ =	shalt  }
0x4d: {  	_ =	shalt  }
0x4e: {  	_ =	shalt  }
0x4f: {  	_ =	shalt  }
0x50: {  	_ =	shalt  }
0x51: {  	_ =	shalt  }
0x52: {  	_ =	shalt  }
0x53: {  	_ =	shalt  }
0x54: {  	_ =	shalt  }
0x55: {  	_ =	shalt  }
0x56: {  	_ =	shalt  }
0x57: {  	_ =	shalt  }
0x58: {  	_ =	shalt  }
0x59: {  	_ =	shalt  }
0x5a: {  	_ =	shalt  }
0x5b: {  	_ =	shalt  }
0x5c: {  	_ =	shalt  }
0x5d: {  	_ =	shalt  }
0x5e: {  	_ =	shalt  }
0x5f: {  	_ =	shalt  }
0x60: {  	_ =	shalt  }
0x61: {  	_ =	shalt  }
0x62: {  	_ =	shalt  }
0x63: {  	_ =	shalt  }
0x64: {  	_ =	shalt  }
0x65: {  	_ =	shalt  }
0x66: {  	_ =	shalt  }
0x67: {  	_ =	shalt  }
0x68: {  	_ =	shalt  }
0x69: {  	_ =	shalt  }
0x6a: {  	_ =	shalt  }
0x6b: {  	_ =	shalt  }
0x6c: {  	_ =	shalt  }
0x6d: {  	_ =	shalt  }
0x6e: {  	_ =	shalt  }
0x6f: {  	_ =	shalt  }
0x70: {  	_ =	shalt  }
0x71: {  	_ =	shalt  }
0x72: {  	_ =	shalt  }
0x73: {  	_ =	shalt  }
0x74: {  	_ =	shalt  }
0x75: {  	_ =	shalt  }
0x76: {  	_ =	shalt  }
0x77: {  	_ =	shalt  }
0x78: {  	_ =	shalt  }
0x79: {  	_ =	shalt  }
0x7a: {  	_ =	shalt  }
0x7b: {  	_ =	shalt  }
0x7c: {  	_ =	shalt  }
0x7d: {  	_ =	shalt  }
0x7e: {  	_ =	shalt  }
0x7f: {  	_ =	shalt  }
0x80: {  	_ =	shalt  }
0x81: {  	_ =	shalt  }
0x82: {  	_ =	shalt  }
0x83: {  	_ =	shalt  }
0x84: {  	_ =	shalt  }
0x85: {  	_ =	shalt  }
0x86: {  	_ =	shalt  }
0x87: {  	_ =	shalt  }
.Lfunc_end0:
.L_simem_size_0:
called_computation.1_lowered:
.L_overlay_start_0:
0x88: {  	s2 =	sld [smem:$0x3FD9]  }
0x89: {  	s3 =	sld [smem:$0x3FFE];
	_ =	sdelay $0x1  }
0x8a: {  	s1 =	srdreg.scid  }
0x8b: {  	s0 =	sand.u32 $0x1, s1  }
0x8c: {  	s16 =	sshll.u32 s0, $0xA;
	s2 =	sadd.s32 s3, s2  }
0x8d: {  	s2 =	sadd.s32 s2, s16  }
0x8e: {  	[smem:$0x3FB0] =	sst s2  }
0x8f: {  	_ = 	snop  }
0x90: {  	(tm) =	ssettm $0x1  }
0x91: {  	s17 =	sld [smem:$0x3FFB];
	_ =	sdelay $0x3  }
0x92: {  	_ =	strace s17  }
0x93: {  	s2 =	sld [smem:$0x3FFC];
	_ =	sdelay $0x3  }
0x94: {  	_ =	strace s2  }
0x95: {  	s2 =	sld [smem:$0x3FFD];
	_ =	sdelay $0x3  }
0x96: {  	_ =	strace s2  }
0x97: {  	_ =	strace $0x8FFFFFFF  }
0x98: {  	s18 =	sld [smem:$0x3FDB];
	_ =	sdelay $0x1  }
0x99: {  	s19 =	simm.s32 $_scs_section_size  }
0x9a: {  	s4 =	simm.s32 $_size__tile_overlayer_lowered;
	s5 =	simm.s32 $_tile_overlayer_lowered  }
0x9b: {  	s22 =	simm.s32 $0x1BFF;
	s21 =	sshll.u32 s5, $0x1;
	s2 =	sadd.s32 s19, s18  }
0x9c: {  	s6 =	simm.s32 $0x0;
	s20 =	sshll.u32 s4, $0x1;
	s4 =	sadd.s32 s21, s2  }
0x9d: {  	[timem:s6], [sflag:s22] =	dma.local [hbm:s4], s20  }
0x9e: {  	_ =	swait.ge [sflag:s22], s20  }
0x9f: {  	s3 =	ssub.s32 $0x0, s20;
	[sflag:s22] =	ssyncset.done $0x0  }
0xa0: {  	[sflag:s22] =	ssyncadd.s32 s3;
	_ =	sdelay $0x1  }
0xa1: {  	s23 =	simm.s32 $0x1B8B  }
0xa2: {  	_ =	swait.ge [sflag:s23], $0x1  }
0xa3: {  	[sflag:s23] =	ssyncset.done $0x0  }
0xa4: {  	s25 =	simm.s32 $0x1B8E;
	s24 =	sld [smem:$0x3FFE];
	[sflag:s23] =	ssyncadd.s32 $0xFFFFFFFF  }
0xa5: {  	s26 =	simm.s32 $execute0_lowered;
	[smem:$0x3FD2] =	sst s25  }
0xa6: {  	s4 =	sshll.u32 s26, $0x1;
	_ =	strace $0x80000049;
	[dreg:$0x1] =	wrdreg $0xFFFFFFFF  }
0xa7: {  	s28 =	simm.s32 $_size_execute0_lowered;
	s2 =	sadd.s32 s2, s4;
	[dreg:$0x0] =	wrdreg $0x0  }
0xa8: {  	s4 =	sshll.u32 s28, $0x1;
	[dreg:$0x2] =	wrdreg s2  }
0xa9: {  	[dreg:$0x3] =	wrdreg s4  }
0xaa: {  	[dreg:$0x4] =	wrdreg $0xC0  }
0xab: {  	_ =	task [dreg:s6], $0x5FFFF  }
0xac: {  	[dreg:$0x1] =	wrdreg $0xFFFFFFFF  }
0xad: {  	[dreg:$0x0] =	wrdreg $0x60  }
0xae: {  	[dreg:$0x2] =	wrdreg s24  }
0xaf: {  	[dreg:$0x3] =	wrdreg $0x110000  }
0xb0: {  	[dreg:$0x4] =	wrdreg $0x9  }
0xb1: {  	_ =	task.clear_ibuf [dreg:s6], $0x5FFFF;
	_ =	strace $0x90000049  }
0xb2: {  	s29 =	simm.s32 $0x9;
	_ =	strace $0x8000004B  }
0xb3: {  	_ =	swait.ge [sflag:s29], $0x1  }
0xb4: {  	[sflag:s29] =	ssyncadd.s32 $0xFFFFFFFF  }
0xb5: {  	_ =	strace $0x9000004B  }
0xb6: {  	_ =	sfence  }
0xb7: {  	s30 =	sld [smem:$0x0];
	_ =	sdelay $0x2  }
0xb8: {  	s31 =	sshll.u32 s1, $0xD;
	s1 =	sshrl.u32 s1, $0x2  }
0xb9: {  	s3 =	sand.u32 $0x4000, s31;
	s1 =	sadd.s32 s1, s30  }
0xba: {  	s0 =	sor.u32 s3, s0;
	s1 =	sshll.u32 s1, $0x11  }
0xbb: {  	s0 =	sor.u32 s1, s0  }
0xbc: {  	s0 =	sadd.s32 $0x8F2B, s0  }
0xbd: {  	[sflag:s0] =	ssyncadd.remote.s32 $0x1  }
0xbe: {  	_ =	sfence.sel $0xFFFF  }
0xbf: {  	[dreg:$0x0] =	wrdreg $0xFFFFFFFF;
	(pc) =	sbr.abs _section_cstart, $3  }
0xc0: {  	[dreg:$0x1] =	wrdreg $0xFFFFFFFF  }
0xc1: {  	_ =	task.clear_ibuf [dreg:s6], $0x2FFFF;
	_ =	strace $0x9FFFFFFF  }
0xc2: {  	(tm) =	ssettm $0x7FFFFFFF  }
0xc3: {  	_ =	shalt  }
tec
execute0_lowered:
.L_overlay_start_1:
0x0: {  	(tag) =	ssettag $0x1  }
0x1: {  	s0 =	rddreg [dreg:$0x0]  }
0x2: {  	s1 =	rddreg [dreg:$0x1];
	s2 =	srdreg.scid;
	s4 =	simm.s32 $0x0  }
0x3: {  	s10 =	stileid.u32;
	s21 =	simm.s32 $0x10000;
	s22 =	simm.s32 $0x5  }
0x4: {  	s28 =	simm.s32 $0xA000;
	s30 =	simm.s32 $0xC000;
	s2 =	sand.u32 $0x1, s2  }
0x5: {  	[smem:$0x7FF] =	sst s4;
	s6 =	smul.u32 $0x14000, s10;
	s4 =	sadd.s32 $0x1CC00, s0  }
0x6: {  	s7 =	sadd.s32 $0x3C00, s0;
	s5 =	smul.u32 $0x28000, s10;
	s8 =	sadd.s32 $0x12C00, s0  }
0x7: {  	s24 =	sshll.u32 s10, $0x9;
	s25 =	sshll.u32 s10, $0xB;
	s3 =	smul.u32 $0x140000, s2  }
0x8: {  	_ =	strace $0x8000004A;
	s9 =	ssub.s32 $0x2, s2;
	s10 =	sadd.s32 s7, s25  }
0x9: {  	p0 =	seq.s32 s2, $0x1;
	s2 =	sadd.s32 s8, s25;
	[dreg:$0x3] =	wrdreg s10  }
0xa: {  	s23 =	sshrl.u32 s9, $0x1;
	s5 =	sshrl.u32 s5, $0x2;
	[dreg:$0x4] =	wrdreg s2  }
0xb: {  	s31 =	sshrl.u32 s6, $0x1;
	s3 =	sadd.s32 s6, s3;
	s5 =	sadd.s32 s5, s1  }
0xc: {  	s6 =	simm.s32 $0x1;
	s3 =	sshrl.u32 s3, $0x4;
	s12 =	sadd.s32 $0x1000, s5  }
0xd: {  	s13 =	sadd.s32 $0x2000, s5;
	s14 =	sadd.s32 $0x3000, s5;
	s15 =	sadd.s32 $0x4000, s5  }
0xe: {  	s16 =	sadd.s32 $0x5000, s5;
	s17 =	sadd.s32 $0x6000, s5;
	s18 =	sadd.s32 $0x7000, s5  }
0xf: {  	s19 =	sadd.s32 $0x8000, s5;
	s20 =	sadd.s32 $0x9000, s5;
	s0 =	sadd.s32 s3, s0  }
0x10: {  	s3 =	ssub.s32 s9, s23;
	s9 =	sor.u32 $0x8000, s24;
	s24 =	simm.s32 $0x80  }
.Ltmp0:
0x11: {  	s23 =	simm.s32 $0x0;
	s26 =	sadd.s32 s7, s9;
	(pc) =	sbr.rel .LBB2_1-.Ltmp0, $4  }
0x12: {  	s29 =	sadd.s32 s8, s9;
	s10 =	sadd.s32 $0x30600, s0;
	s0 =	sadd.s32 s31, s1  }
0x13: {  	s11 =	smax.u32 s3, $0x1;
	s7 =	simm.s32 $0x3;
	[dreg:$0x5] =	wrdreg s26  }
0x14: {  	s8 =	simm.s32 $0x2;
	s9 =	simm.s32 $0x4;
	[dreg:$0x6] =	wrdreg s29  }
0x15: {  	v0 =	vimm.bf16 $0.0e+00;
	s25 =	sshrl.u32 s0, $0x3;
	s26 =	simm.s32 $0x8000;
	s0 =	simm.s32 $0xE000  }
.LBB2_6:
0x16: {  	[tilespmem:s0], [sflag:$0x2] =	stream.indirect.gather [hbm4b:s4+s24], $0x40, s2, s24, $0xb8;
	[tilespmem:$0x1B000] =	vst v63  }
0x17: {  	s29 =	simm.s32 $0x7F80  }
0x18: {  	s31 =	simm.s32 $0x7F00;
	s2 =	simm.s32 $0x7E80;
	s3 =	simm.s32 $0x7E00  }
.LBB2_10:
0x19: {  	_ =	swait.ge [sflag:s6], $0x2000  }
0x1a: {  	[sflag:s6] =	ssyncset.done $0x0  }
0x1b: {  	[sflag:s6] =	ssyncadd.s32 $0xFFFFE000  }
0x1c: {  	_ =	swait.ge [sflag:s6], $0x2000  }
0x1d: {  	[sflag:s6] =	ssyncset.done $0x0  }
0x1e: {  	[sflag:s6] =	ssyncadd.s32 $0xFFFFE000  }
0x1f: {  	[spmem:s1] =	stream.indirect.scatter.add.bf16 [tilespmem:s26], [sflag:$0x3], $0x40, s3, s24, $0xb8;
	[tilespmem:$0x1B000] =	vst v63  }
0x20: {  	_ = 	snop  }
0x21: {  	[spmem:s1] =	stream.indirect.scatter.add.bf16 [tilespmem:s28], [sflag:$0x3], $0x40, s2, s24, $0xb8;
	[tilespmem:$0x1B000] =	vst v63  }
0x22: {  	_ =	swait.ge [sflag:s7], $0x2000  }
0x23: {  	[sflag:s7] =	ssyncset.done $0x0  }
0x24: {  	[sflag:s7] =	ssyncadd.s32 $0xFFFFE000  }
0x25: {  	_ =	swait.ge [sflag:s7], $0x2000  }
0x26: {  	[sflag:s7] =	ssyncset.done $0x0  }
0x27: {  	[sflag:s7] =	ssyncadd.s32 $0xFFFFE000  }
0x28: {  	_ =	swait.ge [sflag:s8], $0x2000  }
0x29: {  	[sflag:s8] =	ssyncset.done $0x0  }
0x2a: {  	[sflag:s8] =	ssyncadd.s32 $0xFFFFE000  }
0x2b: {  	_ =	swait.ge [sflag:s8], $0x2000  }
0x2c: {  	[sflag:s8] =	ssyncset.done $0x0  }
0x2d: {  	[sflag:s8] =	ssyncadd.s32 $0xFFFFE000  }
0x2e: {  	[spmem:s1] =	stream.indirect.scatter.add.bf16 [tilespmem:s30], [sflag:$0x4], $0x40, s31, s24, $0xb8;
	[tilespmem:$0x1B000] =	vst v63  }
0x2f: {  	_ = 	snop  }
0x30: {  	[spmem:s1] =	stream.indirect.scatter.add.bf16 [tilespmem:s0], [sflag:$0x4], $0x40, s29, s24, $0xb8;
	[tilespmem:$0x1B000] =	vst v63  }
0x31: {  	_ =	swait.ge [sflag:s9], $0x2000  }
0x32: {  	[sflag:s9] =	ssyncset.done $0x0  }
0x33: {  	[sflag:s9] =	ssyncadd.s32 $0xFFFFE000  }
0x34: {  	_ =	swait.ge [sflag:s9], $0x2000  }
0x35: {  	s23 =	sadd.s32 $0x1, s23;
	s31 =	stileid.u32;
	[sflag:s9] =	ssyncset.done $0x0  }
0x36: {  	p1 =	sne.s32 s23, s11;
	s2 =	sshll.u32 s31, $0x6;
	[sflag:s9] =	ssyncadd.s32 $0xFFFFE000  }
.Ltmp1:
0x37: {  	s2 =	sor.u32 $0x1C05, s2;
	[bflag:$0x0] =	sbarrier.arrive $0xFFFF;
	(pc) =	sbr.rel @!p1 .LBB2_11-.Ltmp1, $4  }
0x38: {  	[hbm:s10], [sflag:s2] =	dma.local [spmem:s25], $0x1400  }
0x39: {  	_ =	swait.ge [sflag:s22], $0x1400  }
0x3a: {  	[sflag:s22] =	ssyncset.done $0x0  }
0x3b: {  	[sflag:s22] =	ssyncadd.s32 $0xFFFFEC00  }
.LBB2_1:
0x3c: {  	s3 =	simm.s32 $0x0  }
0x3d: {  	s2 =	sand.u32 $0x3F00, s3;
	s3 =	sand.u32 $0x60, s3  }
0x3e: {  	s2 =	sshrl.u32 s2, $0x2;
	s3 =	sshrl.u32 s3, $0x1  }
0x3f: {  	s2 =	sor.u32 s3, s2  }
0x40: {  	s29 =	simm.s32 $0x40;
	s31 =	simm.s32 $0x0;
	[tilespmem:s2+$0x10000] =	vst v0  }
.LBB2_2:
0x41: {  	p1 =	sne.s32 s29, $0x3FC0  }
.Ltmp2:
0x42: {  	s2 =	sand.u32 $0x3F00, s29;
	s31 =	sadd.s32 $0x20, s31;
	(pc) =	sbr.rel @p1 .LBB2_2-.Ltmp2, $4  }
0x43: {  	s29 =	sadd.s32 $0x40, s29;
	s3 =	sand.u32 $0x60, s31  }
0x44: {  	s2 =	sshrl.u32 s2, $0x2;
	s3 =	sshrl.u32 s3, $0x1  }
0x45: {  	s2 =	sor.u32 s3, s2  }
0x46: {  	[tilespmem:s2+$0x10000] =	vst v0  }
0x47: {  	[spmem:s5] =	stream.linear.scatter [tilespmem:s21], [sflag:$0x5], $0x1000, $0x38;
	[tilespmem:$0x1B000] =	vst v63  }
0x48: {  	_ =	swait.ge [sflag:s22], $0x1000  }
0x49: {  	[sflag:s22] =	ssyncset.done $0x0  }
0x4a: {  	[sflag:s22] =	ssyncadd.s32 $0xFFFFF000  }
0x4b: {  	[spmem:s12] =	stream.linear.scatter [tilespmem:s21], [sflag:$0x5], $0x1000, $0x38;
	[tilespmem:$0x1B000] =	vst v63  }
0x4c: {  	_ =	swait.ge [sflag:s22], $0x1000  }
0x4d: {  	[sflag:s22] =	ssyncset.done $0x0  }
0x4e: {  	[sflag:s22] =	ssyncadd.s32 $0xFFFFF000  }
0x4f: {  	[spmem:s13] =	stream.linear.scatter [tilespmem:s21], [sflag:$0x5], $0x1000, $0x38;
	[tilespmem:$0x1B000] =	vst v63  }
0x50: {  	_ =	swait.ge [sflag:s22], $0x1000  }
0x51: {  	[sflag:s22] =	ssyncset.done $0x0  }
0x52: {  	[sflag:s22] =	ssyncadd.s32 $0xFFFFF000  }
0x53: {  	[spmem:s14] =	stream.linear.scatter [tilespmem:s21], [sflag:$0x5], $0x1000, $0x38;
	[tilespmem:$0x1B000] =	vst v63  }
0x54: {  	_ =	swait.ge [sflag:s22], $0x1000  }
0x55: {  	[sflag:s22] =	ssyncset.done $0x0  }
0x56: {  	[sflag:s22] =	ssyncadd.s32 $0xFFFFF000  }
0x57: {  	[spmem:s15] =	stream.linear.scatter [tilespmem:s21], [sflag:$0x5], $0x1000, $0x38;
	[tilespmem:$0x1B000] =	vst v63  }
0x58: {  	_ =	swait.ge [sflag:s22], $0x1000  }
0x59: {  	[sflag:s22] =	ssyncset.done $0x0  }
0x5a: {  	[sflag:s22] =	ssyncadd.s32 $0xFFFFF000  }
0x5b: {  	[spmem:s16] =	stream.linear.scatter [tilespmem:s21], [sflag:$0x5], $0x1000, $0x38;
	[tilespmem:$0x1B000] =	vst v63  }
0x5c: {  	_ =	swait.ge [sflag:s22], $0x1000  }
0x5d: {  	[sflag:s22] =	ssyncset.done $0x0  }
0x5e: {  	[sflag:s22] =	ssyncadd.s32 $0xFFFFF000  }
0x5f: {  	[spmem:s17] =	stream.linear.scatter [tilespmem:s21], [sflag:$0x5], $0x1000, $0x38;
	[tilespmem:$0x1B000] =	vst v63  }
0x60: {  	_ =	swait.ge [sflag:s22], $0x1000  }
0x61: {  	[sflag:s22] =	ssyncset.done $0x0  }
0x62: {  	[sflag:s22] =	ssyncadd.s32 $0xFFFFF000  }
0x63: {  	[spmem:s18] =	stream.linear.scatter [tilespmem:s21], [sflag:$0x5], $0x1000, $0x38;
	[tilespmem:$0x1B000] =	vst v63  }
0x64: {  	_ =	swait.ge [sflag:s22], $0x1000  }
0x65: {  	[sflag:s22] =	ssyncset.done $0x0  }
0x66: {  	[sflag:s22] =	ssyncadd.s32 $0xFFFFF000  }
0x67: {  	[spmem:s19] =	stream.linear.scatter [tilespmem:s21], [sflag:$0x5], $0x1000, $0x38;
	[tilespmem:$0x1B000] =	vst v63  }
0x68: {  	_ =	swait.ge [sflag:s22], $0x1000  }
0x69: {  	[sflag:s22] =	ssyncset.done $0x0  }
0x6a: {  	[sflag:s22] =	ssyncadd.s32 $0xFFFFF000  }
0x6b: {  	[spmem:s20] =	stream.linear.scatter [tilespmem:s21], [sflag:$0x5], $0x1000, $0x38;
	[tilespmem:$0x1B000] =	vst v63  }
.Ltmp3:
0x6c: {  	_ =	swait.ge [sflag:s22], $0x1000;
	(pc) =	sbr.rel @!p0 .LBB2_4-.Ltmp3, $4  }
0x6d: {  	[sflag:s22] =	ssyncset.done $0x0  }
0x6e: {  	[sflag:s22] =	ssyncadd.s32 $0xFFFFF000  }
0x6f: {  	[bflag:$0x0] =	sbarrier.arrive $0xFFFF  }
0x70: {  	s2 =	simm.s32 $0x0  }
0x71: {  	s3 =	rddreg [dreg:$0x5]  }
0x72: {  	[tilespmem:s2], [sflag:$0x5] =	stream.linear.gather [hbm4b:s3+s2], $0x1000, $0x38;
	[tilespmem:$0x1B000] =	vst v63  }
0x73: {  	_ =	swait.ge [sflag:s22], $0x1000  }
0x74: {  	[sflag:s22] =	ssyncset.done $0x0  }
0x75: {  	s29 =	simm.s32 $0x4000;
	s31 =	rddreg [dreg:$0x6];
	[sflag:s22] =	ssyncadd.s32 $0xFFFFF000  }
0x76: {  	[tilespmem:s29], [sflag:$0x5] =	stream.linear.gather [hbm4b:s31+s2], $0x1000, $0x38;
	[tilespmem:$0x1B000] =	vst v63  }
0x77: {  	_ =	swait.ge [sflag:s22], $0x1000  }
0x78: {  	[sflag:s22] =	ssyncset.done $0x0  }
0x79: {  	[sflag:s22] =	ssyncadd.s32 $0xFFFFF000  }
0x7a: {  	[tilespmem:s26], [sflag:$0x1] =	stream.indirect.gather [hbm4b:s4+s24], $0x40, s2, s24, $0xb8;
	[tilespmem:$0x1B000] =	vst v63  }
0x7b: {  	_ = 	snop  }
0x7c: {  	[tilespmem:s28], [sflag:$0x1] =	stream.indirect.gather [hbm4b:s4+s24], $0x40, s24, s24, $0xb8;
	[tilespmem:$0x1B000] =	vst v63  }
0x7d: {  	s31 =	simm.s32 $0x100  }
0x7e: {  	[tilespmem:s30], [sflag:$0x2] =	stream.indirect.gather [hbm4b:s4+s24], $0x40, s31, s24, $0xb8;
	[tilespmem:$0x1B000] =	vst v63  }
0x7f: {  	s3 =	simm.s32 $0x180  }
0x80: {  	[tilespmem:s0], [sflag:$0x2] =	stream.indirect.gather [hbm4b:s4+s24], $0x40, s3, s24, $0xb8;
	[tilespmem:$0x1B000] =	vst v63  }
0x81: {  	_ =	swait.ge [sflag:s6], $0x2000  }
0x82: {  	[sflag:s6] =	ssyncset.done $0x0  }
0x83: {  	[sflag:s6] =	ssyncadd.s32 $0xFFFFE000  }
0x84: {  	_ =	swait.ge [sflag:s6], $0x2000  }
0x85: {  	[sflag:s6] =	ssyncset.done $0x0  }
0x86: {  	s31 =	simm.s32 $0x4000;
	[sflag:s6] =	ssyncadd.s32 $0xFFFFE000  }
0x87: {  	[spmem:s1] =	stream.indirect.scatter.add.bf16 [tilespmem:s26], [sflag:$0x3], $0x40, s31, s24, $0xb8;
	[tilespmem:$0x1B000] =	vst v63  }
0x88: {  	s3 =	simm.s32 $0x4080  }
0x89: {  	[spmem:s1] =	stream.indirect.scatter.add.bf16 [tilespmem:s28], [sflag:$0x3], $0x40, s3, s24, $0xb8;
	[tilespmem:$0x1B000] =	vst v63  }
0x8a: {  	_ =	swait.ge [sflag:s7], $0x2000  }
0x8b: {  	[sflag:s7] =	ssyncset.done $0x0  }
0x8c: {  	[sflag:s7] =	ssyncadd.s32 $0xFFFFE000  }
0x8d: {  	_ =	swait.ge [sflag:s7], $0x2000  }
0x8e: {  	[sflag:s7] =	ssyncset.done $0x0  }
0x8f: {  	s31 =	simm.s32 $0x200;
	[sflag:s7] =	ssyncadd.s32 $0xFFFFE000  }
0x90: {  	[tilespmem:s26], [sflag:$0x1] =	stream.indirect.gather [hbm4b:s4+s24], $0x40, s31, s24, $0xb8;
	[tilespmem:$0x1B000] =	vst v63  }
0x91: {  	s3 =	simm.s32 $0x280  }
0x92: {  	[tilespmem:s28], [sflag:$0x1] =	stream.indirect.gather [hbm4b:s4+s24], $0x40, s3, s24, $0xb8;
	[tilespmem:$0x1B000] =	vst v63  }
0x93: {  	_ =	swait.ge [sflag:s8], $0x2000  }
0x94: {  	[sflag:s8] =	ssyncset.done $0x0  }
0x95: {  	[sflag:s8] =	ssyncadd.s32 $0xFFFFE000  }
0x96: {  	_ =	swait.ge [sflag:s8], $0x2000  }
0x97: {  	[sflag:s8] =	ssyncset.done $0x0  }
0x98: {  	s31 =	simm.s32 $0x4100;
	[sflag:s8] =	ssyncadd.s32 $0xFFFFE000  }
0x99: {  	[spmem:s1] =	stream.indirect.scatter.add.bf16 [tilespmem:s30], [sflag:$0x4], $0x40, s31, s24, $0xb8;
	[tilespmem:$0x1B000] =	vst v63  }
0x9a: {  	s3 =	simm.s32 $0x4180  }
0x9b: {  	[spmem:s1] =	stream.indirect.scatter.add.bf16 [tilespmem:s0], [sflag:$0x4], $0x40, s3, s24, $0xb8;
	[tilespmem:$0x1B000] =	vst v63  }
0x9c: {  	_ =	swait.ge [sflag:s9], $0x2000  }
0x9d: {  	[sflag:s9] =	ssyncset.done $0x0  }
0x9e: {  	[sflag:s9] =	ssyncadd.s32 $0xFFFFE000  }
0x9f: {  	_ =	swait.ge [sflag:s9], $0x2000  }
0xa0: {  	s29 =	simm.s32 $0x800;
	[sflag:s9] =	ssyncset.done $0x0  }
0xa1: {  	s2 =	simm.s32 $0x380;
	s31 =	simm.s32 $0x300;
	[sflag:s9] =	ssyncadd.s32 $0xFFFFE000  }
0xa2: {  	[tilespmem:s30], [sflag:$0x2] =	stream.indirect.gather [hbm4b:s4+s24], $0x40, s31, s24, $0xb8;
	[tilespmem:$0x1B000] =	vst v63  }
.LBB2_8:
0xa3: {  	[tilespmem:s0], [sflag:$0x2] =	stream.indirect.gather [hbm4b:s4+s24], $0x40, s2, s24, $0xb8;
	[tilespmem:$0x1B000] =	vst v63  }
0xa4: {  	s2 =	smov.u32 s29  }
0xa5: {  	p1 =	sne.s32 s29, $0x3000;
	s29 =	sadd.s32 $0x800, s29;
	_ =	swait.ge [sflag:s6], $0x2000  }
0xa6: {  	[sflag:s6] =	ssyncset.done $0x0  }
0xa7: {  	[sflag:s6] =	ssyncadd.s32 $0xFFFFE000  }
0xa8: {  	_ =	swait.ge [sflag:s6], $0x2000  }
0xa9: {  	s31 =	sshra.s32 s2, $0x2;
	[sflag:s6] =	ssyncset.done $0x0  }
0xaa: {  	s2 =	sadd.s32 $0x4000, s31;
	[sflag:s6] =	ssyncadd.s32 $0xFFFFE000  }
0xab: {  	[spmem:s1] =	stream.indirect.scatter.add.bf16 [tilespmem:s26], [sflag:$0x3], $0x40, s2, s24, $0xb8;
	[tilespmem:$0x1B000] =	vst v63  }
0xac: {  	s2 =	sadd.s32 $0x4080, s31  }
0xad: {  	[spmem:s1] =	stream.indirect.scatter.add.bf16 [tilespmem:s28], [sflag:$0x3], $0x40, s2, s24, $0xb8;
	[tilespmem:$0x1B000] =	vst v63  }
0xae: {  	_ =	swait.ge [sflag:s7], $0x2000  }
0xaf: {  	[sflag:s7] =	ssyncset.done $0x0  }
0xb0: {  	[sflag:s7] =	ssyncadd.s32 $0xFFFFE000  }
0xb1: {  	_ =	swait.ge [sflag:s7], $0x2000  }
0xb2: {  	[sflag:s7] =	ssyncset.done $0x0  }
0xb3: {  	s2 =	sadd.s32 $0x200, s31;
	[sflag:s7] =	ssyncadd.s32 $0xFFFFE000  }
0xb4: {  	[tilespmem:s26], [sflag:$0x1] =	stream.indirect.gather [hbm4b:s4+s24], $0x40, s2, s24, $0xb8;
	[tilespmem:$0x1B000] =	vst v63  }
0xb5: {  	s2 =	sadd.s32 $0x280, s31  }
0xb6: {  	[tilespmem:s28], [sflag:$0x1] =	stream.indirect.gather [hbm4b:s4+s24], $0x40, s2, s24, $0xb8;
	[tilespmem:$0x1B000] =	vst v63  }
0xb7: {  	_ =	swait.ge [sflag:s8], $0x2000  }
0xb8: {  	[sflag:s8] =	ssyncset.done $0x0  }
0xb9: {  	[sflag:s8] =	ssyncadd.s32 $0xFFFFE000  }
0xba: {  	_ =	swait.ge [sflag:s8], $0x2000  }
0xbb: {  	[sflag:s8] =	ssyncset.done $0x0  }
0xbc: {  	s2 =	sadd.s32 $0x4100, s31;
	[sflag:s8] =	ssyncadd.s32 $0xFFFFE000  }
0xbd: {  	[spmem:s1] =	stream.indirect.scatter.add.bf16 [tilespmem:s30], [sflag:$0x4], $0x40, s2, s24, $0xb8;
	[tilespmem:$0x1B000] =	vst v63  }
0xbe: {  	s2 =	sadd.s32 $0x4180, s31  }
0xbf: {  	[spmem:s1] =	stream.indirect.scatter.add.bf16 [tilespmem:s0], [sflag:$0x4], $0x40, s2, s24, $0xb8;
	[tilespmem:$0x1B000] =	vst v63  }
0xc0: {  	_ =	swait.ge [sflag:s9], $0x2000  }
0xc1: {  	[sflag:s9] =	ssyncset.done $0x0  }
0xc2: {  	[sflag:s9] =	ssyncadd.s32 $0xFFFFE000  }
.Ltmp4:
0xc3: {  	_ =	swait.ge [sflag:s9], $0x2000;
	(pc) =	sbr.rel @p1 .LBB2_8-.Ltmp4, $4  }
0xc4: {  	[sflag:s9] =	ssyncset.done $0x0  }
0xc5: {  	s2 =	sadd.s32 $0x300, s31;
	[sflag:s9] =	ssyncadd.s32 $0xFFFFE000  }
0xc6: {  	[tilespmem:s30], [sflag:$0x2] =	stream.indirect.gather [hbm4b:s4+s24], $0x40, s2, s24, $0xb8;
	[tilespmem:$0x1B000] =	vst v63  }
0xc7: {  	s2 =	sadd.s32 $0x380, s31  }
.Ltmp5:
0xc8: {  	(pc) =	sbr.rel .LBB2_10-.Ltmp5, $4  }
0xc9: {  	_ = 	snop  }
0xca: {  	[tilespmem:s0], [sflag:$0x2] =	stream.indirect.gather [hbm4b:s4+s24], $0x40, s2, s24, $0xb8;
	[tilespmem:$0x1B000] =	vst v63  }
0xcb: {  	s29 =	simm.s32 $0x4F80  }
0xcc: {  	s31 =	simm.s32 $0x4F00;
	s2 =	simm.s32 $0x4E80;
	s3 =	simm.s32 $0x4E00  }
.LBB2_4:
0xcd: {  	s3 =	rddreg [dreg:$0x3]  }
0xce: {  	[tilespmem:s2], [sflag:$0x5] =	stream.linear.gather [hbm4b:s3+s2], $0x4000, $0x38;
	[tilespmem:$0x1B000] =	vst v63  }
0xcf: {  	_ =	swait.ge [sflag:s22], $0x4000  }
0xd0: {  	[sflag:s22] =	ssyncset.done $0x0  }
0xd1: {  	s29 =	simm.s32 $0x4000;
	s31 =	rddreg [dreg:$0x4];
	[sflag:s22] =	ssyncadd.s32 $0xFFFFC000  }
0xd2: {  	[tilespmem:s29], [sflag:$0x5] =	stream.linear.gather [hbm4b:s31+s2], $0x4000, $0x38;
	[tilespmem:$0x1B000] =	vst v63  }
0xd3: {  	_ =	swait.ge [sflag:s22], $0x4000  }
0xd4: {  	[sflag:s22] =	ssyncset.done $0x0  }
0xd5: {  	[sflag:s22] =	ssyncadd.s32 $0xFFFFC000  }
0xd6: {  	[tilespmem:s26], [sflag:$0x1] =	stream.indirect.gather [hbm4b:s4+s24], $0x40, s2, s24, $0xb8;
	[tilespmem:$0x1B000] =	vst v63  }
0xd7: {  	_ = 	snop  }
0xd8: {  	[tilespmem:s28], [sflag:$0x1] =	stream.indirect.gather [hbm4b:s4+s24], $0x40, s24, s24, $0xb8;
	[tilespmem:$0x1B000] =	vst v63  }
0xd9: {  	s31 =	simm.s32 $0x100  }
0xda: {  	[tilespmem:s30], [sflag:$0x2] =	stream.indirect.gather [hbm4b:s4+s24], $0x40, s31, s24, $0xb8;
	[tilespmem:$0x1B000] =	vst v63  }
0xdb: {  	s3 =	simm.s32 $0x180  }
0xdc: {  	[tilespmem:s0], [sflag:$0x2] =	stream.indirect.gather [hbm4b:s4+s24], $0x40, s3, s24, $0xb8;
	[tilespmem:$0x1B000] =	vst v63  }
0xdd: {  	_ =	swait.ge [sflag:s6], $0x2000  }
0xde: {  	[sflag:s6] =	ssyncset.done $0x0  }
0xdf: {  	[sflag:s6] =	ssyncadd.s32 $0xFFFFE000  }
0xe0: {  	_ =	swait.ge [sflag:s6], $0x2000  }
0xe1: {  	[sflag:s6] =	ssyncset.done $0x0  }
0xe2: {  	s31 =	simm.s32 $0x4000;
	[sflag:s6] =	ssyncadd.s32 $0xFFFFE000  }
0xe3: {  	[spmem:s1] =	stream.indirect.scatter.add.bf16 [tilespmem:s26], [sflag:$0x3], $0x40, s31, s24, $0xb8;
	[tilespmem:$0x1B000] =	vst v63  }
0xe4: {  	s3 =	simm.s32 $0x4080  }
0xe5: {  	[spmem:s1] =	stream.indirect.scatter.add.bf16 [tilespmem:s28], [sflag:$0x3], $0x40, s3, s24, $0xb8;
	[tilespmem:$0x1B000] =	vst v63  }
0xe6: {  	_ =	swait.ge [sflag:s7], $0x2000  }
0xe7: {  	[sflag:s7] =	ssyncset.done $0x0  }
0xe8: {  	[sflag:s7] =	ssyncadd.s32 $0xFFFFE000  }
0xe9: {  	_ =	swait.ge [sflag:s7], $0x2000  }
0xea: {  	[sflag:s7] =	ssyncset.done $0x0  }
0xeb: {  	s31 =	simm.s32 $0x200;
	[sflag:s7] =	ssyncadd.s32 $0xFFFFE000  }
0xec: {  	[tilespmem:s26], [sflag:$0x1] =	stream.indirect.gather [hbm4b:s4+s24], $0x40, s31, s24, $0xb8;
	[tilespmem:$0x1B000] =	vst v63  }
0xed: {  	s3 =	simm.s32 $0x280  }
0xee: {  	[tilespmem:s28], [sflag:$0x1] =	stream.indirect.gather [hbm4b:s4+s24], $0x40, s3, s24, $0xb8;
	[tilespmem:$0x1B000] =	vst v63  }
0xef: {  	_ =	swait.ge [sflag:s8], $0x2000  }
0xf0: {  	[sflag:s8] =	ssyncset.done $0x0  }
0xf1: {  	[sflag:s8] =	ssyncadd.s32 $0xFFFFE000  }
0xf2: {  	_ =	swait.ge [sflag:s8], $0x2000  }
0xf3: {  	[sflag:s8] =	ssyncset.done $0x0  }
0xf4: {  	s31 =	simm.s32 $0x4100;
	[sflag:s8] =	ssyncadd.s32 $0xFFFFE000  }
0xf5: {  	[spmem:s1] =	stream.indirect.scatter.add.bf16 [tilespmem:s30], [sflag:$0x4], $0x40, s31, s24, $0xb8;
	[tilespmem:$0x1B000] =	vst v63  }
0xf6: {  	s3 =	simm.s32 $0x4180  }
0xf7: {  	[spmem:s1] =	stream.indirect.scatter.add.bf16 [tilespmem:s0], [sflag:$0x4], $0x40, s3, s24, $0xb8;
	[tilespmem:$0x1B000] =	vst v63  }
0xf8: {  	_ =	swait.ge [sflag:s9], $0x2000  }
0xf9: {  	p1 =	por $0x0, $0x0;
	[sflag:s9] =	ssyncset.done $0x0  }
.Ltmp6:
0xfa: {  	[sflag:s9] =	ssyncadd.s32 $0xFFFFE000;
	(pc) =	sbr.rel @p1 .LBB2_6-.Ltmp6, $4  }
0xfb: {  	_ =	swait.ge [sflag:s9], $0x2000  }
0xfc: {  	s29 =	simm.s32 $0x800;
	[sflag:s9] =	ssyncset.done $0x0  }
0xfd: {  	s2 =	simm.s32 $0x380;
	s31 =	simm.s32 $0x300;
	[sflag:s9] =	ssyncadd.s32 $0xFFFFE000  }
0xfe: {  	[tilespmem:s30], [sflag:$0x2] =	stream.indirect.gather [hbm4b:s4+s24], $0x40, s31, s24, $0xb8;
	[tilespmem:$0x1B000] =	vst v63  }
.LBB2_5:
0xff: {  	[tilespmem:s0], [sflag:$0x2] =	stream.indirect.gather [hbm4b:s4+s24], $0x40, s2, s24, $0xb8;
	[tilespmem:$0x1B000] =	vst v63  }
0x100: {  	s2 =	smov.u32 s29  }
0x101: {  	p1 =	seq.s32 s29, $0xF000;
	s29 =	sadd.s32 $0x800, s29;
	_ =	swait.ge [sflag:s6], $0x2000  }
0x102: {  	[sflag:s6] =	ssyncset.done $0x0  }
0x103: {  	[sflag:s6] =	ssyncadd.s32 $0xFFFFE000  }
0x104: {  	_ =	swait.ge [sflag:s6], $0x2000  }
0x105: {  	s31 =	sshra.s32 s2, $0x2;
	[sflag:s6] =	ssyncset.done $0x0  }
0x106: {  	s2 =	sadd.s32 $0x4000, s31;
	[sflag:s6] =	ssyncadd.s32 $0xFFFFE000  }
0x107: {  	[spmem:s1] =	stream.indirect.scatter.add.bf16 [tilespmem:s26], [sflag:$0x3], $0x40, s2, s24, $0xb8;
	[tilespmem:$0x1B000] =	vst v63  }
0x108: {  	s2 =	sadd.s32 $0x4080, s31  }
0x109: {  	[spmem:s1] =	stream.indirect.scatter.add.bf16 [tilespmem:s28], [sflag:$0x3], $0x40, s2, s24, $0xb8;
	[tilespmem:$0x1B000] =	vst v63  }
0x10a: {  	_ =	swait.ge [sflag:s7], $0x2000  }
0x10b: {  	[sflag:s7] =	ssyncset.done $0x0  }
0x10c: {  	[sflag:s7] =	ssyncadd.s32 $0xFFFFE000  }
0x10d: {  	_ =	swait.ge [sflag:s7], $0x2000  }
0x10e: {  	[sflag:s7] =	ssyncset.done $0x0  }
0x10f: {  	s2 =	sadd.s32 $0x200, s31;
	[sflag:s7] =	ssyncadd.s32 $0xFFFFE000  }
0x110: {  	[tilespmem:s26], [sflag:$0x1] =	stream.indirect.gather [hbm4b:s4+s24], $0x40, s2, s24, $0xb8;
	[tilespmem:$0x1B000] =	vst v63  }
0x111: {  	s2 =	sadd.s32 $0x280, s31  }
0x112: {  	[tilespmem:s28], [sflag:$0x1] =	stream.indirect.gather [hbm4b:s4+s24], $0x40, s2, s24, $0xb8;
	[tilespmem:$0x1B000] =	vst v63  }
0x113: {  	_ =	swait.ge [sflag:s8], $0x2000  }
0x114: {  	[sflag:s8] =	ssyncset.done $0x0  }
0x115: {  	[sflag:s8] =	ssyncadd.s32 $0xFFFFE000  }
0x116: {  	_ =	swait.ge [sflag:s8], $0x2000  }
0x117: {  	[sflag:s8] =	ssyncset.done $0x0  }
0x118: {  	s2 =	sadd.s32 $0x4100, s31;
	[sflag:s8] =	ssyncadd.s32 $0xFFFFE000  }
0x119: {  	[spmem:s1] =	stream.indirect.scatter.add.bf16 [tilespmem:s30], [sflag:$0x4], $0x40, s2, s24, $0xb8;
	[tilespmem:$0x1B000] =	vst v63  }
0x11a: {  	s2 =	sadd.s32 $0x4180, s31  }
0x11b: {  	[spmem:s1] =	stream.indirect.scatter.add.bf16 [tilespmem:s0], [sflag:$0x4], $0x40, s2, s24, $0xb8;
	[tilespmem:$0x1B000] =	vst v63  }
0x11c: {  	_ =	swait.ge [sflag:s9], $0x2000  }
0x11d: {  	[sflag:s9] =	ssyncset.done $0x0  }
0x11e: {  	[sflag:s9] =	ssyncadd.s32 $0xFFFFE000  }
.Ltmp7:
0x11f: {  	_ =	swait.ge [sflag:s9], $0x2000;
	(pc) =	sbr.rel @!p1 .LBB2_5-.Ltmp7, $4  }
0x120: {  	[sflag:s9] =	ssyncset.done $0x0  }
0x121: {  	s2 =	sadd.s32 $0x300, s31;
	[sflag:s9] =	ssyncadd.s32 $0xFFFFE000  }
0x122: {  	[tilespmem:s30], [sflag:$0x2] =	stream.indirect.gather [hbm4b:s4+s24], $0x40, s2, s24, $0xb8;
	[tilespmem:$0x1B000] =	vst v63  }
0x123: {  	s2 =	sadd.s32 $0x380, s31  }
.Ltmp8:
0x124: {  	_ = 	snop;
	(pc) =	sbr.rel .LBB2_6-.Ltmp8, $1  }
0x125: {  	_ =	sdelay $0x3  }
.LBB2_11:
0x126: {  	_ =	sfence.sel $0x180000  }
0x127: {  	[bflag:$0x0] =	sbarrier.arrive $0xFFFF  }
0x128: {  	_ =	strace $0x9000004A  }
0x129: {  	s0 =	stileid.u32;
	[bflag:$0x2] =	sbarrier.arrive $0xFFFF  }
0x12a: {  	p0 =	sne.s32 s0, $0x0;
	s0 =	rddreg [dreg:$0x2]  }
0x12b: {  	s0 =	sadd.s32 @!p0 $0x100000, s0  }
0x12c: {  	[sflag:s0] =	ssyncadd.tile.s32 @!p0 $0x1;
	_ =	shalt  }
.Lfunc_end2:
_tile_overlayer_lowered:
.L_overlay_start_2:
0x12d: {  	(tag) =	ssettag $0x2  }
0x12e: {  	s0 =	rddreg [dreg:$0x0];
	s2 =	stileid.u32  }
0x12f: {  	s1 =	rddreg [dreg:$0x1];
	p0 =	sne.s32 s2, $0x0  }
0x130: {  	s3 =	rddreg [dreg:$0x2];
	[bflag:$0x3] =	sbarrier.arrive $0xFFFF;
	s2 =	simm.s32 @!p0 $0x1C05  }
0x131: {  	[timem:s3], [sflag:s2] =	dma.local @!p0 [hbm:s0], s1  }
0x132: {  	s0 =	simm.s32 @!p0 $0x5  }
0x133: {  	_ =	swait.ge @!p0 [sflag:s0], s1  }
0x134: {  	s1 =	ssub.s32 @!p0 $0x0, s1;
	[sflag:s0] =	ssyncset.done @!p0 $0x0  }
0x135: {  	[sflag:s0] =	ssyncadd.s32 @!p0 s1  }
0x136: {  	[bflag:$0x3] =	sbarrier.arrive $0xFFFF  }
0x137: {  	_ =	shalt  }

// kernel: kernel.17.cloned.1.call-start
scs
__scs_entry_jumppad:
0x0: {  	(pc) =	sbr.rel $0x88, $3  }
0x1: {  	(tag) =	ssettag $0x0;
	lr =	simm.s32 $0x1  }
0x2: {  	[smem:$0x3F89] =	sst lr;
	_ =	strace $0xD0000000  }
0x3: {  	_ = 	snop  }
0x4: {  	_ = 	snop  }
0x5: {  	_ = 	snop  }
0x6: {  	_ = 	snop  }
0x7: {  	_ = 	snop  }
__scs_overlays_trampoline_lowered:
0x8: {  	[smem:$0x3F98] =	sst s0  }
0x9: {  	[smem:$0x3F99] =	sst s1  }
0xa: {  	[smem:$0x3F9A] =	sst s2  }
0xb: {  	[smem:$0x3F9B] =	sst s3  }
0xc: {  	[smem:$0x3F9C] =	sst s4  }
0xd: {  	[smem:$0x3F9D] =	sst s5  }
0xe: {  	[smem:$0x3F9E] =	sst s6  }
0xf: {  	[smem:$0x3F9F] =	sst s7  }
0x10: {  	[smem:$0x3FA0] =	sst s8  }
0x11: {  	[smem:$0x3FA1] =	sst s9;
	s0 =	simm.s32 @!p0 $0x0  }
0x12: {  	s1 =	sld [smem:$0x3F87];
	s0 =	simm.s32 @p0 $0x1  }
0x13: {  	[smem:$0x3FA2] =	sst s0;
	s0 =	simm.s32 @!p1 $0x0  }
0x14: {  	s2 =	sld [smem:$0x3F86];
	s0 =	simm.s32 @p1 $0x1  }
0x15: {  	[smem:$0x3FA3] =	sst s0;
	s0 =	simm.s32 @!p2 $0x0  }
0x16: {  	s3 =	sld [smem:$0x3FDB];
	s0 =	simm.s32 @p2 $0x1  }
0x17: {  	s4 =	simm.s32 $0x1BF5;
	[smem:$0x3FA5] =	sst s0  }
0x18: {  	s0 =	sld [smem:$0x3F88];
	_ =	swait.ge [sflag:s4], $0x0  }
0x19: {  	s7 =	sld [smem:$0x3F89]  }
0x1a: {  	s8 =	sadd.s32 $0xFFFFE003, lr  }
0x1b: {  	s9 =	sadd.s32 $0xFFFFFEF7, lr;
	s5 =	simm.s32 $0xFFFFFFFF;
	p2 =	slt.u32 s8, $0xFFFFF086  }
0x1c: {  	p1 =	slt.u32 s9, $0xF7A;
	s5 =	simm.s32 @!p2 $0x0  }
0x1d: {  	s5 =	simm.s32 @p1 $0x1;
	p0 =	seq.s32 s7, s2  }
0x1e: {  	s7 =	smul.u32 @!p0 $0xF7A, s2;
	p2 =	seq.s32 @!p0 s5, $0x0  }
0x1f: {  	s9 =	smul.u32 $0xF7A, s1;
	s8 =	simm.s32 @!p0 $0x1BF5;
	p2 =	por !p2, p0  }
0x20: {  	[sflag:s8] =	ssyncset.s32 @!p0 $0xFFFFF086;
	s6 =	sadd.s32 @!p0 s3, s7;
	s7 =	simm.s32 @!p0 $0x108  }
0x21: {  	s3 =	sadd.s32 s3, s9;
	s6 =	sadd.s32 @!p0 $0x88, s6;
	s7 =	simm.s32 @p2 $0x1082  }
0x22: {  	[simem:s7], [sflag:s8] =	dma.local @!p0 [hbm:s6], $0xF7A  }
0x23: {  	s9 =	sor.u32 $0xD0000000, s2;
	s6 =	simm.s32 $0x108;
	_ =	swait.ge @!p0 [sflag:s8], $0x0  }
0x24: {  	s3 =	sadd.s32 $0x88, s3;
	s6 =	simm.s32 @!p1 $0x1082;
	[sflag:s4] =	ssyncset.s32 $0xFFFFF086  }
0x25: {  	[simem:s6], [sflag:s4] =	dma.local [hbm:s3], $0xF7A  }
0x26: {  	[smem:$0x3F89] =	sst s1;
	(tag) =	ssettag s2;
	_ =	strace s9  }
0x27: {  	s1 =	sld [smem:$0x3F99]  }
0x28: {  	s2 =	sld [smem:$0x3F9A]  }
0x29: {  	s4 =	sld [smem:$0x3F9C]  }
0x2a: {  	p0 =	seq.s32 s5, $0x0;
	s5 =	sld [smem:$0x3F9D]  }
0x2b: {  	s6 =	sld [smem:$0x3F9E]  }
0x2c: {  	s7 =	sld [smem:$0x3F9F]  }
0x2d: {  	s3 =	simm.s32 $0x108;
	s8 =	sld [smem:$0x3FA0]  }
0x2e: {  	s3 =	simm.s32 @!p0 $0x1082;
	s9 =	sld [smem:$0x3FA1]  }
0x2f: {  	lr =	sadd.s32 s0, s3;
	s0 =	sld [smem:$0x3F98]  }
0x30: {  	s3 =	sld [smem:$0x3F9B]  }
0x31: {  	[smem:$0x3FA4] =	sst s10  }
0x32: {  	s10 =	sld [smem:$0x3FA2];
	_ =	sdelay $0x3  }
0x33: {  	p0 =	seq.s32 s10, $0x1;
	s10 =	sld [smem:$0x3FA4];
	_ =	sdelay $0x3  }
0x34: {  	[smem:$0x3FA4] =	sst s10  }
0x35: {  	s10 =	sld [smem:$0x3FA3];
	_ =	sdelay $0x3  }
0x36: {  	p1 =	seq.s32 s10, $0x1;
	s10 =	sld [smem:$0x3FA4];
	_ =	sdelay $0x3  }
0x37: {  	[smem:$0x3FA4] =	sst s10  }
0x38: {  	s10 =	sld [smem:$0x3FA5]  }
0x39: {  	_ = 	snop;
	(pc) =	sbr.ind lr, $3  }
0x3a: {  	_ = 	snop  }
0x3b: {  	_ = 	snop  }
0x3c: {  	p2 =	seq.s32 s10, $0x1;
	s10 =	sld [smem:$0x3FA4]  }
0x3d: {  	_ =	shalt  }
0x3e: {  	_ =	shalt  }
0x3f: {  	_ =	shalt  }
0x40: {  	_ =	shalt  }
0x41: {  	_ =	shalt  }
0x42: {  	_ =	shalt  }
0x43: {  	_ =	shalt  }
0x44: {  	_ =	shalt  }
0x45: {  	_ =	shalt  }
0x46: {  	_ =	shalt  }
0x47: {  	_ =	shalt  }
0x48: {  	_ =	shalt  }
0x49: {  	_ =	shalt  }
0x4a: {  	_ =	shalt  }
0x4b: {  	_ =	shalt  }
0x4c: {  	_ =	shalt  }
0x4d: {  	_ =	shalt  }
0x4e: {  	_ =	shalt  }
0x4f: {  	_ =	shalt  }
0x50: {  	_ =	shalt  }
0x51: {  	_ =	shalt  }
0x52: {  	_ =	shalt  }
0x53: {  	_ =	shalt  }
0x54: {  	_ =	shalt  }
0x55: {  	_ =	shalt  }
0x56: {  	_ =	shalt  }
0x57: {  	_ =	shalt  }
0x58: {  	_ =	shalt  }
0x59: {  	_ =	shalt  }
0x5a: {  	_ =	shalt  }
0x5b: {  	_ =	shalt  }
0x5c: {  	_ =	shalt  }
0x5d: {  	_ =	shalt  }
0x5e: {  	_ =	shalt  }
0x5f: {  	_ =	shalt  }
0x60: {  	_ =	shalt  }
0x61: {  	_ =	shalt  }
0x62: {  	_ =	shalt  }
0x63: {  	_ =	shalt  }
0x64: {  	_ =	shalt  }
0x65: {  	_ =	shalt  }
0x66: {  	_ =	shalt  }
0x67: {  	_ =	shalt  }
0x68: {  	_ =	shalt  }
0x69: {  	_ =	shalt  }
0x6a: {  	_ =	shalt  }
0x6b: {  	_ =	shalt  }
0x6c: {  	_ =	shalt  }
0x6d: {  	_ =	shalt  }
0x6e: {  	_ =	shalt  }
0x6f: {  	_ =	shalt  }
0x70: {  	_ =	shalt  }
0x71: {  	_ =	shalt  }
0x72: {  	_ =	shalt  }
0x73: {  	_ =	shalt  }
0x74: {  	_ =	shalt  }
0x75: {  	_ =	shalt  }
0x76: {  	_ =	shalt  }
0x77: {  	_ =	shalt  }
0x78: {  	_ =	shalt  }
0x79: {  	_ =	shalt  }
0x7a: {  	_ =	shalt  }
0x7b: {  	_ =	shalt  }
0x7c: {  	_ =	shalt  }
0x7d: {  	_ =	shalt  }
0x7e: {  	_ =	shalt  }
0x7f: {  	_ =	shalt  }
0x80: {  	_ =	shalt  }
0x81: {  	_ =	shalt  }
0x82: {  	_ =	shalt  }
0x83: {  	_ =	shalt  }
0x84: {  	_ =	shalt  }
0x85: {  	_ =	shalt  }
0x86: {  	_ =	shalt  }
0x87: {  	_ =	shalt  }
.Lfunc_end0:
.L_simem_size_0:
called_computation.2_lowered:
.L_overlay_start_0:
0x88: {  	s2 =	sld [smem:$0x3FD9]  }
0x89: {  	s3 =	sld [smem:$0x3FFE];
	_ =	sdelay $0x1  }
0x8a: {  	s1 =	srdreg.scid  }
0x8b: {  	s0 =	sand.u32 $0x1, s1  }
0x8c: {  	s16 =	sshll.u32 s0, $0xA;
	s2 =	sadd.s32 s3, s2  }
0x8d: {  	s2 =	sadd.s32 s2, s16  }
0x8e: {  	[smem:$0x3FB0] =	sst s2  }
0x8f: {  	_ = 	snop  }
0x90: {  	(tm) =	ssettm $0x1  }
0x91: {  	s17 =	sld [smem:$0x3FFB];
	_ =	sdelay $0x3  }
0x92: {  	_ =	strace s17  }
0x93: {  	s2 =	sld [smem:$0x3FFC];
	_ =	sdelay $0x3  }
0x94: {  	_ =	strace s2  }
0x95: {  	s2 =	sld [smem:$0x3FFD];
	_ =	sdelay $0x3  }
0x96: {  	_ =	strace s2  }
0x97: {  	_ =	strace $0x8FFFFFFF  }
0x98: {  	s18 =	sld [smem:$0x3FDB];
	_ =	sdelay $0x1  }
0x99: {  	s19 =	simm.s32 $_scs_section_size  }
0x9a: {  	s4 =	simm.s32 $_size__tile_overlayer_lowered;
	s5 =	simm.s32 $_tile_overlayer_lowered  }
0x9b: {  	s22 =	simm.s32 $0x1BFF;
	s21 =	sshll.u32 s5, $0x1;
	s2 =	sadd.s32 s19, s18  }
0x9c: {  	s6 =	simm.s32 $0x0;
	s20 =	sshll.u32 s4, $0x1;
	s4 =	sadd.s32 s21, s2  }
0x9d: {  	[timem:s6], [sflag:s22] =	dma.local [hbm:s4], s20  }
0x9e: {  	_ =	swait.ge [sflag:s22], s20  }
0x9f: {  	s3 =	ssub.s32 $0x0, s20;
	[sflag:s22] =	ssyncset.done $0x0  }
0xa0: {  	[sflag:s22] =	ssyncadd.s32 s3;
	_ =	sdelay $0x1  }
0xa1: {  	s23 =	simm.s32 $0x1B8B  }
0xa2: {  	_ =	swait.ge [sflag:s23], $0x1  }
0xa3: {  	[sflag:s23] =	ssyncset.done $0x0  }
0xa4: {  	s25 =	simm.s32 $0x1B8E;
	s24 =	sld [smem:$0x3FFE];
	[sflag:s23] =	ssyncadd.s32 $0xFFFFFFFF  }
0xa5: {  	s26 =	simm.s32 $execute0_lowered;
	[smem:$0x3FD2] =	sst s25  }
0xa6: {  	s4 =	sshll.u32 s26, $0x1;
	_ =	strace $0x8000004C;
	[dreg:$0x1] =	wrdreg $0xFFFFFFFF  }
0xa7: {  	s28 =	simm.s32 $_size_execute0_lowered;
	s2 =	sadd.s32 s2, s4;
	[dreg:$0x0] =	wrdreg $0x0  }
0xa8: {  	s4 =	sshll.u32 s28, $0x1;
	[dreg:$0x2] =	wrdreg s2  }
0xa9: {  	[dreg:$0x3] =	wrdreg s4  }
0xaa: {  	[dreg:$0x4] =	wrdreg $0xC0  }
0xab: {  	_ =	task [dreg:s6], $0x5FFFF  }
0xac: {  	[dreg:$0x1] =	wrdreg $0xFFFFFFFF  }
0xad: {  	[dreg:$0x0] =	wrdreg $0x60  }
0xae: {  	[dreg:$0x2] =	wrdreg s24  }
0xaf: {  	[dreg:$0x3] =	wrdreg $0x110000  }
0xb0: {  	[dreg:$0x4] =	wrdreg $0x9  }
0xb1: {  	_ =	task.clear_ibuf [dreg:s6], $0x5FFFF;
	_ =	strace $0x9000004C  }
0xb2: {  	s29 =	simm.s32 $0x9;
	_ =	strace $0x8000004E  }
0xb3: {  	_ =	swait.ge [sflag:s29], $0x1  }
0xb4: {  	[sflag:s29] =	ssyncadd.s32 $0xFFFFFFFF  }
0xb5: {  	_ =	strace $0x9000004E  }
0xb6: {  	_ =	sfence  }
0xb7: {  	s30 =	sld [smem:$0x0];
	_ =	sdelay $0x2  }
0xb8: {  	s31 =	sshll.u32 s1, $0xD;
	s1 =	sshrl.u32 s1, $0x2  }
0xb9: {  	s3 =	sand.u32 $0x4000, s31;
	s1 =	sadd.s32 s1, s30  }
0xba: {  	s0 =	sor.u32 s3, s0;
	s1 =	sshll.u32 s1, $0x11  }
0xbb: {  	s0 =	sor.u32 s1, s0  }
0xbc: {  	s0 =	sadd.s32 $0x8F2B, s0  }
0xbd: {  	[sflag:s0] =	ssyncadd.remote.s32 $0x1  }
0xbe: {  	_ =	sfence.sel $0xFFFF  }
0xbf: {  	[dreg:$0x0] =	wrdreg $0xFFFFFFFF;
	(pc) =	sbr.abs _section_cstart, $3  }
0xc0: {  	[dreg:$0x1] =	wrdreg $0xFFFFFFFF  }
0xc1: {  	_ =	task.clear_ibuf [dreg:s6], $0x2FFFF;
	_ =	strace $0x9FFFFFFF  }
0xc2: {  	(tm) =	ssettm $0x7FFFFFFF  }
0xc3: {  	_ =	shalt  }
tec
execute0_lowered:
.L_overlay_start_1:
0x0: {  	(tag) =	ssettag $0x1  }
0x1: {  	s0 =	rddreg [dreg:$0x0]  }
0x2: {  	s1 =	rddreg [dreg:$0x1];
	s2 =	srdreg.scid;
	s4 =	simm.s32 $0x0  }
0x3: {  	s10 =	stileid.u32;
	s21 =	simm.s32 $0x10000;
	s22 =	simm.s32 $0x5  }
0x4: {  	s28 =	simm.s32 $0xA000;
	s30 =	simm.s32 $0xC000;
	s2 =	sand.u32 $0x1, s2  }
0x5: {  	[smem:$0x7FF] =	sst s4;
	s6 =	smul.u32 $0x14000, s10;
	s4 =	sadd.s32 $0x1CC00, s0  }
0x6: {  	s7 =	sadd.s32 $0x3C00, s0;
	s5 =	smul.u32 $0x28000, s10;
	s8 =	sadd.s32 $0x12C00, s0  }
0x7: {  	s24 =	sshll.u32 s10, $0x9;
	s25 =	sshll.u32 s10, $0xB;
	s3 =	smul.u32 $0x140000, s2  }
0x8: {  	_ =	strace $0x8000004D;
	s9 =	ssub.s32 $0x2, s2;
	s10 =	sadd.s32 s7, s25  }
0x9: {  	p0 =	seq.s32 s2, $0x1;
	s2 =	sadd.s32 s8, s25;
	[dreg:$0x3] =	wrdreg s10  }
0xa: {  	s23 =	sshrl.u32 s9, $0x1;
	s5 =	sshrl.u32 s5, $0x2;
	[dreg:$0x4] =	wrdreg s2  }
0xb: {  	s31 =	sshrl.u32 s6, $0x1;
	s3 =	sadd.s32 s6, s3;
	s5 =	sadd.s32 s5, s1  }
0xc: {  	s6 =	simm.s32 $0x1;
	s3 =	sshrl.u32 s3, $0x4;
	s12 =	sadd.s32 $0x1000, s5  }
0xd: {  	s13 =	sadd.s32 $0x2000, s5;
	s14 =	sadd.s32 $0x3000, s5;
	s15 =	sadd.s32 $0x4000, s5  }
0xe: {  	s16 =	sadd.s32 $0x5000, s5;
	s17 =	sadd.s32 $0x6000, s5;
	s18 =	sadd.s32 $0x7000, s5  }
0xf: {  	s19 =	sadd.s32 $0x8000, s5;
	s20 =	sadd.s32 $0x9000, s5;
	s0 =	sadd.s32 s3, s0  }
0x10: {  	s3 =	ssub.s32 s9, s23;
	s9 =	sor.u32 $0x8000, s24;
	s24 =	simm.s32 $0x80  }
.Ltmp0:
0x11: {  	s23 =	simm.s32 $0x0;
	s26 =	sadd.s32 s7, s9;
	(pc) =	sbr.rel .LBB2_1-.Ltmp0, $4  }
0x12: {  	s29 =	sadd.s32 s8, s9;
	s10 =	sadd.s32 $0x30600, s0;
	s0 =	sadd.s32 s31, s1  }
0x13: {  	s11 =	smax.u32 s3, $0x1;
	s7 =	simm.s32 $0x3;
	[dreg:$0x5] =	wrdreg s26  }
0x14: {  	s8 =	simm.s32 $0x2;
	s9 =	simm.s32 $0x4;
	[dreg:$0x6] =	wrdreg s29  }
0x15: {  	v0 =	vimm.bf16 $0.0e+00;
	s25 =	sshrl.u32 s0, $0x3;
	s26 =	simm.s32 $0x8000;
	s0 =	simm.s32 $0xE000  }
.LBB2_6:
0x16: {  	[tilespmem:s0], [sflag:$0x2] =	stream.indirect.gather [hbm4b:s4+s24], $0x40, s2, s24, $0xb8;
	[tilespmem:$0x1B000] =	vst v63  }
0x17: {  	s29 =	simm.s32 $0x7F80  }
0x18: {  	s31 =	simm.s32 $0x7F00;
	s2 =	simm.s32 $0x7E80;
	s3 =	simm.s32 $0x7E00  }
.LBB2_10:
0x19: {  	_ =	swait.ge [sflag:s6], $0x2000  }
0x1a: {  	[sflag:s6] =	ssyncset.done $0x0  }
0x1b: {  	[sflag:s6] =	ssyncadd.s32 $0xFFFFE000  }
0x1c: {  	_ =	swait.ge [sflag:s6], $0x2000  }
0x1d: {  	[sflag:s6] =	ssyncset.done $0x0  }
0x1e: {  	[sflag:s6] =	ssyncadd.s32 $0xFFFFE000  }
0x1f: {  	[spmem:s1] =	stream.indirect.scatter.add.bf16 [tilespmem:s26], [sflag:$0x3], $0x40, s3, s24, $0xb8;
	[tilespmem:$0x1B000] =	vst v63  }
0x20: {  	_ = 	snop  }
0x21: {  	[spmem:s1] =	stream.indirect.scatter.add.bf16 [tilespmem:s28], [sflag:$0x3], $0x40, s2, s24, $0xb8;
	[tilespmem:$0x1B000] =	vst v63  }
0x22: {  	_ =	swait.ge [sflag:s7], $0x2000  }
0x23: {  	[sflag:s7] =	ssyncset.done $0x0  }
0x24: {  	[sflag:s7] =	ssyncadd.s32 $0xFFFFE000  }
0x25: {  	_ =	swait.ge [sflag:s7], $0x2000  }
0x26: {  	[sflag:s7] =	ssyncset.done $0x0  }
0x27: {  	[sflag:s7] =	ssyncadd.s32 $0xFFFFE000  }
0x28: {  	_ =	swait.ge [sflag:s8], $0x2000  }
0x29: {  	[sflag:s8] =	ssyncset.done $0x0  }
0x2a: {  	[sflag:s8] =	ssyncadd.s32 $0xFFFFE000  }
0x2b: {  	_ =	swait.ge [sflag:s8], $0x2000  }
0x2c: {  	[sflag:s8] =	ssyncset.done $0x0  }
0x2d: {  	[sflag:s8] =	ssyncadd.s32 $0xFFFFE000  }
0x2e: {  	[spmem:s1] =	stream.indirect.scatter.add.bf16 [tilespmem:s30], [sflag:$0x4], $0x40, s31, s24, $0xb8;
	[tilespmem:$0x1B000] =	vst v63  }
0x2f: {  	_ = 	snop  }
0x30: {  	[spmem:s1] =	stream.indirect.scatter.add.bf16 [tilespmem:s0], [sflag:$0x4], $0x40, s29, s24, $0xb8;
	[tilespmem:$0x1B000] =	vst v63  }
0x31: {  	_ =	swait.ge [sflag:s9], $0x2000  }
0x32: {  	[sflag:s9] =	ssyncset.done $0x0  }
0x33: {  	[sflag:s9] =	ssyncadd.s32 $0xFFFFE000  }
0x34: {  	_ =	swait.ge [sflag:s9], $0x2000  }
0x35: {  	s23 =	sadd.s32 $0x1, s23;
	s31 =	stileid.u32;
	[sflag:s9] =	ssyncset.done $0x0  }
0x36: {  	p1 =	sne.s32 s23, s11;
	s2 =	sshll.u32 s31, $0x6;
	[sflag:s9] =	ssyncadd.s32 $0xFFFFE000  }
.Ltmp1:
0x37: {  	s2 =	sor.u32 $0x1C05, s2;
	[bflag:$0x0] =	sbarrier.arrive $0xFFFF;
	(pc) =	sbr.rel @!p1 .LBB2_11-.Ltmp1, $4  }
0x38: {  	[hbm:s10], [sflag:s2] =	dma.local [spmem:s25], $0x1400  }
0x39: {  	_ =	swait.ge [sflag:s22], $0x1400  }
0x3a: {  	[sflag:s22] =	ssyncset.done $0x0  }
0x3b: {  	[sflag:s22] =	ssyncadd.s32 $0xFFFFEC00  }
.LBB2_1:
0x3c: {  	s3 =	simm.s32 $0x0  }
0x3d: {  	s2 =	sand.u32 $0x3F00, s3;
	s3 =	sand.u32 $0x60, s3  }
0x3e: {  	s2 =	sshrl.u32 s2, $0x2;
	s3 =	sshrl.u32 s3, $0x1  }
0x3f: {  	s2 =	sor.u32 s3, s2  }
0x40: {  	s29 =	simm.s32 $0x40;
	s31 =	simm.s32 $0x0;
	[tilespmem:s2+$0x10000] =	vst v0  }
.LBB2_2:
0x41: {  	p1 =	sne.s32 s29, $0x3FC0  }
.Ltmp2:
0x42: {  	s2 =	sand.u32 $0x3F00, s29;
	s31 =	sadd.s32 $0x20, s31;
	(pc) =	sbr.rel @p1 .LBB2_2-.Ltmp2, $4  }
0x43: {  	s29 =	sadd.s32 $0x40, s29;
	s3 =	sand.u32 $0x60, s31  }
0x44: {  	s2 =	sshrl.u32 s2, $0x2;
	s3 =	sshrl.u32 s3, $0x1  }
0x45: {  	s2 =	sor.u32 s3, s2  }
0x46: {  	[tilespmem:s2+$0x10000] =	vst v0  }
0x47: {  	[spmem:s5] =	stream.linear.scatter [tilespmem:s21], [sflag:$0x5], $0x1000, $0x38;
	[tilespmem:$0x1B000] =	vst v63  }
0x48: {  	_ =	swait.ge [sflag:s22], $0x1000  }
0x49: {  	[sflag:s22] =	ssyncset.done $0x0  }
0x4a: {  	[sflag:s22] =	ssyncadd.s32 $0xFFFFF000  }
0x4b: {  	[spmem:s12] =	stream.linear.scatter [tilespmem:s21], [sflag:$0x5], $0x1000, $0x38;
	[tilespmem:$0x1B000] =	vst v63  }
0x4c: {  	_ =	swait.ge [sflag:s22], $0x1000  }
0x4d: {  	[sflag:s22] =	ssyncset.done $0x0  }
0x4e: {  	[sflag:s22] =	ssyncadd.s32 $0xFFFFF000  }
0x4f: {  	[spmem:s13] =	stream.linear.scatter [tilespmem:s21], [sflag:$0x5], $0x1000, $0x38;
	[tilespmem:$0x1B000] =	vst v63  }
0x50: {  	_ =	swait.ge [sflag:s22], $0x1000  }
0x51: {  	[sflag:s22] =	ssyncset.done $0x0  }
0x52: {  	[sflag:s22] =	ssyncadd.s32 $0xFFFFF000  }
0x53: {  	[spmem:s14] =	stream.linear.scatter [tilespmem:s21], [sflag:$0x5], $0x1000, $0x38;
	[tilespmem:$0x1B000] =	vst v63  }
0x54: {  	_ =	swait.ge [sflag:s22], $0x1000  }
0x55: {  	[sflag:s22] =	ssyncset.done $0x0  }
0x56: {  	[sflag:s22] =	ssyncadd.s32 $0xFFFFF000  }
0x57: {  	[spmem:s15] =	stream.linear.scatter [tilespmem:s21], [sflag:$0x5], $0x1000, $0x38;
	[tilespmem:$0x1B000] =	vst v63  }
0x58: {  	_ =	swait.ge [sflag:s22], $0x1000  }
0x59: {  	[sflag:s22] =	ssyncset.done $0x0  }
0x5a: {  	[sflag:s22] =	ssyncadd.s32 $0xFFFFF000  }
0x5b: {  	[spmem:s16] =	stream.linear.scatter [tilespmem:s21], [sflag:$0x5], $0x1000, $0x38;
	[tilespmem:$0x1B000] =	vst v63  }
0x5c: {  	_ =	swait.ge [sflag:s22], $0x1000  }
0x5d: {  	[sflag:s22] =	ssyncset.done $0x0  }
0x5e: {  	[sflag:s22] =	ssyncadd.s32 $0xFFFFF000  }
0x5f: {  	[spmem:s17] =	stream.linear.scatter [tilespmem:s21], [sflag:$0x5], $0x1000, $0x38;
	[tilespmem:$0x1B000] =	vst v63  }
0x60: {  	_ =	swait.ge [sflag:s22], $0x1000  }
0x61: {  	[sflag:s22] =	ssyncset.done $0x0  }
0x62: {  	[sflag:s22] =	ssyncadd.s32 $0xFFFFF000  }
0x63: {  	[spmem:s18] =	stream.linear.scatter [tilespmem:s21], [sflag:$0x5], $0x1000, $0x38;
	[tilespmem:$0x1B000] =	vst v63  }
0x64: {  	_ =	swait.ge [sflag:s22], $0x1000  }
0x65: {  	[sflag:s22] =	ssyncset.done $0x0  }
0x66: {  	[sflag:s22] =	ssyncadd.s32 $0xFFFFF000  }
0x67: {  	[spmem:s19] =	stream.linear.scatter [tilespmem:s21], [sflag:$0x5], $0x1000, $0x38;
	[tilespmem:$0x1B000] =	vst v63  }
0x68: {  	_ =	swait.ge [sflag:s22], $0x1000  }
0x69: {  	[sflag:s22] =	ssyncset.done $0x0  }
0x6a: {  	[sflag:s22] =	ssyncadd.s32 $0xFFFFF000  }
0x6b: {  	[spmem:s20] =	stream.linear.scatter [tilespmem:s21], [sflag:$0x5], $0x1000, $0x38;
	[tilespmem:$0x1B000] =	vst v63  }
.Ltmp3:
0x6c: {  	_ =	swait.ge [sflag:s22], $0x1000;
	(pc) =	sbr.rel @!p0 .LBB2_4-.Ltmp3, $4  }
0x6d: {  	[sflag:s22] =	ssyncset.done $0x0  }
0x6e: {  	[sflag:s22] =	ssyncadd.s32 $0xFFFFF000  }
0x6f: {  	[bflag:$0x0] =	sbarrier.arrive $0xFFFF  }
0x70: {  	s2 =	simm.s32 $0x0  }
0x71: {  	s3 =	rddreg [dreg:$0x5]  }
0x72: {  	[tilespmem:s2], [sflag:$0x5] =	stream.linear.gather [hbm4b:s3+s2], $0x1000, $0x38;
	[tilespmem:$0x1B000] =	vst v63  }
0x73: {  	_ =	swait.ge [sflag:s22], $0x1000  }
0x74: {  	[sflag:s22] =	ssyncset.done $0x0  }
0x75: {  	s29 =	simm.s32 $0x4000;
	s31 =	rddreg [dreg:$0x6];
	[sflag:s22] =	ssyncadd.s32 $0xFFFFF000  }
0x76: {  	[tilespmem:s29], [sflag:$0x5] =	stream.linear.gather [hbm4b:s31+s2], $0x1000, $0x38;
	[tilespmem:$0x1B000] =	vst v63  }
0x77: {  	_ =	swait.ge [sflag:s22], $0x1000  }
0x78: {  	[sflag:s22] =	ssyncset.done $0x0  }
0x79: {  	[sflag:s22] =	ssyncadd.s32 $0xFFFFF000  }
0x7a: {  	[tilespmem:s26], [sflag:$0x1] =	stream.indirect.gather [hbm4b:s4+s24], $0x40, s2, s24, $0xb8;
	[tilespmem:$0x1B000] =	vst v63  }
0x7b: {  	_ = 	snop  }
0x7c: {  	[tilespmem:s28], [sflag:$0x1] =	stream.indirect.gather [hbm4b:s4+s24], $0x40, s24, s24, $0xb8;
	[tilespmem:$0x1B000] =	vst v63  }
0x7d: {  	s31 =	simm.s32 $0x100  }
0x7e: {  	[tilespmem:s30], [sflag:$0x2] =	stream.indirect.gather [hbm4b:s4+s24], $0x40, s31, s24, $0xb8;
	[tilespmem:$0x1B000] =	vst v63  }
0x7f: {  	s3 =	simm.s32 $0x180  }
0x80: {  	[tilespmem:s0], [sflag:$0x2] =	stream.indirect.gather [hbm4b:s4+s24], $0x40, s3, s24, $0xb8;
	[tilespmem:$0x1B000] =	vst v63  }
0x81: {  	_ =	swait.ge [sflag:s6], $0x2000  }
0x82: {  	[sflag:s6] =	ssyncset.done $0x0  }
0x83: {  	[sflag:s6] =	ssyncadd.s32 $0xFFFFE000  }
0x84: {  	_ =	swait.ge [sflag:s6], $0x2000  }
0x85: {  	[sflag:s6] =	ssyncset.done $0x0  }
0x86: {  	s31 =	simm.s32 $0x4000;
	[sflag:s6] =	ssyncadd.s32 $0xFFFFE000  }
0x87: {  	[spmem:s1] =	stream.indirect.scatter.add.bf16 [tilespmem:s26], [sflag:$0x3], $0x40, s31, s24, $0xb8;
	[tilespmem:$0x1B000] =	vst v63  }
0x88: {  	s3 =	simm.s32 $0x4080  }
0x89: {  	[spmem:s1] =	stream.indirect.scatter.add.bf16 [tilespmem:s28], [sflag:$0x3], $0x40, s3, s24, $0xb8;
	[tilespmem:$0x1B000] =	vst v63  }
0x8a: {  	_ =	swait.ge [sflag:s7], $0x2000  }
0x8b: {  	[sflag:s7] =	ssyncset.done $0x0  }
0x8c: {  	[sflag:s7] =	ssyncadd.s32 $0xFFFFE000  }
0x8d: {  	_ =	swait.ge [sflag:s7], $0x2000  }
0x8e: {  	[sflag:s7] =	ssyncset.done $0x0  }
0x8f: {  	s31 =	simm.s32 $0x200;
	[sflag:s7] =	ssyncadd.s32 $0xFFFFE000  }
0x90: {  	[tilespmem:s26], [sflag:$0x1] =	stream.indirect.gather [hbm4b:s4+s24], $0x40, s31, s24, $0xb8;
	[tilespmem:$0x1B000] =	vst v63  }
0x91: {  	s3 =	simm.s32 $0x280  }
0x92: {  	[tilespmem:s28], [sflag:$0x1] =	stream.indirect.gather [hbm4b:s4+s24], $0x40, s3, s24, $0xb8;
	[tilespmem:$0x1B000] =	vst v63  }
0x93: {  	_ =	swait.ge [sflag:s8], $0x2000  }
0x94: {  	[sflag:s8] =	ssyncset.done $0x0  }
0x95: {  	[sflag:s8] =	ssyncadd.s32 $0xFFFFE000  }
0x96: {  	_ =	swait.ge [sflag:s8], $0x2000  }
0x97: {  	[sflag:s8] =	ssyncset.done $0x0  }
0x98: {  	s31 =	simm.s32 $0x4100;
	[sflag:s8] =	ssyncadd.s32 $0xFFFFE000  }
0x99: {  	[spmem:s1] =	stream.indirect.scatter.add.bf16 [tilespmem:s30], [sflag:$0x4], $0x40, s31, s24, $0xb8;
	[tilespmem:$0x1B000] =	vst v63  }
0x9a: {  	s3 =	simm.s32 $0x4180  }
0x9b: {  	[spmem:s1] =	stream.indirect.scatter.add.bf16 [tilespmem:s0], [sflag:$0x4], $0x40, s3, s24, $0xb8;
	[tilespmem:$0x1B000] =	vst v63  }
0x9c: {  	_ =	swait.ge [sflag:s9], $0x2000  }
0x9d: {  	[sflag:s9] =	ssyncset.done $0x0  }
0x9e: {  	[sflag:s9] =	ssyncadd.s32 $0xFFFFE000  }
0x9f: {  	_ =	swait.ge [sflag:s9], $0x2000  }
0xa0: {  	s29 =	simm.s32 $0x800;
	[sflag:s9] =	ssyncset.done $0x0  }
0xa1: {  	s2 =	simm.s32 $0x380;
	s31 =	simm.s32 $0x300;
	[sflag:s9] =	ssyncadd.s32 $0xFFFFE000  }
0xa2: {  	[tilespmem:s30], [sflag:$0x2] =	stream.indirect.gather [hbm4b:s4+s24], $0x40, s31, s24, $0xb8;
	[tilespmem:$0x1B000] =	vst v63  }
.LBB2_8:
0xa3: {  	[tilespmem:s0], [sflag:$0x2] =	stream.indirect.gather [hbm4b:s4+s24], $0x40, s2, s24, $0xb8;
	[tilespmem:$0x1B000] =	vst v63  }
0xa4: {  	s2 =	smov.u32 s29  }
0xa5: {  	p1 =	sne.s32 s29, $0x3000;
	s29 =	sadd.s32 $0x800, s29;
	_ =	swait.ge [sflag:s6], $0x2000  }
0xa6: {  	[sflag:s6] =	ssyncset.done $0x0  }
0xa7: {  	[sflag:s6] =	ssyncadd.s32 $0xFFFFE000  }
0xa8: {  	_ =	swait.ge [sflag:s6], $0x2000  }
0xa9: {  	s31 =	sshra.s32 s2, $0x2;
	[sflag:s6] =	ssyncset.done $0x0  }
0xaa: {  	s2 =	sadd.s32 $0x4000, s31;
	[sflag:s6] =	ssyncadd.s32 $0xFFFFE000  }
0xab: {  	[spmem:s1] =	stream.indirect.scatter.add.bf16 [tilespmem:s26], [sflag:$0x3], $0x40, s2, s24, $0xb8;
	[tilespmem:$0x1B000] =	vst v63  }
0xac: {  	s2 =	sadd.s32 $0x4080, s31  }
0xad: {  	[spmem:s1] =	stream.indirect.scatter.add.bf16 [tilespmem:s28], [sflag:$0x3], $0x40, s2, s24, $0xb8;
	[tilespmem:$0x1B000] =	vst v63  }
0xae: {  	_ =	swait.ge [sflag:s7], $0x2000  }
0xaf: {  	[sflag:s7] =	ssyncset.done $0x0  }
0xb0: {  	[sflag:s7] =	ssyncadd.s32 $0xFFFFE000  }
0xb1: {  	_ =	swait.ge [sflag:s7], $0x2000  }
0xb2: {  	[sflag:s7] =	ssyncset.done $0x0  }
0xb3: {  	s2 =	sadd.s32 $0x200, s31;
	[sflag:s7] =	ssyncadd.s32 $0xFFFFE000  }
0xb4: {  	[tilespmem:s26], [sflag:$0x1] =	stream.indirect.gather [hbm4b:s4+s24], $0x40, s2, s24, $0xb8;
	[tilespmem:$0x1B000] =	vst v63  }
0xb5: {  	s2 =	sadd.s32 $0x280, s31  }
0xb6: {  	[tilespmem:s28], [sflag:$0x1] =	stream.indirect.gather [hbm4b:s4+s24], $0x40, s2, s24, $0xb8;
	[tilespmem:$0x1B000] =	vst v63  }
0xb7: {  	_ =	swait.ge [sflag:s8], $0x2000  }
0xb8: {  	[sflag:s8] =	ssyncset.done $0x0  }
0xb9: {  	[sflag:s8] =	ssyncadd.s32 $0xFFFFE000  }
0xba: {  	_ =	swait.ge [sflag:s8], $0x2000  }
0xbb: {  	[sflag:s8] =	ssyncset.done $0x0  }
0xbc: {  	s2 =	sadd.s32 $0x4100, s31;
	[sflag:s8] =	ssyncadd.s32 $0xFFFFE000  }
0xbd: {  	[spmem:s1] =	stream.indirect.scatter.add.bf16 [tilespmem:s30], [sflag:$0x4], $0x40, s2, s24, $0xb8;
	[tilespmem:$0x1B000] =	vst v63  }
0xbe: {  	s2 =	sadd.s32 $0x4180, s31  }
0xbf: {  	[spmem:s1] =	stream.indirect.scatter.add.bf16 [tilespmem:s0], [sflag:$0x4], $0x40, s2, s24, $0xb8;
	[tilespmem:$0x1B000] =	vst v63  }
0xc0: {  	_ =	swait.ge [sflag:s9], $0x2000  }
0xc1: {  	[sflag:s9] =	ssyncset.done $0x0  }
0xc2: {  	[sflag:s9] =	ssyncadd.s32 $0xFFFFE000  }
.Ltmp4:
0xc3: {  	_ =	swait.ge [sflag:s9], $0x2000;
	(pc) =	sbr.rel @p1 .LBB2_8-.Ltmp4, $4  }
0xc4: {  	[sflag:s9] =	ssyncset.done $0x0  }
0xc5: {  	s2 =	sadd.s32 $0x300, s31;
	[sflag:s9] =	ssyncadd.s32 $0xFFFFE000  }
0xc6: {  	[tilespmem:s30], [sflag:$0x2] =	stream.indirect.gather [hbm4b:s4+s24], $0x40, s2, s24, $0xb8;
	[tilespmem:$0x1B000] =	vst v63  }
0xc7: {  	s2 =	sadd.s32 $0x380, s31  }
.Ltmp5:
0xc8: {  	(pc) =	sbr.rel .LBB2_10-.Ltmp5, $4  }
0xc9: {  	_ = 	snop  }
0xca: {  	[tilespmem:s0], [sflag:$0x2] =	stream.indirect.gather [hbm4b:s4+s24], $0x40, s2, s24, $0xb8;
	[tilespmem:$0x1B000] =	vst v63  }
0xcb: {  	s29 =	simm.s32 $0x4F80  }
0xcc: {  	s31 =	simm.s32 $0x4F00;
	s2 =	simm.s32 $0x4E80;
	s3 =	simm.s32 $0x4E00  }
.LBB2_4:
0xcd: {  	s3 =	rddreg [dreg:$0x3]  }
0xce: {  	[tilespmem:s2], [sflag:$0x5] =	stream.linear.gather [hbm4b:s3+s2], $0x4000, $0x38;
	[tilespmem:$0x1B000] =	vst v63  }
0xcf: {  	_ =	swait.ge [sflag:s22], $0x4000  }
0xd0: {  	[sflag:s22] =	ssyncset.done $0x0  }
0xd1: {  	s29 =	simm.s32 $0x4000;
	s31 =	rddreg [dreg:$0x4];
	[sflag:s22] =	ssyncadd.s32 $0xFFFFC000  }
0xd2: {  	[tilespmem:s29], [sflag:$0x5] =	stream.linear.gather [hbm4b:s31+s2], $0x4000, $0x38;
	[tilespmem:$0x1B000] =	vst v63  }
0xd3: {  	_ =	swait.ge [sflag:s22], $0x4000  }
0xd4: {  	[sflag:s22] =	ssyncset.done $0x0  }
0xd5: {  	[sflag:s22] =	ssyncadd.s32 $0xFFFFC000  }
0xd6: {  	[tilespmem:s26], [sflag:$0x1] =	stream.indirect.gather [hbm4b:s4+s24], $0x40, s2, s24, $0xb8;
	[tilespmem:$0x1B000] =	vst v63  }
0xd7: {  	_ = 	snop  }
0xd8: {  	[tilespmem:s28], [sflag:$0x1] =	stream.indirect.gather [hbm4b:s4+s24], $0x40, s24, s24, $0xb8;
	[tilespmem:$0x1B000] =	vst v63  }
0xd9: {  	s31 =	simm.s32 $0x100  }
0xda: {  	[tilespmem:s30], [sflag:$0x2] =	stream.indirect.gather [hbm4b:s4+s24], $0x40, s31, s24, $0xb8;
	[tilespmem:$0x1B000] =	vst v63  }
0xdb: {  	s3 =	simm.s32 $0x180  }
0xdc: {  	[tilespmem:s0], [sflag:$0x2] =	stream.indirect.gather [hbm4b:s4+s24], $0x40, s3, s24, $0xb8;
	[tilespmem:$0x1B000] =	vst v63  }
0xdd: {  	_ =	swait.ge [sflag:s6], $0x2000  }
0xde: {  	[sflag:s6] =	ssyncset.done $0x0  }
0xdf: {  	[sflag:s6] =	ssyncadd.s32 $0xFFFFE000  }
0xe0: {  	_ =	swait.ge [sflag:s6], $0x2000  }
0xe1: {  	[sflag:s6] =	ssyncset.done $0x0  }
0xe2: {  	s31 =	simm.s32 $0x4000;
	[sflag:s6] =	ssyncadd.s32 $0xFFFFE000  }
0xe3: {  	[spmem:s1] =	stream.indirect.scatter.add.bf16 [tilespmem:s26], [sflag:$0x3], $0x40, s31, s24, $0xb8;
	[tilespmem:$0x1B000] =	vst v63  }
0xe4: {  	s3 =	simm.s32 $0x4080  }
0xe5: {  	[spmem:s1] =	stream.indirect.scatter.add.bf16 [tilespmem:s28], [sflag:$0x3], $0x40, s3, s24, $0xb8;
	[tilespmem:$0x1B000] =	vst v63  }
0xe6: {  	_ =	swait.ge [sflag:s7], $0x2000  }
0xe7: {  	[sflag:s7] =	ssyncset.done $0x0  }
0xe8: {  	[sflag:s7] =	ssyncadd.s32 $0xFFFFE000  }
0xe9: {  	_ =	swait.ge [sflag:s7], $0x2000  }
0xea: {  	[sflag:s7] =	ssyncset.done $0x0  }
0xeb: {  	s31 =	simm.s32 $0x200;
	[sflag:s7] =	ssyncadd.s32 $0xFFFFE000  }
0xec: {  	[tilespmem:s26], [sflag:$0x1] =	stream.indirect.gather [hbm4b:s4+s24], $0x40, s31, s24, $0xb8;
	[tilespmem:$0x1B000] =	vst v63  }
0xed: {  	s3 =	simm.s32 $0x280  }
0xee: {  	[tilespmem:s28], [sflag:$0x1] =	stream.indirect.gather [hbm4b:s4+s24], $0x40, s3, s24, $0xb8;
	[tilespmem:$0x1B000] =	vst v63  }
0xef: {  	_ =	swait.ge [sflag:s8], $0x2000  }
0xf0: {  	[sflag:s8] =	ssyncset.done $0x0  }
0xf1: {  	[sflag:s8] =	ssyncadd.s32 $0xFFFFE000  }
0xf2: {  	_ =	swait.ge [sflag:s8], $0x2000  }
0xf3: {  	[sflag:s8] =	ssyncset.done $0x0  }
0xf4: {  	s31 =	simm.s32 $0x4100;
	[sflag:s8] =	ssyncadd.s32 $0xFFFFE000  }
0xf5: {  	[spmem:s1] =	stream.indirect.scatter.add.bf16 [tilespmem:s30], [sflag:$0x4], $0x40, s31, s24, $0xb8;
	[tilespmem:$0x1B000] =	vst v63  }
0xf6: {  	s3 =	simm.s32 $0x4180  }
0xf7: {  	[spmem:s1] =	stream.indirect.scatter.add.bf16 [tilespmem:s0], [sflag:$0x4], $0x40, s3, s24, $0xb8;
	[tilespmem:$0x1B000] =	vst v63  }
0xf8: {  	_ =	swait.ge [sflag:s9], $0x2000  }
0xf9: {  	p1 =	por $0x0, $0x0;
	[sflag:s9] =	ssyncset.done $0x0  }
.Ltmp6:
0xfa: {  	[sflag:s9] =	ssyncadd.s32 $0xFFFFE000;
	(pc) =	sbr.rel @p1 .LBB2_6-.Ltmp6, $4  }
0xfb: {  	_ =	swait.ge [sflag:s9], $0x2000  }
0xfc: {  	s29 =	simm.s32 $0x800;
	[sflag:s9] =	ssyncset.done $0x0  }
0xfd: {  	s2 =	simm.s32 $0x380;
	s31 =	simm.s32 $0x300;
	[sflag:s9] =	ssyncadd.s32 $0xFFFFE000  }
0xfe: {  	[tilespmem:s30], [sflag:$0x2] =	stream.indirect.gather [hbm4b:s4+s24], $0x40, s31, s24, $0xb8;
	[tilespmem:$0x1B000] =	vst v63  }
.LBB2_5:
0xff: {  	[tilespmem:s0], [sflag:$0x2] =	stream.indirect.gather [hbm4b:s4+s24], $0x40, s2, s24, $0xb8;
	[tilespmem:$0x1B000] =	vst v63  }
0x100: {  	s2 =	smov.u32 s29  }
0x101: {  	p1 =	seq.s32 s29, $0xF000;
	s29 =	sadd.s32 $0x800, s29;
	_ =	swait.ge [sflag:s6], $0x2000  }
0x102: {  	[sflag:s6] =	ssyncset.done $0x0  }
0x103: {  	[sflag:s6] =	ssyncadd.s32 $0xFFFFE000  }
0x104: {  	_ =	swait.ge [sflag:s6], $0x2000  }
0x105: {  	s31 =	sshra.s32 s2, $0x2;
	[sflag:s6] =	ssyncset.done $0x0  }
0x106: {  	s2 =	sadd.s32 $0x4000, s31;
	[sflag:s6] =	ssyncadd.s32 $0xFFFFE000  }
0x107: {  	[spmem:s1] =	stream.indirect.scatter.add.bf16 [tilespmem:s26], [sflag:$0x3], $0x40, s2, s24, $0xb8;
	[tilespmem:$0x1B000] =	vst v63  }
0x108: {  	s2 =	sadd.s32 $0x4080, s31  }
0x109: {  	[spmem:s1] =	stream.indirect.scatter.add.bf16 [tilespmem:s28], [sflag:$0x3], $0x40, s2, s24, $0xb8;
	[tilespmem:$0x1B000] =	vst v63  }
0x10a: {  	_ =	swait.ge [sflag:s7], $0x2000  }
0x10b: {  	[sflag:s7] =	ssyncset.done $0x0  }
0x10c: {  	[sflag:s7] =	ssyncadd.s32 $0xFFFFE000  }
0x10d: {  	_ =	swait.ge [sflag:s7], $0x2000  }
0x10e: {  	[sflag:s7] =	ssyncset.done $0x0  }
0x10f: {  	s2 =	sadd.s32 $0x200, s31;
	[sflag:s7] =	ssyncadd.s32 $0xFFFFE000  }
0x110: {  	[tilespmem:s26], [sflag:$0x1] =	stream.indirect.gather [hbm4b:s4+s24], $0x40, s2, s24, $0xb8;
	[tilespmem:$0x1B000] =	vst v63  }
0x111: {  	s2 =	sadd.s32 $0x280, s31  }
0x112: {  	[tilespmem:s28], [sflag:$0x1] =	stream.indirect.gather [hbm4b:s4+s24], $0x40, s2, s24, $0xb8;
	[tilespmem:$0x1B000] =	vst v63  }
0x113: {  	_ =	swait.ge [sflag:s8], $0x2000  }
0x114: {  	[sflag:s8] =	ssyncset.done $0x0  }
0x115: {  	[sflag:s8] =	ssyncadd.s32 $0xFFFFE000  }
0x116: {  	_ =	swait.ge [sflag:s8], $0x2000  }
0x117: {  	[sflag:s8] =	ssyncset.done $0x0  }
0x118: {  	s2 =	sadd.s32 $0x4100, s31;
	[sflag:s8] =	ssyncadd.s32 $0xFFFFE000  }
0x119: {  	[spmem:s1] =	stream.indirect.scatter.add.bf16 [tilespmem:s30], [sflag:$0x4], $0x40, s2, s24, $0xb8;
	[tilespmem:$0x1B000] =	vst v63  }
0x11a: {  	s2 =	sadd.s32 $0x4180, s31  }
0x11b: {  	[spmem:s1] =	stream.indirect.scatter.add.bf16 [tilespmem:s0], [sflag:$0x4], $0x40, s2, s24, $0xb8;
	[tilespmem:$0x1B000] =	vst v63  }
0x11c: {  	_ =	swait.ge [sflag:s9], $0x2000  }
0x11d: {  	[sflag:s9] =	ssyncset.done $0x0  }
0x11e: {  	[sflag:s9] =	ssyncadd.s32 $0xFFFFE000  }
.Ltmp7:
0x11f: {  	_ =	swait.ge [sflag:s9], $0x2000;
	(pc) =	sbr.rel @!p1 .LBB2_5-.Ltmp7, $4  }
0x120: {  	[sflag:s9] =	ssyncset.done $0x0  }
0x121: {  	s2 =	sadd.s32 $0x300, s31;
	[sflag:s9] =	ssyncadd.s32 $0xFFFFE000  }
0x122: {  	[tilespmem:s30], [sflag:$0x2] =	stream.indirect.gather [hbm4b:s4+s24], $0x40, s2, s24, $0xb8;
	[tilespmem:$0x1B000] =	vst v63  }
0x123: {  	s2 =	sadd.s32 $0x380, s31  }
.Ltmp8:
0x124: {  	_ = 	snop;
	(pc) =	sbr.rel .LBB2_6-.Ltmp8, $1  }
0x125: {  	_ =	sdelay $0x3  }
.LBB2_11:
0x126: {  	_ =	sfence.sel $0x180000  }
0x127: {  	[bflag:$0x0] =	sbarrier.arrive $0xFFFF  }
0x128: {  	_ =	strace $0x9000004D  }
0x129: {  	s0 =	stileid.u32;
	[bflag:$0x2] =	sbarrier.arrive $0xFFFF  }
0x12a: {  	p0 =	sne.s32 s0, $0x0;
	s0 =	rddreg [dreg:$0x2]  }
0x12b: {  	s0 =	sadd.s32 @!p0 $0x100000, s0  }
0x12c: {  	[sflag:s0] =	ssyncadd.tile.s32 @!p0 $0x1;
	_ =	shalt  }
.Lfunc_end2:
_tile_overlayer_lowered:
.L_overlay_start_2:
0x12d: {  	(tag) =	ssettag $0x2  }
0x12e: {  	s0 =	rddreg [dreg:$0x0];
	s2 =	stileid.u32  }
0x12f: {  	s1 =	rddreg [dreg:$0x1];
	p0 =	sne.s32 s2, $0x0  }
0x130: {  	s3 =	rddreg [dreg:$0x2];
	[bflag:$0x3] =	sbarrier.arrive $0xFFFF;
	s2 =	simm.s32 @!p0 $0x1C05  }
0x131: {  	[timem:s3], [sflag:s2] =	dma.local @!p0 [hbm:s0], s1  }
0x132: {  	s0 =	simm.s32 @!p0 $0x5  }
0x133: {  	_ =	swait.ge @!p0 [sflag:s0], s1  }
0x134: {  	s1 =	ssub.s32 @!p0 $0x0, s1;
	[sflag:s0] =	ssyncset.done @!p0 $0x0  }
0x135: {  	[sflag:s0] =	ssyncadd.s32 @!p0 s1  }
0x136: {  	[bflag:$0x3] =	sbarrier.arrive $0xFFFF  }
0x137: {  	_ =	shalt  }

// kernel: kernel.20.cloned.1.call-start
scs
__scs_entry_jumppad:
0x0: {  	(pc) =	sbr.rel $0x88, $3  }
0x1: {  	(tag) =	ssettag $0x0;
	lr =	simm.s32 $0x1  }
0x2: {  	[smem:$0x3F89] =	sst lr;
	_ =	strace $0xD0000000  }
0x3: {  	_ = 	snop  }
0x4: {  	_ = 	snop  }
0x5: {  	_ = 	snop  }
0x6: {  	_ = 	snop  }
0x7: {  	_ = 	snop  }
__scs_overlays_trampoline_lowered:
0x8: {  	[smem:$0x3F98] =	sst s0  }
0x9: {  	[smem:$0x3F99] =	sst s1  }
0xa: {  	[smem:$0x3F9A] =	sst s2  }
0xb: {  	[smem:$0x3F9B] =	sst s3  }
0xc: {  	[smem:$0x3F9C] =	sst s4  }
0xd: {  	[smem:$0x3F9D] =	sst s5  }
0xe: {  	[smem:$0x3F9E] =	sst s6  }
0xf: {  	[smem:$0x3F9F] =	sst s7  }
0x10: {  	[smem:$0x3FA0] =	sst s8  }
0x11: {  	[smem:$0x3FA1] =	sst s9;
	s0 =	simm.s32 @!p0 $0x0  }
0x12: {  	s1 =	sld [smem:$0x3F87];
	s0 =	simm.s32 @p0 $0x1  }
0x13: {  	[smem:$0x3FA2] =	sst s0;
	s0 =	simm.s32 @!p1 $0x0  }
0x14: {  	s2 =	sld [smem:$0x3F86];
	s0 =	simm.s32 @p1 $0x1  }
0x15: {  	[smem:$0x3FA3] =	sst s0;
	s0 =	simm.s32 @!p2 $0x0  }
0x16: {  	s3 =	sld [smem:$0x3FDB];
	s0 =	simm.s32 @p2 $0x1  }
0x17: {  	s4 =	simm.s32 $0x1BF5;
	[smem:$0x3FA5] =	sst s0  }
0x18: {  	s0 =	sld [smem:$0x3F88];
	_ =	swait.ge [sflag:s4], $0x0  }
0x19: {  	s7 =	sld [smem:$0x3F89]  }
0x1a: {  	s8 =	sadd.s32 $0xFFFFE003, lr  }
0x1b: {  	s9 =	sadd.s32 $0xFFFFFEF7, lr;
	s5 =	simm.s32 $0xFFFFFFFF;
	p2 =	slt.u32 s8, $0xFFFFF086  }
0x1c: {  	p1 =	slt.u32 s9, $0xF7A;
	s5 =	simm.s32 @!p2 $0x0  }
0x1d: {  	s5 =	simm.s32 @p1 $0x1;
	p0 =	seq.s32 s7, s2  }
0x1e: {  	s7 =	smul.u32 @!p0 $0xF7A, s2;
	p2 =	seq.s32 @!p0 s5, $0x0  }
0x1f: {  	s9 =	smul.u32 $0xF7A, s1;
	s8 =	simm.s32 @!p0 $0x1BF5;
	p2 =	por !p2, p0  }
0x20: {  	[sflag:s8] =	ssyncset.s32 @!p0 $0xFFFFF086;
	s6 =	sadd.s32 @!p0 s3, s7;
	s7 =	simm.s32 @!p0 $0x108  }
0x21: {  	s3 =	sadd.s32 s3, s9;
	s6 =	sadd.s32 @!p0 $0x88, s6;
	s7 =	simm.s32 @p2 $0x1082  }
0x22: {  	[simem:s7], [sflag:s8] =	dma.local @!p0 [hbm:s6], $0xF7A  }
0x23: {  	s9 =	sor.u32 $0xD0000000, s2;
	s6 =	simm.s32 $0x108;
	_ =	swait.ge @!p0 [sflag:s8], $0x0  }
0x24: {  	s3 =	sadd.s32 $0x88, s3;
	s6 =	simm.s32 @!p1 $0x1082;
	[sflag:s4] =	ssyncset.s32 $0xFFFFF086  }
0x25: {  	[simem:s6], [sflag:s4] =	dma.local [hbm:s3], $0xF7A  }
0x26: {  	[smem:$0x3F89] =	sst s1;
	(tag) =	ssettag s2;
	_ =	strace s9  }
0x27: {  	s1 =	sld [smem:$0x3F99]  }
0x28: {  	s2 =	sld [smem:$0x3F9A]  }
0x29: {  	s4 =	sld [smem:$0x3F9C]  }
0x2a: {  	p0 =	seq.s32 s5, $0x0;
	s5 =	sld [smem:$0x3F9D]  }
0x2b: {  	s6 =	sld [smem:$0x3F9E]  }
0x2c: {  	s7 =	sld [smem:$0x3F9F]  }
0x2d: {  	s3 =	simm.s32 $0x108;
	s8 =	sld [smem:$0x3FA0]  }
0x2e: {  	s3 =	simm.s32 @!p0 $0x1082;
	s9 =	sld [smem:$0x3FA1]  }
0x2f: {  	lr =	sadd.s32 s0, s3;
	s0 =	sld [smem:$0x3F98]  }
0x30: {  	s3 =	sld [smem:$0x3F9B]  }
0x31: {  	[smem:$0x3FA4] =	sst s10  }
0x32: {  	s10 =	sld [smem:$0x3FA2];
	_ =	sdelay $0x3  }
0x33: {  	p0 =	seq.s32 s10, $0x1;
	s10 =	sld [smem:$0x3FA4];
	_ =	sdelay $0x3  }
0x34: {  	[smem:$0x3FA4] =	sst s10  }
0x35: {  	s10 =	sld [smem:$0x3FA3];
	_ =	sdelay $0x3  }
0x36: {  	p1 =	seq.s32 s10, $0x1;
	s10 =	sld [smem:$0x3FA4];
	_ =	sdelay $0x3  }
0x37: {  	[smem:$0x3FA4] =	sst s10  }
0x38: {  	s10 =	sld [smem:$0x3FA5]  }
0x39: {  	_ = 	snop;
	(pc) =	sbr.ind lr, $3  }
0x3a: {  	_ = 	snop  }
0x3b: {  	_ = 	snop  }
0x3c: {  	p2 =	seq.s32 s10, $0x1;
	s10 =	sld [smem:$0x3FA4]  }
0x3d: {  	_ =	shalt  }
0x3e: {  	_ =	shalt  }
0x3f: {  	_ =	shalt  }
0x40: {  	_ =	shalt  }
0x41: {  	_ =	shalt  }
0x42: {  	_ =	shalt  }
0x43: {  	_ =	shalt  }
0x44: {  	_ =	shalt  }
0x45: {  	_ =	shalt  }
0x46: {  	_ =	shalt  }
0x47: {  	_ =	shalt  }
0x48: {  	_ =	shalt  }
0x49: {  	_ =	shalt  }
0x4a: {  	_ =	shalt  }
0x4b: {  	_ =	shalt  }
0x4c: {  	_ =	shalt  }
0x4d: {  	_ =	shalt  }
0x4e: {  	_ =	shalt  }
0x4f: {  	_ =	shalt  }
0x50: {  	_ =	shalt  }
0x51: {  	_ =	shalt  }
0x52: {  	_ =	shalt  }
0x53: {  	_ =	shalt  }
0x54: {  	_ =	shalt  }
0x55: {  	_ =	shalt  }
0x56: {  	_ =	shalt  }
0x57: {  	_ =	shalt  }
0x58: {  	_ =	shalt  }
0x59: {  	_ =	shalt  }
0x5a: {  	_ =	shalt  }
0x5b: {  	_ =	shalt  }
0x5c: {  	_ =	shalt  }
0x5d: {  	_ =	shalt  }
0x5e: {  	_ =	shalt  }
0x5f: {  	_ =	shalt  }
0x60: {  	_ =	shalt  }
0x61: {  	_ =	shalt  }
0x62: {  	_ =	shalt  }
0x63: {  	_ =	shalt  }
0x64: {  	_ =	shalt  }
0x65: {  	_ =	shalt  }
0x66: {  	_ =	shalt  }
0x67: {  	_ =	shalt  }
0x68: {  	_ =	shalt  }
0x69: {  	_ =	shalt  }
0x6a: {  	_ =	shalt  }
0x6b: {  	_ =	shalt  }
0x6c: {  	_ =	shalt  }
0x6d: {  	_ =	shalt  }
0x6e: {  	_ =	shalt  }
0x6f: {  	_ =	shalt  }
0x70: {  	_ =	shalt  }
0x71: {  	_ =	shalt  }
0x72: {  	_ =	shalt  }
0x73: {  	_ =	shalt  }
0x74: {  	_ =	shalt  }
0x75: {  	_ =	shalt  }
0x76: {  	_ =	shalt  }
0x77: {  	_ =	shalt  }
0x78: {  	_ =	shalt  }
0x79: {  	_ =	shalt  }
0x7a: {  	_ =	shalt  }
0x7b: {  	_ =	shalt  }
0x7c: {  	_ =	shalt  }
0x7d: {  	_ =	shalt  }
0x7e: {  	_ =	shalt  }
0x7f: {  	_ =	shalt  }
0x80: {  	_ =	shalt  }
0x81: {  	_ =	shalt  }
0x82: {  	_ =	shalt  }
0x83: {  	_ =	shalt  }
0x84: {  	_ =	shalt  }
0x85: {  	_ =	shalt  }
0x86: {  	_ =	shalt  }
0x87: {  	_ =	shalt  }
.Lfunc_end0:
.L_simem_size_0:
called_computation.3_lowered:
.L_overlay_start_0:
0x88: {  	s2 =	sld [smem:$0x3FD9]  }
0x89: {  	s3 =	sld [smem:$0x3FFE];
	_ =	sdelay $0x1  }
0x8a: {  	s1 =	srdreg.scid  }
0x8b: {  	s0 =	sand.u32 $0x1, s1  }
0x8c: {  	s16 =	sshll.u32 s0, $0xA;
	s2 =	sadd.s32 s3, s2  }
0x8d: {  	s2 =	sadd.s32 s2, s16  }
0x8e: {  	[smem:$0x3FB0] =	sst s2  }
0x8f: {  	_ = 	snop  }
0x90: {  	(tm) =	ssettm $0x1  }
0x91: {  	s17 =	sld [smem:$0x3FFB];
	_ =	sdelay $0x3  }
0x92: {  	_ =	strace s17  }
0x93: {  	s2 =	sld [smem:$0x3FFC];
	_ =	sdelay $0x3  }
0x94: {  	_ =	strace s2  }
0x95: {  	s2 =	sld [smem:$0x3FFD];
	_ =	sdelay $0x3  }
0x96: {  	_ =	strace s2  }
0x97: {  	_ =	strace $0x8FFFFFFF  }
0x98: {  	s18 =	sld [smem:$0x3FDB];
	_ =	sdelay $0x1  }
0x99: {  	s19 =	simm.s32 $_scs_section_size  }
0x9a: {  	s4 =	simm.s32 $_size__tile_overlayer_lowered;
	s5 =	simm.s32 $_tile_overlayer_lowered  }
0x9b: {  	s22 =	simm.s32 $0x1BFF;
	s21 =	sshll.u32 s5, $0x1;
	s2 =	sadd.s32 s19, s18  }
0x9c: {  	s6 =	simm.s32 $0x0;
	s20 =	sshll.u32 s4, $0x1;
	s4 =	sadd.s32 s21, s2  }
0x9d: {  	[timem:s6], [sflag:s22] =	dma.local [hbm:s4], s20  }
0x9e: {  	_ =	swait.ge [sflag:s22], s20  }
0x9f: {  	s3 =	ssub.s32 $0x0, s20;
	[sflag:s22] =	ssyncset.done $0x0  }
0xa0: {  	[sflag:s22] =	ssyncadd.s32 s3;
	_ =	sdelay $0x1  }
0xa1: {  	s23 =	simm.s32 $0x1B8B  }
0xa2: {  	_ =	swait.ge [sflag:s23], $0x1  }
0xa3: {  	[sflag:s23] =	ssyncset.done $0x0  }
0xa4: {  	s25 =	simm.s32 $0x1B8E;
	s24 =	sld [smem:$0x3FFE];
	[sflag:s23] =	ssyncadd.s32 $0xFFFFFFFF  }
0xa5: {  	s26 =	simm.s32 $execute0_lowered;
	[smem:$0x3FD2] =	sst s25  }
0xa6: {  	s4 =	sshll.u32 s26, $0x1;
	_ =	strace $0x8000004F;
	[dreg:$0x1] =	wrdreg $0xFFFFFFFF  }
0xa7: {  	s28 =	simm.s32 $_size_execute0_lowered;
	s2 =	sadd.s32 s2, s4;
	[dreg:$0x0] =	wrdreg $0x0  }
0xa8: {  	s4 =	sshll.u32 s28, $0x1;
	[dreg:$0x2] =	wrdreg s2  }
0xa9: {  	[dreg:$0x3] =	wrdreg s4  }
0xaa: {  	[dreg:$0x4] =	wrdreg $0xC0  }
0xab: {  	_ =	task [dreg:s6], $0x5FFFF  }
0xac: {  	[dreg:$0x1] =	wrdreg $0xFFFFFFFF  }
0xad: {  	[dreg:$0x0] =	wrdreg $0x60  }
0xae: {  	[dreg:$0x2] =	wrdreg s24  }
0xaf: {  	[dreg:$0x3] =	wrdreg $0x84000  }
0xb0: {  	[dreg:$0x4] =	wrdreg $0x9  }
0xb1: {  	_ =	task.clear_ibuf [dreg:s6], $0x5FFFF;
	_ =	strace $0x9000004F  }
0xb2: {  	s29 =	simm.s32 $0x9;
	_ =	strace $0x80000051  }
0xb3: {  	_ =	swait.ge [sflag:s29], $0x1  }
0xb4: {  	[sflag:s29] =	ssyncadd.s32 $0xFFFFFFFF  }
0xb5: {  	_ =	strace $0x90000051  }
0xb6: {  	_ =	sfence  }
0xb7: {  	s30 =	sld [smem:$0x0];
	_ =	sdelay $0x2  }
0xb8: {  	s31 =	sshll.u32 s1, $0xD;
	s1 =	sshrl.u32 s1, $0x2  }
0xb9: {  	s3 =	sand.u32 $0x4000, s31;
	s1 =	sadd.s32 s1, s30  }
0xba: {  	s0 =	sor.u32 s3, s0;
	s1 =	sshll.u32 s1, $0x11  }
0xbb: {  	s0 =	sor.u32 s1, s0  }
0xbc: {  	s0 =	sadd.s32 $0x8F2B, s0  }
0xbd: {  	[sflag:s0] =	ssyncadd.remote.s32 $0x1  }
0xbe: {  	_ =	sfence.sel $0xFFFF  }
0xbf: {  	[dreg:$0x0] =	wrdreg $0xFFFFFFFF;
	(pc) =	sbr.abs _section_cstart, $3  }
0xc0: {  	[dreg:$0x1] =	wrdreg $0xFFFFFFFF  }
0xc1: {  	_ =	task.clear_ibuf [dreg:s6], $0x2FFFF;
	_ =	strace $0x9FFFFFFF  }
0xc2: {  	(tm) =	ssettm $0x7FFFFFFF  }
0xc3: {  	_ =	shalt  }
tec
execute0_lowered:
.L_overlay_start_1:
0x0: {  	(tag) =	ssettag $0x1  }
0x1: {  	s0 =	rddreg [dreg:$0x0];
	s1 =	srdreg.scid  }
0x2: {  	s2 =	rddreg [dreg:$0x1];
	s13 =	stileid.u32;
	s3 =	simm.s32 $0x0  }
0x3: {  	s21 =	simm.s32 $0x8000;
	s22 =	simm.s32 $0x5;
	s28 =	simm.s32 $0x6800  }
0x4: {  	s30 =	simm.s32 $0x7000;
	s1 =	sand.u32 $0x1, s1;
	s6 =	smul.u32 $0x2800, s13  }
0x5: {  	[smem:$0x7FF] =	sst s3;
	s4 =	sadd.s32 $0xDC00, s0;
	s8 =	smul.u32 $0xA000, s13  }
0x6: {  	s7 =	sadd.s32 $0x3C00, s0;
	s9 =	sadd.s32 $0x12C00, s0;
	s11 =	smul.u32 $0x600, s13  }
0x7: {  	s24 =	sshll.u32 s13, $0xA;
	s5 =	smul.u32 $0x28000, s1;
	_ =	strace $0x80000050  }
0x8: {  	s23 =	ssub.s32 $0x2, s1;
	p0 =	seq.s32 s1, $0x1;
	s26 =	sadd.s32 $0x6000, s24  }
0x9: {  	s24 =	simm.s32 $0x80;
	s10 =	sshrl.u32 s23, $0x1;
	s8 =	sshrl.u32 s8, $0x2  }
0xa: {  	s25 =	sadd.s32 s7, s11;
	s29 =	sadd.s32 s9, s11;
	s7 =	sadd.s32 s7, s26  }
0xb: {  	s1 =	sadd.s32 s9, s26;
	s31 =	sadd.s32 s6, s2;
	[dreg:$0x3] =	wrdreg s25  }
0xc: {  	s26 =	simm.s32 $0x6000;
	s9 =	simm.s32 $0x4;
	[dreg:$0x4] =	wrdreg s29  }
0xd: {  	s5 =	sadd.s32 s6, s5;
	s12 =	ssub.s32 s23, s10;
	[dreg:$0x5] =	wrdreg s7  }
0xe: {  	[dreg:$0x6] =	wrdreg s1;
	s25 =	sshrl.u32 s31, $0x3;
	s6 =	simm.s32 $0x1  }
0xf: {  	s7 =	simm.s32 $0x3;
	s5 =	sshrl.u32 s5, $0x3;
	s11 =	smax.u32 s12, $0x1  }
.Ltmp0:
0x10: {  	s0 =	sadd.s32 s5, s0;
	s5 =	sadd.s32 s8, s2;
	(pc) =	sbr.rel .LBB2_1-.Ltmp0, $4  }
0x11: {  	s8 =	simm.s32 $0x2;
	s10 =	sadd.s32 $0x1CC00, s0;
	s12 =	sadd.s32 $0x400, s5  }
0x12: {  	s13 =	sadd.s32 $0x800, s5;
	s14 =	sadd.s32 $0xC00, s5;
	s15 =	sadd.s32 $0x1000, s5  }
0x13: {  	s16 =	sadd.s32 $0x1400, s5;
	s17 =	sadd.s32 $0x1800, s5;
	s18 =	sadd.s32 $0x1C00, s5  }
0x14: {  	v0 =	vimm.f32 $0.0e+00;
	s19 =	sadd.s32 $0x2000, s5;
	s20 =	sadd.s32 $0x2400, s5;
	s0 =	simm.s32 $0x7800  }
.LBB2_6:
0x15: {  	[tilespmem:s0], [sflag:$0x2] =	stream.indirect.gather [hbm4b:s4+s24], $0x10, s1, s24, $0xb8;
	[tilespmem:$0xAC00] =	vst v63  }
0x16: {  	s23 =	simm.s32 $0x5F80  }
0x17: {  	s29 =	simm.s32 $0x5F00;
	s31 =	simm.s32 $0x5E80;
	s1 =	simm.s32 $0x5E00  }
.LBB2_10:
0x18: {  	_ =	swait.ge [sflag:s6], $0x800  }
0x19: {  	[sflag:s6] =	ssyncset.done $0x0  }
0x1a: {  	[sflag:s6] =	ssyncadd.s32 $0xFFFFF800  }
0x1b: {  	_ =	swait.ge [sflag:s6], $0x800  }
0x1c: {  	[sflag:s6] =	ssyncset.done $0x0  }
0x1d: {  	[sflag:s6] =	ssyncadd.s32 $0xFFFFF800  }
0x1e: {  	[spmem:s2] =	stream.indirect.scatter.add.f32 [tilespmem:s26], [sflag:$0x3], $0x10, s1, s24, $0xb8;
	[tilespmem:$0xAC00] =	vst v63  }
0x1f: {  	_ = 	snop  }
0x20: {  	[spmem:s2] =	stream.indirect.scatter.add.f32 [tilespmem:s28], [sflag:$0x3], $0x10, s31, s24, $0xb8;
	[tilespmem:$0xAC00] =	vst v63  }
0x21: {  	_ =	swait.ge [sflag:s7], $0x800  }
0x22: {  	[sflag:s7] =	ssyncset.done $0x0  }
0x23: {  	[sflag:s7] =	ssyncadd.s32 $0xFFFFF800  }
0x24: {  	_ =	swait.ge [sflag:s7], $0x800  }
0x25: {  	[sflag:s7] =	ssyncset.done $0x0  }
0x26: {  	[sflag:s7] =	ssyncadd.s32 $0xFFFFF800  }
0x27: {  	_ =	swait.ge [sflag:s8], $0x800  }
0x28: {  	[sflag:s8] =	ssyncset.done $0x0  }
0x29: {  	[sflag:s8] =	ssyncadd.s32 $0xFFFFF800  }
0x2a: {  	_ =	swait.ge [sflag:s8], $0x800  }
0x2b: {  	[sflag:s8] =	ssyncset.done $0x0  }
0x2c: {  	[sflag:s8] =	ssyncadd.s32 $0xFFFFF800  }
0x2d: {  	[spmem:s2] =	stream.indirect.scatter.add.f32 [tilespmem:s30], [sflag:$0x4], $0x10, s29, s24, $0xb8;
	[tilespmem:$0xAC00] =	vst v63  }
0x2e: {  	_ = 	snop  }
0x2f: {  	[spmem:s2] =	stream.indirect.scatter.add.f32 [tilespmem:s0], [sflag:$0x4], $0x10, s23, s24, $0xb8;
	[tilespmem:$0xAC00] =	vst v63  }
0x30: {  	_ =	swait.ge [sflag:s9], $0x800  }
0x31: {  	[sflag:s9] =	ssyncset.done $0x0  }
0x32: {  	[sflag:s9] =	ssyncadd.s32 $0xFFFFF800  }
0x33: {  	_ =	swait.ge [sflag:s9], $0x800  }
0x34: {  	s3 =	sadd.s32 $0x1, s3;
	s31 =	stileid.u32;
	[sflag:s9] =	ssyncset.done $0x0  }
0x35: {  	p1 =	sne.s32 s3, s11;
	s1 =	sshll.u32 s31, $0x6;
	[sflag:s9] =	ssyncadd.s32 $0xFFFFF800  }
.Ltmp1:
0x36: {  	s1 =	sor.u32 $0x1C05, s1;
	[bflag:$0x0] =	sbarrier.arrive $0xFFFF;
	(pc) =	sbr.rel @!p1 .LBB2_11-.Ltmp1, $4  }
0x37: {  	[hbm:s10], [sflag:s1] =	dma.local [spmem:s25], $0x500  }
0x38: {  	_ =	swait.ge [sflag:s22], $0x500  }
0x39: {  	[sflag:s22] =	ssyncset.done $0x0  }
0x3a: {  	[sflag:s22] =	ssyncadd.s32 $0xFFFFFB00  }
.LBB2_1:
0x3b: {  	s23 =	simm.s32 $0x40;
	s1 =	simm.s32 $0x0  }
.LBB2_2:
0x3c: {  	p1 =	sne.s32 s23, $0xFC0;
	[tilespmem:s1+$0x8000] =	vst v0;
	s1 =	smov.u32 s23;
	s23 =	sadd.s32 $0x40, s23  }
.Ltmp2:
0x3d: {  	(pc) =	sbr.rel @p1 .LBB2_2-.Ltmp2, $2  }
0x3e: {  	_ =	sdelay $0x2  }
0x3f: {  	s1 =	sshra.s32 s1, $0x2  }
0x40: {  	[tilespmem:s1+$0x8000] =	vst v0  }
0x41: {  	[spmem:s5] =	stream.linear.scatter [tilespmem:s21], [sflag:$0x5], $0x400, $0x38;
	[tilespmem:$0xAC00] =	vst v63  }
0x42: {  	_ =	swait.ge [sflag:s22], $0x400  }
0x43: {  	[sflag:s22] =	ssyncset.done $0x0  }
0x44: {  	[sflag:s22] =	ssyncadd.s32 $0xFFFFFC00  }
0x45: {  	[spmem:s12] =	stream.linear.scatter [tilespmem:s21], [sflag:$0x5], $0x400, $0x38;
	[tilespmem:$0xAC00] =	vst v63  }
0x46: {  	_ =	swait.ge [sflag:s22], $0x400  }
0x47: {  	[sflag:s22] =	ssyncset.done $0x0  }
0x48: {  	[sflag:s22] =	ssyncadd.s32 $0xFFFFFC00  }
0x49: {  	[spmem:s13] =	stream.linear.scatter [tilespmem:s21], [sflag:$0x5], $0x400, $0x38;
	[tilespmem:$0xAC00] =	vst v63  }
0x4a: {  	_ =	swait.ge [sflag:s22], $0x400  }
0x4b: {  	[sflag:s22] =	ssyncset.done $0x0  }
0x4c: {  	[sflag:s22] =	ssyncadd.s32 $0xFFFFFC00  }
0x4d: {  	[spmem:s14] =	stream.linear.scatter [tilespmem:s21], [sflag:$0x5], $0x400, $0x38;
	[tilespmem:$0xAC00] =	vst v63  }
0x4e: {  	_ =	swait.ge [sflag:s22], $0x400  }
0x4f: {  	[sflag:s22] =	ssyncset.done $0x0  }
0x50: {  	[sflag:s22] =	ssyncadd.s32 $0xFFFFFC00  }
0x51: {  	[spmem:s15] =	stream.linear.scatter [tilespmem:s21], [sflag:$0x5], $0x400, $0x38;
	[tilespmem:$0xAC00] =	vst v63  }
0x52: {  	_ =	swait.ge [sflag:s22], $0x400  }
0x53: {  	[sflag:s22] =	ssyncset.done $0x0  }
0x54: {  	[sflag:s22] =	ssyncadd.s32 $0xFFFFFC00  }
0x55: {  	[spmem:s16] =	stream.linear.scatter [tilespmem:s21], [sflag:$0x5], $0x400, $0x38;
	[tilespmem:$0xAC00] =	vst v63  }
0x56: {  	_ =	swait.ge [sflag:s22], $0x400  }
0x57: {  	[sflag:s22] =	ssyncset.done $0x0  }
0x58: {  	[sflag:s22] =	ssyncadd.s32 $0xFFFFFC00  }
0x59: {  	[spmem:s17] =	stream.linear.scatter [tilespmem:s21], [sflag:$0x5], $0x400, $0x38;
	[tilespmem:$0xAC00] =	vst v63  }
0x5a: {  	_ =	swait.ge [sflag:s22], $0x400  }
0x5b: {  	[sflag:s22] =	ssyncset.done $0x0  }
0x5c: {  	[sflag:s22] =	ssyncadd.s32 $0xFFFFFC00  }
0x5d: {  	[spmem:s18] =	stream.linear.scatter [tilespmem:s21], [sflag:$0x5], $0x400, $0x38;
	[tilespmem:$0xAC00] =	vst v63  }
0x5e: {  	_ =	swait.ge [sflag:s22], $0x400  }
0x5f: {  	[sflag:s22] =	ssyncset.done $0x0  }
0x60: {  	[sflag:s22] =	ssyncadd.s32 $0xFFFFFC00  }
0x61: {  	[spmem:s19] =	stream.linear.scatter [tilespmem:s21], [sflag:$0x5], $0x400, $0x38;
	[tilespmem:$0xAC00] =	vst v63  }
0x62: {  	_ =	swait.ge [sflag:s22], $0x400  }
0x63: {  	[sflag:s22] =	ssyncset.done $0x0  }
0x64: {  	[sflag:s22] =	ssyncadd.s32 $0xFFFFFC00  }
0x65: {  	[spmem:s20] =	stream.linear.scatter [tilespmem:s21], [sflag:$0x5], $0x400, $0x38;
	[tilespmem:$0xAC00] =	vst v63  }
.Ltmp3:
0x66: {  	_ =	swait.ge [sflag:s22], $0x400;
	(pc) =	sbr.rel @!p0 .LBB2_4-.Ltmp3, $4  }
0x67: {  	[sflag:s22] =	ssyncset.done $0x0  }
0x68: {  	[sflag:s22] =	ssyncadd.s32 $0xFFFFFC00  }
0x69: {  	[bflag:$0x0] =	sbarrier.arrive $0xFFFF  }
0x6a: {  	s1 =	simm.s32 $0x0  }
0x6b: {  	s23 =	rddreg [dreg:$0x5]  }
0x6c: {  	[tilespmem:s1], [sflag:$0x5] =	stream.linear.gather [hbm4b:s23+s1], $0x2000, $0x38;
	[tilespmem:$0xAC00] =	vst v63  }
0x6d: {  	_ =	swait.ge [sflag:s22], $0x2000  }
0x6e: {  	[sflag:s22] =	ssyncset.done $0x0  }
0x6f: {  	s29 =	simm.s32 $0x3000;
	s31 =	rddreg [dreg:$0x6];
	[sflag:s22] =	ssyncadd.s32 $0xFFFFE000  }
0x70: {  	[tilespmem:s29], [sflag:$0x5] =	stream.linear.gather [hbm4b:s31+s1], $0x2000, $0x38;
	[tilespmem:$0xAC00] =	vst v63  }
0x71: {  	_ =	swait.ge [sflag:s22], $0x2000  }
0x72: {  	[sflag:s22] =	ssyncset.done $0x0  }
0x73: {  	[sflag:s22] =	ssyncadd.s32 $0xFFFFE000  }
0x74: {  	[tilespmem:s26], [sflag:$0x1] =	stream.indirect.gather [hbm4b:s4+s24], $0x10, s1, s24, $0xb8;
	[tilespmem:$0xAC00] =	vst v63  }
0x75: {  	_ = 	snop  }
0x76: {  	[tilespmem:s28], [sflag:$0x1] =	stream.indirect.gather [hbm4b:s4+s24], $0x10, s24, s24, $0xb8;
	[tilespmem:$0xAC00] =	vst v63  }
0x77: {  	s23 =	simm.s32 $0x100  }
0x78: {  	[tilespmem:s30], [sflag:$0x2] =	stream.indirect.gather [hbm4b:s4+s24], $0x10, s23, s24, $0xb8;
	[tilespmem:$0xAC00] =	vst v63  }
0x79: {  	s29 =	simm.s32 $0x180  }
0x7a: {  	[tilespmem:s0], [sflag:$0x2] =	stream.indirect.gather [hbm4b:s4+s24], $0x10, s29, s24, $0xb8;
	[tilespmem:$0xAC00] =	vst v63  }
0x7b: {  	_ =	swait.ge [sflag:s6], $0x800  }
0x7c: {  	[sflag:s6] =	ssyncset.done $0x0  }
0x7d: {  	[sflag:s6] =	ssyncadd.s32 $0xFFFFF800  }
0x7e: {  	_ =	swait.ge [sflag:s6], $0x800  }
0x7f: {  	[sflag:s6] =	ssyncset.done $0x0  }
0x80: {  	s31 =	simm.s32 $0x3000;
	[sflag:s6] =	ssyncadd.s32 $0xFFFFF800  }
0x81: {  	[spmem:s2] =	stream.indirect.scatter.add.f32 [tilespmem:s26], [sflag:$0x3], $0x10, s31, s24, $0xb8;
	[tilespmem:$0xAC00] =	vst v63  }
0x82: {  	s23 =	simm.s32 $0x3080  }
0x83: {  	[spmem:s2] =	stream.indirect.scatter.add.f32 [tilespmem:s28], [sflag:$0x3], $0x10, s23, s24, $0xb8;
	[tilespmem:$0xAC00] =	vst v63  }
0x84: {  	_ =	swait.ge [sflag:s7], $0x800  }
0x85: {  	[sflag:s7] =	ssyncset.done $0x0  }
0x86: {  	[sflag:s7] =	ssyncadd.s32 $0xFFFFF800  }
0x87: {  	_ =	swait.ge [sflag:s7], $0x800  }
0x88: {  	[sflag:s7] =	ssyncset.done $0x0  }
0x89: {  	s29 =	simm.s32 $0x200;
	[sflag:s7] =	ssyncadd.s32 $0xFFFFF800  }
0x8a: {  	[tilespmem:s26], [sflag:$0x1] =	stream.indirect.gather [hbm4b:s4+s24], $0x10, s29, s24, $0xb8;
	[tilespmem:$0xAC00] =	vst v63  }
0x8b: {  	s31 =	simm.s32 $0x280  }
0x8c: {  	[tilespmem:s28], [sflag:$0x1] =	stream.indirect.gather [hbm4b:s4+s24], $0x10, s31, s24, $0xb8;
	[tilespmem:$0xAC00] =	vst v63  }
0x8d: {  	_ =	swait.ge [sflag:s8], $0x800  }
0x8e: {  	[sflag:s8] =	ssyncset.done $0x0  }
0x8f: {  	[sflag:s8] =	ssyncadd.s32 $0xFFFFF800  }
0x90: {  	_ =	swait.ge [sflag:s8], $0x800  }
0x91: {  	[sflag:s8] =	ssyncset.done $0x0  }
0x92: {  	s23 =	simm.s32 $0x3100;
	[sflag:s8] =	ssyncadd.s32 $0xFFFFF800  }
0x93: {  	[spmem:s2] =	stream.indirect.scatter.add.f32 [tilespmem:s30], [sflag:$0x4], $0x10, s23, s24, $0xb8;
	[tilespmem:$0xAC00] =	vst v63  }
0x94: {  	s29 =	simm.s32 $0x3180  }
0x95: {  	[spmem:s2] =	stream.indirect.scatter.add.f32 [tilespmem:s0], [sflag:$0x4], $0x10, s29, s24, $0xb8;
	[tilespmem:$0xAC00] =	vst v63  }
0x96: {  	_ =	swait.ge [sflag:s9], $0x800  }
0x97: {  	[sflag:s9] =	ssyncset.done $0x0  }
0x98: {  	[sflag:s9] =	ssyncadd.s32 $0xFFFFF800  }
0x99: {  	_ =	swait.ge [sflag:s9], $0x800  }
0x9a: {  	s1 =	simm.s32 $0x380;
	[sflag:s9] =	ssyncset.done $0x0  }
0x9b: {  	s31 =	simm.s32 $0x300;
	s23 =	simm.s32 $0x800;
	[sflag:s9] =	ssyncadd.s32 $0xFFFFF800  }
0x9c: {  	[tilespmem:s30], [sflag:$0x2] =	stream.indirect.gather [hbm4b:s4+s24], $0x10, s31, s24, $0xb8;
	[tilespmem:$0xAC00] =	vst v63  }
.LBB2_8:
0x9d: {  	[tilespmem:s0], [sflag:$0x2] =	stream.indirect.gather [hbm4b:s4+s24], $0x10, s1, s24, $0xb8;
	[tilespmem:$0xAC00] =	vst v63  }
0x9e: {  	s1 =	smov.u32 s23  }
0x9f: {  	p1 =	sne.s32 s23, $0x7000;
	s23 =	sadd.s32 $0x800, s23;
	_ =	swait.ge [sflag:s6], $0x800  }
0xa0: {  	[sflag:s6] =	ssyncset.done $0x0  }
0xa1: {  	[sflag:s6] =	ssyncadd.s32 $0xFFFFF800  }
0xa2: {  	_ =	swait.ge [sflag:s6], $0x800  }
0xa3: {  	s29 =	sshra.s32 s1, $0x2;
	[sflag:s6] =	ssyncset.done $0x0  }
0xa4: {  	s1 =	sadd.s32 $0x3000, s29;
	[sflag:s6] =	ssyncadd.s32 $0xFFFFF800  }
0xa5: {  	[spmem:s2] =	stream.indirect.scatter.add.f32 [tilespmem:s26], [sflag:$0x3], $0x10, s1, s24, $0xb8;
	[tilespmem:$0xAC00] =	vst v63  }
0xa6: {  	s1 =	sadd.s32 $0x3080, s29  }
0xa7: {  	[spmem:s2] =	stream.indirect.scatter.add.f32 [tilespmem:s28], [sflag:$0x3], $0x10, s1, s24, $0xb8;
	[tilespmem:$0xAC00] =	vst v63  }
0xa8: {  	_ =	swait.ge [sflag:s7], $0x800  }
0xa9: {  	[sflag:s7] =	ssyncset.done $0x0  }
0xaa: {  	[sflag:s7] =	ssyncadd.s32 $0xFFFFF800  }
0xab: {  	_ =	swait.ge [sflag:s7], $0x800  }
0xac: {  	[sflag:s7] =	ssyncset.done $0x0  }
0xad: {  	s1 =	sadd.s32 $0x200, s29;
	[sflag:s7] =	ssyncadd.s32 $0xFFFFF800  }
0xae: {  	[tilespmem:s26], [sflag:$0x1] =	stream.indirect.gather [hbm4b:s4+s24], $0x10, s1, s24, $0xb8;
	[tilespmem:$0xAC00] =	vst v63  }
0xaf: {  	s1 =	sadd.s32 $0x280, s29  }
0xb0: {  	[tilespmem:s28], [sflag:$0x1] =	stream.indirect.gather [hbm4b:s4+s24], $0x10, s1, s24, $0xb8;
	[tilespmem:$0xAC00] =	vst v63  }
0xb1: {  	_ =	swait.ge [sflag:s8], $0x800  }
0xb2: {  	[sflag:s8] =	ssyncset.done $0x0  }
0xb3: {  	[sflag:s8] =	ssyncadd.s32 $0xFFFFF800  }
0xb4: {  	_ =	swait.ge [sflag:s8], $0x800  }
0xb5: {  	[sflag:s8] =	ssyncset.done $0x0  }
0xb6: {  	s1 =	sadd.s32 $0x3100, s29;
	[sflag:s8] =	ssyncadd.s32 $0xFFFFF800  }
0xb7: {  	[spmem:s2] =	stream.indirect.scatter.add.f32 [tilespmem:s30], [sflag:$0x4], $0x10, s1, s24, $0xb8;
	[tilespmem:$0xAC00] =	vst v63  }
0xb8: {  	s1 =	sadd.s32 $0x3180, s29  }
0xb9: {  	[spmem:s2] =	stream.indirect.scatter.add.f32 [tilespmem:s0], [sflag:$0x4], $0x10, s1, s24, $0xb8;
	[tilespmem:$0xAC00] =	vst v63  }
0xba: {  	_ =	swait.ge [sflag:s9], $0x800  }
0xbb: {  	[sflag:s9] =	ssyncset.done $0x0  }
0xbc: {  	[sflag:s9] =	ssyncadd.s32 $0xFFFFF800  }
.Ltmp4:
0xbd: {  	_ =	swait.ge [sflag:s9], $0x800;
	(pc) =	sbr.rel @p1 .LBB2_8-.Ltmp4, $4  }
0xbe: {  	[sflag:s9] =	ssyncset.done $0x0  }
0xbf: {  	s1 =	sadd.s32 $0x300, s29;
	[sflag:s9] =	ssyncadd.s32 $0xFFFFF800  }
0xc0: {  	[tilespmem:s30], [sflag:$0x2] =	stream.indirect.gather [hbm4b:s4+s24], $0x10, s1, s24, $0xb8;
	[tilespmem:$0xAC00] =	vst v63  }
0xc1: {  	s1 =	sadd.s32 $0x380, s29  }
.Ltmp5:
0xc2: {  	(pc) =	sbr.rel .LBB2_10-.Ltmp5, $4  }
0xc3: {  	_ = 	snop  }
0xc4: {  	[tilespmem:s0], [sflag:$0x2] =	stream.indirect.gather [hbm4b:s4+s24], $0x10, s1, s24, $0xb8;
	[tilespmem:$0xAC00] =	vst v63  }
0xc5: {  	s23 =	simm.s32 $0x4F80  }
0xc6: {  	s29 =	simm.s32 $0x4F00;
	s31 =	simm.s32 $0x4E80;
	s1 =	simm.s32 $0x4E00  }
.LBB2_4:
0xc7: {  	s23 =	rddreg [dreg:$0x3]  }
0xc8: {  	[tilespmem:s1], [sflag:$0x5] =	stream.linear.gather [hbm4b:s23+s1], $0x3000, $0x38;
	[tilespmem:$0xAC00] =	vst v63  }
0xc9: {  	_ =	swait.ge [sflag:s22], $0x3000  }
0xca: {  	[sflag:s22] =	ssyncset.done $0x0  }
0xcb: {  	s29 =	simm.s32 $0x3000;
	s31 =	rddreg [dreg:$0x4];
	[sflag:s22] =	ssyncadd.s32 $0xFFFFD000  }
0xcc: {  	[tilespmem:s29], [sflag:$0x5] =	stream.linear.gather [hbm4b:s31+s1], $0x3000, $0x38;
	[tilespmem:$0xAC00] =	vst v63  }
0xcd: {  	_ =	swait.ge [sflag:s22], $0x3000  }
0xce: {  	[sflag:s22] =	ssyncset.done $0x0  }
0xcf: {  	[sflag:s22] =	ssyncadd.s32 $0xFFFFD000  }
0xd0: {  	[tilespmem:s26], [sflag:$0x1] =	stream.indirect.gather [hbm4b:s4+s24], $0x10, s1, s24, $0xb8;
	[tilespmem:$0xAC00] =	vst v63  }
0xd1: {  	_ = 	snop  }
0xd2: {  	[tilespmem:s28], [sflag:$0x1] =	stream.indirect.gather [hbm4b:s4+s24], $0x10, s24, s24, $0xb8;
	[tilespmem:$0xAC00] =	vst v63  }
0xd3: {  	s23 =	simm.s32 $0x100  }
0xd4: {  	[tilespmem:s30], [sflag:$0x2] =	stream.indirect.gather [hbm4b:s4+s24], $0x10, s23, s24, $0xb8;
	[tilespmem:$0xAC00] =	vst v63  }
0xd5: {  	s29 =	simm.s32 $0x180  }
0xd6: {  	[tilespmem:s0], [sflag:$0x2] =	stream.indirect.gather [hbm4b:s4+s24], $0x10, s29, s24, $0xb8;
	[tilespmem:$0xAC00] =	vst v63  }
0xd7: {  	_ =	swait.ge [sflag:s6], $0x800  }
0xd8: {  	[sflag:s6] =	ssyncset.done $0x0  }
0xd9: {  	[sflag:s6] =	ssyncadd.s32 $0xFFFFF800  }
0xda: {  	_ =	swait.ge [sflag:s6], $0x800  }
0xdb: {  	[sflag:s6] =	ssyncset.done $0x0  }
0xdc: {  	s31 =	simm.s32 $0x3000;
	[sflag:s6] =	ssyncadd.s32 $0xFFFFF800  }
0xdd: {  	[spmem:s2] =	stream.indirect.scatter.add.f32 [tilespmem:s26], [sflag:$0x3], $0x10, s31, s24, $0xb8;
	[tilespmem:$0xAC00] =	vst v63  }
0xde: {  	s23 =	simm.s32 $0x3080  }
0xdf: {  	[spmem:s2] =	stream.indirect.scatter.add.f32 [tilespmem:s28], [sflag:$0x3], $0x10, s23, s24, $0xb8;
	[tilespmem:$0xAC00] =	vst v63  }
0xe0: {  	_ =	swait.ge [sflag:s7], $0x800  }
0xe1: {  	[sflag:s7] =	ssyncset.done $0x0  }
0xe2: {  	[sflag:s7] =	ssyncadd.s32 $0xFFFFF800  }
0xe3: {  	_ =	swait.ge [sflag:s7], $0x800  }
0xe4: {  	[sflag:s7] =	ssyncset.done $0x0  }
0xe5: {  	s29 =	simm.s32 $0x200;
	[sflag:s7] =	ssyncadd.s32 $0xFFFFF800  }
0xe6: {  	[tilespmem:s26], [sflag:$0x1] =	stream.indirect.gather [hbm4b:s4+s24], $0x10, s29, s24, $0xb8;
	[tilespmem:$0xAC00] =	vst v63  }
0xe7: {  	s31 =	simm.s32 $0x280  }
0xe8: {  	[tilespmem:s28], [sflag:$0x1] =	stream.indirect.gather [hbm4b:s4+s24], $0x10, s31, s24, $0xb8;
	[tilespmem:$0xAC00] =	vst v63  }
0xe9: {  	_ =	swait.ge [sflag:s8], $0x800  }
0xea: {  	[sflag:s8] =	ssyncset.done $0x0  }
0xeb: {  	[sflag:s8] =	ssyncadd.s32 $0xFFFFF800  }
0xec: {  	_ =	swait.ge [sflag:s8], $0x800  }
0xed: {  	[sflag:s8] =	ssyncset.done $0x0  }
0xee: {  	s23 =	simm.s32 $0x3100;
	[sflag:s8] =	ssyncadd.s32 $0xFFFFF800  }
0xef: {  	[spmem:s2] =	stream.indirect.scatter.add.f32 [tilespmem:s30], [sflag:$0x4], $0x10, s23, s24, $0xb8;
	[tilespmem:$0xAC00] =	vst v63  }
0xf0: {  	s29 =	simm.s32 $0x3180  }
0xf1: {  	[spmem:s2] =	stream.indirect.scatter.add.f32 [tilespmem:s0], [sflag:$0x4], $0x10, s29, s24, $0xb8;
	[tilespmem:$0xAC00] =	vst v63  }
0xf2: {  	_ =	swait.ge [sflag:s9], $0x800  }
0xf3: {  	p1 =	por $0x0, $0x0;
	[sflag:s9] =	ssyncset.done $0x0  }
.Ltmp6:
0xf4: {  	[sflag:s9] =	ssyncadd.s32 $0xFFFFF800;
	(pc) =	sbr.rel @p1 .LBB2_6-.Ltmp6, $4  }
0xf5: {  	_ =	swait.ge [sflag:s9], $0x800  }
0xf6: {  	s1 =	simm.s32 $0x380;
	[sflag:s9] =	ssyncset.done $0x0  }
0xf7: {  	s31 =	simm.s32 $0x300;
	s23 =	simm.s32 $0x800;
	[sflag:s9] =	ssyncadd.s32 $0xFFFFF800  }
0xf8: {  	[tilespmem:s30], [sflag:$0x2] =	stream.indirect.gather [hbm4b:s4+s24], $0x10, s31, s24, $0xb8;
	[tilespmem:$0xAC00] =	vst v63  }
.LBB2_5:
0xf9: {  	[tilespmem:s0], [sflag:$0x2] =	stream.indirect.gather [hbm4b:s4+s24], $0x10, s1, s24, $0xb8;
	[tilespmem:$0xAC00] =	vst v63  }
0xfa: {  	s1 =	smov.u32 s23  }
0xfb: {  	p1 =	seq.s32 s23, $0xB000;
	s23 =	sadd.s32 $0x800, s23;
	_ =	swait.ge [sflag:s6], $0x800  }
0xfc: {  	[sflag:s6] =	ssyncset.done $0x0  }
0xfd: {  	[sflag:s6] =	ssyncadd.s32 $0xFFFFF800  }
0xfe: {  	_ =	swait.ge [sflag:s6], $0x800  }
0xff: {  	s29 =	sshra.s32 s1, $0x2;
	[sflag:s6] =	ssyncset.done $0x0  }
0x100: {  	s1 =	sadd.s32 $0x3000, s29;
	[sflag:s6] =	ssyncadd.s32 $0xFFFFF800  }
0x101: {  	[spmem:s2] =	stream.indirect.scatter.add.f32 [tilespmem:s26], [sflag:$0x3], $0x10, s1, s24, $0xb8;
	[tilespmem:$0xAC00] =	vst v63  }
0x102: {  	s1 =	sadd.s32 $0x3080, s29  }
0x103: {  	[spmem:s2] =	stream.indirect.scatter.add.f32 [tilespmem:s28], [sflag:$0x3], $0x10, s1, s24, $0xb8;
	[tilespmem:$0xAC00] =	vst v63  }
0x104: {  	_ =	swait.ge [sflag:s7], $0x800  }
0x105: {  	[sflag:s7] =	ssyncset.done $0x0  }
0x106: {  	[sflag:s7] =	ssyncadd.s32 $0xFFFFF800  }
0x107: {  	_ =	swait.ge [sflag:s7], $0x800  }
0x108: {  	[sflag:s7] =	ssyncset.done $0x0  }
0x109: {  	s1 =	sadd.s32 $0x200, s29;
	[sflag:s7] =	ssyncadd.s32 $0xFFFFF800  }
0x10a: {  	[tilespmem:s26], [sflag:$0x1] =	stream.indirect.gather [hbm4b:s4+s24], $0x10, s1, s24, $0xb8;
	[tilespmem:$0xAC00] =	vst v63  }
0x10b: {  	s1 =	sadd.s32 $0x280, s29  }
0x10c: {  	[tilespmem:s28], [sflag:$0x1] =	stream.indirect.gather [hbm4b:s4+s24], $0x10, s1, s24, $0xb8;
	[tilespmem:$0xAC00] =	vst v63  }
0x10d: {  	_ =	swait.ge [sflag:s8], $0x800  }
0x10e: {  	[sflag:s8] =	ssyncset.done $0x0  }
0x10f: {  	[sflag:s8] =	ssyncadd.s32 $0xFFFFF800  }
0x110: {  	_ =	swait.ge [sflag:s8], $0x800  }
0x111: {  	[sflag:s8] =	ssyncset.done $0x0  }
0x112: {  	s1 =	sadd.s32 $0x3100, s29;
	[sflag:s8] =	ssyncadd.s32 $0xFFFFF800  }
0x113: {  	[spmem:s2] =	stream.indirect.scatter.add.f32 [tilespmem:s30], [sflag:$0x4], $0x10, s1, s24, $0xb8;
	[tilespmem:$0xAC00] =	vst v63  }
0x114: {  	s1 =	sadd.s32 $0x3180, s29  }
0x115: {  	[spmem:s2] =	stream.indirect.scatter.add.f32 [tilespmem:s0], [sflag:$0x4], $0x10, s1, s24, $0xb8;
	[tilespmem:$0xAC00] =	vst v63  }
0x116: {  	_ =	swait.ge [sflag:s9], $0x800  }
0x117: {  	[sflag:s9] =	ssyncset.done $0x0  }
0x118: {  	[sflag:s9] =	ssyncadd.s32 $0xFFFFF800  }
.Ltmp7:
0x119: {  	_ =	swait.ge [sflag:s9], $0x800;
	(pc) =	sbr.rel @!p1 .LBB2_5-.Ltmp7, $4  }
0x11a: {  	[sflag:s9] =	ssyncset.done $0x0  }
0x11b: {  	s1 =	sadd.s32 $0x300, s29;
	[sflag:s9] =	ssyncadd.s32 $0xFFFFF800  }
0x11c: {  	[tilespmem:s30], [sflag:$0x2] =	stream.indirect.gather [hbm4b:s4+s24], $0x10, s1, s24, $0xb8;
	[tilespmem:$0xAC00] =	vst v63  }
0x11d: {  	s1 =	sadd.s32 $0x380, s29  }
.Ltmp8:
0x11e: {  	_ = 	snop;
	(pc) =	sbr.rel .LBB2_6-.Ltmp8, $1  }
0x11f: {  	_ =	sdelay $0x3  }
.LBB2_11:
0x120: {  	_ =	sfence.sel $0x180000  }
0x121: {  	[bflag:$0x0] =	sbarrier.arrive $0xFFFF  }
0x122: {  	_ =	strace $0x90000050  }
0x123: {  	s0 =	stileid.u32;
	[bflag:$0x2] =	sbarrier.arrive $0xFFFF  }
0x124: {  	p0 =	sne.s32 s0, $0x0;
	s0 =	rddreg [dreg:$0x2]  }
0x125: {  	s0 =	sadd.s32 @!p0 $0x100000, s0  }
0x126: {  	[sflag:s0] =	ssyncadd.tile.s32 @!p0 $0x1;
	_ =	shalt  }
.Lfunc_end2:
_tile_overlayer_lowered:
.L_overlay_start_2:
0x127: {  	(tag) =	ssettag $0x2  }
0x128: {  	s0 =	rddreg [dreg:$0x0];
	s2 =	stileid.u32  }
0x129: {  	s1 =	rddreg [dreg:$0x1];
	p0 =	sne.s32 s2, $0x0  }
0x12a: {  	s3 =	rddreg [dreg:$0x2];
	[bflag:$0x3] =	sbarrier.arrive $0xFFFF;
	s2 =	simm.s32 @!p0 $0x1C05  }
0x12b: {  	[timem:s3], [sflag:s2] =	dma.local @!p0 [hbm:s0], s1  }
0x12c: {  	s0 =	simm.s32 @!p0 $0x5  }
0x12d: {  	_ =	swait.ge @!p0 [sflag:s0], s1  }
0x12e: {  	s1 =	ssub.s32 @!p0 $0x0, s1;
	[sflag:s0] =	ssyncset.done @!p0 $0x0  }
0x12f: {  	[sflag:s0] =	ssyncadd.s32 @!p0 s1  }
0x130: {  	[bflag:$0x3] =	sbarrier.arrive $0xFFFF  }
0x131: {  	_ =	shalt  }

</sc_bundles>
